<compile_context>
chip_gen: v7x
topology: tpu7x:2x2x1
jax: 0.10.2.dev20260603
libtpu: 0.0.44.dev20260713+nightly
codegen_flags: <defaults>
</compile_context>

<pallas_src>
import jax
import jax.numpy as jnp
from jax import lax
from jax.experimental import pallas as pl
from jax.experimental.pallas import tpu as pltpu
from jax.experimental.pallas import tpu_sc as plsc

N = 10000
D = 128
E = 320000
NS = 16
L = 16
NPAD = 10240
RPT = NPAD // NS
CH = 160
G = 8
NRB = 2
E_PAD = 327680
EPT = E_PAD // NS
NGRP = EPT // (G * CH)
PAD_SPREAD = NPAD - N


def _sc_body(x_user, x_item, src_a, dst_a, src_b, dst_b,
             agg_item, agg_user, att_a, att_b,
             srcb, dstb, rowsb, ones_g, attb, degb, zdeg_v,
             agg_sh, deg_sh, semg, sems, semd, semw):
  c = lax.axis_index("c")
  s = lax.axis_index("s")

  def run_rel(x_src, src_e, dst_e, agg_out, att_out):
    def z_deg(k, carry):
      zdeg_v[pl.ds(k * L, L)] = jnp.zeros((L,), jnp.float32)
      return carry
    lax.fori_loop(0, RPT // L, z_deg, 0)

    zrow = rowsb.at[0]

    def z_rows(k, carry):
      r = k // (D // L)
      q = k % (D // L)
      zrow[r, pl.ds(q * L, L)] = jnp.zeros((L,), jnp.float32)
      return carry
    lax.fori_loop(0, CH * D // L, z_rows, 0)

    def z_ones(k, carry):
      ones_g[pl.ds(k * L, L)] = jnp.ones((L,), jnp.float32)
      return carry
    lax.fori_loop(0, G * CH // L, z_ones, 0)

    base_row = s * RPT
    for t in range(RPT // CH):
      pltpu.sync_copy(zrow, agg_sh.at[pl.ds(base_row + t * CH, CH)])
    pltpu.sync_copy(zdeg_v, deg_sh.at[pl.ds(base_row, RPT)])
    plsc.subcore_barrier()

    ebase = s * EPT

    def edge_group(g, carry):
      e0 = ebase + g * G * CH
      pltpu.sync_copy(src_e.at[pl.ds(e0, G * CH)], srcb)
      pltpu.sync_copy(dst_e.at[pl.ds(e0, G * CH)], dstb)
      gets = {b: pltpu.async_copy(x_src.at[srcb.at[pl.ds(b * CH, CH)]],
                                  rowsb.at[b], semg)
              for b in range(NRB)}
      dput = pltpu.async_copy(ones_g, deg_sh.at[dstb], semd, add=True)
      puts = {}
      for b in range(G):
        gets[b].wait()
        puts[b] = pltpu.async_copy(rowsb.at[b % NRB],
                                   agg_sh.at[dstb.at[pl.ds(b * CH, CH)]],
                                   sems, add=True)
        if b + NRB < G:
          puts[b].wait()
          gets[b + NRB] = pltpu.async_copy(
              x_src.at[srcb.at[pl.ds((b + NRB) * CH, CH)]],
              rowsb.at[b % NRB], semg)
      for b in range(G - NRB, G):
        puts[b].wait()
      dput.wait()
      return carry
    lax.fori_loop(0, NGRP, edge_group, 0)
    plsc.subcore_barrier()

    outs = []
    for t in range(RPT // CH):
      if t >= NRB:
        outs[t - NRB].wait()
      pltpu.sync_copy(agg_sh.at[pl.ds(base_row + t * CH, CH)],
                      rowsb.at[t % NRB])
      outs.append(pltpu.async_copy(rowsb.at[t % NRB],
                                   agg_out.at[pl.ds(base_row + t * CH, CH)],
                                   semw))

    def att_group(g, carry):
      e0 = ebase + g * G * CH
      pltpu.sync_copy(dst_e.at[pl.ds(e0, G * CH)], dstb)
      pltpu.async_copy(deg_sh.at[dstb], degb, semg).wait()
      for k in range(G * CH // L):
        d16 = degb[pl.ds(k * L, L)]
        attb[pl.ds(k * L, L)] = 1.0 / jnp.maximum(d16, 1.0)
      pltpu.sync_copy(attb, att_out.at[pl.ds(e0, G * CH)])
      return carry
    lax.fori_loop(0, NGRP, att_group, 0)

    for o in outs[max(0, RPT // CH - NRB):]:
      o.wait()

  @pl.when(c == 0)
  def _rel_a():
    run_rel(x_user, src_a, dst_a, agg_item, att_a)

  @pl.when(c == 1)
  def _rel_b():
    run_rel(x_item, src_b, dst_b, agg_user, att_b)


def _sc_call(x_user, x_item, src_a, dst_a, src_b, dst_b):
  f32 = jnp.float32
  return pl.kernel(
      _sc_body,
      out_type=(
          jax.ShapeDtypeStruct((NPAD, D), f32),
          jax.ShapeDtypeStruct((NPAD, D), f32),
          jax.ShapeDtypeStruct((E_PAD,), f32),
          jax.ShapeDtypeStruct((E_PAD,), f32),
      ),
      mesh=plsc.VectorSubcoreMesh(core_axis_name="c", subcore_axis_name="s"),
      scratch_types=(
          pltpu.VMEM((G * CH,), jnp.int32),
          pltpu.VMEM((G * CH,), jnp.int32),
          pltpu.VMEM((NRB, CH, D), f32),
          pltpu.VMEM((G * CH,), f32),
          pltpu.VMEM((G * CH,), f32),
          pltpu.VMEM((G * CH,), f32),
          pltpu.VMEM((RPT,), f32),
          pltpu.VMEM_SHARED((NPAD, D), f32),
          pltpu.VMEM_SHARED((NPAD,), f32),
          pltpu.SemaphoreType.DMA,
          pltpu.SemaphoreType.DMA,
          pltpu.SemaphoreType.DMA,
          pltpu.SemaphoreType.DMA,
      ),
      name="hetero_graph_conv_sc",
  )(x_user, x_item, src_a, dst_a, src_b, dst_b)


ROWS_BLK = 1000


def _tc_body(agg_i, x_i, wr_i, wt_i, b_i, agg_u, x_u, wr_u, wt_u, b_u,
             o_i, o_u):
  f32 = jnp.float32
  o_i[...] = (jnp.dot(agg_i[...], wr_i[...], preferred_element_type=f32)
              + jnp.dot(x_i[...], wt_i[...], preferred_element_type=f32)
              + b_i[...])
  o_u[...] = (jnp.dot(agg_u[...], wr_u[...], preferred_element_type=f32)
              + jnp.dot(x_u[...], wt_u[...], preferred_element_type=f32)
              + b_u[...])


def _tc_call(agg_i, x_i, wr_i, wt_i, b_i, agg_u, x_u, wr_u, wt_u, b_u):
  f32 = jnp.float32
  rows_spec = pl.BlockSpec((ROWS_BLK, D), lambda i: (i, 0))
  w_spec = pl.BlockSpec((D, D), lambda i: (0, 0))
  b_spec = pl.BlockSpec((1, D), lambda i: (0, 0))
  return pl.pallas_call(
      _tc_body,
      grid=(N // ROWS_BLK,),
      in_specs=[rows_spec, rows_spec, w_spec, w_spec, b_spec,
                rows_spec, rows_spec, w_spec, w_spec, b_spec],
      out_specs=[rows_spec, rows_spec],
      out_shape=[jax.ShapeDtypeStruct((N, D), f32),
                 jax.ShapeDtypeStruct((N, D), f32)],
      name="hetero_graph_conv_tc",
  )(agg_i, x_i, wr_i, wt_i, b_i, agg_u, x_u, wr_u, wt_u, b_u)


def _pad_edges(edge_index):
  n_pad = E_PAD - E
  src_pad = jnp.zeros((n_pad,), jnp.int32)
  dst_pad = (N + (jnp.arange(n_pad, dtype=jnp.int32) % PAD_SPREAD))
  src = jnp.concatenate([edge_index[0], src_pad])
  dst = jnp.concatenate([edge_index[1], dst_pad])
  return src, dst


@jax.jit
def kernel(x_user, x_item, edge_index_u2i, edge_index_i2u,
           W_rel_u2i, W_root_u2i, b_u2i, W_rel_i2u, W_root_i2u, b_i2u):
  src_a, dst_a = _pad_edges(edge_index_u2i)
  src_b, dst_b = _pad_edges(edge_index_i2u)
  agg_item, agg_user, att_a, att_b = _sc_call(
      x_user, x_item, src_a, dst_a, src_b, dst_b)
  out_item, out_user = _tc_call(
      agg_item, x_item, W_rel_u2i, W_root_u2i, b_u2i.reshape(1, D),
      agg_user, x_user, W_rel_i2u, W_root_i2u, b_i2u.reshape(1, D))
  return (out_user, out_item, att_a[:E, None], att_b[:E, None])

# --- scband reference (transcript-rebuilt; emitter-appended) ---
"""Pipeline reference for scband-hetero-graph-conv-layer-24266565222732 (READ-ONLY COPY).

The authoritative reference and input builder live on the scoring server;
editing this copy changes nothing except your own understanding.
"""

import jax, jax.numpy as jnp
import numpy as np

N_USER, N_ITEM, D_IN, D_OUT, E = 10000, 10000, 128, 128, 320000


def setup_inputs(seed: int = 0) -> dict:
    key = jax.random.key(seed)
    ks = jax.random.split(key, 12)
    x_user = jax.random.normal(ks[0], (N_USER, D_IN), dtype=jnp.float32)
    x_item = jax.random.normal(ks[1], (N_ITEM, D_IN), dtype=jnp.float32)
    edge_index_u2i = jax.random.randint(ks[2], (2, E), 0, N_ITEM, dtype=jnp.int32)
    edge_index_i2u = jax.random.randint(ks[3], (2, E), 0, N_USER, dtype=jnp.int32)
    # GraphConv params per edge type: lin_rel (neighbor transform), lin_root (self transform), bias
    W_rel_u2i = jax.random.normal(ks[4], (D_IN, D_OUT), dtype=jnp.float32) * 0.05
    W_root_u2i = jax.random.normal(ks[5], (D_IN, D_OUT), dtype=jnp.float32) * 0.05
    b_u2i = jnp.zeros((D_OUT,), dtype=jnp.float32)
    W_rel_i2u = jax.random.normal(ks[6], (D_IN, D_OUT), dtype=jnp.float32) * 0.05
    W_root_i2u = jax.random.normal(ks[7], (D_IN, D_OUT), dtype=jnp.float32) * 0.05
    b_i2u = jnp.zeros((D_OUT,), dtype=jnp.float32)
    return {
        'x_user': x_user, 'x_item': x_item,
        'edge_index_u2i': edge_index_u2i, 'edge_index_i2u': edge_index_i2u,
        'W_rel_u2i': W_rel_u2i, 'W_root_u2i': W_root_u2i, 'b_u2i': b_u2i,
        'W_rel_i2u': W_rel_i2u, 'W_root_i2u': W_root_i2u, 'b_i2u': b_i2u,
    }


def _graph_conv(x_src, x_dst, edge_index, W_rel, W_root, b):
    # GraphConv: out[dst] = sum_{e:(s->dst)} x_src[s] @ W_rel + x_dst @ W_root + b
    src, dst = edge_index[0], edge_index[1]
    num_dst = x_dst.shape[0]
    msg = jnp.take(x_src, src, axis=0) @ W_rel  # [E, D_OUT] gather + matmul
    agg = jax.ops.segment_sum(msg, dst, num_segments=num_dst)  # scatter-add
    out = agg + x_dst @ W_root + b
    # uniform attention weights 1/in_degree per edge (GraphConvWithAttention semantics)
    deg = jax.ops.segment_sum(jnp.ones((edge_index.shape[1],), dtype=jnp.float32), dst, num_segments=num_dst)
    att = (1.0 / jnp.maximum(jnp.take(deg, dst), 1.0))[:, None]
    return out, att


def reference(x_user, x_item, edge_index_u2i, edge_index_i2u,
              W_rel_u2i, W_root_u2i, b_u2i, W_rel_i2u, W_root_i2u, b_i2u):
    # ('user','clicks','item'): src=user, dst=item
    out_item, att_u2i = _graph_conv(x_user, x_item, edge_index_u2i, W_rel_u2i, W_root_u2i, b_u2i)
    # ('item','clicked_by','user'): src=item, dst=user
    out_user, att_i2u = _graph_conv(x_item, x_user, edge_index_i2u, W_rel_i2u, W_root_i2u, b_i2u)
    # aggr='sum' over relations per dst type (one relation each here)
    return (out_user, out_item, att_u2i, att_i2u)

if __name__ == "__main__":
    import jax
    _d = setup_inputs()
    print(jax.jit(kernel)(*tuple(_d.values())))

</pallas_src>

<mosaic_0001>
#map = affine_map<(d0, d1) -> (0, 0)>
#map1 = affine_map<(d0, d1) -> (0)>
module attributes {stable_mosaic.version = 14 : i64} {
  func.func @hetero_graph_conv_sc(%arg0: i32, %arg1: i32, %arg2: memref<10000x128xf32, #tpu.memory_space<hbm>>, %arg3: memref<10000x128xf32, #tpu.memory_space<hbm>>, %arg4: memref<327680xi32, #tpu.memory_space<hbm>>, %arg5: memref<327680xi32, #tpu.memory_space<hbm>>, %arg6: memref<327680xi32, #tpu.memory_space<hbm>>, %arg7: memref<327680xi32, #tpu.memory_space<hbm>>, %arg8: memref<10240x128xf32, #tpu.memory_space<hbm>>, %arg9: memref<10240x128xf32, #tpu.memory_space<hbm>>, %arg10: memref<327680xf32, #tpu.memory_space<hbm>>, %arg11: memref<327680xf32, #tpu.memory_space<hbm>>, %arg12: memref<1280xi32, #tpu.memory_space<vmem>>, %arg13: memref<1280xi32, #tpu.memory_space<vmem>>, %arg14: memref<2x160x128xf32, #tpu.memory_space<vmem>>, %arg15: memref<1280xf32, #tpu.memory_space<vmem>>, %arg16: memref<1280xf32, #tpu.memory_space<vmem>>, %arg17: memref<1280xf32, #tpu.memory_space<vmem>>, %arg18: memref<640xf32, #tpu.memory_space<vmem>>, %arg19: memref<10240x128xf32, #tpu.memory_space<vmem_shared>>, %arg20: memref<10240xf32, #tpu.memory_space<vmem_shared>>, %arg21: memref<!tpu.dma_semaphore, #tpu.memory_space<semaphore_mem>>, %arg22: memref<!tpu.dma_semaphore, #tpu.memory_space<semaphore_mem>>, %arg23: memref<!tpu.dma_semaphore, #tpu.memory_space<semaphore_mem>>, %arg24: memref<!tpu.dma_semaphore, #tpu.memory_space<semaphore_mem>>) attributes {dimension_semantics = [#tpu.dimension_semantics<core_parallel>, #tpu.dimension_semantics<subcore_parallel>], iteration_bounds = array<i64: 2, 16>, scalar_prefetch = 0 : i64, scratch_operands = 13 : i64, tpu.core_type = #tpu.core_type<sc_vector_subcore>, window_params = [{transform_indices = #map}, {transform_indices = #map}, {transform_indices = #map1}, {transform_indices = #map1}, {transform_indices = #map1}, {transform_indices = #map1}, {transform_indices = #map}, {transform_indices = #map}, {transform_indices = #map1}, {transform_indices = #map1}]} {
    %eq3A = arith.constant 0 : i32
    %eq3A_0 = arith.cmpi eq, %arg0, %eq3A : i32
    %convert_element_type3A = arith.extui %eq3A_0 : i1 to i32
    %cond3A = arith.constant 0 : i32
    %cond3A_1 = arith.cmpi ne, %convert_element_type3A, %cond3A : i32
    scf.if %cond3A_1 {
      %scan3A = arith.constant 0 : i32
      %scan3A_7 = arith.constant 0 : i32
      %scan3A_8 = arith.constant 40 : i32
      %scan3A_9 = arith.addi %scan3A_7, %scan3A_8 : i32
      %scan3A_10 = arith.constant 1 : i32
      scf.for %scan3A_173 = %scan3A_7 to %scan3A_9 step %scan3A_10  : i32 {
        %broadcast_in_dim3A = arith.constant 0.000000e+00 : f32
        %broadcast_in_dim3A_174 = vector.broadcast %broadcast_in_dim3A : f32 to vector<16xf32>
        %mul3A_175 = arith.constant 16 : i32
        %mul3A_176 = arith.muli %scan3A_173, %mul3A_175 : i32
        %swap3A = arith.index_cast %mul3A_176 : i32 to index
        %swap3A_177 = tpu.vector_load %arg18[%swap3A] {strides = array<i32>} : memref<640xf32, #tpu.memory_space<vmem>>, vector<16xf32>,
        %swap3A_178 = vector.shape_cast %swap3A_177 : vector<16xf32> to vector<16xf32>
        %swap3A_179 = vector.shape_cast %broadcast_in_dim3A_174 : vector<16xf32> to vector<16xf32>
        tpu.vector_store %arg18[%swap3A], %swap3A_179 {strides = array<i32>} : memref<640xf32, #tpu.memory_space<vmem>>, vector<16xf32>,
      }
      %scan3A_11 = arith.constant 40 : i32
      %scan3A_12 = arith.constant 0 : i32
      %scan3A_13 = arith.constant 0 : i32
      %scan3A_14 = arith.constant 0 : i32
      %scan3A_15 = arith.constant 1280 : i32
      %scan3A_16 = arith.addi %scan3A_14, %scan3A_15 : i32
      %scan3A_17 = arith.constant 1 : i32
      scf.for %scan3A_173 = %scan3A_14 to %scan3A_16 step %scan3A_17  : i32 {
        %jit3A = arith.constant 8 : i32
        %div3A = arith.divsi %scan3A_173, %jit3A : i32
        %sign3A = arith.constant 0 : i32
        %sign3A_174 = arith.cmpi sgt, %scan3A_173, %sign3A : i32
        %sign3A_175 = arith.extui %sign3A_174 : i1 to i32
        %sign3A_176 = arith.constant 0 : i32
        %sign3A_177 = arith.cmpi slt, %scan3A_173, %sign3A_176 : i32
        %sign3A_178 = arith.extui %sign3A_177 : i1 to i32
        %sign3A_179 = arith.subi %sign3A_175, %sign3A_178 : i32
        %sign3A_180 = arith.constant 0 : i32
        %sign3A_181 = arith.cmpi sgt, %jit3A, %sign3A_180 : i32
        %sign3A_182 = arith.extui %sign3A_181 : i1 to i32
        %sign3A_183 = arith.constant 0 : i32
        %sign3A_184 = arith.cmpi slt, %jit3A, %sign3A_183 : i32
        %sign3A_185 = arith.extui %sign3A_184 : i1 to i32
        %sign3A_186 = arith.subi %sign3A_182, %sign3A_185 : i32
        %ne3A = arith.cmpi ne, %sign3A_179, %sign3A_186 : i32
        %rem3A = arith.remsi %scan3A_173, %jit3A : i32
        %ne3A_187 = arith.constant 0 : i32
        %ne3A_188 = arith.cmpi ne, %rem3A, %ne3A_187 : i32
        %and3A = arith.andi %ne3A, %ne3A_188 : i1
        %sub3A = arith.constant 1 : i32
        %sub3A_189 = arith.subi %div3A, %sub3A : i32
        %select_n3A = arith.select %and3A, %sub3A_189, %div3A : i32
        %jit3A_190 = arith.constant 8 : i32
        %eq3A_191 = arith.constant 0 : i32
        %eq3A_192 = arith.cmpi eq, %jit3A_190, %eq3A_191 : i32
        %jit3A_193 = arith.constant 1 : i32
        %select_n3A_194 = arith.select %eq3A_192, %jit3A_193, %jit3A_190 : i32
        %rem3A_195 = arith.remsi %scan3A_173, %select_n3A_194 : i32
        %ne3A_196 = arith.constant 0 : i32
        %ne3A_197 = arith.cmpi ne, %rem3A_195, %ne3A_196 : i32
        %lt3A = arith.constant 0 : i32
        %lt3A_198 = arith.cmpi slt, %rem3A_195, %lt3A : i32
        %lt3A_199 = arith.constant 0 : i32
        %lt3A_200 = arith.cmpi slt, %select_n3A_194, %lt3A_199 : i32
        %ne3A_201 = arith.xori %lt3A_198, %lt3A_200 : i1
        %and3A_202 = arith.andi %ne3A_201, %ne3A_197 : i1
        %add3A_203 = arith.addi %rem3A_195, %select_n3A_194 : i32
        %select_n3A_204 = arith.select %and3A_202, %add3A_203, %rem3A_195 : i32
        %broadcast_in_dim3A = arith.constant 0.000000e+00 : f32
        %broadcast_in_dim3A_205 = vector.broadcast %broadcast_in_dim3A : f32 to vector<16xf32>
        %mul3A_206 = arith.constant 16 : i32
        %mul3A_207 = arith.muli %select_n3A_204, %mul3A_206 : i32
        %swap3A = arith.constant 0 : i32
        %swap3A_208 = arith.constant 0 : i32
        %swap3A_209 = tpu.memref_slice %arg14[%scan3A_13, %swap3A, %swap3A_208] : memref<2x160x128xf32, #tpu.memory_space<vmem>> -> memref<1x160x128xf32, #tpu.memory_space<vmem>>
        %swap3A_210 = tpu.memref_squeeze %swap3A_209 : memref<1x160x128xf32, #tpu.memory_space<vmem>> -> memref<160x128xf32, #tpu.memory_space<vmem>>
        %swap3A_211 = arith.index_cast %select_n3A : i32 to index
        %swap3A_212 = arith.index_cast %mul3A_207 : i32 to index
        %swap3A_213 = tpu.vector_load %swap3A_210[%swap3A_211, %swap3A_212] {strides = array<i32>} : memref<160x128xf32, #tpu.memory_space<vmem>>, vector<1x16xf32>,
        %swap3A_214 = vector.shape_cast %swap3A_213 : vector<1x16xf32> to vector<16xf32>
        %swap3A_215 = vector.shape_cast %broadcast_in_dim3A_205 : vector<16xf32> to vector<1x16xf32>
        tpu.vector_store %swap3A_210[%swap3A_211, %swap3A_212], %swap3A_215 {strides = array<i32>} : memref<160x128xf32, #tpu.memory_space<vmem>>, vector<1x16xf32>,
      }
      %scan3A_18 = arith.constant 1280 : i32
      %scan3A_19 = arith.constant 0 : i32
      %scan3A_20 = arith.constant 0 : i32
      %scan3A_21 = arith.constant 80 : i32
      %scan3A_22 = arith.addi %scan3A_20, %scan3A_21 : i32
      %scan3A_23 = arith.constant 1 : i32
      scf.for %scan3A_173 = %scan3A_20 to %scan3A_22 step %scan3A_23  : i32 {
        %broadcast_in_dim3A = arith.constant 1.000000e+00 : f32
        %broadcast_in_dim3A_174 = vector.broadcast %broadcast_in_dim3A : f32 to vector<16xf32>
        %mul3A_175 = arith.constant 16 : i32
        %mul3A_176 = arith.muli %scan3A_173, %mul3A_175 : i32
        %swap3A = arith.index_cast %mul3A_176 : i32 to index
        %swap3A_177 = tpu.vector_load %arg15[%swap3A] {strides = array<i32>} : memref<1280xf32, #tpu.memory_space<vmem>>, vector<16xf32>,
        %swap3A_178 = vector.shape_cast %swap3A_177 : vector<16xf32> to vector<16xf32>
        %swap3A_179 = vector.shape_cast %broadcast_in_dim3A_174 : vector<16xf32> to vector<16xf32>
        tpu.vector_store %arg15[%swap3A], %swap3A_179 {strides = array<i32>} : memref<1280xf32, #tpu.memory_space<vmem>>, vector<16xf32>,
      }
      %scan3A_24 = arith.constant 80 : i32
      %mul3A = arith.constant 640 : i32
      %mul3A_25 = arith.muli %arg1, %mul3A : i32
      %add3A = arith.constant 0 : i32
      %add3A_26 = arith.addi %mul3A_25, %add3A : i32
      %run_scoped3A = arith.constant 0 : i32
      "tpu.region"() ({
        %run_scoped3A_173 = tpu.sem_alloc : memref<!tpu.dma_semaphore, #tpu.memory_space<semaphore_mem>>
        %dma_start3A_174 = arith.constant 0 : i32
        %dma_start3A_175 = arith.constant 0 : i32
        %dma_start3A_176 = tpu.memref_slice %arg14[%run_scoped3A, %dma_start3A_174, %dma_start3A_175] : memref<2x160x128xf32, #tpu.memory_space<vmem>> -> memref<1x160x128xf32, #tpu.memory_space<vmem>>
        %dma_start3A_177 = tpu.memref_squeeze %dma_start3A_176 : memref<1x160x128xf32, #tpu.memory_space<vmem>> -> memref<160x128xf32, #tpu.memory_space<vmem>>
        %dma_start3A_178 = arith.constant 0 : i32
        %dma_start3A_179 = tpu.memref_slice %arg19[%add3A_26, %dma_start3A_178] : memref<10240x128xf32, #tpu.memory_space<vmem_shared>> -> memref<160x128xf32, #tpu.memory_space<vmem_shared>>
        %dma_start3A_180 = arith.constant 0 : i32
        %dma_start3A_181 = tpu.memref_slice %arg19[%add3A_26, %dma_start3A_180] : memref<10240x128xf32, #tpu.memory_space<vmem_shared>> -> memref<160x128xf32, #tpu.memory_space<vmem_shared>>
        %dma_start3A_182 = arith.constant 0 : i32
        %dma_start3A_183 = arith.constant 0 : i32
        %dma_start3A_184 = tpu.memref_slice %arg14[%run_scoped3A, %dma_start3A_182, %dma_start3A_183] : memref<2x160x128xf32, #tpu.memory_space<vmem>> -> memref<1x160x128xf32, #tpu.memory_space<vmem>>
        %dma_start3A_185 = tpu.memref_squeeze %dma_start3A_184 : memref<1x160x128xf32, #tpu.memory_space<vmem>> -> memref<160x128xf32, #tpu.memory_space<vmem>>
        tpu.enqueue_dma source(%dma_start3A_185 : memref<160x128xf32, #tpu.memory_space<vmem>>) target(%dma_start3A_181 : memref<160x128xf32, #tpu.memory_space<vmem_shared>>) target_semaphore(%run_scoped3A_173 : memref<!tpu.dma_semaphore, #tpu.memory_space<semaphore_mem>>)
        %dma_wait3A_186 = arith.constant 0 : i32
        %dma_wait3A_187 = arith.constant 0 : i32
        %dma_wait3A_188 = tpu.memref_slice %arg14[%run_scoped3A, %dma_wait3A_186, %dma_wait3A_187] : memref<2x160x128xf32, #tpu.memory_space<vmem>> -> memref<1x160x128xf32, #tpu.memory_space<vmem>>
        %dma_wait3A_189 = tpu.memref_squeeze %dma_wait3A_188 : memref<1x160x128xf32, #tpu.memory_space<vmem>> -> memref<160x128xf32, #tpu.memory_space<vmem>>
        %dma_wait3A_190 = arith.constant 0 : i32
        %dma_wait3A_191 = tpu.memref_slice %arg19[%add3A_26, %dma_wait3A_190] : memref<10240x128xf32, #tpu.memory_space<vmem_shared>> -> memref<160x128xf32, #tpu.memory_space<vmem_shared>>
        %dma_wait3A_192 = arith.constant 0 : i32
        %dma_wait3A_193 = tpu.memref_slice %arg19[%add3A_26, %dma_wait3A_192] : memref<10240x128xf32, #tpu.memory_space<vmem_shared>> -> memref<160x128xf32, #tpu.memory_space<vmem_shared>>
        %dma_wait3A_194 = arith.constant 0 : i32
        %dma_wait3A_195 = arith.constant 0 : i32
        %dma_wait3A_196 = tpu.memref_slice %arg14[%run_scoped3A, %dma_wait3A_194, %dma_wait3A_195] : memref<2x160x128xf32, #tpu.memory_space<vmem>> -> memref<1x160x128xf32, #tpu.memory_space<vmem>>
        %dma_wait3A_197 = tpu.memref_squeeze %dma_wait3A_196 : memref<1x160x128xf32, #tpu.memory_space<vmem>> -> memref<160x128xf32, #tpu.memory_space<vmem>>
        tpu.wait_dma2 semaphore(%run_scoped3A_173 : memref<!tpu.dma_semaphore, #tpu.memory_space<semaphore_mem>>) src(%dma_wait3A_197 : memref<160x128xf32, #tpu.memory_space<vmem>>) dst(%dma_wait3A_193 : memref<160x128xf32, #tpu.memory_space<vmem_shared>>)
        tpu.yield
      }) : () -> ()
      %add3A_27 = arith.constant 160 : i32
      %add3A_28 = arith.addi %mul3A_25, %add3A_27 : i32
      %run_scoped3A_29 = arith.constant 0 : i32
      "tpu.region"() ({
        %run_scoped3A_173 = tpu.sem_alloc : memref<!tpu.dma_semaphore, #tpu.memory_space<semaphore_mem>>
        %dma_start3A_174 = arith.constant 0 : i32
        %dma_start3A_175 = arith.constant 0 : i32
        %dma_start3A_176 = tpu.memref_slice %arg14[%run_scoped3A_29, %dma_start3A_174, %dma_start3A_175] : memref<2x160x128xf32, #tpu.memory_space<vmem>> -> memref<1x160x128xf32, #tpu.memory_space<vmem>>
        %dma_start3A_177 = tpu.memref_squeeze %dma_start3A_176 : memref<1x160x128xf32, #tpu.memory_space<vmem>> -> memref<160x128xf32, #tpu.memory_space<vmem>>
        %dma_start3A_178 = arith.constant 0 : i32
        %dma_start3A_179 = tpu.memref_slice %arg19[%add3A_28, %dma_start3A_178] : memref<10240x128xf32, #tpu.memory_space<vmem_shared>> -> memref<160x128xf32, #tpu.memory_space<vmem_shared>>
        %dma_start3A_180 = arith.constant 0 : i32
        %dma_start3A_181 = tpu.memref_slice %arg19[%add3A_28, %dma_start3A_180] : memref<10240x128xf32, #tpu.memory_space<vmem_shared>> -> memref<160x128xf32, #tpu.memory_space<vmem_shared>>
        %dma_start3A_182 = arith.constant 0 : i32
        %dma_start3A_183 = arith.constant 0 : i32
        %dma_start3A_184 = tpu.memref_slice %arg14[%run_scoped3A_29, %dma_start3A_182, %dma_start3A_183] : memref<2x160x128xf32, #tpu.memory_space<vmem>> -> memref<1x160x128xf32, #tpu.memory_space<vmem>>
        %dma_start3A_185 = tpu.memref_squeeze %dma_start3A_184 : memref<1x160x128xf32, #tpu.memory_space<vmem>> -> memref<160x128xf32, #tpu.memory_space<vmem>>
        tpu.enqueue_dma source(%dma_start3A_185 : memref<160x128xf32, #tpu.memory_space<vmem>>) target(%dma_start3A_181 : memref<160x128xf32, #tpu.memory_space<vmem_shared>>) target_semaphore(%run_scoped3A_173 : memref<!tpu.dma_semaphore, #tpu.memory_space<semaphore_mem>>)
        %dma_wait3A_186 = arith.constant 0 : i32
        %dma_wait3A_187 = arith.constant 0 : i32
        %dma_wait3A_188 = tpu.memref_slice %arg14[%run_scoped3A_29, %dma_wait3A_186, %dma_wait3A_187] : memref<2x160x128xf32, #tpu.memory_space<vmem>> -> memref<1x160x128xf32, #tpu.memory_space<vmem>>
        %dma_wait3A_189 = tpu.memref_squeeze %dma_wait3A_188 : memref<1x160x128xf32, #tpu.memory_space<vmem>> -> memref<160x128xf32, #tpu.memory_space<vmem>>
        %dma_wait3A_190 = arith.constant 0 : i32
        %dma_wait3A_191 = tpu.memref_slice %arg19[%add3A_28, %dma_wait3A_190] : memref<10240x128xf32, #tpu.memory_space<vmem_shared>> -> memref<160x128xf32, #tpu.memory_space<vmem_shared>>
        %dma_wait3A_192 = arith.constant 0 : i32
        %dma_wait3A_193 = tpu.memref_slice %arg19[%add3A_28, %dma_wait3A_192] : memref<10240x128xf32, #tpu.memory_space<vmem_shared>> -> memref<160x128xf32, #tpu.memory_space<vmem_shared>>
        %dma_wait3A_194 = arith.constant 0 : i32
        %dma_wait3A_195 = arith.constant 0 : i32
        %dma_wait3A_196 = tpu.memref_slice %arg14[%run_scoped3A_29, %dma_wait3A_194, %dma_wait3A_195] : memref<2x160x128xf32, #tpu.memory_space<vmem>> -> memref<1x160x128xf32, #tpu.memory_space<vmem>>
        %dma_wait3A_197 = tpu.memref_squeeze %dma_wait3A_196 : memref<1x160x128xf32, #tpu.memory_space<vmem>> -> memref<160x128xf32, #tpu.memory_space<vmem>>
        tpu.wait_dma2 semaphore(%run_scoped3A_173 : memref<!tpu.dma_semaphore, #tpu.memory_space<semaphore_mem>>) src(%dma_wait3A_197 : memref<160x128xf32, #tpu.memory_space<vmem>>) dst(%dma_wait3A_193 : memref<160x128xf32, #tpu.memory_space<vmem_shared>>)
        tpu.yield
      }) : () -> ()
      %add3A_30 = arith.constant 320 : i32
      %add3A_31 = arith.addi %mul3A_25, %add3A_30 : i32
      %run_scoped3A_32 = arith.constant 0 : i32
      "tpu.region"() ({
        %run_scoped3A_173 = tpu.sem_alloc : memref<!tpu.dma_semaphore, #tpu.memory_space<semaphore_mem>>
        %dma_start3A_174 = arith.constant 0 : i32
        %dma_start3A_175 = arith.constant 0 : i32
        %dma_start3A_176 = tpu.memref_slice %arg14[%run_scoped3A_32, %dma_start3A_174, %dma_start3A_175] : memref<2x160x128xf32, #tpu.memory_space<vmem>> -> memref<1x160x128xf32, #tpu.memory_space<vmem>>
        %dma_start3A_177 = tpu.memref_squeeze %dma_start3A_176 : memref<1x160x128xf32, #tpu.memory_space<vmem>> -> memref<160x128xf32, #tpu.memory_space<vmem>>
        %dma_start3A_178 = arith.constant 0 : i32
        %dma_start3A_179 = tpu.memref_slice %arg19[%add3A_31, %dma_start3A_178] : memref<10240x128xf32, #tpu.memory_space<vmem_shared>> -> memref<160x128xf32, #tpu.memory_space<vmem_shared>>
        %dma_start3A_180 = arith.constant 0 : i32
        %dma_start3A_181 = tpu.memref_slice %arg19[%add3A_31, %dma_start3A_180] : memref<10240x128xf32, #tpu.memory_space<vmem_shared>> -> memref<160x128xf32, #tpu.memory_space<vmem_shared>>
        %dma_start3A_182 = arith.constant 0 : i32
        %dma_start3A_183 = arith.constant 0 : i32
        %dma_start3A_184 = tpu.memref_slice %arg14[%run_scoped3A_32, %dma_start3A_182, %dma_start3A_183] : memref<2x160x128xf32, #tpu.memory_space<vmem>> -> memref<1x160x128xf32, #tpu.memory_space<vmem>>
        %dma_start3A_185 = tpu.memref_squeeze %dma_start3A_184 : memref<1x160x128xf32, #tpu.memory_space<vmem>> -> memref<160x128xf32, #tpu.memory_space<vmem>>
        tpu.enqueue_dma source(%dma_start3A_185 : memref<160x128xf32, #tpu.memory_space<vmem>>) target(%dma_start3A_181 : memref<160x128xf32, #tpu.memory_space<vmem_shared>>) target_semaphore(%run_scoped3A_173 : memref<!tpu.dma_semaphore, #tpu.memory_space<semaphore_mem>>)
        %dma_wait3A_186 = arith.constant 0 : i32
        %dma_wait3A_187 = arith.constant 0 : i32
        %dma_wait3A_188 = tpu.memref_slice %arg14[%run_scoped3A_32, %dma_wait3A_186, %dma_wait3A_187] : memref<2x160x128xf32, #tpu.memory_space<vmem>> -> memref<1x160x128xf32, #tpu.memory_space<vmem>>
        %dma_wait3A_189 = tpu.memref_squeeze %dma_wait3A_188 : memref<1x160x128xf32, #tpu.memory_space<vmem>> -> memref<160x128xf32, #tpu.memory_space<vmem>>
        %dma_wait3A_190 = arith.constant 0 : i32
        %dma_wait3A_191 = tpu.memref_slice %arg19[%add3A_31, %dma_wait3A_190] : memref<10240x128xf32, #tpu.memory_space<vmem_shared>> -> memref<160x128xf32, #tpu.memory_space<vmem_shared>>
        %dma_wait3A_192 = arith.constant 0 : i32
        %dma_wait3A_193 = tpu.memref_slice %arg19[%add3A_31, %dma_wait3A_192] : memref<10240x128xf32, #tpu.memory_space<vmem_shared>> -> memref<160x128xf32, #tpu.memory_space<vmem_shared>>
        %dma_wait3A_194 = arith.constant 0 : i32
        %dma_wait3A_195 = arith.constant 0 : i32
        %dma_wait3A_196 = tpu.memref_slice %arg14[%run_scoped3A_32, %dma_wait3A_194, %dma_wait3A_195] : memref<2x160x128xf32, #tpu.memory_space<vmem>> -> memref<1x160x128xf32, #tpu.memory_space<vmem>>
        %dma_wait3A_197 = tpu.memref_squeeze %dma_wait3A_196 : memref<1x160x128xf32, #tpu.memory_space<vmem>> -> memref<160x128xf32, #tpu.memory_space<vmem>>
        tpu.wait_dma2 semaphore(%run_scoped3A_173 : memref<!tpu.dma_semaphore, #tpu.memory_space<semaphore_mem>>) src(%dma_wait3A_197 : memref<160x128xf32, #tpu.memory_space<vmem>>) dst(%dma_wait3A_193 : memref<160x128xf32, #tpu.memory_space<vmem_shared>>)
        tpu.yield
      }) : () -> ()
      %add3A_33 = arith.constant 480 : i32
      %add3A_34 = arith.addi %mul3A_25, %add3A_33 : i32
      %run_scoped3A_35 = arith.constant 0 : i32
      "tpu.region"() ({
        %run_scoped3A_173 = tpu.sem_alloc : memref<!tpu.dma_semaphore, #tpu.memory_space<semaphore_mem>>
        %dma_start3A_174 = arith.constant 0 : i32
        %dma_start3A_175 = arith.constant 0 : i32
        %dma_start3A_176 = tpu.memref_slice %arg14[%run_scoped3A_35, %dma_start3A_174, %dma_start3A_175] : memref<2x160x128xf32, #tpu.memory_space<vmem>> -> memref<1x160x128xf32, #tpu.memory_space<vmem>>
        %dma_start3A_177 = tpu.memref_squeeze %dma_start3A_176 : memref<1x160x128xf32, #tpu.memory_space<vmem>> -> memref<160x128xf32, #tpu.memory_space<vmem>>
        %dma_start3A_178 = arith.constant 0 : i32
        %dma_start3A_179 = tpu.memref_slice %arg19[%add3A_34, %dma_start3A_178] : memref<10240x128xf32, #tpu.memory_space<vmem_shared>> -> memref<160x128xf32, #tpu.memory_space<vmem_shared>>
        %dma_start3A_180 = arith.constant 0 : i32
        %dma_start3A_181 = tpu.memref_slice %arg19[%add3A_34, %dma_start3A_180] : memref<10240x128xf32, #tpu.memory_space<vmem_shared>> -> memref<160x128xf32, #tpu.memory_space<vmem_shared>>
        %dma_start3A_182 = arith.constant 0 : i32
        %dma_start3A_183 = arith.constant 0 : i32
        %dma_start3A_184 = tpu.memref_slice %arg14[%run_scoped3A_35, %dma_start3A_182, %dma_start3A_183] : memref<2x160x128xf32, #tpu.memory_space<vmem>> -> memref<1x160x128xf32, #tpu.memory_space<vmem>>
        %dma_start3A_185 = tpu.memref_squeeze %dma_start3A_184 : memref<1x160x128xf32, #tpu.memory_space<vmem>> -> memref<160x128xf32, #tpu.memory_space<vmem>>
        tpu.enqueue_dma source(%dma_start3A_185 : memref<160x128xf32, #tpu.memory_space<vmem>>) target(%dma_start3A_181 : memref<160x128xf32, #tpu.memory_space<vmem_shared>>) target_semaphore(%run_scoped3A_173 : memref<!tpu.dma_semaphore, #tpu.memory_space<semaphore_mem>>)
        %dma_wait3A_186 = arith.constant 0 : i32
        %dma_wait3A_187 = arith.constant 0 : i32
        %dma_wait3A_188 = tpu.memref_slice %arg14[%run_scoped3A_35, %dma_wait3A_186, %dma_wait3A_187] : memref<2x160x128xf32, #tpu.memory_space<vmem>> -> memref<1x160x128xf32, #tpu.memory_space<vmem>>
        %dma_wait3A_189 = tpu.memref_squeeze %dma_wait3A_188 : memref<1x160x128xf32, #tpu.memory_space<vmem>> -> memref<160x128xf32, #tpu.memory_space<vmem>>
        %dma_wait3A_190 = arith.constant 0 : i32
        %dma_wait3A_191 = tpu.memref_slice %arg19[%add3A_34, %dma_wait3A_190] : memref<10240x128xf32, #tpu.memory_space<vmem_shared>> -> memref<160x128xf32, #tpu.memory_space<vmem_shared>>
        %dma_wait3A_192 = arith.constant 0 : i32
        %dma_wait3A_193 = tpu.memref_slice %arg19[%add3A_34, %dma_wait3A_192] : memref<10240x128xf32, #tpu.memory_space<vmem_shared>> -> memref<160x128xf32, #tpu.memory_space<vmem_shared>>
        %dma_wait3A_194 = arith.constant 0 : i32
        %dma_wait3A_195 = arith.constant 0 : i32
        %dma_wait3A_196 = tpu.memref_slice %arg14[%run_scoped3A_35, %dma_wait3A_194, %dma_wait3A_195] : memref<2x160x128xf32, #tpu.memory_space<vmem>> -> memref<1x160x128xf32, #tpu.memory_space<vmem>>
        %dma_wait3A_197 = tpu.memref_squeeze %dma_wait3A_196 : memref<1x160x128xf32, #tpu.memory_space<vmem>> -> memref<160x128xf32, #tpu.memory_space<vmem>>
        tpu.wait_dma2 semaphore(%run_scoped3A_173 : memref<!tpu.dma_semaphore, #tpu.memory_space<semaphore_mem>>) src(%dma_wait3A_197 : memref<160x128xf32, #tpu.memory_space<vmem>>) dst(%dma_wait3A_193 : memref<160x128xf32, #tpu.memory_space<vmem_shared>>)
        tpu.yield
      }) : () -> ()
      "tpu.region"() ({
        %run_scoped3A_173 = tpu.sem_alloc : memref<!tpu.dma_semaphore, #tpu.memory_space<semaphore_mem>>
        %dma_start3A_174 = tpu.memref_slice %arg20[%mul3A_25] : memref<10240xf32, #tpu.memory_space<vmem_shared>> -> memref<640xf32, #tpu.memory_space<vmem_shared>>
        %dma_start3A_175 = tpu.memref_slice %arg20[%mul3A_25] : memref<10240xf32, #tpu.memory_space<vmem_shared>> -> memref<640xf32, #tpu.memory_space<vmem_shared>>
        tpu.enqueue_dma source(%arg18 : memref<640xf32, #tpu.memory_space<vmem>>) target(%dma_start3A_175 : memref<640xf32, #tpu.memory_space<vmem_shared>>) target_semaphore(%run_scoped3A_173 : memref<!tpu.dma_semaphore, #tpu.memory_space<semaphore_mem>>)
        %dma_wait3A_176 = tpu.memref_slice %arg20[%mul3A_25] : memref<10240xf32, #tpu.memory_space<vmem_shared>> -> memref<640xf32, #tpu.memory_space<vmem_shared>>
        %dma_wait3A_177 = tpu.memref_slice %arg20[%mul3A_25] : memref<10240xf32, #tpu.memory_space<vmem_shared>> -> memref<640xf32, #tpu.memory_space<vmem_shared>>
        tpu.wait_dma2 semaphore(%run_scoped3A_173 : memref<!tpu.dma_semaphore, #tpu.memory_space<semaphore_mem>>) src(%arg18 : memref<640xf32, #tpu.memory_space<vmem>>) dst(%dma_wait3A_177 : memref<640xf32, #tpu.memory_space<vmem_shared>>)
        tpu.yield
      }) : () -> ()
      %barrier3A = arith.constant 0 : index
      tpu.barrier barrier_id(%barrier3A)
      %mul3A_36 = arith.constant 20480 : i32
      %mul3A_37 = arith.muli %arg1, %mul3A_36 : i32
      %scan3A_38 = arith.constant 0 : i32
      %scan3A_39 = arith.constant 0 : i32
      %scan3A_40 = arith.constant 16 : i32
      %scan3A_41 = arith.addi %scan3A_39, %scan3A_40 : i32
      %scan3A_42 = arith.constant 1 : i32
      scf.for %scan3A_173 = %scan3A_39 to %scan3A_41 step %scan3A_42  : i32 {
        %mul3A_174 = arith.constant 8 : i32
        %mul3A_175 = arith.muli %scan3A_173, %mul3A_174 : i32
        %mul3A_176 = arith.constant 160 : i32
        %mul3A_177 = arith.muli %mul3A_175, %mul3A_176 : i32
        %add3A_178 = arith.addi %mul3A_37, %mul3A_177 : i32
        "tpu.region"() ({
          %run_scoped3A_503 = tpu.sem_alloc : memref<!tpu.dma_semaphore, #tpu.memory_space<semaphore_mem>>
          %dma_start3A_504 = tpu.memref_slice %arg4[%add3A_178] : memref<327680xi32, #tpu.memory_space<hbm>> -> memref<1280xi32, #tpu.memory_space<hbm>>
          %dma_start3A_505 = tpu.memref_slice %arg4[%add3A_178] : memref<327680xi32, #tpu.memory_space<hbm>> -> memref<1280xi32, #tpu.memory_space<hbm>>
          tpu.enqueue_dma source(%dma_start3A_505 : memref<1280xi32, #tpu.memory_space<hbm>>) target(%arg12 : memref<1280xi32, #tpu.memory_space<vmem>>) target_semaphore(%run_scoped3A_503 : memref<!tpu.dma_semaphore, #tpu.memory_space<semaphore_mem>>)
          %dma_wait3A_506 = tpu.memref_slice %arg4[%add3A_178] : memref<327680xi32, #tpu.memory_space<hbm>> -> memref<1280xi32, #tpu.memory_space<hbm>>
          %dma_wait3A_507 = tpu.memref_slice %arg4[%add3A_178] : memref<327680xi32, #tpu.memory_space<hbm>> -> memref<1280xi32, #tpu.memory_space<hbm>>
          tpu.wait_dma2 semaphore(%run_scoped3A_503 : memref<!tpu.dma_semaphore, #tpu.memory_space<semaphore_mem>>) src(%dma_wait3A_507 : memref<1280xi32, #tpu.memory_space<hbm>>) dst(%arg12 : memref<1280xi32, #tpu.memory_space<vmem>>)
          tpu.yield
        }) : () -> ()
        "tpu.region"() ({
          %run_scoped3A_503 = tpu.sem_alloc : memref<!tpu.dma_semaphore, #tpu.memory_space<semaphore_mem>>
          %dma_start3A_504 = tpu.memref_slice %arg5[%add3A_178] : memref<327680xi32, #tpu.memory_space<hbm>> -> memref<1280xi32, #tpu.memory_space<hbm>>
          %dma_start3A_505 = tpu.memref_slice %arg5[%add3A_178] : memref<327680xi32, #tpu.memory_space<hbm>> -> memref<1280xi32, #tpu.memory_space<hbm>>
          tpu.enqueue_dma source(%dma_start3A_505 : memref<1280xi32, #tpu.memory_space<hbm>>) target(%arg13 : memref<1280xi32, #tpu.memory_space<vmem>>) target_semaphore(%run_scoped3A_503 : memref<!tpu.dma_semaphore, #tpu.memory_space<semaphore_mem>>)
          %dma_wait3A_506 = tpu.memref_slice %arg5[%add3A_178] : memref<327680xi32, #tpu.memory_space<hbm>> -> memref<1280xi32, #tpu.memory_space<hbm>>
          %dma_wait3A_507 = tpu.memref_slice %arg5[%add3A_178] : memref<327680xi32, #tpu.memory_space<hbm>> -> memref<1280xi32, #tpu.memory_space<hbm>>
          tpu.wait_dma2 semaphore(%run_scoped3A_503 : memref<!tpu.dma_semaphore, #tpu.memory_space<semaphore_mem>>) src(%dma_wait3A_507 : memref<1280xi32, #tpu.memory_space<hbm>>) dst(%arg13 : memref<1280xi32, #tpu.memory_space<vmem>>)
          tpu.yield
        }) : () -> ()
        %dma_start3A_179 = arith.constant 0 : i32
        %dma_start3A_180 = arith.constant 0 : i32
        %dma_start3A_181 = arith.constant 0 : i32
        %dma_start3A_182 = tpu.memref_slice %arg14[%dma_start3A_179, %dma_start3A_180, %dma_start3A_181] : memref<2x160x128xf32, #tpu.memory_space<vmem>> -> memref<1x160x128xf32, #tpu.memory_space<vmem>>
        %dma_start3A_183 = tpu.memref_squeeze %dma_start3A_182 : memref<1x160x128xf32, #tpu.memory_space<vmem>> -> memref<160x128xf32, #tpu.memory_space<vmem>>
        %dma_start3A_184 = arith.constant 0 : i32
        %dma_start3A_185 = tpu.memref_slice %arg12[%dma_start3A_184] : memref<1280xi32, #tpu.memory_space<vmem>> -> memref<160xi32, #tpu.memory_space<vmem>>
        %dma_start3A_186 = arith.constant 0 : i32
        %dma_start3A_187 = arith.constant 0 : i32
        %dma_start3A_188 = tpu.memref_slice %arg2[%dma_start3A_186, %dma_start3A_187] : memref<10000x128xf32, #tpu.memory_space<hbm>> -> memref<10000x128xf32, #tpu.memory_space<hbm>>
        tpu.enqueue_indirect_dma source(%dma_start3A_188 : memref<10000x128xf32, #tpu.memory_space<hbm>>) target(%dma_start3A_183 : memref<160x128xf32, #tpu.memory_space<vmem>>) offsets(%dma_start3A_185 : memref<160xi32, #tpu.memory_space<vmem>>) semaphore(%arg21 : memref<!tpu.dma_semaphore, #tpu.memory_space<semaphore_mem>>)
        %dma_start3A_189 = arith.constant 1 : i32
        %dma_start3A_190 = arith.constant 0 : i32
        %dma_start3A_191 = arith.constant 0 : i32
        %dma_start3A_192 = tpu.memref_slice %arg14[%dma_start3A_189, %dma_start3A_190, %dma_start3A_191] : memref<2x160x128xf32, #tpu.memory_space<vmem>> -> memref<1x160x128xf32, #tpu.memory_space<vmem>>
        %dma_start3A_193 = tpu.memref_squeeze %dma_start3A_192 : memref<1x160x128xf32, #tpu.memory_space<vmem>> -> memref<160x128xf32, #tpu.memory_space<vmem>>
        %dma_start3A_194 = arith.constant 160 : i32
        %dma_start3A_195 = tpu.memref_slice %arg12[%dma_start3A_194] : memref<1280xi32, #tpu.memory_space<vmem>> -> memref<160xi32, #tpu.memory_space<vmem>>
        %dma_start3A_196 = arith.constant 0 : i32
        %dma_start3A_197 = arith.constant 0 : i32
        %dma_start3A_198 = tpu.memref_slice %arg2[%dma_start3A_196, %dma_start3A_197] : memref<10000x128xf32, #tpu.memory_space<hbm>> -> memref<10000x128xf32, #tpu.memory_space<hbm>>
        tpu.enqueue_indirect_dma source(%dma_start3A_198 : memref<10000x128xf32, #tpu.memory_space<hbm>>) target(%dma_start3A_193 : memref<160x128xf32, #tpu.memory_space<vmem>>) offsets(%dma_start3A_195 : memref<160xi32, #tpu.memory_space<vmem>>) semaphore(%arg21 : memref<!tpu.dma_semaphore, #tpu.memory_space<semaphore_mem>>)
        %dma_start3A_199 = arith.constant 0 : i32
        %dma_start3A_200 = tpu.memref_slice %arg20[%dma_start3A_199] : memref<10240xf32, #tpu.memory_space<vmem_shared>> -> memref<10240xf32, #tpu.memory_space<vmem_shared>>
        tpu.enqueue_indirect_dma source(%arg15 : memref<1280xf32, #tpu.memory_space<vmem>>) target(%dma_start3A_200 : memref<10240xf32, #tpu.memory_space<vmem_shared>>) offsets(%arg13 : memref<1280xi32, #tpu.memory_space<vmem>>) semaphore(%arg23 : memref<!tpu.dma_semaphore, #tpu.memory_space<semaphore_mem>>) {add = true}
        %dma_wait3A_201 = arith.constant 0 : i32
        %dma_wait3A_202 = arith.constant 0 : i32
        %dma_wait3A_203 = arith.constant 0 : i32
        %dma_wait3A_204 = tpu.memref_slice %arg14[%dma_wait3A_201, %dma_wait3A_202, %dma_wait3A_203] : memref<2x160x128xf32, #tpu.memory_space<vmem>> -> memref<1x160x128xf32, #tpu.memory_space<vmem>>
        %dma_wait3A_205 = tpu.memref_squeeze %dma_wait3A_204 : memref<1x160x128xf32, #tpu.memory_space<vmem>> -> memref<160x128xf32, #tpu.memory_space<vmem>>
        %dma_wait3A_206 = arith.constant 0 : i32
        %dma_wait3A_207 = tpu.memref_slice %arg12[%dma_wait3A_206] : memref<1280xi32, #tpu.memory_space<vmem>> -> memref<160xi32, #tpu.memory_space<vmem>>
        %dma_wait3A_208 = arith.constant 0 : i32
        %dma_wait3A_209 = arith.constant 0 : i32
        %dma_wait3A_210 = tpu.memref_slice %arg2[%dma_wait3A_208, %dma_wait3A_209] : memref<10000x128xf32, #tpu.memory_space<hbm>> -> memref<10000x128xf32, #tpu.memory_space<hbm>>
        tpu.wait_indirect_dma semaphore(%arg21 : memref<!tpu.dma_semaphore, #tpu.memory_space<semaphore_mem>>) src(%dma_wait3A_210 : memref<10000x128xf32, #tpu.memory_space<hbm>>) dst(%dma_wait3A_205 : memref<160x128xf32, #tpu.memory_space<vmem>>)
        %dma_start3A_211 = arith.constant 0 : i32
        %dma_start3A_212 = arith.constant 0 : i32
        %dma_start3A_213 = arith.constant 0 : i32
        %dma_start3A_214 = tpu.memref_slice %arg14[%dma_start3A_211, %dma_start3A_212, %dma_start3A_213] : memref<2x160x128xf32, #tpu.memory_space<vmem>> -> memref<1x160x128xf32, #tpu.memory_space<vmem>>
        %dma_start3A_215 = tpu.memref_squeeze %dma_start3A_214 : memref<1x160x128xf32, #tpu.memory_space<vmem>> -> memref<160x128xf32, #tpu.memory_space<vmem>>
        %dma_start3A_216 = arith.constant 0 : i32
        %dma_start3A_217 = tpu.memref_slice %arg13[%dma_start3A_216] : memref<1280xi32, #tpu.memory_space<vmem>> -> memref<160xi32, #tpu.memory_space<vmem>>
        %dma_start3A_218 = arith.constant 0 : i32
        %dma_start3A_219 = arith.constant 0 : i32
        %dma_start3A_220 = tpu.memref_slice %arg19[%dma_start3A_218, %dma_start3A_219] : memref<10240x128xf32, #tpu.memory_space<vmem_shared>> -> memref<10240x128xf32, #tpu.memory_space<vmem_shared>>
        tpu.enqueue_indirect_dma source(%dma_start3A_215 : memref<160x128xf32, #tpu.memory_space<vmem>>) target(%dma_start3A_220 : memref<10240x128xf32, #tpu.memory_space<vmem_shared>>) offsets(%dma_start3A_217 : memref<160xi32, #tpu.memory_space<vmem>>) semaphore(%arg22 : memref<!tpu.dma_semaphore, #tpu.memory_space<semaphore_mem>>) {add = true}
        %dma_wait3A_221 = arith.constant 0 : i32
        %dma_wait3A_222 = arith.constant 0 : i32
        %dma_wait3A_223 = arith.constant 0 : i32
        %dma_wait3A_224 = tpu.memref_slice %arg14[%dma_wait3A_221, %dma_wait3A_222, %dma_wait3A_223] : memref<2x160x128xf32, #tpu.memory_space<vmem>> -> memref<1x160x128xf32, #tpu.memory_space<vmem>>
        %dma_wait3A_225 = tpu.memref_squeeze %dma_wait3A_224 : memref<1x160x128xf32, #tpu.memory_space<vmem>> -> memref<160x128xf32, #tpu.memory_space<vmem>>
        %dma_wait3A_226 = arith.constant 0 : i32
        %dma_wait3A_227 = tpu.memref_slice %arg13[%dma_wait3A_226] : memref<1280xi32, #tpu.memory_space<vmem>> -> memref<160xi32, #tpu.memory_space<vmem>>
        %dma_wait3A_228 = arith.constant 0 : i32
        %dma_wait3A_229 = arith.constant 0 : i32
        %dma_wait3A_230 = tpu.memref_slice %arg19[%dma_wait3A_228, %dma_wait3A_229] : memref<10240x128xf32, #tpu.memory_space<vmem_shared>> -> memref<10240x128xf32, #tpu.memory_space<vmem_shared>>
        tpu.wait_indirect_dma semaphore(%arg22 : memref<!tpu.dma_semaphore, #tpu.memory_space<semaphore_mem>>) src(%dma_wait3A_225 : memref<160x128xf32, #tpu.memory_space<vmem>>) dst(%dma_wait3A_230 : memref<10240x128xf32, #tpu.memory_space<vmem_shared>>)
        %dma_start3A_231 = arith.constant 0 : i32
        %dma_start3A_232 = arith.constant 0 : i32
        %dma_start3A_233 = arith.constant 0 : i32
        %dma_start3A_234 = tpu.memref_slice %arg14[%dma_start3A_231, %dma_start3A_232, %dma_start3A_233] : memref<2x160x128xf32, #tpu.memory_space<vmem>> -> memref<1x160x128xf32, #tpu.memory_space<vmem>>
        %dma_start3A_235 = tpu.memref_squeeze %dma_start3A_234 : memref<1x160x128xf32, #tpu.memory_space<vmem>> -> memref<160x128xf32, #tpu.memory_space<vmem>>
        %dma_start3A_236 = arith.constant 320 : i32
        %dma_start3A_237 = tpu.memref_slice %arg12[%dma_start3A_236] : memref<1280xi32, #tpu.memory_space<vmem>> -> memref<160xi32, #tpu.memory_space<vmem>>
        %dma_start3A_238 = arith.constant 0 : i32
        %dma_start3A_239 = arith.constant 0 : i32
        %dma_start3A_240 = tpu.memref_slice %arg2[%dma_start3A_238, %dma_start3A_239] : memref<10000x128xf32, #tpu.memory_space<hbm>> -> memref<10000x128xf32, #tpu.memory_space<hbm>>
        tpu.enqueue_indirect_dma source(%dma_start3A_240 : memref<10000x128xf32, #tpu.memory_space<hbm>>) target(%dma_start3A_235 : memref<160x128xf32, #tpu.memory_space<vmem>>) offsets(%dma_start3A_237 : memref<160xi32, #tpu.memory_space<vmem>>) semaphore(%arg21 : memref<!tpu.dma_semaphore, #tpu.memory_space<semaphore_mem>>)
        %dma_wait3A_241 = arith.constant 1 : i32
        %dma_wait3A_242 = arith.constant 0 : i32
        %dma_wait3A_243 = arith.constant 0 : i32
        %dma_wait3A_244 = tpu.memref_slice %arg14[%dma_wait3A_241, %dma_wait3A_242, %dma_wait3A_243] : memref<2x160x128xf32, #tpu.memory_space<vmem>> -> memref<1x160x128xf32, #tpu.memory_space<vmem>>
        %dma_wait3A_245 = tpu.memref_squeeze %dma_wait3A_244 : memref<1x160x128xf32, #tpu.memory_space<vmem>> -> memref<160x128xf32, #tpu.memory_space<vmem>>
        %dma_wait3A_246 = arith.constant 160 : i32
        %dma_wait3A_247 = tpu.memref_slice %arg12[%dma_wait3A_246] : memref<1280xi32, #tpu.memory_space<vmem>> -> memref<160xi32, #tpu.memory_space<vmem>>
        %dma_wait3A_248 = arith.constant 0 : i32
        %dma_wait3A_249 = arith.constant 0 : i32
        %dma_wait3A_250 = tpu.memref_slice %arg2[%dma_wait3A_248, %dma_wait3A_249] : memref<10000x128xf32, #tpu.memory_space<hbm>> -> memref<10000x128xf32, #tpu.memory_space<hbm>>
        tpu.wait_indirect_dma semaphore(%arg21 : memref<!tpu.dma_semaphore, #tpu.memory_space<semaphore_mem>>) src(%dma_wait3A_250 : memref<10000x128xf32, #tpu.memory_space<hbm>>) dst(%dma_wait3A_245 : memref<160x128xf32, #tpu.memory_space<vmem>>)
        %dma_start3A_251 = arith.constant 1 : i32
        %dma_start3A_252 = arith.constant 0 : i32
        %dma_start3A_253 = arith.constant 0 : i32
        %dma_start3A_254 = tpu.memref_slice %arg14[%dma_start3A_251, %dma_start3A_252, %dma_start3A_253] : memref<2x160x128xf32, #tpu.memory_space<vmem>> -> memref<1x160x128xf32, #tpu.memory_space<vmem>>
        %dma_start3A_255 = tpu.memref_squeeze %dma_start3A_254 : memref<1x160x128xf32, #tpu.memory_space<vmem>> -> memref<160x128xf32, #tpu.memory_space<vmem>>
        %dma_start3A_256 = arith.constant 160 : i32
        %dma_start3A_257 = tpu.memref_slice %arg13[%dma_start3A_256] : memref<1280xi32, #tpu.memory_space<vmem>> -> memref<160xi32, #tpu.memory_space<vmem>>
        %dma_start3A_258 = arith.constant 0 : i32
        %dma_start3A_259 = arith.constant 0 : i32
        %dma_start3A_260 = tpu.memref_slice %arg19[%dma_start3A_258, %dma_start3A_259] : memref<10240x128xf32, #tpu.memory_space<vmem_shared>> -> memref<10240x128xf32, #tpu.memory_space<vmem_shared>>
        tpu.enqueue_indirect_dma source(%dma_start3A_255 : memref<160x128xf32, #tpu.memory_space<vmem>>) target(%dma_start3A_260 : memref<10240x128xf32, #tpu.memory_space<vmem_shared>>) offsets(%dma_start3A_257 : memref<160xi32, #tpu.memory_space<vmem>>) semaphore(%arg22 : memref<!tpu.dma_semaphore, #tpu.memory_space<semaphore_mem>>) {add = true}
        %dma_wait3A_261 = arith.constant 1 : i32
        %dma_wait3A_262 = arith.constant 0 : i32
        %dma_wait3A_263 = arith.constant 0 : i32
        %dma_wait3A_264 = tpu.memref_slice %arg14[%dma_wait3A_261, %dma_wait3A_262, %dma_wait3A_263] : memref<2x160x128xf32, #tpu.memory_space<vmem>> -> memref<1x160x128xf32, #tpu.memory_space<vmem>>
        %dma_wait3A_265 = tpu.memref_squeeze %dma_wait3A_264 : memref<1x160x128xf32, #tpu.memory_space<vmem>> -> memref<160x128xf32, #tpu.memory_space<vmem>>
        %dma_wait3A_266 = arith.constant 160 : i32
        %dma_wait3A_267 = tpu.memref_slice %arg13[%dma_wait3A_266] : memref<1280xi32, #tpu.memory_space<vmem>> -> memref<160xi32, #tpu.memory_space<vmem>>
        %dma_wait3A_268 = arith.constant 0 : i32
        %dma_wait3A_269 = arith.constant 0 : i32
        %dma_wait3A_270 = tpu.memref_slice %arg19[%dma_wait3A_268, %dma_wait3A_269] : memref<10240x128xf32, #tpu.memory_space<vmem_shared>> -> memref<10240x128xf32, #tpu.memory_space<vmem_shared>>
        tpu.wait_indirect_dma semaphore(%arg22 : memref<!tpu.dma_semaphore, #tpu.memory_space<semaphore_mem>>) src(%dma_wait3A_265 : memref<160x128xf32, #tpu.memory_space<vmem>>) dst(%dma_wait3A_270 : memref<10240x128xf32, #tpu.memory_space<vmem_shared>>)
        %dma_start3A_271 = arith.constant 1 : i32
        %dma_start3A_272 = arith.constant 0 : i32
        %dma_start3A_273 = arith.constant 0 : i32
        %dma_start3A_274 = tpu.memref_slice %arg14[%dma_start3A_271, %dma_start3A_272, %dma_start3A_273] : memref<2x160x128xf32, #tpu.memory_space<vmem>> -> memref<1x160x128xf32, #tpu.memory_space<vmem>>
        %dma_start3A_275 = tpu.memref_squeeze %dma_start3A_274 : memref<1x160x128xf32, #tpu.memory_space<vmem>> -> memref<160x128xf32, #tpu.memory_space<vmem>>
        %dma_start3A_276 = arith.constant 480 : i32
        %dma_start3A_277 = tpu.memref_slice %arg12[%dma_start3A_276] : memref<1280xi32, #tpu.memory_space<vmem>> -> memref<160xi32, #tpu.memory_space<vmem>>
        %dma_start3A_278 = arith.constant 0 : i32
        %dma_start3A_279 = arith.constant 0 : i32
        %dma_start3A_280 = tpu.memref_slice %arg2[%dma_start3A_278, %dma_start3A_279] : memref<10000x128xf32, #tpu.memory_space<hbm>> -> memref<10000x128xf32, #tpu.memory_space<hbm>>
        tpu.enqueue_indirect_dma source(%dma_start3A_280 : memref<10000x128xf32, #tpu.memory_space<hbm>>) target(%dma_start3A_275 : memref<160x128xf32, #tpu.memory_space<vmem>>) offsets(%dma_start3A_277 : memref<160xi32, #tpu.memory_space<vmem>>) semaphore(%arg21 : memref<!tpu.dma_semaphore, #tpu.memory_space<semaphore_mem>>)
        %dma_wait3A_281 = arith.constant 0 : i32
        %dma_wait3A_282 = arith.constant 0 : i32
        %dma_wait3A_283 = arith.constant 0 : i32
        %dma_wait3A_284 = tpu.memref_slice %arg14[%dma_wait3A_281, %dma_wait3A_282, %dma_wait3A_283] : memref<2x160x128xf32, #tpu.memory_space<vmem>> -> memref<1x160x128xf32, #tpu.memory_space<vmem>>
        %dma_wait3A_285 = tpu.memref_squeeze %dma_wait3A_284 : memref<1x160x128xf32, #tpu.memory_space<vmem>> -> memref<160x128xf32, #tpu.memory_space<vmem>>
        %dma_wait3A_286 = arith.constant 320 : i32
        %dma_wait3A_287 = tpu.memref_slice %arg12[%dma_wait3A_286] : memref<1280xi32, #tpu.memory_space<vmem>> -> memref<160xi32, #tpu.memory_space<vmem>>
        %dma_wait3A_288 = arith.constant 0 : i32
        %dma_wait3A_289 = arith.constant 0 : i32
        %dma_wait3A_290 = tpu.memref_slice %arg2[%dma_wait3A_288, %dma_wait3A_289] : memref<10000x128xf32, #tpu.memory_space<hbm>> -> memref<10000x128xf32, #tpu.memory_space<hbm>>
        tpu.wait_indirect_dma semaphore(%arg21 : memref<!tpu.dma_semaphore, #tpu.memory_space<semaphore_mem>>) src(%dma_wait3A_290 : memref<10000x128xf32, #tpu.memory_space<hbm>>) dst(%dma_wait3A_285 : memref<160x128xf32, #tpu.memory_space<vmem>>)
        %dma_start3A_291 = arith.constant 0 : i32
        %dma_start3A_292 = arith.constant 0 : i32
        %dma_start3A_293 = arith.constant 0 : i32
        %dma_start3A_294 = tpu.memref_slice %arg14[%dma_start3A_291, %dma_start3A_292, %dma_start3A_293] : memref<2x160x128xf32, #tpu.memory_space<vmem>> -> memref<1x160x128xf32, #tpu.memory_space<vmem>>
        %dma_start3A_295 = tpu.memref_squeeze %dma_start3A_294 : memref<1x160x128xf32, #tpu.memory_space<vmem>> -> memref<160x128xf32, #tpu.memory_space<vmem>>
        %dma_start3A_296 = arith.constant 320 : i32
        %dma_start3A_297 = tpu.memref_slice %arg13[%dma_start3A_296] : memref<1280xi32, #tpu.memory_space<vmem>> -> memref<160xi32, #tpu.memory_space<vmem>>
        %dma_start3A_298 = arith.constant 0 : i32
        %dma_start3A_299 = arith.constant 0 : i32
        %dma_start3A_300 = tpu.memref_slice %arg19[%dma_start3A_298, %dma_start3A_299] : memref<10240x128xf32, #tpu.memory_space<vmem_shared>> -> memref<10240x128xf32, #tpu.memory_space<vmem_shared>>
        tpu.enqueue_indirect_dma source(%dma_start3A_295 : memref<160x128xf32, #tpu.memory_space<vmem>>) target(%dma_start3A_300 : memref<10240x128xf32, #tpu.memory_space<vmem_shared>>) offsets(%dma_start3A_297 : memref<160xi32, #tpu.memory_space<vmem>>) semaphore(%arg22 : memref<!tpu.dma_semaphore, #tpu.memory_space<semaphore_mem>>) {add = true}
        %dma_wait3A_301 = arith.constant 0 : i32
        %dma_wait3A_302 = arith.constant 0 : i32
        %dma_wait3A_303 = arith.constant 0 : i32
        %dma_wait3A_304 = tpu.memref_slice %arg14[%dma_wait3A_301, %dma_wait3A_302, %dma_wait3A_303] : memref<2x160x128xf32, #tpu.memory_space<vmem>> -> memref<1x160x128xf32, #tpu.memory_space<vmem>>
        %dma_wait3A_305 = tpu.memref_squeeze %dma_wait3A_304 : memref<1x160x128xf32, #tpu.memory_space<vmem>> -> memref<160x128xf32, #tpu.memory_space<vmem>>
        %dma_wait3A_306 = arith.constant 320 : i32
        %dma_wait3A_307 = tpu.memref_slice %arg13[%dma_wait3A_306] : memref<1280xi32, #tpu.memory_space<vmem>> -> memref<160xi32, #tpu.memory_space<vmem>>
        %dma_wait3A_308 = arith.constant 0 : i32
        %dma_wait3A_309 = arith.constant 0 : i32
        %dma_wait3A_310 = tpu.memref_slice %arg19[%dma_wait3A_308, %dma_wait3A_309] : memref<10240x128xf32, #tpu.memory_space<vmem_shared>> -> memref<10240x128xf32, #tpu.memory_space<vmem_shared>>
        tpu.wait_indirect_dma semaphore(%arg22 : memref<!tpu.dma_semaphore, #tpu.memory_space<semaphore_mem>>) src(%dma_wait3A_305 : memref<160x128xf32, #tpu.memory_space<vmem>>) dst(%dma_wait3A_310 : memref<10240x128xf32, #tpu.memory_space<vmem_shared>>)
        %dma_start3A_311 = arith.constant 0 : i32
        %dma_start3A_312 = arith.constant 0 : i32
        %dma_start3A_313 = arith.constant 0 : i32
        %dma_start3A_314 = tpu.memref_slice %arg14[%dma_start3A_311, %dma_start3A_312, %dma_start3A_313] : memref<2x160x128xf32, #tpu.memory_space<vmem>> -> memref<1x160x128xf32, #tpu.memory_space<vmem>>
        %dma_start3A_315 = tpu.memref_squeeze %dma_start3A_314 : memref<1x160x128xf32, #tpu.memory_space<vmem>> -> memref<160x128xf32, #tpu.memory_space<vmem>>
        %dma_start3A_316 = arith.constant 640 : i32
        %dma_start3A_317 = tpu.memref_slice %arg12[%dma_start3A_316] : memref<1280xi32, #tpu.memory_space<vmem>> -> memref<160xi32, #tpu.memory_space<vmem>>
        %dma_start3A_318 = arith.constant 0 : i32
        %dma_start3A_319 = arith.constant 0 : i32
        %dma_start3A_320 = tpu.memref_slice %arg2[%dma_start3A_318, %dma_start3A_319] : memref<10000x128xf32, #tpu.memory_space<hbm>> -> memref<10000x128xf32, #tpu.memory_space<hbm>>
        tpu.enqueue_indirect_dma source(%dma_start3A_320 : memref<10000x128xf32, #tpu.memory_space<hbm>>) target(%dma_start3A_315 : memref<160x128xf32, #tpu.memory_space<vmem>>) offsets(%dma_start3A_317 : memref<160xi32, #tpu.memory_space<vmem>>) semaphore(%arg21 : memref<!tpu.dma_semaphore, #tpu.memory_space<semaphore_mem>>)
        %dma_wait3A_321 = arith.constant 1 : i32
        %dma_wait3A_322 = arith.constant 0 : i32
        %dma_wait3A_323 = arith.constant 0 : i32
        %dma_wait3A_324 = tpu.memref_slice %arg14[%dma_wait3A_321, %dma_wait3A_322, %dma_wait3A_323] : memref<2x160x128xf32, #tpu.memory_space<vmem>> -> memref<1x160x128xf32, #tpu.memory_space<vmem>>
        %dma_wait3A_325 = tpu.memref_squeeze %dma_wait3A_324 : memref<1x160x128xf32, #tpu.memory_space<vmem>> -> memref<160x128xf32, #tpu.memory_space<vmem>>
        %dma_wait3A_326 = arith.constant 480 : i32
        %dma_wait3A_327 = tpu.memref_slice %arg12[%dma_wait3A_326] : memref<1280xi32, #tpu.memory_space<vmem>> -> memref<160xi32, #tpu.memory_space<vmem>>
        %dma_wait3A_328 = arith.constant 0 : i32
        %dma_wait3A_329 = arith.constant 0 : i32
        %dma_wait3A_330 = tpu.memref_slice %arg2[%dma_wait3A_328, %dma_wait3A_329] : memref<10000x128xf32, #tpu.memory_space<hbm>> -> memref<10000x128xf32, #tpu.memory_space<hbm>>
        tpu.wait_indirect_dma semaphore(%arg21 : memref<!tpu.dma_semaphore, #tpu.memory_space<semaphore_mem>>) src(%dma_wait3A_330 : memref<10000x128xf32, #tpu.memory_space<hbm>>) dst(%dma_wait3A_325 : memref<160x128xf32, #tpu.memory_space<vmem>>)
        %dma_start3A_331 = arith.constant 1 : i32
        %dma_start3A_332 = arith.constant 0 : i32
        %dma_start3A_333 = arith.constant 0 : i32
        %dma_start3A_334 = tpu.memref_slice %arg14[%dma_start3A_331, %dma_start3A_332, %dma_start3A_333] : memref<2x160x128xf32, #tpu.memory_space<vmem>> -> memref<1x160x128xf32, #tpu.memory_space<vmem>>
        %dma_start3A_335 = tpu.memref_squeeze %dma_start3A_334 : memref<1x160x128xf32, #tpu.memory_space<vmem>> -> memref<160x128xf32, #tpu.memory_space<vmem>>
        %dma_start3A_336 = arith.constant 480 : i32
        %dma_start3A_337 = tpu.memref_slice %arg13[%dma_start3A_336] : memref<1280xi32, #tpu.memory_space<vmem>> -> memref<160xi32, #tpu.memory_space<vmem>>
        %dma_start3A_338 = arith.constant 0 : i32
        %dma_start3A_339 = arith.constant 0 : i32
        %dma_start3A_340 = tpu.memref_slice %arg19[%dma_start3A_338, %dma_start3A_339] : memref<10240x128xf32, #tpu.memory_space<vmem_shared>> -> memref<10240x128xf32, #tpu.memory_space<vmem_shared>>
        tpu.enqueue_indirect_dma source(%dma_start3A_335 : memref<160x128xf32, #tpu.memory_space<vmem>>) target(%dma_start3A_340 : memref<10240x128xf32, #tpu.memory_space<vmem_shared>>) offsets(%dma_start3A_337 : memref<160xi32, #tpu.memory_space<vmem>>) semaphore(%arg22 : memref<!tpu.dma_semaphore, #tpu.memory_space<semaphore_mem>>) {add = true}
        %dma_wait3A_341 = arith.constant 1 : i32
        %dma_wait3A_342 = arith.constant 0 : i32
        %dma_wait3A_343 = arith.constant 0 : i32
        %dma_wait3A_344 = tpu.memref_slice %arg14[%dma_wait3A_341, %dma_wait3A_342, %dma_wait3A_343] : memref<2x160x128xf32, #tpu.memory_space<vmem>> -> memref<1x160x128xf32, #tpu.memory_space<vmem>>
        %dma_wait3A_345 = tpu.memref_squeeze %dma_wait3A_344 : memref<1x160x128xf32, #tpu.memory_space<vmem>> -> memref<160x128xf32, #tpu.memory_space<vmem>>
        %dma_wait3A_346 = arith.constant 480 : i32
        %dma_wait3A_347 = tpu.memref_slice %arg13[%dma_wait3A_346] : memref<1280xi32, #tpu.memory_space<vmem>> -> memref<160xi32, #tpu.memory_space<vmem>>
        %dma_wait3A_348 = arith.constant 0 : i32
        %dma_wait3A_349 = arith.constant 0 : i32
        %dma_wait3A_350 = tpu.memref_slice %arg19[%dma_wait3A_348, %dma_wait3A_349] : memref<10240x128xf32, #tpu.memory_space<vmem_shared>> -> memref<10240x128xf32, #tpu.memory_space<vmem_shared>>
        tpu.wait_indirect_dma semaphore(%arg22 : memref<!tpu.dma_semaphore, #tpu.memory_space<semaphore_mem>>) src(%dma_wait3A_345 : memref<160x128xf32, #tpu.memory_space<vmem>>) dst(%dma_wait3A_350 : memref<10240x128xf32, #tpu.memory_space<vmem_shared>>)
        %dma_start3A_351 = arith.constant 1 : i32
        %dma_start3A_352 = arith.constant 0 : i32
        %dma_start3A_353 = arith.constant 0 : i32
        %dma_start3A_354 = tpu.memref_slice %arg14[%dma_start3A_351, %dma_start3A_352, %dma_start3A_353] : memref<2x160x128xf32, #tpu.memory_space<vmem>> -> memref<1x160x128xf32, #tpu.memory_space<vmem>>
        %dma_start3A_355 = tpu.memref_squeeze %dma_start3A_354 : memref<1x160x128xf32, #tpu.memory_space<vmem>> -> memref<160x128xf32, #tpu.memory_space<vmem>>
        %dma_start3A_356 = arith.constant 800 : i32
        %dma_start3A_357 = tpu.memref_slice %arg12[%dma_start3A_356] : memref<1280xi32, #tpu.memory_space<vmem>> -> memref<160xi32, #tpu.memory_space<vmem>>
        %dma_start3A_358 = arith.constant 0 : i32
        %dma_start3A_359 = arith.constant 0 : i32
        %dma_start3A_360 = tpu.memref_slice %arg2[%dma_start3A_358, %dma_start3A_359] : memref<10000x128xf32, #tpu.memory_space<hbm>> -> memref<10000x128xf32, #tpu.memory_space<hbm>>
        tpu.enqueue_indirect_dma source(%dma_start3A_360 : memref<10000x128xf32, #tpu.memory_space<hbm>>) target(%dma_start3A_355 : memref<160x128xf32, #tpu.memory_space<vmem>>) offsets(%dma_start3A_357 : memref<160xi32, #tpu.memory_space<vmem>>) semaphore(%arg21 : memref<!tpu.dma_semaphore, #tpu.memory_space<semaphore_mem>>)
        %dma_wait3A_361 = arith.constant 0 : i32
        %dma_wait3A_362 = arith.constant 0 : i32
        %dma_wait3A_363 = arith.constant 0 : i32
        %dma_wait3A_364 = tpu.memref_slice %arg14[%dma_wait3A_361, %dma_wait3A_362, %dma_wait3A_363] : memref<2x160x128xf32, #tpu.memory_space<vmem>> -> memref<1x160x128xf32, #tpu.memory_space<vmem>>
        %dma_wait3A_365 = tpu.memref_squeeze %dma_wait3A_364 : memref<1x160x128xf32, #tpu.memory_space<vmem>> -> memref<160x128xf32, #tpu.memory_space<vmem>>
        %dma_wait3A_366 = arith.constant 640 : i32
        %dma_wait3A_367 = tpu.memref_slice %arg12[%dma_wait3A_366] : memref<1280xi32, #tpu.memory_space<vmem>> -> memref<160xi32, #tpu.memory_space<vmem>>
        %dma_wait3A_368 = arith.constant 0 : i32
        %dma_wait3A_369 = arith.constant 0 : i32
        %dma_wait3A_370 = tpu.memref_slice %arg2[%dma_wait3A_368, %dma_wait3A_369] : memref<10000x128xf32, #tpu.memory_space<hbm>> -> memref<10000x128xf32, #tpu.memory_space<hbm>>
        tpu.wait_indirect_dma semaphore(%arg21 : memref<!tpu.dma_semaphore, #tpu.memory_space<semaphore_mem>>) src(%dma_wait3A_370 : memref<10000x128xf32, #tpu.memory_space<hbm>>) dst(%dma_wait3A_365 : memref<160x128xf32, #tpu.memory_space<vmem>>)
        %dma_start3A_371 = arith.constant 0 : i32
        %dma_start3A_372 = arith.constant 0 : i32
        %dma_start3A_373 = arith.constant 0 : i32
        %dma_start3A_374 = tpu.memref_slice %arg14[%dma_start3A_371, %dma_start3A_372, %dma_start3A_373] : memref<2x160x128xf32, #tpu.memory_space<vmem>> -> memref<1x160x128xf32, #tpu.memory_space<vmem>>
        %dma_start3A_375 = tpu.memref_squeeze %dma_start3A_374 : memref<1x160x128xf32, #tpu.memory_space<vmem>> -> memref<160x128xf32, #tpu.memory_space<vmem>>
        %dma_start3A_376 = arith.constant 640 : i32
        %dma_start3A_377 = tpu.memref_slice %arg13[%dma_start3A_376] : memref<1280xi32, #tpu.memory_space<vmem>> -> memref<160xi32, #tpu.memory_space<vmem>>
        %dma_start3A_378 = arith.constant 0 : i32
        %dma_start3A_379 = arith.constant 0 : i32
        %dma_start3A_380 = tpu.memref_slice %arg19[%dma_start3A_378, %dma_start3A_379] : memref<10240x128xf32, #tpu.memory_space<vmem_shared>> -> memref<10240x128xf32, #tpu.memory_space<vmem_shared>>
        tpu.enqueue_indirect_dma source(%dma_start3A_375 : memref<160x128xf32, #tpu.memory_space<vmem>>) target(%dma_start3A_380 : memref<10240x128xf32, #tpu.memory_space<vmem_shared>>) offsets(%dma_start3A_377 : memref<160xi32, #tpu.memory_space<vmem>>) semaphore(%arg22 : memref<!tpu.dma_semaphore, #tpu.memory_space<semaphore_mem>>) {add = true}
        %dma_wait3A_381 = arith.constant 0 : i32
        %dma_wait3A_382 = arith.constant 0 : i32
        %dma_wait3A_383 = arith.constant 0 : i32
        %dma_wait3A_384 = tpu.memref_slice %arg14[%dma_wait3A_381, %dma_wait3A_382, %dma_wait3A_383] : memref<2x160x128xf32, #tpu.memory_space<vmem>> -> memref<1x160x128xf32, #tpu.memory_space<vmem>>
        %dma_wait3A_385 = tpu.memref_squeeze %dma_wait3A_384 : memref<1x160x128xf32, #tpu.memory_space<vmem>> -> memref<160x128xf32, #tpu.memory_space<vmem>>
        %dma_wait3A_386 = arith.constant 640 : i32
        %dma_wait3A_387 = tpu.memref_slice %arg13[%dma_wait3A_386] : memref<1280xi32, #tpu.memory_space<vmem>> -> memref<160xi32, #tpu.memory_space<vmem>>
        %dma_wait3A_388 = arith.constant 0 : i32
        %dma_wait3A_389 = arith.constant 0 : i32
        %dma_wait3A_390 = tpu.memref_slice %arg19[%dma_wait3A_388, %dma_wait3A_389] : memref<10240x128xf32, #tpu.memory_space<vmem_shared>> -> memref<10240x128xf32, #tpu.memory_space<vmem_shared>>
        tpu.wait_indirect_dma semaphore(%arg22 : memref<!tpu.dma_semaphore, #tpu.memory_space<semaphore_mem>>) src(%dma_wait3A_385 : memref<160x128xf32, #tpu.memory_space<vmem>>) dst(%dma_wait3A_390 : memref<10240x128xf32, #tpu.memory_space<vmem_shared>>)
        %dma_start3A_391 = arith.constant 0 : i32
        %dma_start3A_392 = arith.constant 0 : i32
        %dma_start3A_393 = arith.constant 0 : i32
        %dma_start3A_394 = tpu.memref_slice %arg14[%dma_start3A_391, %dma_start3A_392, %dma_start3A_393] : memref<2x160x128xf32, #tpu.memory_space<vmem>> -> memref<1x160x128xf32, #tpu.memory_space<vmem>>
        %dma_start3A_395 = tpu.memref_squeeze %dma_start3A_394 : memref<1x160x128xf32, #tpu.memory_space<vmem>> -> memref<160x128xf32, #tpu.memory_space<vmem>>
        %dma_start3A_396 = arith.constant 960 : i32
        %dma_start3A_397 = tpu.memref_slice %arg12[%dma_start3A_396] : memref<1280xi32, #tpu.memory_space<vmem>> -> memref<160xi32, #tpu.memory_space<vmem>>
        %dma_start3A_398 = arith.constant 0 : i32
        %dma_start3A_399 = arith.constant 0 : i32
        %dma_start3A_400 = tpu.memref_slice %arg2[%dma_start3A_398, %dma_start3A_399] : memref<10000x128xf32, #tpu.memory_space<hbm>> -> memref<10000x128xf32, #tpu.memory_space<hbm>>
        tpu.enqueue_indirect_dma source(%dma_start3A_400 : memref<10000x128xf32, #tpu.memory_space<hbm>>) target(%dma_start3A_395 : memref<160x128xf32, #tpu.memory_space<vmem>>) offsets(%dma_start3A_397 : memref<160xi32, #tpu.memory_space<vmem>>) semaphore(%arg21 : memref<!tpu.dma_semaphore, #tpu.memory_space<semaphore_mem>>)
        %dma_wait3A_401 = arith.constant 1 : i32
        %dma_wait3A_402 = arith.constant 0 : i32
        %dma_wait3A_403 = arith.constant 0 : i32
        %dma_wait3A_404 = tpu.memref_slice %arg14[%dma_wait3A_401, %dma_wait3A_402, %dma_wait3A_403] : memref<2x160x128xf32, #tpu.memory_space<vmem>> -> memref<1x160x128xf32, #tpu.memory_space<vmem>>
        %dma_wait3A_405 = tpu.memref_squeeze %dma_wait3A_404 : memref<1x160x128xf32, #tpu.memory_space<vmem>> -> memref<160x128xf32, #tpu.memory_space<vmem>>
        %dma_wait3A_406 = arith.constant 800 : i32
        %dma_wait3A_407 = tpu.memref_slice %arg12[%dma_wait3A_406] : memref<1280xi32, #tpu.memory_space<vmem>> -> memref<160xi32, #tpu.memory_space<vmem>>
        %dma_wait3A_408 = arith.constant 0 : i32
        %dma_wait3A_409 = arith.constant 0 : i32
        %dma_wait3A_410 = tpu.memref_slice %arg2[%dma_wait3A_408, %dma_wait3A_409] : memref<10000x128xf32, #tpu.memory_space<hbm>> -> memref<10000x128xf32, #tpu.memory_space<hbm>>
        tpu.wait_indirect_dma semaphore(%arg21 : memref<!tpu.dma_semaphore, #tpu.memory_space<semaphore_mem>>) src(%dma_wait3A_410 : memref<10000x128xf32, #tpu.memory_space<hbm>>) dst(%dma_wait3A_405 : memref<160x128xf32, #tpu.memory_space<vmem>>)
        %dma_start3A_411 = arith.constant 1 : i32
        %dma_start3A_412 = arith.constant 0 : i32
        %dma_start3A_413 = arith.constant 0 : i32
        %dma_start3A_414 = tpu.memref_slice %arg14[%dma_start3A_411, %dma_start3A_412, %dma_start3A_413] : memref<2x160x128xf32, #tpu.memory_space<vmem>> -> memref<1x160x128xf32, #tpu.memory_space<vmem>>
        %dma_start3A_415 = tpu.memref_squeeze %dma_start3A_414 : memref<1x160x128xf32, #tpu.memory_space<vmem>> -> memref<160x128xf32, #tpu.memory_space<vmem>>
        %dma_start3A_416 = arith.constant 800 : i32
        %dma_start3A_417 = tpu.memref_slice %arg13[%dma_start3A_416] : memref<1280xi32, #tpu.memory_space<vmem>> -> memref<160xi32, #tpu.memory_space<vmem>>
        %dma_start3A_418 = arith.constant 0 : i32
        %dma_start3A_419 = arith.constant 0 : i32
        %dma_start3A_420 = tpu.memref_slice %arg19[%dma_start3A_418, %dma_start3A_419] : memref<10240x128xf32, #tpu.memory_space<vmem_shared>> -> memref<10240x128xf32, #tpu.memory_space<vmem_shared>>
        tpu.enqueue_indirect_dma source(%dma_start3A_415 : memref<160x128xf32, #tpu.memory_space<vmem>>) target(%dma_start3A_420 : memref<10240x128xf32, #tpu.memory_space<vmem_shared>>) offsets(%dma_start3A_417 : memref<160xi32, #tpu.memory_space<vmem>>) semaphore(%arg22 : memref<!tpu.dma_semaphore, #tpu.memory_space<semaphore_mem>>) {add = true}
        %dma_wait3A_421 = arith.constant 1 : i32
        %dma_wait3A_422 = arith.constant 0 : i32
        %dma_wait3A_423 = arith.constant 0 : i32
        %dma_wait3A_424 = tpu.memref_slice %arg14[%dma_wait3A_421, %dma_wait3A_422, %dma_wait3A_423] : memref<2x160x128xf32, #tpu.memory_space<vmem>> -> memref<1x160x128xf32, #tpu.memory_space<vmem>>
        %dma_wait3A_425 = tpu.memref_squeeze %dma_wait3A_424 : memref<1x160x128xf32, #tpu.memory_space<vmem>> -> memref<160x128xf32, #tpu.memory_space<vmem>>
        %dma_wait3A_426 = arith.constant 800 : i32
        %dma_wait3A_427 = tpu.memref_slice %arg13[%dma_wait3A_426] : memref<1280xi32, #tpu.memory_space<vmem>> -> memref<160xi32, #tpu.memory_space<vmem>>
        %dma_wait3A_428 = arith.constant 0 : i32
        %dma_wait3A_429 = arith.constant 0 : i32
        %dma_wait3A_430 = tpu.memref_slice %arg19[%dma_wait3A_428, %dma_wait3A_429] : memref<10240x128xf32, #tpu.memory_space<vmem_shared>> -> memref<10240x128xf32, #tpu.memory_space<vmem_shared>>
        tpu.wait_indirect_dma semaphore(%arg22 : memref<!tpu.dma_semaphore, #tpu.memory_space<semaphore_mem>>) src(%dma_wait3A_425 : memref<160x128xf32, #tpu.memory_space<vmem>>) dst(%dma_wait3A_430 : memref<10240x128xf32, #tpu.memory_space<vmem_shared>>)
        %dma_start3A_431 = arith.constant 1 : i32
        %dma_start3A_432 = arith.constant 0 : i32
        %dma_start3A_433 = arith.constant 0 : i32
        %dma_start3A_434 = tpu.memref_slice %arg14[%dma_start3A_431, %dma_start3A_432, %dma_start3A_433] : memref<2x160x128xf32, #tpu.memory_space<vmem>> -> memref<1x160x128xf32, #tpu.memory_space<vmem>>
        %dma_start3A_435 = tpu.memref_squeeze %dma_start3A_434 : memref<1x160x128xf32, #tpu.memory_space<vmem>> -> memref<160x128xf32, #tpu.memory_space<vmem>>
        %dma_start3A_436 = arith.constant 1120 : i32
        %dma_start3A_437 = tpu.memref_slice %arg12[%dma_start3A_436] : memref<1280xi32, #tpu.memory_space<vmem>> -> memref<160xi32, #tpu.memory_space<vmem>>
        %dma_start3A_438 = arith.constant 0 : i32
        %dma_start3A_439 = arith.constant 0 : i32
        %dma_start3A_440 = tpu.memref_slice %arg2[%dma_start3A_438, %dma_start3A_439] : memref<10000x128xf32, #tpu.memory_space<hbm>> -> memref<10000x128xf32, #tpu.memory_space<hbm>>
        tpu.enqueue_indirect_dma source(%dma_start3A_440 : memref<10000x128xf32, #tpu.memory_space<hbm>>) target(%dma_start3A_435 : memref<160x128xf32, #tpu.memory_space<vmem>>) offsets(%dma_start3A_437 : memref<160xi32, #tpu.memory_space<vmem>>) semaphore(%arg21 : memref<!tpu.dma_semaphore, #tpu.memory_space<semaphore_mem>>)
        %dma_wait3A_441 = arith.constant 0 : i32
        %dma_wait3A_442 = arith.constant 0 : i32
        %dma_wait3A_443 = arith.constant 0 : i32
        %dma_wait3A_444 = tpu.memref_slice %arg14[%dma_wait3A_441, %dma_wait3A_442, %dma_wait3A_443] : memref<2x160x128xf32, #tpu.memory_space<vmem>> -> memref<1x160x128xf32, #tpu.memory_space<vmem>>
        %dma_wait3A_445 = tpu.memref_squeeze %dma_wait3A_444 : memref<1x160x128xf32, #tpu.memory_space<vmem>> -> memref<160x128xf32, #tpu.memory_space<vmem>>
        %dma_wait3A_446 = arith.constant 960 : i32
        %dma_wait3A_447 = tpu.memref_slice %arg12[%dma_wait3A_446] : memref<1280xi32, #tpu.memory_space<vmem>> -> memref<160xi32, #tpu.memory_space<vmem>>
        %dma_wait3A_448 = arith.constant 0 : i32
        %dma_wait3A_449 = arith.constant 0 : i32
        %dma_wait3A_450 = tpu.memref_slice %arg2[%dma_wait3A_448, %dma_wait3A_449] : memref<10000x128xf32, #tpu.memory_space<hbm>> -> memref<10000x128xf32, #tpu.memory_space<hbm>>
        tpu.wait_indirect_dma semaphore(%arg21 : memref<!tpu.dma_semaphore, #tpu.memory_space<semaphore_mem>>) src(%dma_wait3A_450 : memref<10000x128xf32, #tpu.memory_space<hbm>>) dst(%dma_wait3A_445 : memref<160x128xf32, #tpu.memory_space<vmem>>)
        %dma_start3A_451 = arith.constant 0 : i32
        %dma_start3A_452 = arith.constant 0 : i32
        %dma_start3A_453 = arith.constant 0 : i32
        %dma_start3A_454 = tpu.memref_slice %arg14[%dma_start3A_451, %dma_start3A_452, %dma_start3A_453] : memref<2x160x128xf32, #tpu.memory_space<vmem>> -> memref<1x160x128xf32, #tpu.memory_space<vmem>>
        %dma_start3A_455 = tpu.memref_squeeze %dma_start3A_454 : memref<1x160x128xf32, #tpu.memory_space<vmem>> -> memref<160x128xf32, #tpu.memory_space<vmem>>
        %dma_start3A_456 = arith.constant 960 : i32
        %dma_start3A_457 = tpu.memref_slice %arg13[%dma_start3A_456] : memref<1280xi32, #tpu.memory_space<vmem>> -> memref<160xi32, #tpu.memory_space<vmem>>
        %dma_start3A_458 = arith.constant 0 : i32
        %dma_start3A_459 = arith.constant 0 : i32
        %dma_start3A_460 = tpu.memref_slice %arg19[%dma_start3A_458, %dma_start3A_459] : memref<10240x128xf32, #tpu.memory_space<vmem_shared>> -> memref<10240x128xf32, #tpu.memory_space<vmem_shared>>
        tpu.enqueue_indirect_dma source(%dma_start3A_455 : memref<160x128xf32, #tpu.memory_space<vmem>>) target(%dma_start3A_460 : memref<10240x128xf32, #tpu.memory_space<vmem_shared>>) offsets(%dma_start3A_457 : memref<160xi32, #tpu.memory_space<vmem>>) semaphore(%arg22 : memref<!tpu.dma_semaphore, #tpu.memory_space<semaphore_mem>>) {add = true}
        %dma_wait3A_461 = arith.constant 1 : i32
        %dma_wait3A_462 = arith.constant 0 : i32
        %dma_wait3A_463 = arith.constant 0 : i32
        %dma_wait3A_464 = tpu.memref_slice %arg14[%dma_wait3A_461, %dma_wait3A_462, %dma_wait3A_463] : memref<2x160x128xf32, #tpu.memory_space<vmem>> -> memref<1x160x128xf32, #tpu.memory_space<vmem>>
        %dma_wait3A_465 = tpu.memref_squeeze %dma_wait3A_464 : memref<1x160x128xf32, #tpu.memory_space<vmem>> -> memref<160x128xf32, #tpu.memory_space<vmem>>
        %dma_wait3A_466 = arith.constant 1120 : i32
        %dma_wait3A_467 = tpu.memref_slice %arg12[%dma_wait3A_466] : memref<1280xi32, #tpu.memory_space<vmem>> -> memref<160xi32, #tpu.memory_space<vmem>>
        %dma_wait3A_468 = arith.constant 0 : i32
        %dma_wait3A_469 = arith.constant 0 : i32
        %dma_wait3A_470 = tpu.memref_slice %arg2[%dma_wait3A_468, %dma_wait3A_469] : memref<10000x128xf32, #tpu.memory_space<hbm>> -> memref<10000x128xf32, #tpu.memory_space<hbm>>
        tpu.wait_indirect_dma semaphore(%arg21 : memref<!tpu.dma_semaphore, #tpu.memory_space<semaphore_mem>>) src(%dma_wait3A_470 : memref<10000x128xf32, #tpu.memory_space<hbm>>) dst(%dma_wait3A_465 : memref<160x128xf32, #tpu.memory_space<vmem>>)
        %dma_start3A_471 = arith.constant 1 : i32
        %dma_start3A_472 = arith.constant 0 : i32
        %dma_start3A_473 = arith.constant 0 : i32
        %dma_start3A_474 = tpu.memref_slice %arg14[%dma_start3A_471, %dma_start3A_472, %dma_start3A_473] : memref<2x160x128xf32, #tpu.memory_space<vmem>> -> memref<1x160x128xf32, #tpu.memory_space<vmem>>
        %dma_start3A_475 = tpu.memref_squeeze %dma_start3A_474 : memref<1x160x128xf32, #tpu.memory_space<vmem>> -> memref<160x128xf32, #tpu.memory_space<vmem>>
        %dma_start3A_476 = arith.constant 1120 : i32
        %dma_start3A_477 = tpu.memref_slice %arg13[%dma_start3A_476] : memref<1280xi32, #tpu.memory_space<vmem>> -> memref<160xi32, #tpu.memory_space<vmem>>
        %dma_start3A_478 = arith.constant 0 : i32
        %dma_start3A_479 = arith.constant 0 : i32
        %dma_start3A_480 = tpu.memref_slice %arg19[%dma_start3A_478, %dma_start3A_479] : memref<10240x128xf32, #tpu.memory_space<vmem_shared>> -> memref<10240x128xf32, #tpu.memory_space<vmem_shared>>
        tpu.enqueue_indirect_dma source(%dma_start3A_475 : memref<160x128xf32, #tpu.memory_space<vmem>>) target(%dma_start3A_480 : memref<10240x128xf32, #tpu.memory_space<vmem_shared>>) offsets(%dma_start3A_477 : memref<160xi32, #tpu.memory_space<vmem>>) semaphore(%arg22 : memref<!tpu.dma_semaphore, #tpu.memory_space<semaphore_mem>>) {add = true}
        %dma_wait3A_481 = arith.constant 0 : i32
        %dma_wait3A_482 = arith.constant 0 : i32
        %dma_wait3A_483 = arith.constant 0 : i32
        %dma_wait3A_484 = tpu.memref_slice %arg14[%dma_wait3A_481, %dma_wait3A_482, %dma_wait3A_483] : memref<2x160x128xf32, #tpu.memory_space<vmem>> -> memref<1x160x128xf32, #tpu.memory_space<vmem>>
        %dma_wait3A_485 = tpu.memref_squeeze %dma_wait3A_484 : memref<1x160x128xf32, #tpu.memory_space<vmem>> -> memref<160x128xf32, #tpu.memory_space<vmem>>
        %dma_wait3A_486 = arith.constant 960 : i32
        %dma_wait3A_487 = tpu.memref_slice %arg13[%dma_wait3A_486] : memref<1280xi32, #tpu.memory_space<vmem>> -> memref<160xi32, #tpu.memory_space<vmem>>
        %dma_wait3A_488 = arith.constant 0 : i32
        %dma_wait3A_489 = arith.constant 0 : i32
        %dma_wait3A_490 = tpu.memref_slice %arg19[%dma_wait3A_488, %dma_wait3A_489] : memref<10240x128xf32, #tpu.memory_space<vmem_shared>> -> memref<10240x128xf32, #tpu.memory_space<vmem_shared>>
        tpu.wait_indirect_dma semaphore(%arg22 : memref<!tpu.dma_semaphore, #tpu.memory_space<semaphore_mem>>) src(%dma_wait3A_485 : memref<160x128xf32, #tpu.memory_space<vmem>>) dst(%dma_wait3A_490 : memref<10240x128xf32, #tpu.memory_space<vmem_shared>>)
        %dma_wait3A_491 = arith.constant 1 : i32
        %dma_wait3A_492 = arith.constant 0 : i32
        %dma_wait3A_493 = arith.constant 0 : i32
        %dma_wait3A_494 = tpu.memref_slice %arg14[%dma_wait3A_491, %dma_wait3A_492, %dma_wait3A_493] : memref<2x160x128xf32, #tpu.memory_space<vmem>> -> memref<1x160x128xf32, #tpu.memory_space<vmem>>
        %dma_wait3A_495 = tpu.memref_squeeze %dma_wait3A_494 : memref<1x160x128xf32, #tpu.memory_space<vmem>> -> memref<160x128xf32, #tpu.memory_space<vmem>>
        %dma_wait3A_496 = arith.constant 1120 : i32
        %dma_wait3A_497 = tpu.memref_slice %arg13[%dma_wait3A_496] : memref<1280xi32, #tpu.memory_space<vmem>> -> memref<160xi32, #tpu.memory_space<vmem>>
        %dma_wait3A_498 = arith.constant 0 : i32
        %dma_wait3A_499 = arith.constant 0 : i32
        %dma_wait3A_500 = tpu.memref_slice %arg19[%dma_wait3A_498, %dma_wait3A_499] : memref<10240x128xf32, #tpu.memory_space<vmem_shared>> -> memref<10240x128xf32, #tpu.memory_space<vmem_shared>>
        tpu.wait_indirect_dma semaphore(%arg22 : memref<!tpu.dma_semaphore, #tpu.memory_space<semaphore_mem>>) src(%dma_wait3A_495 : memref<160x128xf32, #tpu.memory_space<vmem>>) dst(%dma_wait3A_500 : memref<10240x128xf32, #tpu.memory_space<vmem_shared>>)
        %dma_wait3A_501 = arith.constant 0 : i32
        %dma_wait3A_502 = tpu.memref_slice %arg20[%dma_wait3A_501] : memref<10240xf32, #tpu.memory_space<vmem_shared>> -> memref<10240xf32, #tpu.memory_space<vmem_shared>>
        tpu.wait_indirect_dma semaphore(%arg23 : memref<!tpu.dma_semaphore, #tpu.memory_space<semaphore_mem>>) src(%arg15 : memref<1280xf32, #tpu.memory_space<vmem>>) dst(%dma_wait3A_502 : memref<10240xf32, #tpu.memory_space<vmem_shared>>)
      }
      %scan3A_43 = arith.constant 16 : i32
      %barrier3A_44 = arith.constant 0 : index
      tpu.barrier barrier_id(%barrier3A_44)
      %add3A_45 = arith.constant 0 : i32
      %add3A_46 = arith.addi %mul3A_25, %add3A_45 : i32
      %run_scoped3A_47 = arith.constant 0 : i32
      "tpu.region"() ({
        %run_scoped3A_173 = tpu.sem_alloc : memref<!tpu.dma_semaphore, #tpu.memory_space<semaphore_mem>>
        %dma_start3A_174 = arith.constant 0 : i32
        %dma_start3A_175 = arith.constant 0 : i32
        %dma_start3A_176 = tpu.memref_slice %arg14[%run_scoped3A_47, %dma_start3A_174, %dma_start3A_175] : memref<2x160x128xf32, #tpu.memory_space<vmem>> -> memref<1x160x128xf32, #tpu.memory_space<vmem>>
        %dma_start3A_177 = tpu.memref_squeeze %dma_start3A_176 : memref<1x160x128xf32, #tpu.memory_space<vmem>> -> memref<160x128xf32, #tpu.memory_space<vmem>>
        %dma_start3A_178 = arith.constant 0 : i32
        %dma_start3A_179 = tpu.memref_slice %arg19[%add3A_46, %dma_start3A_178] : memref<10240x128xf32, #tpu.memory_space<vmem_shared>> -> memref<160x128xf32, #tpu.memory_space<vmem_shared>>
        %dma_start3A_180 = arith.constant 0 : i32
        %dma_start3A_181 = arith.constant 0 : i32
        %dma_start3A_182 = tpu.memref_slice %arg14[%run_scoped3A_47, %dma_start3A_180, %dma_start3A_181] : memref<2x160x128xf32, #tpu.memory_space<vmem>> -> memref<1x160x128xf32, #tpu.memory_space<vmem>>
        %dma_start3A_183 = tpu.memref_squeeze %dma_start3A_182 : memref<1x160x128xf32, #tpu.memory_space<vmem>> -> memref<160x128xf32, #tpu.memory_space<vmem>>
        %dma_start3A_184 = arith.constant 0 : i32
        %dma_start3A_185 = tpu.memref_slice %arg19[%add3A_46, %dma_start3A_184] : memref<10240x128xf32, #tpu.memory_space<vmem_shared>> -> memref<160x128xf32, #tpu.memory_space<vmem_shared>>
        tpu.enqueue_dma source(%dma_start3A_185 : memref<160x128xf32, #tpu.memory_space<vmem_shared>>) target(%dma_start3A_183 : memref<160x128xf32, #tpu.memory_space<vmem>>) target_semaphore(%run_scoped3A_173 : memref<!tpu.dma_semaphore, #tpu.memory_space<semaphore_mem>>)
        %dma_wait3A_186 = arith.constant 0 : i32
        %dma_wait3A_187 = arith.constant 0 : i32
        %dma_wait3A_188 = tpu.memref_slice %arg14[%run_scoped3A_47, %dma_wait3A_186, %dma_wait3A_187] : memref<2x160x128xf32, #tpu.memory_space<vmem>> -> memref<1x160x128xf32, #tpu.memory_space<vmem>>
        %dma_wait3A_189 = tpu.memref_squeeze %dma_wait3A_188 : memref<1x160x128xf32, #tpu.memory_space<vmem>> -> memref<160x128xf32, #tpu.memory_space<vmem>>
        %dma_wait3A_190 = arith.constant 0 : i32
        %dma_wait3A_191 = tpu.memref_slice %arg19[%add3A_46, %dma_wait3A_190] : memref<10240x128xf32, #tpu.memory_space<vmem_shared>> -> memref<160x128xf32, #tpu.memory_space<vmem_shared>>
        %dma_wait3A_192 = arith.constant 0 : i32
        %dma_wait3A_193 = arith.constant 0 : i32
        %dma_wait3A_194 = tpu.memref_slice %arg14[%run_scoped3A_47, %dma_wait3A_192, %dma_wait3A_193] : memref<2x160x128xf32, #tpu.memory_space<vmem>> -> memref<1x160x128xf32, #tpu.memory_space<vmem>>
        %dma_wait3A_195 = tpu.memref_squeeze %dma_wait3A_194 : memref<1x160x128xf32, #tpu.memory_space<vmem>> -> memref<160x128xf32, #tpu.memory_space<vmem>>
        %dma_wait3A_196 = arith.constant 0 : i32
        %dma_wait3A_197 = tpu.memref_slice %arg19[%add3A_46, %dma_wait3A_196] : memref<10240x128xf32, #tpu.memory_space<vmem_shared>> -> memref<160x128xf32, #tpu.memory_space<vmem_shared>>
        tpu.wait_dma2 semaphore(%run_scoped3A_173 : memref<!tpu.dma_semaphore, #tpu.memory_space<semaphore_mem>>) src(%dma_wait3A_197 : memref<160x128xf32, #tpu.memory_space<vmem_shared>>) dst(%dma_wait3A_195 : memref<160x128xf32, #tpu.memory_space<vmem>>)
        tpu.yield
      }) : () -> ()
      %add3A_48 = arith.constant 0 : i32
      %add3A_49 = arith.addi %mul3A_25, %add3A_48 : i32
      %dma_start3A = arith.constant 0 : i32
      %dma_start3A_50 = arith.constant 0 : i32
      %dma_start3A_51 = arith.constant 0 : i32
      %dma_start3A_52 = tpu.memref_slice %arg14[%dma_start3A, %dma_start3A_50, %dma_start3A_51] : memref<2x160x128xf32, #tpu.memory_space<vmem>> -> memref<1x160x128xf32, #tpu.memory_space<vmem>>
      %dma_start3A_53 = tpu.memref_squeeze %dma_start3A_52 : memref<1x160x128xf32, #tpu.memory_space<vmem>> -> memref<160x128xf32, #tpu.memory_space<vmem>>
      %dma_start3A_54 = arith.constant 0 : i32
      %dma_start3A_55 = tpu.memref_slice %arg8[%add3A_49, %dma_start3A_54] : memref<10240x128xf32, #tpu.memory_space<hbm>> -> memref<160x128xf32, #tpu.memory_space<hbm>>
      %dma_start3A_56 = arith.constant 0 : i32
      %dma_start3A_57 = tpu.memref_slice %arg8[%add3A_49, %dma_start3A_56] : memref<10240x128xf32, #tpu.memory_space<hbm>> -> memref<160x128xf32, #tpu.memory_space<hbm>>
      %dma_start3A_58 = arith.constant 0 : i32
      %dma_start3A_59 = arith.constant 0 : i32
      %dma_start3A_60 = tpu.memref_slice %arg14[%dma_start3A, %dma_start3A_58, %dma_start3A_59] : memref<2x160x128xf32, #tpu.memory_space<vmem>> -> memref<1x160x128xf32, #tpu.memory_space<vmem>>
      %dma_start3A_61 = tpu.memref_squeeze %dma_start3A_60 : memref<1x160x128xf32, #tpu.memory_space<vmem>> -> memref<160x128xf32, #tpu.memory_space<vmem>>
      tpu.enqueue_dma source(%dma_start3A_61 : memref<160x128xf32, #tpu.memory_space<vmem>>) target(%dma_start3A_57 : memref<160x128xf32, #tpu.memory_space<hbm>>) target_semaphore(%arg24 : memref<!tpu.dma_semaphore, #tpu.memory_space<semaphore_mem>>)
      %add3A_62 = arith.constant 160 : i32
      %add3A_63 = arith.addi %mul3A_25, %add3A_62 : i32
      %run_scoped3A_64 = arith.constant 1 : i32
      "tpu.region"() ({
        %run_scoped3A_173 = tpu.sem_alloc : memref<!tpu.dma_semaphore, #tpu.memory_space<semaphore_mem>>
        %dma_start3A_174 = arith.constant 0 : i32
        %dma_start3A_175 = arith.constant 0 : i32
        %dma_start3A_176 = tpu.memref_slice %arg14[%run_scoped3A_64, %dma_start3A_174, %dma_start3A_175] : memref<2x160x128xf32, #tpu.memory_space<vmem>> -> memref<1x160x128xf32, #tpu.memory_space<vmem>>
        %dma_start3A_177 = tpu.memref_squeeze %dma_start3A_176 : memref<1x160x128xf32, #tpu.memory_space<vmem>> -> memref<160x128xf32, #tpu.memory_space<vmem>>
        %dma_start3A_178 = arith.constant 0 : i32
        %dma_start3A_179 = tpu.memref_slice %arg19[%add3A_63, %dma_start3A_178] : memref<10240x128xf32, #tpu.memory_space<vmem_shared>> -> memref<160x128xf32, #tpu.memory_space<vmem_shared>>
        %dma_start3A_180 = arith.constant 0 : i32
        %dma_start3A_181 = arith.constant 0 : i32
        %dma_start3A_182 = tpu.memref_slice %arg14[%run_scoped3A_64, %dma_start3A_180, %dma_start3A_181] : memref<2x160x128xf32, #tpu.memory_space<vmem>> -> memref<1x160x128xf32, #tpu.memory_space<vmem>>
        %dma_start3A_183 = tpu.memref_squeeze %dma_start3A_182 : memref<1x160x128xf32, #tpu.memory_space<vmem>> -> memref<160x128xf32, #tpu.memory_space<vmem>>
        %dma_start3A_184 = arith.constant 0 : i32
        %dma_start3A_185 = tpu.memref_slice %arg19[%add3A_63, %dma_start3A_184] : memref<10240x128xf32, #tpu.memory_space<vmem_shared>> -> memref<160x128xf32, #tpu.memory_space<vmem_shared>>
        tpu.enqueue_dma source(%dma_start3A_185 : memref<160x128xf32, #tpu.memory_space<vmem_shared>>) target(%dma_start3A_183 : memref<160x128xf32, #tpu.memory_space<vmem>>) target_semaphore(%run_scoped3A_173 : memref<!tpu.dma_semaphore, #tpu.memory_space<semaphore_mem>>)
        %dma_wait3A_186 = arith.constant 0 : i32
        %dma_wait3A_187 = arith.constant 0 : i32
        %dma_wait3A_188 = tpu.memref_slice %arg14[%run_scoped3A_64, %dma_wait3A_186, %dma_wait3A_187] : memref<2x160x128xf32, #tpu.memory_space<vmem>> -> memref<1x160x128xf32, #tpu.memory_space<vmem>>
        %dma_wait3A_189 = tpu.memref_squeeze %dma_wait3A_188 : memref<1x160x128xf32, #tpu.memory_space<vmem>> -> memref<160x128xf32, #tpu.memory_space<vmem>>
        %dma_wait3A_190 = arith.constant 0 : i32
        %dma_wait3A_191 = tpu.memref_slice %arg19[%add3A_63, %dma_wait3A_190] : memref<10240x128xf32, #tpu.memory_space<vmem_shared>> -> memref<160x128xf32, #tpu.memory_space<vmem_shared>>
        %dma_wait3A_192 = arith.constant 0 : i32
        %dma_wait3A_193 = arith.constant 0 : i32
        %dma_wait3A_194 = tpu.memref_slice %arg14[%run_scoped3A_64, %dma_wait3A_192, %dma_wait3A_193] : memref<2x160x128xf32, #tpu.memory_space<vmem>> -> memref<1x160x128xf32, #tpu.memory_space<vmem>>
        %dma_wait3A_195 = tpu.memref_squeeze %dma_wait3A_194 : memref<1x160x128xf32, #tpu.memory_space<vmem>> -> memref<160x128xf32, #tpu.memory_space<vmem>>
        %dma_wait3A_196 = arith.constant 0 : i32
        %dma_wait3A_197 = tpu.memref_slice %arg19[%add3A_63, %dma_wait3A_196] : memref<10240x128xf32, #tpu.memory_space<vmem_shared>> -> memref<160x128xf32, #tpu.memory_space<vmem_shared>>
        tpu.wait_dma2 semaphore(%run_scoped3A_173 : memref<!tpu.dma_semaphore, #tpu.memory_space<semaphore_mem>>) src(%dma_wait3A_197 : memref<160x128xf32, #tpu.memory_space<vmem_shared>>) dst(%dma_wait3A_195 : memref<160x128xf32, #tpu.memory_space<vmem>>)
        tpu.yield
      }) : () -> ()
      %add3A_65 = arith.constant 160 : i32
      %add3A_66 = arith.addi %mul3A_25, %add3A_65 : i32
      %dma_start3A_67 = arith.constant 1 : i32
      %dma_start3A_68 = arith.constant 0 : i32
      %dma_start3A_69 = arith.constant 0 : i32
      %dma_start3A_70 = tpu.memref_slice %arg14[%dma_start3A_67, %dma_start3A_68, %dma_start3A_69] : memref<2x160x128xf32, #tpu.memory_space<vmem>> -> memref<1x160x128xf32, #tpu.memory_space<vmem>>
      %dma_start3A_71 = tpu.memref_squeeze %dma_start3A_70 : memref<1x160x128xf32, #tpu.memory_space<vmem>> -> memref<160x128xf32, #tpu.memory_space<vmem>>
      %dma_start3A_72 = arith.constant 0 : i32
      %dma_start3A_73 = tpu.memref_slice %arg8[%add3A_66, %dma_start3A_72] : memref<10240x128xf32, #tpu.memory_space<hbm>> -> memref<160x128xf32, #tpu.memory_space<hbm>>
      %dma_start3A_74 = arith.constant 0 : i32
      %dma_start3A_75 = tpu.memref_slice %arg8[%add3A_66, %dma_start3A_74] : memref<10240x128xf32, #tpu.memory_space<hbm>> -> memref<160x128xf32, #tpu.memory_space<hbm>>
      %dma_start3A_76 = arith.constant 0 : i32
      %dma_start3A_77 = arith.constant 0 : i32
      %dma_start3A_78 = tpu.memref_slice %arg14[%dma_start3A_67, %dma_start3A_76, %dma_start3A_77] : memref<2x160x128xf32, #tpu.memory_space<vmem>> -> memref<1x160x128xf32, #tpu.memory_space<vmem>>
      %dma_start3A_79 = tpu.memref_squeeze %dma_start3A_78 : memref<1x160x128xf32, #tpu.memory_space<vmem>> -> memref<160x128xf32, #tpu.memory_space<vmem>>
      tpu.enqueue_dma source(%dma_start3A_79 : memref<160x128xf32, #tpu.memory_space<vmem>>) target(%dma_start3A_75 : memref<160x128xf32, #tpu.memory_space<hbm>>) target_semaphore(%arg24 : memref<!tpu.dma_semaphore, #tpu.memory_space<semaphore_mem>>)
      %dma_wait3A = arith.constant 0 : i32
      %dma_wait3A_80 = arith.constant 0 : i32
      %dma_wait3A_81 = arith.constant 0 : i32
      %dma_wait3A_82 = tpu.memref_slice %arg14[%dma_wait3A, %dma_wait3A_80, %dma_wait3A_81] : memref<2x160x128xf32, #tpu.memory_space<vmem>> -> memref<1x160x128xf32, #tpu.memory_space<vmem>>
      %dma_wait3A_83 = tpu.memref_squeeze %dma_wait3A_82 : memref<1x160x128xf32, #tpu.memory_space<vmem>> -> memref<160x128xf32, #tpu.memory_space<vmem>>
      %dma_wait3A_84 = arith.constant 0 : i32
      %dma_wait3A_85 = tpu.memref_slice %arg8[%add3A_49, %dma_wait3A_84] : memref<10240x128xf32, #tpu.memory_space<hbm>> -> memref<160x128xf32, #tpu.memory_space<hbm>>
      %dma_wait3A_86 = arith.constant 0 : i32
      %dma_wait3A_87 = tpu.memref_slice %arg8[%add3A_49, %dma_wait3A_86] : memref<10240x128xf32, #tpu.memory_space<hbm>> -> memref<160x128xf32, #tpu.memory_space<hbm>>
      %dma_wait3A_88 = arith.constant 0 : i32
      %dma_wait3A_89 = arith.constant 0 : i32
      %dma_wait3A_90 = tpu.memref_slice %arg14[%dma_wait3A, %dma_wait3A_88, %dma_wait3A_89] : memref<2x160x128xf32, #tpu.memory_space<vmem>> -> memref<1x160x128xf32, #tpu.memory_space<vmem>>
      %dma_wait3A_91 = tpu.memref_squeeze %dma_wait3A_90 : memref<1x160x128xf32, #tpu.memory_space<vmem>> -> memref<160x128xf32, #tpu.memory_space<vmem>>
      tpu.wait_dma2 semaphore(%arg24 : memref<!tpu.dma_semaphore, #tpu.memory_space<semaphore_mem>>) src(%dma_wait3A_91 : memref<160x128xf32, #tpu.memory_space<vmem>>) dst(%dma_wait3A_87 : memref<160x128xf32, #tpu.memory_space<hbm>>)
      %add3A_92 = arith.constant 320 : i32
      %add3A_93 = arith.addi %mul3A_25, %add3A_92 : i32
      %run_scoped3A_94 = arith.constant 0 : i32
      "tpu.region"() ({
        %run_scoped3A_173 = tpu.sem_alloc : memref<!tpu.dma_semaphore, #tpu.memory_space<semaphore_mem>>
        %dma_start3A_174 = arith.constant 0 : i32
        %dma_start3A_175 = arith.constant 0 : i32
        %dma_start3A_176 = tpu.memref_slice %arg14[%run_scoped3A_94, %dma_start3A_174, %dma_start3A_175] : memref<2x160x128xf32, #tpu.memory_space<vmem>> -> memref<1x160x128xf32, #tpu.memory_space<vmem>>
        %dma_start3A_177 = tpu.memref_squeeze %dma_start3A_176 : memref<1x160x128xf32, #tpu.memory_space<vmem>> -> memref<160x128xf32, #tpu.memory_space<vmem>>
        %dma_start3A_178 = arith.constant 0 : i32
        %dma_start3A_179 = tpu.memref_slice %arg19[%add3A_93, %dma_start3A_178] : memref<10240x128xf32, #tpu.memory_space<vmem_shared>> -> memref<160x128xf32, #tpu.memory_space<vmem_shared>>
        %dma_start3A_180 = arith.constant 0 : i32
        %dma_start3A_181 = arith.constant 0 : i32
        %dma_start3A_182 = tpu.memref_slice %arg14[%run_scoped3A_94, %dma_start3A_180, %dma_start3A_181] : memref<2x160x128xf32, #tpu.memory_space<vmem>> -> memref<1x160x128xf32, #tpu.memory_space<vmem>>
        %dma_start3A_183 = tpu.memref_squeeze %dma_start3A_182 : memref<1x160x128xf32, #tpu.memory_space<vmem>> -> memref<160x128xf32, #tpu.memory_space<vmem>>
        %dma_start3A_184 = arith.constant 0 : i32
        %dma_start3A_185 = tpu.memref_slice %arg19[%add3A_93, %dma_start3A_184] : memref<10240x128xf32, #tpu.memory_space<vmem_shared>> -> memref<160x128xf32, #tpu.memory_space<vmem_shared>>
        tpu.enqueue_dma source(%dma_start3A_185 : memref<160x128xf32, #tpu.memory_space<vmem_shared>>) target(%dma_start3A_183 : memref<160x128xf32, #tpu.memory_space<vmem>>) target_semaphore(%run_scoped3A_173 : memref<!tpu.dma_semaphore, #tpu.memory_space<semaphore_mem>>)
        %dma_wait3A_186 = arith.constant 0 : i32
        %dma_wait3A_187 = arith.constant 0 : i32
        %dma_wait3A_188 = tpu.memref_slice %arg14[%run_scoped3A_94, %dma_wait3A_186, %dma_wait3A_187] : memref<2x160x128xf32, #tpu.memory_space<vmem>> -> memref<1x160x128xf32, #tpu.memory_space<vmem>>
        %dma_wait3A_189 = tpu.memref_squeeze %dma_wait3A_188 : memref<1x160x128xf32, #tpu.memory_space<vmem>> -> memref<160x128xf32, #tpu.memory_space<vmem>>
        %dma_wait3A_190 = arith.constant 0 : i32
        %dma_wait3A_191 = tpu.memref_slice %arg19[%add3A_93, %dma_wait3A_190] : memref<10240x128xf32, #tpu.memory_space<vmem_shared>> -> memref<160x128xf32, #tpu.memory_space<vmem_shared>>
        %dma_wait3A_192 = arith.constant 0 : i32
        %dma_wait3A_193 = arith.constant 0 : i32
        %dma_wait3A_194 = tpu.memref_slice %arg14[%run_scoped3A_94, %dma_wait3A_192, %dma_wait3A_193] : memref<2x160x128xf32, #tpu.memory_space<vmem>> -> memref<1x160x128xf32, #tpu.memory_space<vmem>>
        %dma_wait3A_195 = tpu.memref_squeeze %dma_wait3A_194 : memref<1x160x128xf32, #tpu.memory_space<vmem>> -> memref<160x128xf32, #tpu.memory_space<vmem>>
        %dma_wait3A_196 = arith.constant 0 : i32
        %dma_wait3A_197 = tpu.memref_slice %arg19[%add3A_93, %dma_wait3A_196] : memref<10240x128xf32, #tpu.memory_space<vmem_shared>> -> memref<160x128xf32, #tpu.memory_space<vmem_shared>>
        tpu.wait_dma2 semaphore(%run_scoped3A_173 : memref<!tpu.dma_semaphore, #tpu.memory_space<semaphore_mem>>) src(%dma_wait3A_197 : memref<160x128xf32, #tpu.memory_space<vmem_shared>>) dst(%dma_wait3A_195 : memref<160x128xf32, #tpu.memory_space<vmem>>)
        tpu.yield
      }) : () -> ()
      %add3A_95 = arith.constant 320 : i32
      %add3A_96 = arith.addi %mul3A_25, %add3A_95 : i32
      %dma_start3A_97 = arith.constant 0 : i32
      %dma_start3A_98 = arith.constant 0 : i32
      %dma_start3A_99 = arith.constant 0 : i32
      %dma_start3A_100 = tpu.memref_slice %arg14[%dma_start3A_97, %dma_start3A_98, %dma_start3A_99] : memref<2x160x128xf32, #tpu.memory_space<vmem>> -> memref<1x160x128xf32, #tpu.memory_space<vmem>>
      %dma_start3A_101 = tpu.memref_squeeze %dma_start3A_100 : memref<1x160x128xf32, #tpu.memory_space<vmem>> -> memref<160x128xf32, #tpu.memory_space<vmem>>
      %dma_start3A_102 = arith.constant 0 : i32
      %dma_start3A_103 = tpu.memref_slice %arg8[%add3A_96, %dma_start3A_102] : memref<10240x128xf32, #tpu.memory_space<hbm>> -> memref<160x128xf32, #tpu.memory_space<hbm>>
      %dma_start3A_104 = arith.constant 0 : i32
      %dma_start3A_105 = tpu.memref_slice %arg8[%add3A_96, %dma_start3A_104] : memref<10240x128xf32, #tpu.memory_space<hbm>> -> memref<160x128xf32, #tpu.memory_space<hbm>>
      %dma_start3A_106 = arith.constant 0 : i32
      %dma_start3A_107 = arith.constant 0 : i32
      %dma_start3A_108 = tpu.memref_slice %arg14[%dma_start3A_97, %dma_start3A_106, %dma_start3A_107] : memref<2x160x128xf32, #tpu.memory_space<vmem>> -> memref<1x160x128xf32, #tpu.memory_space<vmem>>
      %dma_start3A_109 = tpu.memref_squeeze %dma_start3A_108 : memref<1x160x128xf32, #tpu.memory_space<vmem>> -> memref<160x128xf32, #tpu.memory_space<vmem>>
      tpu.enqueue_dma source(%dma_start3A_109 : memref<160x128xf32, #tpu.memory_space<vmem>>) target(%dma_start3A_105 : memref<160x128xf32, #tpu.memory_space<hbm>>) target_semaphore(%arg24 : memref<!tpu.dma_semaphore, #tpu.memory_space<semaphore_mem>>)
      %dma_wait3A_110 = arith.constant 1 : i32
      %dma_wait3A_111 = arith.constant 0 : i32
      %dma_wait3A_112 = arith.constant 0 : i32
      %dma_wait3A_113 = tpu.memref_slice %arg14[%dma_wait3A_110, %dma_wait3A_111, %dma_wait3A_112] : memref<2x160x128xf32, #tpu.memory_space<vmem>> -> memref<1x160x128xf32, #tpu.memory_space<vmem>>
      %dma_wait3A_114 = tpu.memref_squeeze %dma_wait3A_113 : memref<1x160x128xf32, #tpu.memory_space<vmem>> -> memref<160x128xf32, #tpu.memory_space<vmem>>
      %dma_wait3A_115 = arith.constant 0 : i32
      %dma_wait3A_116 = tpu.memref_slice %arg8[%add3A_66, %dma_wait3A_115] : memref<10240x128xf32, #tpu.memory_space<hbm>> -> memref<160x128xf32, #tpu.memory_space<hbm>>
      %dma_wait3A_117 = arith.constant 0 : i32
      %dma_wait3A_118 = tpu.memref_slice %arg8[%add3A_66, %dma_wait3A_117] : memref<10240x128xf32, #tpu.memory_space<hbm>> -> memref<160x128xf32, #tpu.memory_space<hbm>>
      %dma_wait3A_119 = arith.constant 0 : i32
      %dma_wait3A_120 = arith.constant 0 : i32
      %dma_wait3A_121 = tpu.memref_slice %arg14[%dma_wait3A_110, %dma_wait3A_119, %dma_wait3A_120] : memref<2x160x128xf32, #tpu.memory_space<vmem>> -> memref<1x160x128xf32, #tpu.memory_space<vmem>>
      %dma_wait3A_122 = tpu.memref_squeeze %dma_wait3A_121 : memref<1x160x128xf32, #tpu.memory_space<vmem>> -> memref<160x128xf32, #tpu.memory_space<vmem>>
      tpu.wait_dma2 semaphore(%arg24 : memref<!tpu.dma_semaphore, #tpu.memory_space<semaphore_mem>>) src(%dma_wait3A_122 : memref<160x128xf32, #tpu.memory_space<vmem>>) dst(%dma_wait3A_118 : memref<160x128xf32, #tpu.memory_space<hbm>>)
      %add3A_123 = arith.constant 480 : i32
      %add3A_124 = arith.addi %mul3A_25, %add3A_123 : i32
      %run_scoped3A_125 = arith.constant 1 : i32
      "tpu.region"() ({
        %run_scoped3A_173 = tpu.sem_alloc : memref<!tpu.dma_semaphore, #tpu.memory_space<semaphore_mem>>
        %dma_start3A_174 = arith.constant 0 : i32
        %dma_start3A_175 = arith.constant 0 : i32
        %dma_start3A_176 = tpu.memref_slice %arg14[%run_scoped3A_125, %dma_start3A_174, %dma_start3A_175] : memref<2x160x128xf32, #tpu.memory_space<vmem>> -> memref<1x160x128xf32, #tpu.memory_space<vmem>>
        %dma_start3A_177 = tpu.memref_squeeze %dma_start3A_176 : memref<1x160x128xf32, #tpu.memory_space<vmem>> -> memref<160x128xf32, #tpu.memory_space<vmem>>
        %dma_start3A_178 = arith.constant 0 : i32
        %dma_start3A_179 = tpu.memref_slice %arg19[%add3A_124, %dma_start3A_178] : memref<10240x128xf32, #tpu.memory_space<vmem_shared>> -> memref<160x128xf32, #tpu.memory_space<vmem_shared>>
        %dma_start3A_180 = arith.constant 0 : i32
        %dma_start3A_181 = arith.constant 0 : i32
        %dma_start3A_182 = tpu.memref_slice %arg14[%run_scoped3A_125, %dma_start3A_180, %dma_start3A_181] : memref<2x160x128xf32, #tpu.memory_space<vmem>> -> memref<1x160x128xf32, #tpu.memory_space<vmem>>
        %dma_start3A_183 = tpu.memref_squeeze %dma_start3A_182 : memref<1x160x128xf32, #tpu.memory_space<vmem>> -> memref<160x128xf32, #tpu.memory_space<vmem>>
        %dma_start3A_184 = arith.constant 0 : i32
        %dma_start3A_185 = tpu.memref_slice %arg19[%add3A_124, %dma_start3A_184] : memref<10240x128xf32, #tpu.memory_space<vmem_shared>> -> memref<160x128xf32, #tpu.memory_space<vmem_shared>>
        tpu.enqueue_dma source(%dma_start3A_185 : memref<160x128xf32, #tpu.memory_space<vmem_shared>>) target(%dma_start3A_183 : memref<160x128xf32, #tpu.memory_space<vmem>>) target_semaphore(%run_scoped3A_173 : memref<!tpu.dma_semaphore, #tpu.memory_space<semaphore_mem>>)
        %dma_wait3A_186 = arith.constant 0 : i32
        %dma_wait3A_187 = arith.constant 0 : i32
        %dma_wait3A_188 = tpu.memref_slice %arg14[%run_scoped3A_125, %dma_wait3A_186, %dma_wait3A_187] : memref<2x160x128xf32, #tpu.memory_space<vmem>> -> memref<1x160x128xf32, #tpu.memory_space<vmem>>
        %dma_wait3A_189 = tpu.memref_squeeze %dma_wait3A_188 : memref<1x160x128xf32, #tpu.memory_space<vmem>> -> memref<160x128xf32, #tpu.memory_space<vmem>>
        %dma_wait3A_190 = arith.constant 0 : i32
        %dma_wait3A_191 = tpu.memref_slice %arg19[%add3A_124, %dma_wait3A_190] : memref<10240x128xf32, #tpu.memory_space<vmem_shared>> -> memref<160x128xf32, #tpu.memory_space<vmem_shared>>
        %dma_wait3A_192 = arith.constant 0 : i32
        %dma_wait3A_193 = arith.constant 0 : i32
        %dma_wait3A_194 = tpu.memref_slice %arg14[%run_scoped3A_125, %dma_wait3A_192, %dma_wait3A_193] : memref<2x160x128xf32, #tpu.memory_space<vmem>> -> memref<1x160x128xf32, #tpu.memory_space<vmem>>
        %dma_wait3A_195 = tpu.memref_squeeze %dma_wait3A_194 : memref<1x160x128xf32, #tpu.memory_space<vmem>> -> memref<160x128xf32, #tpu.memory_space<vmem>>
        %dma_wait3A_196 = arith.constant 0 : i32
        %dma_wait3A_197 = tpu.memref_slice %arg19[%add3A_124, %dma_wait3A_196] : memref<10240x128xf32, #tpu.memory_space<vmem_shared>> -> memref<160x128xf32, #tpu.memory_space<vmem_shared>>
        tpu.wait_dma2 semaphore(%run_scoped3A_173 : memref<!tpu.dma_semaphore, #tpu.memory_space<semaphore_mem>>) src(%dma_wait3A_197 : memref<160x128xf32, #tpu.memory_space<vmem_shared>>) dst(%dma_wait3A_195 : memref<160x128xf32, #tpu.memory_space<vmem>>)
        tpu.yield
      }) : () -> ()
      %add3A_126 = arith.constant 480 : i32
      %add3A_127 = arith.addi %mul3A_25, %add3A_126 : i32
      %dma_start3A_128 = arith.constant 1 : i32
      %dma_start3A_129 = arith.constant 0 : i32
      %dma_start3A_130 = arith.constant 0 : i32
      %dma_start3A_131 = tpu.memref_slice %arg14[%dma_start3A_128, %dma_start3A_129, %dma_start3A_130] : memref<2x160x128xf32, #tpu.memory_space<vmem>> -> memref<1x160x128xf32, #tpu.memory_space<vmem>>
      %dma_start3A_132 = tpu.memref_squeeze %dma_start3A_131 : memref<1x160x128xf32, #tpu.memory_space<vmem>> -> memref<160x128xf32, #tpu.memory_space<vmem>>
      %dma_start3A_133 = arith.constant 0 : i32
      %dma_start3A_134 = tpu.memref_slice %arg8[%add3A_127, %dma_start3A_133] : memref<10240x128xf32, #tpu.memory_space<hbm>> -> memref<160x128xf32, #tpu.memory_space<hbm>>
      %dma_start3A_135 = arith.constant 0 : i32
      %dma_start3A_136 = tpu.memref_slice %arg8[%add3A_127, %dma_start3A_135] : memref<10240x128xf32, #tpu.memory_space<hbm>> -> memref<160x128xf32, #tpu.memory_space<hbm>>
      %dma_start3A_137 = arith.constant 0 : i32
      %dma_start3A_138 = arith.constant 0 : i32
      %dma_start3A_139 = tpu.memref_slice %arg14[%dma_start3A_128, %dma_start3A_137, %dma_start3A_138] : memref<2x160x128xf32, #tpu.memory_space<vmem>> -> memref<1x160x128xf32, #tpu.memory_space<vmem>>
      %dma_start3A_140 = tpu.memref_squeeze %dma_start3A_139 : memref<1x160x128xf32, #tpu.memory_space<vmem>> -> memref<160x128xf32, #tpu.memory_space<vmem>>
      tpu.enqueue_dma source(%dma_start3A_140 : memref<160x128xf32, #tpu.memory_space<vmem>>) target(%dma_start3A_136 : memref<160x128xf32, #tpu.memory_space<hbm>>) target_semaphore(%arg24 : memref<!tpu.dma_semaphore, #tpu.memory_space<semaphore_mem>>)
      %scan3A_141 = arith.constant 0 : i32
      %scan3A_142 = arith.constant 0 : i32
      %scan3A_143 = arith.constant 16 : i32
      %scan3A_144 = arith.addi %scan3A_142, %scan3A_143 : i32
      %scan3A_145 = arith.constant 1 : i32
      scf.for %scan3A_173 = %scan3A_142 to %scan3A_144 step %scan3A_145  : i32 {
        %mul3A_174 = arith.constant 8 : i32
        %mul3A_175 = arith.muli %scan3A_173, %mul3A_174 : i32
        %mul3A_176 = arith.constant 160 : i32
        %mul3A_177 = arith.muli %mul3A_175, %mul3A_176 : i32
        %add3A_178 = arith.addi %mul3A_37, %mul3A_177 : i32
        "tpu.region"() ({
          %run_scoped3A_1219 = tpu.sem_alloc : memref<!tpu.dma_semaphore, #tpu.memory_space<semaphore_mem>>
          %dma_start3A_1220 = tpu.memref_slice %arg5[%add3A_178] : memref<327680xi32, #tpu.memory_space<hbm>> -> memref<1280xi32, #tpu.memory_space<hbm>>
          %dma_start3A_1221 = tpu.memref_slice %arg5[%add3A_178] : memref<327680xi32, #tpu.memory_space<hbm>> -> memref<1280xi32, #tpu.memory_space<hbm>>
          tpu.enqueue_dma source(%dma_start3A_1221 : memref<1280xi32, #tpu.memory_space<hbm>>) target(%arg13 : memref<1280xi32, #tpu.memory_space<vmem>>) target_semaphore(%run_scoped3A_1219 : memref<!tpu.dma_semaphore, #tpu.memory_space<semaphore_mem>>)
          %dma_wait3A_1222 = tpu.memref_slice %arg5[%add3A_178] : memref<327680xi32, #tpu.memory_space<hbm>> -> memref<1280xi32, #tpu.memory_space<hbm>>
          %dma_wait3A_1223 = tpu.memref_slice %arg5[%add3A_178] : memref<327680xi32, #tpu.memory_space<hbm>> -> memref<1280xi32, #tpu.memory_space<hbm>>
          tpu.wait_dma2 semaphore(%run_scoped3A_1219 : memref<!tpu.dma_semaphore, #tpu.memory_space<semaphore_mem>>) src(%dma_wait3A_1223 : memref<1280xi32, #tpu.memory_space<hbm>>) dst(%arg13 : memref<1280xi32, #tpu.memory_space<vmem>>)
          tpu.yield
        }) : () -> ()
        %dma_start3A_179 = arith.constant 0 : i32
        %dma_start3A_180 = tpu.memref_slice %arg20[%dma_start3A_179] : memref<10240xf32, #tpu.memory_space<vmem_shared>> -> memref<10240xf32, #tpu.memory_space<vmem_shared>>
        tpu.enqueue_indirect_dma source(%dma_start3A_180 : memref<10240xf32, #tpu.memory_space<vmem_shared>>) target(%arg17 : memref<1280xf32, #tpu.memory_space<vmem>>) offsets(%arg13 : memref<1280xi32, #tpu.memory_space<vmem>>) semaphore(%arg21 : memref<!tpu.dma_semaphore, #tpu.memory_space<semaphore_mem>>)
        %dma_wait3A_181 = arith.constant 0 : i32
        %dma_wait3A_182 = tpu.memref_slice %arg20[%dma_wait3A_181] : memref<10240xf32, #tpu.memory_space<vmem_shared>> -> memref<10240xf32, #tpu.memory_space<vmem_shared>>
        tpu.wait_indirect_dma semaphore(%arg21 : memref<!tpu.dma_semaphore, #tpu.memory_space<semaphore_mem>>) src(%dma_wait3A_182 : memref<10240xf32, #tpu.memory_space<vmem_shared>>) dst(%arg17 : memref<1280xf32, #tpu.memory_space<vmem>>)
        %get3A = arith.constant 0 : index
        %get3A_183 = tpu.vector_load %arg17[%get3A] {strides = array<i32>} : memref<1280xf32, #tpu.memory_space<vmem>>, vector<16xf32>,
        %get3A_184 = vector.shape_cast %get3A_183 : vector<16xf32> to vector<16xf32>
        %max3A = arith.constant 1.000000e+00 : f32
        %max3A_185 = vector.broadcast %max3A : f32 to vector<16xf32>
        %max3A_186 = arith.maximumf %get3A_184, %max3A_185 : vector<16xf32>
        %div3A = arith.constant 1.000000e+00 : f32
        %div3A_187 = vector.broadcast %div3A : f32 to vector<16xf32>
        %div3A_188 = arith.divf %div3A_187, %max3A_186 : vector<16xf32>
        %swap3A = arith.constant 0 : index
        %swap3A_189 = tpu.vector_load %arg16[%swap3A] {strides = array<i32>} : memref<1280xf32, #tpu.memory_space<vmem>>, vector<16xf32>,
        %swap3A_190 = vector.shape_cast %swap3A_189 : vector<16xf32> to vector<16xf32>
        %swap3A_191 = vector.shape_cast %div3A_188 : vector<16xf32> to vector<16xf32>
        tpu.vector_store %arg16[%swap3A], %swap3A_191 {strides = array<i32>} : memref<1280xf32, #tpu.memory_space<vmem>>, vector<16xf32>,
        %get3A_192 = arith.constant 16 : index
        %get3A_193 = tpu.vector_load %arg17[%get3A_192] {strides = array<i32>} : memref<1280xf32, #tpu.memory_space<vmem>>, vector<16xf32>,
        %get3A_194 = vector.shape_cast %get3A_193 : vector<16xf32> to vector<16xf32>
        %max3A_195 = arith.constant 1.000000e+00 : f32
        %max3A_196 = vector.broadcast %max3A_195 : f32 to vector<16xf32>
        %max3A_197 = arith.maximumf %get3A_194, %max3A_196 : vector<16xf32>
        %div3A_198 = arith.constant 1.000000e+00 : f32
        %div3A_199 = vector.broadcast %div3A_198 : f32 to vector<16xf32>
        %div3A_200 = arith.divf %div3A_199, %max3A_197 : vector<16xf32>
        %swap3A_201 = arith.constant 16 : index
        %swap3A_202 = tpu.vector_load %arg16[%swap3A_201] {strides = array<i32>} : memref<1280xf32, #tpu.memory_space<vmem>>, vector<16xf32>,
        %swap3A_203 = vector.shape_cast %swap3A_202 : vector<16xf32> to vector<16xf32>
        %swap3A_204 = vector.shape_cast %div3A_200 : vector<16xf32> to vector<16xf32>
        tpu.vector_store %arg16[%swap3A_201], %swap3A_204 {strides = array<i32>} : memref<1280xf32, #tpu.memory_space<vmem>>, vector<16xf32>,
        %get3A_205 = arith.constant 32 : index
        %get3A_206 = tpu.vector_load %arg17[%get3A_205] {strides = array<i32>} : memref<1280xf32, #tpu.memory_space<vmem>>, vector<16xf32>,
        %get3A_207 = vector.shape_cast %get3A_206 : vector<16xf32> to vector<16xf32>
        %max3A_208 = arith.constant 1.000000e+00 : f32
        %max3A_209 = vector.broadcast %max3A_208 : f32 to vector<16xf32>
        %max3A_210 = arith.maximumf %get3A_207, %max3A_209 : vector<16xf32>
        %div3A_211 = arith.constant 1.000000e+00 : f32
        %div3A_212 = vector.broadcast %div3A_211 : f32 to vector<16xf32>
        %div3A_213 = arith.divf %div3A_212, %max3A_210 : vector<16xf32>
        %swap3A_214 = arith.constant 32 : index
        %swap3A_215 = tpu.vector_load %arg16[%swap3A_214] {strides = array<i32>} : memref<1280xf32, #tpu.memory_space<vmem>>, vector<16xf32>,
        %swap3A_216 = vector.shape_cast %swap3A_215 : vector<16xf32> to vector<16xf32>
        %swap3A_217 = vector.shape_cast %div3A_213 : vector<16xf32> to vector<16xf32>
        tpu.vector_store %arg16[%swap3A_214], %swap3A_217 {strides = array<i32>} : memref<1280xf32, #tpu.memory_space<vmem>>, vector<16xf32>,
        %get3A_218 = arith.constant 48 : index
        %get3A_219 = tpu.vector_load %arg17[%get3A_218] {strides = array<i32>} : memref<1280xf32, #tpu.memory_space<vmem>>, vector<16xf32>,
        %get3A_220 = vector.shape_cast %get3A_219 : vector<16xf32> to vector<16xf32>
        %max3A_221 = arith.constant 1.000000e+00 : f32
        %max3A_222 = vector.broadcast %max3A_221 : f32 to vector<16xf32>
        %max3A_223 = arith.maximumf %get3A_220, %max3A_222 : vector<16xf32>
        %div3A_224 = arith.constant 1.000000e+00 : f32
        %div3A_225 = vector.broadcast %div3A_224 : f32 to vector<16xf32>
        %div3A_226 = arith.divf %div3A_225, %max3A_223 : vector<16xf32>
        %swap3A_227 = arith.constant 48 : index
        %swap3A_228 = tpu.vector_load %arg16[%swap3A_227] {strides = array<i32>} : memref<1280xf32, #tpu.memory_space<vmem>>, vector<16xf32>,
        %swap3A_229 = vector.shape_cast %swap3A_228 : vector<16xf32> to vector<16xf32>
        %swap3A_230 = vector.shape_cast %div3A_226 : vector<16xf32> to vector<16xf32>
        tpu.vector_store %arg16[%swap3A_227], %swap3A_230 {strides = array<i32>} : memref<1280xf32, #tpu.memory_space<vmem>>, vector<16xf32>,
        %get3A_231 = arith.constant 64 : index
        %get3A_232 = tpu.vector_load %arg17[%get3A_231] {strides = array<i32>} : memref<1280xf32, #tpu.memory_space<vmem>>, vector<16xf32>,
        %get3A_233 = vector.shape_cast %get3A_232 : vector<16xf32> to vector<16xf32>
        %max3A_234 = arith.constant 1.000000e+00 : f32
        %max3A_235 = vector.broadcast %max3A_234 : f32 to vector<16xf32>
        %max3A_236 = arith.maximumf %get3A_233, %max3A_235 : vector<16xf32>
        %div3A_237 = arith.constant 1.000000e+00 : f32
        %div3A_238 = vector.broadcast %div3A_237 : f32 to vector<16xf32>
        %div3A_239 = arith.divf %div3A_238, %max3A_236 : vector<16xf32>
        %swap3A_240 = arith.constant 64 : index
        %swap3A_241 = tpu.vector_load %arg16[%swap3A_240] {strides = array<i32>} : memref<1280xf32, #tpu.memory_space<vmem>>, vector<16xf32>,
        %swap3A_242 = vector.shape_cast %swap3A_241 : vector<16xf32> to vector<16xf32>
        %swap3A_243 = vector.shape_cast %div3A_239 : vector<16xf32> to vector<16xf32>
        tpu.vector_store %arg16[%swap3A_240], %swap3A_243 {strides = array<i32>} : memref<1280xf32, #tpu.memory_space<vmem>>, vector<16xf32>,
        %get3A_244 = arith.constant 80 : index
        %get3A_245 = tpu.vector_load %arg17[%get3A_244] {strides = array<i32>} : memref<1280xf32, #tpu.memory_space<vmem>>, vector<16xf32>,
        %get3A_246 = vector.shape_cast %get3A_245 : vector<16xf32> to vector<16xf32>
        %max3A_247 = arith.constant 1.000000e+00 : f32
        %max3A_248 = vector.broadcast %max3A_247 : f32 to vector<16xf32>
        %max3A_249 = arith.maximumf %get3A_246, %max3A_248 : vector<16xf32>
        %div3A_250 = arith.constant 1.000000e+00 : f32
        %div3A_251 = vector.broadcast %div3A_250 : f32 to vector<16xf32>
        %div3A_252 = arith.divf %div3A_251, %max3A_249 : vector<16xf32>
        %swap3A_253 = arith.constant 80 : index
        %swap3A_254 = tpu.vector_load %arg16[%swap3A_253] {strides = array<i32>} : memref<1280xf32, #tpu.memory_space<vmem>>, vector<16xf32>,
        %swap3A_255 = vector.shape_cast %swap3A_254 : vector<16xf32> to vector<16xf32>
        %swap3A_256 = vector.shape_cast %div3A_252 : vector<16xf32> to vector<16xf32>
        tpu.vector_store %arg16[%swap3A_253], %swap3A_256 {strides = array<i32>} : memref<1280xf32, #tpu.memory_space<vmem>>, vector<16xf32>,
        %get3A_257 = arith.constant 96 : index
        %get3A_258 = tpu.vector_load %arg17[%get3A_257] {strides = array<i32>} : memref<1280xf32, #tpu.memory_space<vmem>>, vector<16xf32>,
        %get3A_259 = vector.shape_cast %get3A_258 : vector<16xf32> to vector<16xf32>
        %max3A_260 = arith.constant 1.000000e+00 : f32
        %max3A_261 = vector.broadcast %max3A_260 : f32 to vector<16xf32>
        %max3A_262 = arith.maximumf %get3A_259, %max3A_261 : vector<16xf32>
        %div3A_263 = arith.constant 1.000000e+00 : f32
        %div3A_264 = vector.broadcast %div3A_263 : f32 to vector<16xf32>
        %div3A_265 = arith.divf %div3A_264, %max3A_262 : vector<16xf32>
        %swap3A_266 = arith.constant 96 : index
        %swap3A_267 = tpu.vector_load %arg16[%swap3A_266] {strides = array<i32>} : memref<1280xf32, #tpu.memory_space<vmem>>, vector<16xf32>,
        %swap3A_268 = vector.shape_cast %swap3A_267 : vector<16xf32> to vector<16xf32>
        %swap3A_269 = vector.shape_cast %div3A_265 : vector<16xf32> to vector<16xf32>
        tpu.vector_store %arg16[%swap3A_266], %swap3A_269 {strides = array<i32>} : memref<1280xf32, #tpu.memory_space<vmem>>, vector<16xf32>,
        %get3A_270 = arith.constant 112 : index
        %get3A_271 = tpu.vector_load %arg17[%get3A_270] {strides = array<i32>} : memref<1280xf32, #tpu.memory_space<vmem>>, vector<16xf32>,
        %get3A_272 = vector.shape_cast %get3A_271 : vector<16xf32> to vector<16xf32>
        %max3A_273 = arith.constant 1.000000e+00 : f32
        %max3A_274 = vector.broadcast %max3A_273 : f32 to vector<16xf32>
        %max3A_275 = arith.maximumf %get3A_272, %max3A_274 : vector<16xf32>
        %div3A_276 = arith.constant 1.000000e+00 : f32
        %div3A_277 = vector.broadcast %div3A_276 : f32 to vector<16xf32>
        %div3A_278 = arith.divf %div3A_277, %max3A_275 : vector<16xf32>
        %swap3A_279 = arith.constant 112 : index
        %swap3A_280 = tpu.vector_load %arg16[%swap3A_279] {strides = array<i32>} : memref<1280xf32, #tpu.memory_space<vmem>>, vector<16xf32>,
        %swap3A_281 = vector.shape_cast %swap3A_280 : vector<16xf32> to vector<16xf32>
        %swap3A_282 = vector.shape_cast %div3A_278 : vector<16xf32> to vector<16xf32>
        tpu.vector_store %arg16[%swap3A_279], %swap3A_282 {strides = array<i32>} : memref<1280xf32, #tpu.memory_space<vmem>>, vector<16xf32>,
        %get3A_283 = arith.constant 128 : index
        %get3A_284 = tpu.vector_load %arg17[%get3A_283] {strides = array<i32>} : memref<1280xf32, #tpu.memory_space<vmem>>, vector<16xf32>,
        %get3A_285 = vector.shape_cast %get3A_284 : vector<16xf32> to vector<16xf32>
        %max3A_286 = arith.constant 1.000000e+00 : f32
        %max3A_287 = vector.broadcast %max3A_286 : f32 to vector<16xf32>
        %max3A_288 = arith.maximumf %get3A_285, %max3A_287 : vector<16xf32>
        %div3A_289 = arith.constant 1.000000e+00 : f32
        %div3A_290 = vector.broadcast %div3A_289 : f32 to vector<16xf32>
        %div3A_291 = arith.divf %div3A_290, %max3A_288 : vector<16xf32>
        %swap3A_292 = arith.constant 128 : index
        %swap3A_293 = tpu.vector_load %arg16[%swap3A_292] {strides = array<i32>} : memref<1280xf32, #tpu.memory_space<vmem>>, vector<16xf32>,
        %swap3A_294 = vector.shape_cast %swap3A_293 : vector<16xf32> to vector<16xf32>
        %swap3A_295 = vector.shape_cast %div3A_291 : vector<16xf32> to vector<16xf32>
        tpu.vector_store %arg16[%swap3A_292], %swap3A_295 {strides = array<i32>} : memref<1280xf32, #tpu.memory_space<vmem>>, vector<16xf32>,
        %get3A_296 = arith.constant 144 : index
        %get3A_297 = tpu.vector_load %arg17[%get3A_296] {strides = array<i32>} : memref<1280xf32, #tpu.memory_space<vmem>>, vector<16xf32>,
        %get3A_298 = vector.shape_cast %get3A_297 : vector<16xf32> to vector<16xf32>
        %max3A_299 = arith.constant 1.000000e+00 : f32
        %max3A_300 = vector.broadcast %max3A_299 : f32 to vector<16xf32>
        %max3A_301 = arith.maximumf %get3A_298, %max3A_300 : vector<16xf32>
        %div3A_302 = arith.constant 1.000000e+00 : f32
        %div3A_303 = vector.broadcast %div3A_302 : f32 to vector<16xf32>
        %div3A_304 = arith.divf %div3A_303, %max3A_301 : vector<16xf32>
        %swap3A_305 = arith.constant 144 : index
        %swap3A_306 = tpu.vector_load %arg16[%swap3A_305] {strides = array<i32>} : memref<1280xf32, #tpu.memory_space<vmem>>, vector<16xf32>,
        %swap3A_307 = vector.shape_cast %swap3A_306 : vector<16xf32> to vector<16xf32>
        %swap3A_308 = vector.shape_cast %div3A_304 : vector<16xf32> to vector<16xf32>
        tpu.vector_store %arg16[%swap3A_305], %swap3A_308 {strides = array<i32>} : memref<1280xf32, #tpu.memory_space<vmem>>, vector<16xf32>,
        %get3A_309 = arith.constant 160 : index
        %get3A_310 = tpu.vector_load %arg17[%get3A_309] {strides = array<i32>} : memref<1280xf32, #tpu.memory_space<vmem>>, vector<16xf32>,
        %get3A_311 = vector.shape_cast %get3A_310 : vector<16xf32> to vector<16xf32>
        %max3A_312 = arith.constant 1.000000e+00 : f32
        %max3A_313 = vector.broadcast %max3A_312 : f32 to vector<16xf32>
        %max3A_314 = arith.maximumf %get3A_311, %max3A_313 : vector<16xf32>
        %div3A_315 = arith.constant 1.000000e+00 : f32
        %div3A_316 = vector.broadcast %div3A_315 : f32 to vector<16xf32>
        %div3A_317 = arith.divf %div3A_316, %max3A_314 : vector<16xf32>
        %swap3A_318 = arith.constant 160 : index
        %swap3A_319 = tpu.vector_load %arg16[%swap3A_318] {strides = array<i32>} : memref<1280xf32, #tpu.memory_space<vmem>>, vector<16xf32>,
        %swap3A_320 = vector.shape_cast %swap3A_319 : vector<16xf32> to vector<16xf32>
        %swap3A_321 = vector.shape_cast %div3A_317 : vector<16xf32> to vector<16xf32>
        tpu.vector_store %arg16[%swap3A_318], %swap3A_321 {strides = array<i32>} : memref<1280xf32, #tpu.memory_space<vmem>>, vector<16xf32>,
        %get3A_322 = arith.constant 176 : index
        %get3A_323 = tpu.vector_load %arg17[%get3A_322] {strides = array<i32>} : memref<1280xf32, #tpu.memory_space<vmem>>, vector<16xf32>,
        %get3A_324 = vector.shape_cast %get3A_323 : vector<16xf32> to vector<16xf32>
        %max3A_325 = arith.constant 1.000000e+00 : f32
        %max3A_326 = vector.broadcast %max3A_325 : f32 to vector<16xf32>
        %max3A_327 = arith.maximumf %get3A_324, %max3A_326 : vector<16xf32>
        %div3A_328 = arith.constant 1.000000e+00 : f32
        %div3A_329 = vector.broadcast %div3A_328 : f32 to vector<16xf32>
        %div3A_330 = arith.divf %div3A_329, %max3A_327 : vector<16xf32>
        %swap3A_331 = arith.constant 176 : index
        %swap3A_332 = tpu.vector_load %arg16[%swap3A_331] {strides = array<i32>} : memref<1280xf32, #tpu.memory_space<vmem>>, vector<16xf32>,
        %swap3A_333 = vector.shape_cast %swap3A_332 : vector<16xf32> to vector<16xf32>
        %swap3A_334 = vector.shape_cast %div3A_330 : vector<16xf32> to vector<16xf32>
        tpu.vector_store %arg16[%swap3A_331], %swap3A_334 {strides = array<i32>} : memref<1280xf32, #tpu.memory_space<vmem>>, vector<16xf32>,
        %get3A_335 = arith.constant 192 : index
        %get3A_336 = tpu.vector_load %arg17[%get3A_335] {strides = array<i32>} : memref<1280xf32, #tpu.memory_space<vmem>>, vector<16xf32>,
        %get3A_337 = vector.shape_cast %get3A_336 : vector<16xf32> to vector<16xf32>
        %max3A_338 = arith.constant 1.000000e+00 : f32
        %max3A_339 = vector.broadcast %max3A_338 : f32 to vector<16xf32>
        %max3A_340 = arith.maximumf %get3A_337, %max3A_339 : vector<16xf32>
        %div3A_341 = arith.constant 1.000000e+00 : f32
        %div3A_342 = vector.broadcast %div3A_341 : f32 to vector<16xf32>
        %div3A_343 = arith.divf %div3A_342, %max3A_340 : vector<16xf32>
        %swap3A_344 = arith.constant 192 : index
        %swap3A_345 = tpu.vector_load %arg16[%swap3A_344] {strides = array<i32>} : memref<1280xf32, #tpu.memory_space<vmem>>, vector<16xf32>,
        %swap3A_346 = vector.shape_cast %swap3A_345 : vector<16xf32> to vector<16xf32>
        %swap3A_347 = vector.shape_cast %div3A_343 : vector<16xf32> to vector<16xf32>
        tpu.vector_store %arg16[%swap3A_344], %swap3A_347 {strides = array<i32>} : memref<1280xf32, #tpu.memory_space<vmem>>, vector<16xf32>,
        %get3A_348 = arith.constant 208 : index
        %get3A_349 = tpu.vector_load %arg17[%get3A_348] {strides = array<i32>} : memref<1280xf32, #tpu.memory_space<vmem>>, vector<16xf32>,
        %get3A_350 = vector.shape_cast %get3A_349 : vector<16xf32> to vector<16xf32>
        %max3A_351 = arith.constant 1.000000e+00 : f32
        %max3A_352 = vector.broadcast %max3A_351 : f32 to vector<16xf32>
        %max3A_353 = arith.maximumf %get3A_350, %max3A_352 : vector<16xf32>
        %div3A_354 = arith.constant 1.000000e+00 : f32
        %div3A_355 = vector.broadcast %div3A_354 : f32 to vector<16xf32>
        %div3A_356 = arith.divf %div3A_355, %max3A_353 : vector<16xf32>
        %swap3A_357 = arith.constant 208 : index
        %swap3A_358 = tpu.vector_load %arg16[%swap3A_357] {strides = array<i32>} : memref<1280xf32, #tpu.memory_space<vmem>>, vector<16xf32>,
        %swap3A_359 = vector.shape_cast %swap3A_358 : vector<16xf32> to vector<16xf32>
        %swap3A_360 = vector.shape_cast %div3A_356 : vector<16xf32> to vector<16xf32>
        tpu.vector_store %arg16[%swap3A_357], %swap3A_360 {strides = array<i32>} : memref<1280xf32, #tpu.memory_space<vmem>>, vector<16xf32>,
        %get3A_361 = arith.constant 224 : index
        %get3A_362 = tpu.vector_load %arg17[%get3A_361] {strides = array<i32>} : memref<1280xf32, #tpu.memory_space<vmem>>, vector<16xf32>,
        %get3A_363 = vector.shape_cast %get3A_362 : vector<16xf32> to vector<16xf32>
        %max3A_364 = arith.constant 1.000000e+00 : f32
        %max3A_365 = vector.broadcast %max3A_364 : f32 to vector<16xf32>
        %max3A_366 = arith.maximumf %get3A_363, %max3A_365 : vector<16xf32>
        %div3A_367 = arith.constant 1.000000e+00 : f32
        %div3A_368 = vector.broadcast %div3A_367 : f32 to vector<16xf32>
        %div3A_369 = arith.divf %div3A_368, %max3A_366 : vector<16xf32>
        %swap3A_370 = arith.constant 224 : index
        %swap3A_371 = tpu.vector_load %arg16[%swap3A_370] {strides = array<i32>} : memref<1280xf32, #tpu.memory_space<vmem>>, vector<16xf32>,
        %swap3A_372 = vector.shape_cast %swap3A_371 : vector<16xf32> to vector<16xf32>
        %swap3A_373 = vector.shape_cast %div3A_369 : vector<16xf32> to vector<16xf32>
        tpu.vector_store %arg16[%swap3A_370], %swap3A_373 {strides = array<i32>} : memref<1280xf32, #tpu.memory_space<vmem>>, vector<16xf32>,
        %get3A_374 = arith.constant 240 : index
        %get3A_375 = tpu.vector_load %arg17[%get3A_374] {strides = array<i32>} : memref<1280xf32, #tpu.memory_space<vmem>>, vector<16xf32>,
        %get3A_376 = vector.shape_cast %get3A_375 : vector<16xf32> to vector<16xf32>
        %max3A_377 = arith.constant 1.000000e+00 : f32
        %max3A_378 = vector.broadcast %max3A_377 : f32 to vector<16xf32>
        %max3A_379 = arith.maximumf %get3A_376, %max3A_378 : vector<16xf32>
        %div3A_380 = arith.constant 1.000000e+00 : f32
        %div3A_381 = vector.broadcast %div3A_380 : f32 to vector<16xf32>
        %div3A_382 = arith.divf %div3A_381, %max3A_379 : vector<16xf32>
        %swap3A_383 = arith.constant 240 : index
        %swap3A_384 = tpu.vector_load %arg16[%swap3A_383] {strides = array<i32>} : memref<1280xf32, #tpu.memory_space<vmem>>, vector<16xf32>,
        %swap3A_385 = vector.shape_cast %swap3A_384 : vector<16xf32> to vector<16xf32>
        %swap3A_386 = vector.shape_cast %div3A_382 : vector<16xf32> to vector<16xf32>
        tpu.vector_store %arg16[%swap3A_383], %swap3A_386 {strides = array<i32>} : memref<1280xf32, #tpu.memory_space<vmem>>, vector<16xf32>,
        %get3A_387 = arith.constant 256 : index
        %get3A_388 = tpu.vector_load %arg17[%get3A_387] {strides = array<i32>} : memref<1280xf32, #tpu.memory_space<vmem>>, vector<16xf32>,
        %get3A_389 = vector.shape_cast %get3A_388 : vector<16xf32> to vector<16xf32>
        %max3A_390 = arith.constant 1.000000e+00 : f32
        %max3A_391 = vector.broadcast %max3A_390 : f32 to vector<16xf32>
        %max3A_392 = arith.maximumf %get3A_389, %max3A_391 : vector<16xf32>
        %div3A_393 = arith.constant 1.000000e+00 : f32
        %div3A_394 = vector.broadcast %div3A_393 : f32 to vector<16xf32>
        %div3A_395 = arith.divf %div3A_394, %max3A_392 : vector<16xf32>
        %swap3A_396 = arith.constant 256 : index
        %swap3A_397 = tpu.vector_load %arg16[%swap3A_396] {strides = array<i32>} : memref<1280xf32, #tpu.memory_space<vmem>>, vector<16xf32>,
        %swap3A_398 = vector.shape_cast %swap3A_397 : vector<16xf32> to vector<16xf32>
        %swap3A_399 = vector.shape_cast %div3A_395 : vector<16xf32> to vector<16xf32>
        tpu.vector_store %arg16[%swap3A_396], %swap3A_399 {strides = array<i32>} : memref<1280xf32, #tpu.memory_space<vmem>>, vector<16xf32>,
        %get3A_400 = arith.constant 272 : index
        %get3A_401 = tpu.vector_load %arg17[%get3A_400] {strides = array<i32>} : memref<1280xf32, #tpu.memory_space<vmem>>, vector<16xf32>,
        %get3A_402 = vector.shape_cast %get3A_401 : vector<16xf32> to vector<16xf32>
        %max3A_403 = arith.constant 1.000000e+00 : f32
        %max3A_404 = vector.broadcast %max3A_403 : f32 to vector<16xf32>
        %max3A_405 = arith.maximumf %get3A_402, %max3A_404 : vector<16xf32>
        %div3A_406 = arith.constant 1.000000e+00 : f32
        %div3A_407 = vector.broadcast %div3A_406 : f32 to vector<16xf32>
        %div3A_408 = arith.divf %div3A_407, %max3A_405 : vector<16xf32>
        %swap3A_409 = arith.constant 272 : index
        %swap3A_410 = tpu.vector_load %arg16[%swap3A_409] {strides = array<i32>} : memref<1280xf32, #tpu.memory_space<vmem>>, vector<16xf32>,
        %swap3A_411 = vector.shape_cast %swap3A_410 : vector<16xf32> to vector<16xf32>
        %swap3A_412 = vector.shape_cast %div3A_408 : vector<16xf32> to vector<16xf32>
        tpu.vector_store %arg16[%swap3A_409], %swap3A_412 {strides = array<i32>} : memref<1280xf32, #tpu.memory_space<vmem>>, vector<16xf32>,
        %get3A_413 = arith.constant 288 : index
        %get3A_414 = tpu.vector_load %arg17[%get3A_413] {strides = array<i32>} : memref<1280xf32, #tpu.memory_space<vmem>>, vector<16xf32>,
        %get3A_415 = vector.shape_cast %get3A_414 : vector<16xf32> to vector<16xf32>
        %max3A_416 = arith.constant 1.000000e+00 : f32
        %max3A_417 = vector.broadcast %max3A_416 : f32 to vector<16xf32>
        %max3A_418 = arith.maximumf %get3A_415, %max3A_417 : vector<16xf32>
        %div3A_419 = arith.constant 1.000000e+00 : f32
        %div3A_420 = vector.broadcast %div3A_419 : f32 to vector<16xf32>
        %div3A_421 = arith.divf %div3A_420, %max3A_418 : vector<16xf32>
        %swap3A_422 = arith.constant 288 : index
        %swap3A_423 = tpu.vector_load %arg16[%swap3A_422] {strides = array<i32>} : memref<1280xf32, #tpu.memory_space<vmem>>, vector<16xf32>,
        %swap3A_424 = vector.shape_cast %swap3A_423 : vector<16xf32> to vector<16xf32>
        %swap3A_425 = vector.shape_cast %div3A_421 : vector<16xf32> to vector<16xf32>
        tpu.vector_store %arg16[%swap3A_422], %swap3A_425 {strides = array<i32>} : memref<1280xf32, #tpu.memory_space<vmem>>, vector<16xf32>,
        %get3A_426 = arith.constant 304 : index
        %get3A_427 = tpu.vector_load %arg17[%get3A_426] {strides = array<i32>} : memref<1280xf32, #tpu.memory_space<vmem>>, vector<16xf32>,
        %get3A_428 = vector.shape_cast %get3A_427 : vector<16xf32> to vector<16xf32>
        %max3A_429 = arith.constant 1.000000e+00 : f32
        %max3A_430 = vector.broadcast %max3A_429 : f32 to vector<16xf32>
        %max3A_431 = arith.maximumf %get3A_428, %max3A_430 : vector<16xf32>
        %div3A_432 = arith.constant 1.000000e+00 : f32
        %div3A_433 = vector.broadcast %div3A_432 : f32 to vector<16xf32>
        %div3A_434 = arith.divf %div3A_433, %max3A_431 : vector<16xf32>
        %swap3A_435 = arith.constant 304 : index
        %swap3A_436 = tpu.vector_load %arg16[%swap3A_435] {strides = array<i32>} : memref<1280xf32, #tpu.memory_space<vmem>>, vector<16xf32>,
        %swap3A_437 = vector.shape_cast %swap3A_436 : vector<16xf32> to vector<16xf32>
        %swap3A_438 = vector.shape_cast %div3A_434 : vector<16xf32> to vector<16xf32>
        tpu.vector_store %arg16[%swap3A_435], %swap3A_438 {strides = array<i32>} : memref<1280xf32, #tpu.memory_space<vmem>>, vector<16xf32>,
        %get3A_439 = arith.constant 320 : index
        %get3A_440 = tpu.vector_load %arg17[%get3A_439] {strides = array<i32>} : memref<1280xf32, #tpu.memory_space<vmem>>, vector<16xf32>,
        %get3A_441 = vector.shape_cast %get3A_440 : vector<16xf32> to vector<16xf32>
        %max3A_442 = arith.constant 1.000000e+00 : f32
        %max3A_443 = vector.broadcast %max3A_442 : f32 to vector<16xf32>
        %max3A_444 = arith.maximumf %get3A_441, %max3A_443 : vector<16xf32>
        %div3A_445 = arith.constant 1.000000e+00 : f32
        %div3A_446 = vector.broadcast %div3A_445 : f32 to vector<16xf32>
        %div3A_447 = arith.divf %div3A_446, %max3A_444 : vector<16xf32>
        %swap3A_448 = arith.constant 320 : index
        %swap3A_449 = tpu.vector_load %arg16[%swap3A_448] {strides = array<i32>} : memref<1280xf32, #tpu.memory_space<vmem>>, vector<16xf32>,
        %swap3A_450 = vector.shape_cast %swap3A_449 : vector<16xf32> to vector<16xf32>
        %swap3A_451 = vector.shape_cast %div3A_447 : vector<16xf32> to vector<16xf32>
        tpu.vector_store %arg16[%swap3A_448], %swap3A_451 {strides = array<i32>} : memref<1280xf32, #tpu.memory_space<vmem>>, vector<16xf32>,
        %get3A_452 = arith.constant 336 : index
        %get3A_453 = tpu.vector_load %arg17[%get3A_452] {strides = array<i32>} : memref<1280xf32, #tpu.memory_space<vmem>>, vector<16xf32>,
        %get3A_454 = vector.shape_cast %get3A_453 : vector<16xf32> to vector<16xf32>
        %max3A_455 = arith.constant 1.000000e+00 : f32
        %max3A_456 = vector.broadcast %max3A_455 : f32 to vector<16xf32>
        %max3A_457 = arith.maximumf %get3A_454, %max3A_456 : vector<16xf32>
        %div3A_458 = arith.constant 1.000000e+00 : f32
        %div3A_459 = vector.broadcast %div3A_458 : f32 to vector<16xf32>
        %div3A_460 = arith.divf %div3A_459, %max3A_457 : vector<16xf32>
        %swap3A_461 = arith.constant 336 : index
        %swap3A_462 = tpu.vector_load %arg16[%swap3A_461] {strides = array<i32>} : memref<1280xf32, #tpu.memory_space<vmem>>, vector<16xf32>,
        %swap3A_463 = vector.shape_cast %swap3A_462 : vector<16xf32> to vector<16xf32>
        %swap3A_464 = vector.shape_cast %div3A_460 : vector<16xf32> to vector<16xf32>
        tpu.vector_store %arg16[%swap3A_461], %swap3A_464 {strides = array<i32>} : memref<1280xf32, #tpu.memory_space<vmem>>, vector<16xf32>,
        %get3A_465 = arith.constant 352 : index
        %get3A_466 = tpu.vector_load %arg17[%get3A_465] {strides = array<i32>} : memref<1280xf32, #tpu.memory_space<vmem>>, vector<16xf32>,
        %get3A_467 = vector.shape_cast %get3A_466 : vector<16xf32> to vector<16xf32>
        %max3A_468 = arith.constant 1.000000e+00 : f32
        %max3A_469 = vector.broadcast %max3A_468 : f32 to vector<16xf32>
        %max3A_470 = arith.maximumf %get3A_467, %max3A_469 : vector<16xf32>
        %div3A_471 = arith.constant 1.000000e+00 : f32
        %div3A_472 = vector.broadcast %div3A_471 : f32 to vector<16xf32>
        %div3A_473 = arith.divf %div3A_472, %max3A_470 : vector<16xf32>
        %swap3A_474 = arith.constant 352 : index
        %swap3A_475 = tpu.vector_load %arg16[%swap3A_474] {strides = array<i32>} : memref<1280xf32, #tpu.memory_space<vmem>>, vector<16xf32>,
        %swap3A_476 = vector.shape_cast %swap3A_475 : vector<16xf32> to vector<16xf32>
        %swap3A_477 = vector.shape_cast %div3A_473 : vector<16xf32> to vector<16xf32>
        tpu.vector_store %arg16[%swap3A_474], %swap3A_477 {strides = array<i32>} : memref<1280xf32, #tpu.memory_space<vmem>>, vector<16xf32>,
        %get3A_478 = arith.constant 368 : index
        %get3A_479 = tpu.vector_load %arg17[%get3A_478] {strides = array<i32>} : memref<1280xf32, #tpu.memory_space<vmem>>, vector<16xf32>,
        %get3A_480 = vector.shape_cast %get3A_479 : vector<16xf32> to vector<16xf32>
        %max3A_481 = arith.constant 1.000000e+00 : f32
        %max3A_482 = vector.broadcast %max3A_481 : f32 to vector<16xf32>
        %max3A_483 = arith.maximumf %get3A_480, %max3A_482 : vector<16xf32>
        %div3A_484 = arith.constant 1.000000e+00 : f32
        %div3A_485 = vector.broadcast %div3A_484 : f32 to vector<16xf32>
        %div3A_486 = arith.divf %div3A_485, %max3A_483 : vector<16xf32>
        %swap3A_487 = arith.constant 368 : index
        %swap3A_488 = tpu.vector_load %arg16[%swap3A_487] {strides = array<i32>} : memref<1280xf32, #tpu.memory_space<vmem>>, vector<16xf32>,
        %swap3A_489 = vector.shape_cast %swap3A_488 : vector<16xf32> to vector<16xf32>
        %swap3A_490 = vector.shape_cast %div3A_486 : vector<16xf32> to vector<16xf32>
        tpu.vector_store %arg16[%swap3A_487], %swap3A_490 {strides = array<i32>} : memref<1280xf32, #tpu.memory_space<vmem>>, vector<16xf32>,
        %get3A_491 = arith.constant 384 : index
        %get3A_492 = tpu.vector_load %arg17[%get3A_491] {strides = array<i32>} : memref<1280xf32, #tpu.memory_space<vmem>>, vector<16xf32>,
        %get3A_493 = vector.shape_cast %get3A_492 : vector<16xf32> to vector<16xf32>
        %max3A_494 = arith.constant 1.000000e+00 : f32
        %max3A_495 = vector.broadcast %max3A_494 : f32 to vector<16xf32>
        %max3A_496 = arith.maximumf %get3A_493, %max3A_495 : vector<16xf32>
        %div3A_497 = arith.constant 1.000000e+00 : f32
        %div3A_498 = vector.broadcast %div3A_497 : f32 to vector<16xf32>
        %div3A_499 = arith.divf %div3A_498, %max3A_496 : vector<16xf32>
        %swap3A_500 = arith.constant 384 : index
        %swap3A_501 = tpu.vector_load %arg16[%swap3A_500] {strides = array<i32>} : memref<1280xf32, #tpu.memory_space<vmem>>, vector<16xf32>,
        %swap3A_502 = vector.shape_cast %swap3A_501 : vector<16xf32> to vector<16xf32>
        %swap3A_503 = vector.shape_cast %div3A_499 : vector<16xf32> to vector<16xf32>
        tpu.vector_store %arg16[%swap3A_500], %swap3A_503 {strides = array<i32>} : memref<1280xf32, #tpu.memory_space<vmem>>, vector<16xf32>,
        %get3A_504 = arith.constant 400 : index
        %get3A_505 = tpu.vector_load %arg17[%get3A_504] {strides = array<i32>} : memref<1280xf32, #tpu.memory_space<vmem>>, vector<16xf32>,
        %get3A_506 = vector.shape_cast %get3A_505 : vector<16xf32> to vector<16xf32>
        %max3A_507 = arith.constant 1.000000e+00 : f32
        %max3A_508 = vector.broadcast %max3A_507 : f32 to vector<16xf32>
        %max3A_509 = arith.maximumf %get3A_506, %max3A_508 : vector<16xf32>
        %div3A_510 = arith.constant 1.000000e+00 : f32
        %div3A_511 = vector.broadcast %div3A_510 : f32 to vector<16xf32>
        %div3A_512 = arith.divf %div3A_511, %max3A_509 : vector<16xf32>
        %swap3A_513 = arith.constant 400 : index
        %swap3A_514 = tpu.vector_load %arg16[%swap3A_513] {strides = array<i32>} : memref<1280xf32, #tpu.memory_space<vmem>>, vector<16xf32>,
        %swap3A_515 = vector.shape_cast %swap3A_514 : vector<16xf32> to vector<16xf32>
        %swap3A_516 = vector.shape_cast %div3A_512 : vector<16xf32> to vector<16xf32>
        tpu.vector_store %arg16[%swap3A_513], %swap3A_516 {strides = array<i32>} : memref<1280xf32, #tpu.memory_space<vmem>>, vector<16xf32>,
        %get3A_517 = arith.constant 416 : index
        %get3A_518 = tpu.vector_load %arg17[%get3A_517] {strides = array<i32>} : memref<1280xf32, #tpu.memory_space<vmem>>, vector<16xf32>,
        %get3A_519 = vector.shape_cast %get3A_518 : vector<16xf32> to vector<16xf32>
        %max3A_520 = arith.constant 1.000000e+00 : f32
        %max3A_521 = vector.broadcast %max3A_520 : f32 to vector<16xf32>
        %max3A_522 = arith.maximumf %get3A_519, %max3A_521 : vector<16xf32>
        %div3A_523 = arith.constant 1.000000e+00 : f32
        %div3A_524 = vector.broadcast %div3A_523 : f32 to vector<16xf32>
        %div3A_525 = arith.divf %div3A_524, %max3A_522 : vector<16xf32>
        %swap3A_526 = arith.constant 416 : index
        %swap3A_527 = tpu.vector_load %arg16[%swap3A_526] {strides = array<i32>} : memref<1280xf32, #tpu.memory_space<vmem>>, vector<16xf32>,
        %swap3A_528 = vector.shape_cast %swap3A_527 : vector<16xf32> to vector<16xf32>
        %swap3A_529 = vector.shape_cast %div3A_525 : vector<16xf32> to vector<16xf32>
        tpu.vector_store %arg16[%swap3A_526], %swap3A_529 {strides = array<i32>} : memref<1280xf32, #tpu.memory_space<vmem>>, vector<16xf32>,
        %get3A_530 = arith.constant 432 : index
        %get3A_531 = tpu.vector_load %arg17[%get3A_530] {strides = array<i32>} : memref<1280xf32, #tpu.memory_space<vmem>>, vector<16xf32>,
        %get3A_532 = vector.shape_cast %get3A_531 : vector<16xf32> to vector<16xf32>
        %max3A_533 = arith.constant 1.000000e+00 : f32
        %max3A_534 = vector.broadcast %max3A_533 : f32 to vector<16xf32>
        %max3A_535 = arith.maximumf %get3A_532, %max3A_534 : vector<16xf32>
        %div3A_536 = arith.constant 1.000000e+00 : f32
        %div3A_537 = vector.broadcast %div3A_536 : f32 to vector<16xf32>
        %div3A_538 = arith.divf %div3A_537, %max3A_535 : vector<16xf32>
        %swap3A_539 = arith.constant 432 : index
        %swap3A_540 = tpu.vector_load %arg16[%swap3A_539] {strides = array<i32>} : memref<1280xf32, #tpu.memory_space<vmem>>, vector<16xf32>,
        %swap3A_541 = vector.shape_cast %swap3A_540 : vector<16xf32> to vector<16xf32>
        %swap3A_542 = vector.shape_cast %div3A_538 : vector<16xf32> to vector<16xf32>
        tpu.vector_store %arg16[%swap3A_539], %swap3A_542 {strides = array<i32>} : memref<1280xf32, #tpu.memory_space<vmem>>, vector<16xf32>,
        %get3A_543 = arith.constant 448 : index
        %get3A_544 = tpu.vector_load %arg17[%get3A_543] {strides = array<i32>} : memref<1280xf32, #tpu.memory_space<vmem>>, vector<16xf32>,
        %get3A_545 = vector.shape_cast %get3A_544 : vector<16xf32> to vector<16xf32>
        %max3A_546 = arith.constant 1.000000e+00 : f32
        %max3A_547 = vector.broadcast %max3A_546 : f32 to vector<16xf32>
        %max3A_548 = arith.maximumf %get3A_545, %max3A_547 : vector<16xf32>
        %div3A_549 = arith.constant 1.000000e+00 : f32
        %div3A_550 = vector.broadcast %div3A_549 : f32 to vector<16xf32>
        %div3A_551 = arith.divf %div3A_550, %max3A_548 : vector<16xf32>
        %swap3A_552 = arith.constant 448 : index
        %swap3A_553 = tpu.vector_load %arg16[%swap3A_552] {strides = array<i32>} : memref<1280xf32, #tpu.memory_space<vmem>>, vector<16xf32>,
        %swap3A_554 = vector.shape_cast %swap3A_553 : vector<16xf32> to vector<16xf32>
        %swap3A_555 = vector.shape_cast %div3A_551 : vector<16xf32> to vector<16xf32>
        tpu.vector_store %arg16[%swap3A_552], %swap3A_555 {strides = array<i32>} : memref<1280xf32, #tpu.memory_space<vmem>>, vector<16xf32>,
        %get3A_556 = arith.constant 464 : index
        %get3A_557 = tpu.vector_load %arg17[%get3A_556] {strides = array<i32>} : memref<1280xf32, #tpu.memory_space<vmem>>, vector<16xf32>,
        %get3A_558 = vector.shape_cast %get3A_557 : vector<16xf32> to vector<16xf32>
        %max3A_559 = arith.constant 1.000000e+00 : f32
        %max3A_560 = vector.broadcast %max3A_559 : f32 to vector<16xf32>
        %max3A_561 = arith.maximumf %get3A_558, %max3A_560 : vector<16xf32>
        %div3A_562 = arith.constant 1.000000e+00 : f32
        %div3A_563 = vector.broadcast %div3A_562 : f32 to vector<16xf32>
        %div3A_564 = arith.divf %div3A_563, %max3A_561 : vector<16xf32>
        %swap3A_565 = arith.constant 464 : index
        %swap3A_566 = tpu.vector_load %arg16[%swap3A_565] {strides = array<i32>} : memref<1280xf32, #tpu.memory_space<vmem>>, vector<16xf32>,
        %swap3A_567 = vector.shape_cast %swap3A_566 : vector<16xf32> to vector<16xf32>
        %swap3A_568 = vector.shape_cast %div3A_564 : vector<16xf32> to vector<16xf32>
        tpu.vector_store %arg16[%swap3A_565], %swap3A_568 {strides = array<i32>} : memref<1280xf32, #tpu.memory_space<vmem>>, vector<16xf32>,
        %get3A_569 = arith.constant 480 : index
        %get3A_570 = tpu.vector_load %arg17[%get3A_569] {strides = array<i32>} : memref<1280xf32, #tpu.memory_space<vmem>>, vector<16xf32>,
        %get3A_571 = vector.shape_cast %get3A_570 : vector<16xf32> to vector<16xf32>
        %max3A_572 = arith.constant 1.000000e+00 : f32
        %max3A_573 = vector.broadcast %max3A_572 : f32 to vector<16xf32>
        %max3A_574 = arith.maximumf %get3A_571, %max3A_573 : vector<16xf32>
        %div3A_575 = arith.constant 1.000000e+00 : f32
        %div3A_576 = vector.broadcast %div3A_575 : f32 to vector<16xf32>
        %div3A_577 = arith.divf %div3A_576, %max3A_574 : vector<16xf32>
        %swap3A_578 = arith.constant 480 : index
        %swap3A_579 = tpu.vector_load %arg16[%swap3A_578] {strides = array<i32>} : memref<1280xf32, #tpu.memory_space<vmem>>, vector<16xf32>,
        %swap3A_580 = vector.shape_cast %swap3A_579 : vector<16xf32> to vector<16xf32>
        %swap3A_581 = vector.shape_cast %div3A_577 : vector<16xf32> to vector<16xf32>
        tpu.vector_store %arg16[%swap3A_578], %swap3A_581 {strides = array<i32>} : memref<1280xf32, #tpu.memory_space<vmem>>, vector<16xf32>,
        %get3A_582 = arith.constant 496 : index
        %get3A_583 = tpu.vector_load %arg17[%get3A_582] {strides = array<i32>} : memref<1280xf32, #tpu.memory_space<vmem>>, vector<16xf32>,
        %get3A_584 = vector.shape_cast %get3A_583 : vector<16xf32> to vector<16xf32>
        %max3A_585 = arith.constant 1.000000e+00 : f32
        %max3A_586 = vector.broadcast %max3A_585 : f32 to vector<16xf32>
        %max3A_587 = arith.maximumf %get3A_584, %max3A_586 : vector<16xf32>
        %div3A_588 = arith.constant 1.000000e+00 : f32
        %div3A_589 = vector.broadcast %div3A_588 : f32 to vector<16xf32>
        %div3A_590 = arith.divf %div3A_589, %max3A_587 : vector<16xf32>
        %swap3A_591 = arith.constant 496 : index
        %swap3A_592 = tpu.vector_load %arg16[%swap3A_591] {strides = array<i32>} : memref<1280xf32, #tpu.memory_space<vmem>>, vector<16xf32>,
        %swap3A_593 = vector.shape_cast %swap3A_592 : vector<16xf32> to vector<16xf32>
        %swap3A_594 = vector.shape_cast %div3A_590 : vector<16xf32> to vector<16xf32>
        tpu.vector_store %arg16[%swap3A_591], %swap3A_594 {strides = array<i32>} : memref<1280xf32, #tpu.memory_space<vmem>>, vector<16xf32>,
        %get3A_595 = arith.constant 512 : index
        %get3A_596 = tpu.vector_load %arg17[%get3A_595] {strides = array<i32>} : memref<1280xf32, #tpu.memory_space<vmem>>, vector<16xf32>,
        %get3A_597 = vector.shape_cast %get3A_596 : vector<16xf32> to vector<16xf32>
        %max3A_598 = arith.constant 1.000000e+00 : f32
        %max3A_599 = vector.broadcast %max3A_598 : f32 to vector<16xf32>
        %max3A_600 = arith.maximumf %get3A_597, %max3A_599 : vector<16xf32>
        %div3A_601 = arith.constant 1.000000e+00 : f32
        %div3A_602 = vector.broadcast %div3A_601 : f32 to vector<16xf32>
        %div3A_603 = arith.divf %div3A_602, %max3A_600 : vector<16xf32>
        %swap3A_604 = arith.constant 512 : index
        %swap3A_605 = tpu.vector_load %arg16[%swap3A_604] {strides = array<i32>} : memref<1280xf32, #tpu.memory_space<vmem>>, vector<16xf32>,
        %swap3A_606 = vector.shape_cast %swap3A_605 : vector<16xf32> to vector<16xf32>
        %swap3A_607 = vector.shape_cast %div3A_603 : vector<16xf32> to vector<16xf32>
        tpu.vector_store %arg16[%swap3A_604], %swap3A_607 {strides = array<i32>} : memref<1280xf32, #tpu.memory_space<vmem>>, vector<16xf32>,
        %get3A_608 = arith.constant 528 : index
        %get3A_609 = tpu.vector_load %arg17[%get3A_608] {strides = array<i32>} : memref<1280xf32, #tpu.memory_space<vmem>>, vector<16xf32>,
        %get3A_610 = vector.shape_cast %get3A_609 : vector<16xf32> to vector<16xf32>
        %max3A_611 = arith.constant 1.000000e+00 : f32
        %max3A_612 = vector.broadcast %max3A_611 : f32 to vector<16xf32>
        %max3A_613 = arith.maximumf %get3A_610, %max3A_612 : vector<16xf32>
        %div3A_614 = arith.constant 1.000000e+00 : f32
        %div3A_615 = vector.broadcast %div3A_614 : f32 to vector<16xf32>
        %div3A_616 = arith.divf %div3A_615, %max3A_613 : vector<16xf32>
        %swap3A_617 = arith.constant 528 : index
        %swap3A_618 = tpu.vector_load %arg16[%swap3A_617] {strides = array<i32>} : memref<1280xf32, #tpu.memory_space<vmem>>, vector<16xf32>,
        %swap3A_619 = vector.shape_cast %swap3A_618 : vector<16xf32> to vector<16xf32>
        %swap3A_620 = vector.shape_cast %div3A_616 : vector<16xf32> to vector<16xf32>
        tpu.vector_store %arg16[%swap3A_617], %swap3A_620 {strides = array<i32>} : memref<1280xf32, #tpu.memory_space<vmem>>, vector<16xf32>,
        %get3A_621 = arith.constant 544 : index
        %get3A_622 = tpu.vector_load %arg17[%get3A_621] {strides = array<i32>} : memref<1280xf32, #tpu.memory_space<vmem>>, vector<16xf32>,
        %get3A_623 = vector.shape_cast %get3A_622 : vector<16xf32> to vector<16xf32>
        %max3A_624 = arith.constant 1.000000e+00 : f32
        %max3A_625 = vector.broadcast %max3A_624 : f32 to vector<16xf32>
        %max3A_626 = arith.maximumf %get3A_623, %max3A_625 : vector<16xf32>
        %div3A_627 = arith.constant 1.000000e+00 : f32
        %div3A_628 = vector.broadcast %div3A_627 : f32 to vector<16xf32>
        %div3A_629 = arith.divf %div3A_628, %max3A_626 : vector<16xf32>
        %swap3A_630 = arith.constant 544 : index
        %swap3A_631 = tpu.vector_load %arg16[%swap3A_630] {strides = array<i32>} : memref<1280xf32, #tpu.memory_space<vmem>>, vector<16xf32>,
        %swap3A_632 = vector.shape_cast %swap3A_631 : vector<16xf32> to vector<16xf32>
        %swap3A_633 = vector.shape_cast %div3A_629 : vector<16xf32> to vector<16xf32>
        tpu.vector_store %arg16[%swap3A_630], %swap3A_633 {strides = array<i32>} : memref<1280xf32, #tpu.memory_space<vmem>>, vector<16xf32>,
        %get3A_634 = arith.constant 560 : index
        %get3A_635 = tpu.vector_load %arg17[%get3A_634] {strides = array<i32>} : memref<1280xf32, #tpu.memory_space<vmem>>, vector<16xf32>,
        %get3A_636 = vector.shape_cast %get3A_635 : vector<16xf32> to vector<16xf32>
        %max3A_637 = arith.constant 1.000000e+00 : f32
        %max3A_638 = vector.broadcast %max3A_637 : f32 to vector<16xf32>
        %max3A_639 = arith.maximumf %get3A_636, %max3A_638 : vector<16xf32>
        %div3A_640 = arith.constant 1.000000e+00 : f32
        %div3A_641 = vector.broadcast %div3A_640 : f32 to vector<16xf32>
        %div3A_642 = arith.divf %div3A_641, %max3A_639 : vector<16xf32>
        %swap3A_643 = arith.constant 560 : index
        %swap3A_644 = tpu.vector_load %arg16[%swap3A_643] {strides = array<i32>} : memref<1280xf32, #tpu.memory_space<vmem>>, vector<16xf32>,
        %swap3A_645 = vector.shape_cast %swap3A_644 : vector<16xf32> to vector<16xf32>
        %swap3A_646 = vector.shape_cast %div3A_642 : vector<16xf32> to vector<16xf32>
        tpu.vector_store %arg16[%swap3A_643], %swap3A_646 {strides = array<i32>} : memref<1280xf32, #tpu.memory_space<vmem>>, vector<16xf32>,
        %get3A_647 = arith.constant 576 : index
        %get3A_648 = tpu.vector_load %arg17[%get3A_647] {strides = array<i32>} : memref<1280xf32, #tpu.memory_space<vmem>>, vector<16xf32>,
        %get3A_649 = vector.shape_cast %get3A_648 : vector<16xf32> to vector<16xf32>
        %max3A_650 = arith.constant 1.000000e+00 : f32
        %max3A_651 = vector.broadcast %max3A_650 : f32 to vector<16xf32>
        %max3A_652 = arith.maximumf %get3A_649, %max3A_651 : vector<16xf32>
        %div3A_653 = arith.constant 1.000000e+00 : f32
        %div3A_654 = vector.broadcast %div3A_653 : f32 to vector<16xf32>
        %div3A_655 = arith.divf %div3A_654, %max3A_652 : vector<16xf32>
        %swap3A_656 = arith.constant 576 : index
        %swap3A_657 = tpu.vector_load %arg16[%swap3A_656] {strides = array<i32>} : memref<1280xf32, #tpu.memory_space<vmem>>, vector<16xf32>,
        %swap3A_658 = vector.shape_cast %swap3A_657 : vector<16xf32> to vector<16xf32>
        %swap3A_659 = vector.shape_cast %div3A_655 : vector<16xf32> to vector<16xf32>
        tpu.vector_store %arg16[%swap3A_656], %swap3A_659 {strides = array<i32>} : memref<1280xf32, #tpu.memory_space<vmem>>, vector<16xf32>,
        %get3A_660 = arith.constant 592 : index
        %get3A_661 = tpu.vector_load %arg17[%get3A_660] {strides = array<i32>} : memref<1280xf32, #tpu.memory_space<vmem>>, vector<16xf32>,
        %get3A_662 = vector.shape_cast %get3A_661 : vector<16xf32> to vector<16xf32>
        %max3A_663 = arith.constant 1.000000e+00 : f32
        %max3A_664 = vector.broadcast %max3A_663 : f32 to vector<16xf32>
        %max3A_665 = arith.maximumf %get3A_662, %max3A_664 : vector<16xf32>
        %div3A_666 = arith.constant 1.000000e+00 : f32
        %div3A_667 = vector.broadcast %div3A_666 : f32 to vector<16xf32>
        %div3A_668 = arith.divf %div3A_667, %max3A_665 : vector<16xf32>
        %swap3A_669 = arith.constant 592 : index
        %swap3A_670 = tpu.vector_load %arg16[%swap3A_669] {strides = array<i32>} : memref<1280xf32, #tpu.memory_space<vmem>>, vector<16xf32>,
        %swap3A_671 = vector.shape_cast %swap3A_670 : vector<16xf32> to vector<16xf32>
        %swap3A_672 = vector.shape_cast %div3A_668 : vector<16xf32> to vector<16xf32>
        tpu.vector_store %arg16[%swap3A_669], %swap3A_672 {strides = array<i32>} : memref<1280xf32, #tpu.memory_space<vmem>>, vector<16xf32>,
        %get3A_673 = arith.constant 608 : index
        %get3A_674 = tpu.vector_load %arg17[%get3A_673] {strides = array<i32>} : memref<1280xf32, #tpu.memory_space<vmem>>, vector<16xf32>,
        %get3A_675 = vector.shape_cast %get3A_674 : vector<16xf32> to vector<16xf32>
        %max3A_676 = arith.constant 1.000000e+00 : f32
        %max3A_677 = vector.broadcast %max3A_676 : f32 to vector<16xf32>
        %max3A_678 = arith.maximumf %get3A_675, %max3A_677 : vector<16xf32>
        %div3A_679 = arith.constant 1.000000e+00 : f32
        %div3A_680 = vector.broadcast %div3A_679 : f32 to vector<16xf32>
        %div3A_681 = arith.divf %div3A_680, %max3A_678 : vector<16xf32>
        %swap3A_682 = arith.constant 608 : index
        %swap3A_683 = tpu.vector_load %arg16[%swap3A_682] {strides = array<i32>} : memref<1280xf32, #tpu.memory_space<vmem>>, vector<16xf32>,
        %swap3A_684 = vector.shape_cast %swap3A_683 : vector<16xf32> to vector<16xf32>
        %swap3A_685 = vector.shape_cast %div3A_681 : vector<16xf32> to vector<16xf32>
        tpu.vector_store %arg16[%swap3A_682], %swap3A_685 {strides = array<i32>} : memref<1280xf32, #tpu.memory_space<vmem>>, vector<16xf32>,
        %get3A_686 = arith.constant 624 : index
        %get3A_687 = tpu.vector_load %arg17[%get3A_686] {strides = array<i32>} : memref<1280xf32, #tpu.memory_space<vmem>>, vector<16xf32>,
        %get3A_688 = vector.shape_cast %get3A_687 : vector<16xf32> to vector<16xf32>
        %max3A_689 = arith.constant 1.000000e+00 : f32
        %max3A_690 = vector.broadcast %max3A_689 : f32 to vector<16xf32>
        %max3A_691 = arith.maximumf %get3A_688, %max3A_690 : vector<16xf32>
        %div3A_692 = arith.constant 1.000000e+00 : f32
        %div3A_693 = vector.broadcast %div3A_692 : f32 to vector<16xf32>
        %div3A_694 = arith.divf %div3A_693, %max3A_691 : vector<16xf32>
        %swap3A_695 = arith.constant 624 : index
        %swap3A_696 = tpu.vector_load %arg16[%swap3A_695] {strides = array<i32>} : memref<1280xf32, #tpu.memory_space<vmem>>, vector<16xf32>,
        %swap3A_697 = vector.shape_cast %swap3A_696 : vector<16xf32> to vector<16xf32>
        %swap3A_698 = vector.shape_cast %div3A_694 : vector<16xf32> to vector<16xf32>
        tpu.vector_store %arg16[%swap3A_695], %swap3A_698 {strides = array<i32>} : memref<1280xf32, #tpu.memory_space<vmem>>, vector<16xf32>,
        %get3A_699 = arith.constant 640 : index
        %get3A_700 = tpu.vector_load %arg17[%get3A_699] {strides = array<i32>} : memref<1280xf32, #tpu.memory_space<vmem>>, vector<16xf32>,
        %get3A_701 = vector.shape_cast %get3A_700 : vector<16xf32> to vector<16xf32>
        %max3A_702 = arith.constant 1.000000e+00 : f32
        %max3A_703 = vector.broadcast %max3A_702 : f32 to vector<16xf32>
        %max3A_704 = arith.maximumf %get3A_701, %max3A_703 : vector<16xf32>
        %div3A_705 = arith.constant 1.000000e+00 : f32
        %div3A_706 = vector.broadcast %div3A_705 : f32 to vector<16xf32>
        %div3A_707 = arith.divf %div3A_706, %max3A_704 : vector<16xf32>
        %swap3A_708 = arith.constant 640 : index
        %swap3A_709 = tpu.vector_load %arg16[%swap3A_708] {strides = array<i32>} : memref<1280xf32, #tpu.memory_space<vmem>>, vector<16xf32>,
        %swap3A_710 = vector.shape_cast %swap3A_709 : vector<16xf32> to vector<16xf32>
        %swap3A_711 = vector.shape_cast %div3A_707 : vector<16xf32> to vector<16xf32>
        tpu.vector_store %arg16[%swap3A_708], %swap3A_711 {strides = array<i32>} : memref<1280xf32, #tpu.memory_space<vmem>>, vector<16xf32>,
        %get3A_712 = arith.constant 656 : index
        %get3A_713 = tpu.vector_load %arg17[%get3A_712] {strides = array<i32>} : memref<1280xf32, #tpu.memory_space<vmem>>, vector<16xf32>,
        %get3A_714 = vector.shape_cast %get3A_713 : vector<16xf32> to vector<16xf32>
        %max3A_715 = arith.constant 1.000000e+00 : f32
        %max3A_716 = vector.broadcast %max3A_715 : f32 to vector<16xf32>
        %max3A_717 = arith.maximumf %get3A_714, %max3A_716 : vector<16xf32>
        %div3A_718 = arith.constant 1.000000e+00 : f32
        %div3A_719 = vector.broadcast %div3A_718 : f32 to vector<16xf32>
        %div3A_720 = arith.divf %div3A_719, %max3A_717 : vector<16xf32>
        %swap3A_721 = arith.constant 656 : index
        %swap3A_722 = tpu.vector_load %arg16[%swap3A_721] {strides = array<i32>} : memref<1280xf32, #tpu.memory_space<vmem>>, vector<16xf32>,
        %swap3A_723 = vector.shape_cast %swap3A_722 : vector<16xf32> to vector<16xf32>
        %swap3A_724 = vector.shape_cast %div3A_720 : vector<16xf32> to vector<16xf32>
        tpu.vector_store %arg16[%swap3A_721], %swap3A_724 {strides = array<i32>} : memref<1280xf32, #tpu.memory_space<vmem>>, vector<16xf32>,
        %get3A_725 = arith.constant 672 : index
        %get3A_726 = tpu.vector_load %arg17[%get3A_725] {strides = array<i32>} : memref<1280xf32, #tpu.memory_space<vmem>>, vector<16xf32>,
        %get3A_727 = vector.shape_cast %get3A_726 : vector<16xf32> to vector<16xf32>
        %max3A_728 = arith.constant 1.000000e+00 : f32
        %max3A_729 = vector.broadcast %max3A_728 : f32 to vector<16xf32>
        %max3A_730 = arith.maximumf %get3A_727, %max3A_729 : vector<16xf32>
        %div3A_731 = arith.constant 1.000000e+00 : f32
        %div3A_732 = vector.broadcast %div3A_731 : f32 to vector<16xf32>
        %div3A_733 = arith.divf %div3A_732, %max3A_730 : vector<16xf32>
        %swap3A_734 = arith.constant 672 : index
        %swap3A_735 = tpu.vector_load %arg16[%swap3A_734] {strides = array<i32>} : memref<1280xf32, #tpu.memory_space<vmem>>, vector<16xf32>,
        %swap3A_736 = vector.shape_cast %swap3A_735 : vector<16xf32> to vector<16xf32>
        %swap3A_737 = vector.shape_cast %div3A_733 : vector<16xf32> to vector<16xf32>
        tpu.vector_store %arg16[%swap3A_734], %swap3A_737 {strides = array<i32>} : memref<1280xf32, #tpu.memory_space<vmem>>, vector<16xf32>,
        %get3A_738 = arith.constant 688 : index
        %get3A_739 = tpu.vector_load %arg17[%get3A_738] {strides = array<i32>} : memref<1280xf32, #tpu.memory_space<vmem>>, vector<16xf32>,
        %get3A_740 = vector.shape_cast %get3A_739 : vector<16xf32> to vector<16xf32>
        %max3A_741 = arith.constant 1.000000e+00 : f32
        %max3A_742 = vector.broadcast %max3A_741 : f32 to vector<16xf32>
        %max3A_743 = arith.maximumf %get3A_740, %max3A_742 : vector<16xf32>
        %div3A_744 = arith.constant 1.000000e+00 : f32
        %div3A_745 = vector.broadcast %div3A_744 : f32 to vector<16xf32>
        %div3A_746 = arith.divf %div3A_745, %max3A_743 : vector<16xf32>
        %swap3A_747 = arith.constant 688 : index
        %swap3A_748 = tpu.vector_load %arg16[%swap3A_747] {strides = array<i32>} : memref<1280xf32, #tpu.memory_space<vmem>>, vector<16xf32>,
        %swap3A_749 = vector.shape_cast %swap3A_748 : vector<16xf32> to vector<16xf32>
        %swap3A_750 = vector.shape_cast %div3A_746 : vector<16xf32> to vector<16xf32>
        tpu.vector_store %arg16[%swap3A_747], %swap3A_750 {strides = array<i32>} : memref<1280xf32, #tpu.memory_space<vmem>>, vector<16xf32>,
        %get3A_751 = arith.constant 704 : index
        %get3A_752 = tpu.vector_load %arg17[%get3A_751] {strides = array<i32>} : memref<1280xf32, #tpu.memory_space<vmem>>, vector<16xf32>,
        %get3A_753 = vector.shape_cast %get3A_752 : vector<16xf32> to vector<16xf32>
        %max3A_754 = arith.constant 1.000000e+00 : f32
        %max3A_755 = vector.broadcast %max3A_754 : f32 to vector<16xf32>
        %max3A_756 = arith.maximumf %get3A_753, %max3A_755 : vector<16xf32>
        %div3A_757 = arith.constant 1.000000e+00 : f32
        %div3A_758 = vector.broadcast %div3A_757 : f32 to vector<16xf32>
        %div3A_759 = arith.divf %div3A_758, %max3A_756 : vector<16xf32>
        %swap3A_760 = arith.constant 704 : index
        %swap3A_761 = tpu.vector_load %arg16[%swap3A_760] {strides = array<i32>} : memref<1280xf32, #tpu.memory_space<vmem>>, vector<16xf32>,
        %swap3A_762 = vector.shape_cast %swap3A_761 : vector<16xf32> to vector<16xf32>
        %swap3A_763 = vector.shape_cast %div3A_759 : vector<16xf32> to vector<16xf32>
        tpu.vector_store %arg16[%swap3A_760], %swap3A_763 {strides = array<i32>} : memref<1280xf32, #tpu.memory_space<vmem>>, vector<16xf32>,
        %get3A_764 = arith.constant 720 : index
        %get3A_765 = tpu.vector_load %arg17[%get3A_764] {strides = array<i32>} : memref<1280xf32, #tpu.memory_space<vmem>>, vector<16xf32>,
        %get3A_766 = vector.shape_cast %get3A_765 : vector<16xf32> to vector<16xf32>
        %max3A_767 = arith.constant 1.000000e+00 : f32
        %max3A_768 = vector.broadcast %max3A_767 : f32 to vector<16xf32>
        %max3A_769 = arith.maximumf %get3A_766, %max3A_768 : vector<16xf32>
        %div3A_770 = arith.constant 1.000000e+00 : f32
        %div3A_771 = vector.broadcast %div3A_770 : f32 to vector<16xf32>
        %div3A_772 = arith.divf %div3A_771, %max3A_769 : vector<16xf32>
        %swap3A_773 = arith.constant 720 : index
        %swap3A_774 = tpu.vector_load %arg16[%swap3A_773] {strides = array<i32>} : memref<1280xf32, #tpu.memory_space<vmem>>, vector<16xf32>,
        %swap3A_775 = vector.shape_cast %swap3A_774 : vector<16xf32> to vector<16xf32>
        %swap3A_776 = vector.shape_cast %div3A_772 : vector<16xf32> to vector<16xf32>
        tpu.vector_store %arg16[%swap3A_773], %swap3A_776 {strides = array<i32>} : memref<1280xf32, #tpu.memory_space<vmem>>, vector<16xf32>,
        %get3A_777 = arith.constant 736 : index
        %get3A_778 = tpu.vector_load %arg17[%get3A_777] {strides = array<i32>} : memref<1280xf32, #tpu.memory_space<vmem>>, vector<16xf32>,
        %get3A_779 = vector.shape_cast %get3A_778 : vector<16xf32> to vector<16xf32>
        %max3A_780 = arith.constant 1.000000e+00 : f32
        %max3A_781 = vector.broadcast %max3A_780 : f32 to vector<16xf32>
        %max3A_782 = arith.maximumf %get3A_779, %max3A_781 : vector<16xf32>
        %div3A_783 = arith.constant 1.000000e+00 : f32
        %div3A_784 = vector.broadcast %div3A_783 : f32 to vector<16xf32>
        %div3A_785 = arith.divf %div3A_784, %max3A_782 : vector<16xf32>
        %swap3A_786 = arith.constant 736 : index
        %swap3A_787 = tpu.vector_load %arg16[%swap3A_786] {strides = array<i32>} : memref<1280xf32, #tpu.memory_space<vmem>>, vector<16xf32>,
        %swap3A_788 = vector.shape_cast %swap3A_787 : vector<16xf32> to vector<16xf32>
        %swap3A_789 = vector.shape_cast %div3A_785 : vector<16xf32> to vector<16xf32>
        tpu.vector_store %arg16[%swap3A_786], %swap3A_789 {strides = array<i32>} : memref<1280xf32, #tpu.memory_space<vmem>>, vector<16xf32>,
        %get3A_790 = arith.constant 752 : index
        %get3A_791 = tpu.vector_load %arg17[%get3A_790] {strides = array<i32>} : memref<1280xf32, #tpu.memory_space<vmem>>, vector<16xf32>,
        %get3A_792 = vector.shape_cast %get3A_791 : vector<16xf32> to vector<16xf32>
        %max3A_793 = arith.constant 1.000000e+00 : f32
        %max3A_794 = vector.broadcast %max3A_793 : f32 to vector<16xf32>
        %max3A_795 = arith.maximumf %get3A_792, %max3A_794 : vector<16xf32>
        %div3A_796 = arith.constant 1.000000e+00 : f32
        %div3A_797 = vector.broadcast %div3A_796 : f32 to vector<16xf32>
        %div3A_798 = arith.divf %div3A_797, %max3A_795 : vector<16xf32>
        %swap3A_799 = arith.constant 752 : index
        %swap3A_800 = tpu.vector_load %arg16[%swap3A_799] {strides = array<i32>} : memref<1280xf32, #tpu.memory_space<vmem>>, vector<16xf32>,
        %swap3A_801 = vector.shape_cast %swap3A_800 : vector<16xf32> to vector<16xf32>
        %swap3A_802 = vector.shape_cast %div3A_798 : vector<16xf32> to vector<16xf32>
        tpu.vector_store %arg16[%swap3A_799], %swap3A_802 {strides = array<i32>} : memref<1280xf32, #tpu.memory_space<vmem>>, vector<16xf32>,
        %get3A_803 = arith.constant 768 : index
        %get3A_804 = tpu.vector_load %arg17[%get3A_803] {strides = array<i32>} : memref<1280xf32, #tpu.memory_space<vmem>>, vector<16xf32>,
        %get3A_805 = vector.shape_cast %get3A_804 : vector<16xf32> to vector<16xf32>
        %max3A_806 = arith.constant 1.000000e+00 : f32
        %max3A_807 = vector.broadcast %max3A_806 : f32 to vector<16xf32>
        %max3A_808 = arith.maximumf %get3A_805, %max3A_807 : vector<16xf32>
        %div3A_809 = arith.constant 1.000000e+00 : f32
        %div3A_810 = vector.broadcast %div3A_809 : f32 to vector<16xf32>
        %div3A_811 = arith.divf %div3A_810, %max3A_808 : vector<16xf32>
        %swap3A_812 = arith.constant 768 : index
        %swap3A_813 = tpu.vector_load %arg16[%swap3A_812] {strides = array<i32>} : memref<1280xf32, #tpu.memory_space<vmem>>, vector<16xf32>,
        %swap3A_814 = vector.shape_cast %swap3A_813 : vector<16xf32> to vector<16xf32>
        %swap3A_815 = vector.shape_cast %div3A_811 : vector<16xf32> to vector<16xf32>
        tpu.vector_store %arg16[%swap3A_812], %swap3A_815 {strides = array<i32>} : memref<1280xf32, #tpu.memory_space<vmem>>, vector<16xf32>,
        %get3A_816 = arith.constant 784 : index
        %get3A_817 = tpu.vector_load %arg17[%get3A_816] {strides = array<i32>} : memref<1280xf32, #tpu.memory_space<vmem>>, vector<16xf32>,
        %get3A_818 = vector.shape_cast %get3A_817 : vector<16xf32> to vector<16xf32>
        %max3A_819 = arith.constant 1.000000e+00 : f32
        %max3A_820 = vector.broadcast %max3A_819 : f32 to vector<16xf32>
        %max3A_821 = arith.maximumf %get3A_818, %max3A_820 : vector<16xf32>
        %div3A_822 = arith.constant 1.000000e+00 : f32
        %div3A_823 = vector.broadcast %div3A_822 : f32 to vector<16xf32>
        %div3A_824 = arith.divf %div3A_823, %max3A_821 : vector<16xf32>
        %swap3A_825 = arith.constant 784 : index
        %swap3A_826 = tpu.vector_load %arg16[%swap3A_825] {strides = array<i32>} : memref<1280xf32, #tpu.memory_space<vmem>>, vector<16xf32>,
        %swap3A_827 = vector.shape_cast %swap3A_826 : vector<16xf32> to vector<16xf32>
        %swap3A_828 = vector.shape_cast %div3A_824 : vector<16xf32> to vector<16xf32>
        tpu.vector_store %arg16[%swap3A_825], %swap3A_828 {strides = array<i32>} : memref<1280xf32, #tpu.memory_space<vmem>>, vector<16xf32>,
        %get3A_829 = arith.constant 800 : index
        %get3A_830 = tpu.vector_load %arg17[%get3A_829] {strides = array<i32>} : memref<1280xf32, #tpu.memory_space<vmem>>, vector<16xf32>,
        %get3A_831 = vector.shape_cast %get3A_830 : vector<16xf32> to vector<16xf32>
        %max3A_832 = arith.constant 1.000000e+00 : f32
        %max3A_833 = vector.broadcast %max3A_832 : f32 to vector<16xf32>
        %max3A_834 = arith.maximumf %get3A_831, %max3A_833 : vector<16xf32>
        %div3A_835 = arith.constant 1.000000e+00 : f32
        %div3A_836 = vector.broadcast %div3A_835 : f32 to vector<16xf32>
        %div3A_837 = arith.divf %div3A_836, %max3A_834 : vector<16xf32>
        %swap3A_838 = arith.constant 800 : index
        %swap3A_839 = tpu.vector_load %arg16[%swap3A_838] {strides = array<i32>} : memref<1280xf32, #tpu.memory_space<vmem>>, vector<16xf32>,
        %swap3A_840 = vector.shape_cast %swap3A_839 : vector<16xf32> to vector<16xf32>
        %swap3A_841 = vector.shape_cast %div3A_837 : vector<16xf32> to vector<16xf32>
        tpu.vector_store %arg16[%swap3A_838], %swap3A_841 {strides = array<i32>} : memref<1280xf32, #tpu.memory_space<vmem>>, vector<16xf32>,
        %get3A_842 = arith.constant 816 : index
        %get3A_843 = tpu.vector_load %arg17[%get3A_842] {strides = array<i32>} : memref<1280xf32, #tpu.memory_space<vmem>>, vector<16xf32>,
        %get3A_844 = vector.shape_cast %get3A_843 : vector<16xf32> to vector<16xf32>
        %max3A_845 = arith.constant 1.000000e+00 : f32
        %max3A_846 = vector.broadcast %max3A_845 : f32 to vector<16xf32>
        %max3A_847 = arith.maximumf %get3A_844, %max3A_846 : vector<16xf32>
        %div3A_848 = arith.constant 1.000000e+00 : f32
        %div3A_849 = vector.broadcast %div3A_848 : f32 to vector<16xf32>
        %div3A_850 = arith.divf %div3A_849, %max3A_847 : vector<16xf32>
        %swap3A_851 = arith.constant 816 : index
        %swap3A_852 = tpu.vector_load %arg16[%swap3A_851] {strides = array<i32>} : memref<1280xf32, #tpu.memory_space<vmem>>, vector<16xf32>,
        %swap3A_853 = vector.shape_cast %swap3A_852 : vector<16xf32> to vector<16xf32>
        %swap3A_854 = vector.shape_cast %div3A_850 : vector<16xf32> to vector<16xf32>
        tpu.vector_store %arg16[%swap3A_851], %swap3A_854 {strides = array<i32>} : memref<1280xf32, #tpu.memory_space<vmem>>, vector<16xf32>,
        %get3A_855 = arith.constant 832 : index
        %get3A_856 = tpu.vector_load %arg17[%get3A_855] {strides = array<i32>} : memref<1280xf32, #tpu.memory_space<vmem>>, vector<16xf32>,
        %get3A_857 = vector.shape_cast %get3A_856 : vector<16xf32> to vector<16xf32>
        %max3A_858 = arith.constant 1.000000e+00 : f32
        %max3A_859 = vector.broadcast %max3A_858 : f32 to vector<16xf32>
        %max3A_860 = arith.maximumf %get3A_857, %max3A_859 : vector<16xf32>
        %div3A_861 = arith.constant 1.000000e+00 : f32
        %div3A_862 = vector.broadcast %div3A_861 : f32 to vector<16xf32>
        %div3A_863 = arith.divf %div3A_862, %max3A_860 : vector<16xf32>
        %swap3A_864 = arith.constant 832 : index
        %swap3A_865 = tpu.vector_load %arg16[%swap3A_864] {strides = array<i32>} : memref<1280xf32, #tpu.memory_space<vmem>>, vector<16xf32>,
        %swap3A_866 = vector.shape_cast %swap3A_865 : vector<16xf32> to vector<16xf32>
        %swap3A_867 = vector.shape_cast %div3A_863 : vector<16xf32> to vector<16xf32>
        tpu.vector_store %arg16[%swap3A_864], %swap3A_867 {strides = array<i32>} : memref<1280xf32, #tpu.memory_space<vmem>>, vector<16xf32>,
        %get3A_868 = arith.constant 848 : index
        %get3A_869 = tpu.vector_load %arg17[%get3A_868] {strides = array<i32>} : memref<1280xf32, #tpu.memory_space<vmem>>, vector<16xf32>,
        %get3A_870 = vector.shape_cast %get3A_869 : vector<16xf32> to vector<16xf32>
        %max3A_871 = arith.constant 1.000000e+00 : f32
        %max3A_872 = vector.broadcast %max3A_871 : f32 to vector<16xf32>
        %max3A_873 = arith.maximumf %get3A_870, %max3A_872 : vector<16xf32>
        %div3A_874 = arith.constant 1.000000e+00 : f32
        %div3A_875 = vector.broadcast %div3A_874 : f32 to vector<16xf32>
        %div3A_876 = arith.divf %div3A_875, %max3A_873 : vector<16xf32>
        %swap3A_877 = arith.constant 848 : index
        %swap3A_878 = tpu.vector_load %arg16[%swap3A_877] {strides = array<i32>} : memref<1280xf32, #tpu.memory_space<vmem>>, vector<16xf32>,
        %swap3A_879 = vector.shape_cast %swap3A_878 : vector<16xf32> to vector<16xf32>
        %swap3A_880 = vector.shape_cast %div3A_876 : vector<16xf32> to vector<16xf32>
        tpu.vector_store %arg16[%swap3A_877], %swap3A_880 {strides = array<i32>} : memref<1280xf32, #tpu.memory_space<vmem>>, vector<16xf32>,
        %get3A_881 = arith.constant 864 : index
        %get3A_882 = tpu.vector_load %arg17[%get3A_881] {strides = array<i32>} : memref<1280xf32, #tpu.memory_space<vmem>>, vector<16xf32>,
        %get3A_883 = vector.shape_cast %get3A_882 : vector<16xf32> to vector<16xf32>
        %max3A_884 = arith.constant 1.000000e+00 : f32
        %max3A_885 = vector.broadcast %max3A_884 : f32 to vector<16xf32>
        %max3A_886 = arith.maximumf %get3A_883, %max3A_885 : vector<16xf32>
        %div3A_887 = arith.constant 1.000000e+00 : f32
        %div3A_888 = vector.broadcast %div3A_887 : f32 to vector<16xf32>
        %div3A_889 = arith.divf %div3A_888, %max3A_886 : vector<16xf32>
        %swap3A_890 = arith.constant 864 : index
        %swap3A_891 = tpu.vector_load %arg16[%swap3A_890] {strides = array<i32>} : memref<1280xf32, #tpu.memory_space<vmem>>, vector<16xf32>,
        %swap3A_892 = vector.shape_cast %swap3A_891 : vector<16xf32> to vector<16xf32>
        %swap3A_893 = vector.shape_cast %div3A_889 : vector<16xf32> to vector<16xf32>
        tpu.vector_store %arg16[%swap3A_890], %swap3A_893 {strides = array<i32>} : memref<1280xf32, #tpu.memory_space<vmem>>, vector<16xf32>,
        %get3A_894 = arith.constant 880 : index
        %get3A_895 = tpu.vector_load %arg17[%get3A_894] {strides = array<i32>} : memref<1280xf32, #tpu.memory_space<vmem>>, vector<16xf32>,
        %get3A_896 = vector.shape_cast %get3A_895 : vector<16xf32> to vector<16xf32>
        %max3A_897 = arith.constant 1.000000e+00 : f32
        %max3A_898 = vector.broadcast %max3A_897 : f32 to vector<16xf32>
        %max3A_899 = arith.maximumf %get3A_896, %max3A_898 : vector<16xf32>
        %div3A_900 = arith.constant 1.000000e+00 : f32
        %div3A_901 = vector.broadcast %div3A_900 : f32 to vector<16xf32>
        %div3A_902 = arith.divf %div3A_901, %max3A_899 : vector<16xf32>
        %swap3A_903 = arith.constant 880 : index
        %swap3A_904 = tpu.vector_load %arg16[%swap3A_903] {strides = array<i32>} : memref<1280xf32, #tpu.memory_space<vmem>>, vector<16xf32>,
        %swap3A_905 = vector.shape_cast %swap3A_904 : vector<16xf32> to vector<16xf32>
        %swap3A_906 = vector.shape_cast %div3A_902 : vector<16xf32> to vector<16xf32>
        tpu.vector_store %arg16[%swap3A_903], %swap3A_906 {strides = array<i32>} : memref<1280xf32, #tpu.memory_space<vmem>>, vector<16xf32>,
        %get3A_907 = arith.constant 896 : index
        %get3A_908 = tpu.vector_load %arg17[%get3A_907] {strides = array<i32>} : memref<1280xf32, #tpu.memory_space<vmem>>, vector<16xf32>,
        %get3A_909 = vector.shape_cast %get3A_908 : vector<16xf32> to vector<16xf32>
        %max3A_910 = arith.constant 1.000000e+00 : f32
        %max3A_911 = vector.broadcast %max3A_910 : f32 to vector<16xf32>
        %max3A_912 = arith.maximumf %get3A_909, %max3A_911 : vector<16xf32>
        %div3A_913 = arith.constant 1.000000e+00 : f32
        %div3A_914 = vector.broadcast %div3A_913 : f32 to vector<16xf32>
        %div3A_915 = arith.divf %div3A_914, %max3A_912 : vector<16xf32>
        %swap3A_916 = arith.constant 896 : index
        %swap3A_917 = tpu.vector_load %arg16[%swap3A_916] {strides = array<i32>} : memref<1280xf32, #tpu.memory_space<vmem>>, vector<16xf32>,
        %swap3A_918 = vector.shape_cast %swap3A_917 : vector<16xf32> to vector<16xf32>
        %swap3A_919 = vector.shape_cast %div3A_915 : vector<16xf32> to vector<16xf32>
        tpu.vector_store %arg16[%swap3A_916], %swap3A_919 {strides = array<i32>} : memref<1280xf32, #tpu.memory_space<vmem>>, vector<16xf32>,
        %get3A_920 = arith.constant 912 : index
        %get3A_921 = tpu.vector_load %arg17[%get3A_920] {strides = array<i32>} : memref<1280xf32, #tpu.memory_space<vmem>>, vector<16xf32>,
        %get3A_922 = vector.shape_cast %get3A_921 : vector<16xf32> to vector<16xf32>
        %max3A_923 = arith.constant 1.000000e+00 : f32
        %max3A_924 = vector.broadcast %max3A_923 : f32 to vector<16xf32>
        %max3A_925 = arith.maximumf %get3A_922, %max3A_924 : vector<16xf32>
        %div3A_926 = arith.constant 1.000000e+00 : f32
        %div3A_927 = vector.broadcast %div3A_926 : f32 to vector<16xf32>
        %div3A_928 = arith.divf %div3A_927, %max3A_925 : vector<16xf32>
        %swap3A_929 = arith.constant 912 : index
        %swap3A_930 = tpu.vector_load %arg16[%swap3A_929] {strides = array<i32>} : memref<1280xf32, #tpu.memory_space<vmem>>, vector<16xf32>,
        %swap3A_931 = vector.shape_cast %swap3A_930 : vector<16xf32> to vector<16xf32>
        %swap3A_932 = vector.shape_cast %div3A_928 : vector<16xf32> to vector<16xf32>
        tpu.vector_store %arg16[%swap3A_929], %swap3A_932 {strides = array<i32>} : memref<1280xf32, #tpu.memory_space<vmem>>, vector<16xf32>,
        %get3A_933 = arith.constant 928 : index
        %get3A_934 = tpu.vector_load %arg17[%get3A_933] {strides = array<i32>} : memref<1280xf32, #tpu.memory_space<vmem>>, vector<16xf32>,
        %get3A_935 = vector.shape_cast %get3A_934 : vector<16xf32> to vector<16xf32>
        %max3A_936 = arith.constant 1.000000e+00 : f32
        %max3A_937 = vector.broadcast %max3A_936 : f32 to vector<16xf32>
        %max3A_938 = arith.maximumf %get3A_935, %max3A_937 : vector<16xf32>
        %div3A_939 = arith.constant 1.000000e+00 : f32
        %div3A_940 = vector.broadcast %div3A_939 : f32 to vector<16xf32>
        %div3A_941 = arith.divf %div3A_940, %max3A_938 : vector<16xf32>
        %swap3A_942 = arith.constant 928 : index
        %swap3A_943 = tpu.vector_load %arg16[%swap3A_942] {strides = array<i32>} : memref<1280xf32, #tpu.memory_space<vmem>>, vector<16xf32>,
        %swap3A_944 = vector.shape_cast %swap3A_943 : vector<16xf32> to vector<16xf32>
        %swap3A_945 = vector.shape_cast %div3A_941 : vector<16xf32> to vector<16xf32>
        tpu.vector_store %arg16[%swap3A_942], %swap3A_945 {strides = array<i32>} : memref<1280xf32, #tpu.memory_space<vmem>>, vector<16xf32>,
        %get3A_946 = arith.constant 944 : index
        %get3A_947 = tpu.vector_load %arg17[%get3A_946] {strides = array<i32>} : memref<1280xf32, #tpu.memory_space<vmem>>, vector<16xf32>,
        %get3A_948 = vector.shape_cast %get3A_947 : vector<16xf32> to vector<16xf32>
        %max3A_949 = arith.constant 1.000000e+00 : f32
        %max3A_950 = vector.broadcast %max3A_949 : f32 to vector<16xf32>
        %max3A_951 = arith.maximumf %get3A_948, %max3A_950 : vector<16xf32>
        %div3A_952 = arith.constant 1.000000e+00 : f32
        %div3A_953 = vector.broadcast %div3A_952 : f32 to vector<16xf32>
        %div3A_954 = arith.divf %div3A_953, %max3A_951 : vector<16xf32>
        %swap3A_955 = arith.constant 944 : index
        %swap3A_956 = tpu.vector_load %arg16[%swap3A_955] {strides = array<i32>} : memref<1280xf32, #tpu.memory_space<vmem>>, vector<16xf32>,
        %swap3A_957 = vector.shape_cast %swap3A_956 : vector<16xf32> to vector<16xf32>
        %swap3A_958 = vector.shape_cast %div3A_954 : vector<16xf32> to vector<16xf32>
        tpu.vector_store %arg16[%swap3A_955], %swap3A_958 {strides = array<i32>} : memref<1280xf32, #tpu.memory_space<vmem>>, vector<16xf32>,
        %get3A_959 = arith.constant 960 : index
        %get3A_960 = tpu.vector_load %arg17[%get3A_959] {strides = array<i32>} : memref<1280xf32, #tpu.memory_space<vmem>>, vector<16xf32>,
        %get3A_961 = vector.shape_cast %get3A_960 : vector<16xf32> to vector<16xf32>
        %max3A_962 = arith.constant 1.000000e+00 : f32
        %max3A_963 = vector.broadcast %max3A_962 : f32 to vector<16xf32>
        %max3A_964 = arith.maximumf %get3A_961, %max3A_963 : vector<16xf32>
        %div3A_965 = arith.constant 1.000000e+00 : f32
        %div3A_966 = vector.broadcast %div3A_965 : f32 to vector<16xf32>
        %div3A_967 = arith.divf %div3A_966, %max3A_964 : vector<16xf32>
        %swap3A_968 = arith.constant 960 : index
        %swap3A_969 = tpu.vector_load %arg16[%swap3A_968] {strides = array<i32>} : memref<1280xf32, #tpu.memory_space<vmem>>, vector<16xf32>,
        %swap3A_970 = vector.shape_cast %swap3A_969 : vector<16xf32> to vector<16xf32>
        %swap3A_971 = vector.shape_cast %div3A_967 : vector<16xf32> to vector<16xf32>
        tpu.vector_store %arg16[%swap3A_968], %swap3A_971 {strides = array<i32>} : memref<1280xf32, #tpu.memory_space<vmem>>, vector<16xf32>,
        %get3A_972 = arith.constant 976 : index
        %get3A_973 = tpu.vector_load %arg17[%get3A_972] {strides = array<i32>} : memref<1280xf32, #tpu.memory_space<vmem>>, vector<16xf32>,
        %get3A_974 = vector.shape_cast %get3A_973 : vector<16xf32> to vector<16xf32>
        %max3A_975 = arith.constant 1.000000e+00 : f32
        %max3A_976 = vector.broadcast %max3A_975 : f32 to vector<16xf32>
        %max3A_977 = arith.maximumf %get3A_974, %max3A_976 : vector<16xf32>
        %div3A_978 = arith.constant 1.000000e+00 : f32
        %div3A_979 = vector.broadcast %div3A_978 : f32 to vector<16xf32>
        %div3A_980 = arith.divf %div3A_979, %max3A_977 : vector<16xf32>
        %swap3A_981 = arith.constant 976 : index
        %swap3A_982 = tpu.vector_load %arg16[%swap3A_981] {strides = array<i32>} : memref<1280xf32, #tpu.memory_space<vmem>>, vector<16xf32>,
        %swap3A_983 = vector.shape_cast %swap3A_982 : vector<16xf32> to vector<16xf32>
        %swap3A_984 = vector.shape_cast %div3A_980 : vector<16xf32> to vector<16xf32>
        tpu.vector_store %arg16[%swap3A_981], %swap3A_984 {strides = array<i32>} : memref<1280xf32, #tpu.memory_space<vmem>>, vector<16xf32>,
        %get3A_985 = arith.constant 992 : index
        %get3A_986 = tpu.vector_load %arg17[%get3A_985] {strides = array<i32>} : memref<1280xf32, #tpu.memory_space<vmem>>, vector<16xf32>,
        %get3A_987 = vector.shape_cast %get3A_986 : vector<16xf32> to vector<16xf32>
        %max3A_988 = arith.constant 1.000000e+00 : f32
        %max3A_989 = vector.broadcast %max3A_988 : f32 to vector<16xf32>
        %max3A_990 = arith.maximumf %get3A_987, %max3A_989 : vector<16xf32>
        %div3A_991 = arith.constant 1.000000e+00 : f32
        %div3A_992 = vector.broadcast %div3A_991 : f32 to vector<16xf32>
        %div3A_993 = arith.divf %div3A_992, %max3A_990 : vector<16xf32>
        %swap3A_994 = arith.constant 992 : index
        %swap3A_995 = tpu.vector_load %arg16[%swap3A_994] {strides = array<i32>} : memref<1280xf32, #tpu.memory_space<vmem>>, vector<16xf32>,
        %swap3A_996 = vector.shape_cast %swap3A_995 : vector<16xf32> to vector<16xf32>
        %swap3A_997 = vector.shape_cast %div3A_993 : vector<16xf32> to vector<16xf32>
        tpu.vector_store %arg16[%swap3A_994], %swap3A_997 {strides = array<i32>} : memref<1280xf32, #tpu.memory_space<vmem>>, vector<16xf32>,
        %get3A_998 = arith.constant 1008 : index
        %get3A_999 = tpu.vector_load %arg17[%get3A_998] {strides = array<i32>} : memref<1280xf32, #tpu.memory_space<vmem>>, vector<16xf32>,
        %get3A_1000 = vector.shape_cast %get3A_999 : vector<16xf32> to vector<16xf32>
        %max3A_1001 = arith.constant 1.000000e+00 : f32
        %max3A_1002 = vector.broadcast %max3A_1001 : f32 to vector<16xf32>
        %max3A_1003 = arith.maximumf %get3A_1000, %max3A_1002 : vector<16xf32>
        %div3A_1004 = arith.constant 1.000000e+00 : f32
        %div3A_1005 = vector.broadcast %div3A_1004 : f32 to vector<16xf32>
        %div3A_1006 = arith.divf %div3A_1005, %max3A_1003 : vector<16xf32>
        %swap3A_1007 = arith.constant 1008 : index
        %swap3A_1008 = tpu.vector_load %arg16[%swap3A_1007] {strides = array<i32>} : memref<1280xf32, #tpu.memory_space<vmem>>, vector<16xf32>,
        %swap3A_1009 = vector.shape_cast %swap3A_1008 : vector<16xf32> to vector<16xf32>
        %swap3A_1010 = vector.shape_cast %div3A_1006 : vector<16xf32> to vector<16xf32>
        tpu.vector_store %arg16[%swap3A_1007], %swap3A_1010 {strides = array<i32>} : memref<1280xf32, #tpu.memory_space<vmem>>, vector<16xf32>,
        %get3A_1011 = arith.constant 1024 : index
        %get3A_1012 = tpu.vector_load %arg17[%get3A_1011] {strides = array<i32>} : memref<1280xf32, #tpu.memory_space<vmem>>, vector<16xf32>,
        %get3A_1013 = vector.shape_cast %get3A_1012 : vector<16xf32> to vector<16xf32>
        %max3A_1014 = arith.constant 1.000000e+00 : f32
        %max3A_1015 = vector.broadcast %max3A_1014 : f32 to vector<16xf32>
        %max3A_1016 = arith.maximumf %get3A_1013, %max3A_1015 : vector<16xf32>
        %div3A_1017 = arith.constant 1.000000e+00 : f32
        %div3A_1018 = vector.broadcast %div3A_1017 : f32 to vector<16xf32>
        %div3A_1019 = arith.divf %div3A_1018, %max3A_1016 : vector<16xf32>
        %swap3A_1020 = arith.constant 1024 : index
        %swap3A_1021 = tpu.vector_load %arg16[%swap3A_1020] {strides = array<i32>} : memref<1280xf32, #tpu.memory_space<vmem>>, vector<16xf32>,
        %swap3A_1022 = vector.shape_cast %swap3A_1021 : vector<16xf32> to vector<16xf32>
        %swap3A_1023 = vector.shape_cast %div3A_1019 : vector<16xf32> to vector<16xf32>
        tpu.vector_store %arg16[%swap3A_1020], %swap3A_1023 {strides = array<i32>} : memref<1280xf32, #tpu.memory_space<vmem>>, vector<16xf32>,
        %get3A_1024 = arith.constant 1040 : index
        %get3A_1025 = tpu.vector_load %arg17[%get3A_1024] {strides = array<i32>} : memref<1280xf32, #tpu.memory_space<vmem>>, vector<16xf32>,
        %get3A_1026 = vector.shape_cast %get3A_1025 : vector<16xf32> to vector<16xf32>
        %max3A_1027 = arith.constant 1.000000e+00 : f32
        %max3A_1028 = vector.broadcast %max3A_1027 : f32 to vector<16xf32>
        %max3A_1029 = arith.maximumf %get3A_1026, %max3A_1028 : vector<16xf32>
        %div3A_1030 = arith.constant 1.000000e+00 : f32
        %div3A_1031 = vector.broadcast %div3A_1030 : f32 to vector<16xf32>
        %div3A_1032 = arith.divf %div3A_1031, %max3A_1029 : vector<16xf32>
        %swap3A_1033 = arith.constant 1040 : index
        %swap3A_1034 = tpu.vector_load %arg16[%swap3A_1033] {strides = array<i32>} : memref<1280xf32, #tpu.memory_space<vmem>>, vector<16xf32>,
        %swap3A_1035 = vector.shape_cast %swap3A_1034 : vector<16xf32> to vector<16xf32>
        %swap3A_1036 = vector.shape_cast %div3A_1032 : vector<16xf32> to vector<16xf32>
        tpu.vector_store %arg16[%swap3A_1033], %swap3A_1036 {strides = array<i32>} : memref<1280xf32, #tpu.memory_space<vmem>>, vector<16xf32>,
        %get3A_1037 = arith.constant 1056 : index
        %get3A_1038 = tpu.vector_load %arg17[%get3A_1037] {strides = array<i32>} : memref<1280xf32, #tpu.memory_space<vmem>>, vector<16xf32>,
        %get3A_1039 = vector.shape_cast %get3A_1038 : vector<16xf32> to vector<16xf32>
        %max3A_1040 = arith.constant 1.000000e+00 : f32
        %max3A_1041 = vector.broadcast %max3A_1040 : f32 to vector<16xf32>
        %max3A_1042 = arith.maximumf %get3A_1039, %max3A_1041 : vector<16xf32>
        %div3A_1043 = arith.constant 1.000000e+00 : f32
        %div3A_1044 = vector.broadcast %div3A_1043 : f32 to vector<16xf32>
        %div3A_1045 = arith.divf %div3A_1044, %max3A_1042 : vector<16xf32>
        %swap3A_1046 = arith.constant 1056 : index
        %swap3A_1047 = tpu.vector_load %arg16[%swap3A_1046] {strides = array<i32>} : memref<1280xf32, #tpu.memory_space<vmem>>, vector<16xf32>,
        %swap3A_1048 = vector.shape_cast %swap3A_1047 : vector<16xf32> to vector<16xf32>
        %swap3A_1049 = vector.shape_cast %div3A_1045 : vector<16xf32> to vector<16xf32>
        tpu.vector_store %arg16[%swap3A_1046], %swap3A_1049 {strides = array<i32>} : memref<1280xf32, #tpu.memory_space<vmem>>, vector<16xf32>,
        %get3A_1050 = arith.constant 1072 : index
        %get3A_1051 = tpu.vector_load %arg17[%get3A_1050] {strides = array<i32>} : memref<1280xf32, #tpu.memory_space<vmem>>, vector<16xf32>,
        %get3A_1052 = vector.shape_cast %get3A_1051 : vector<16xf32> to vector<16xf32>
        %max3A_1053 = arith.constant 1.000000e+00 : f32
        %max3A_1054 = vector.broadcast %max3A_1053 : f32 to vector<16xf32>
        %max3A_1055 = arith.maximumf %get3A_1052, %max3A_1054 : vector<16xf32>
        %div3A_1056 = arith.constant 1.000000e+00 : f32
        %div3A_1057 = vector.broadcast %div3A_1056 : f32 to vector<16xf32>
        %div3A_1058 = arith.divf %div3A_1057, %max3A_1055 : vector<16xf32>
        %swap3A_1059 = arith.constant 1072 : index
        %swap3A_1060 = tpu.vector_load %arg16[%swap3A_1059] {strides = array<i32>} : memref<1280xf32, #tpu.memory_space<vmem>>, vector<16xf32>,
        %swap3A_1061 = vector.shape_cast %swap3A_1060 : vector<16xf32> to vector<16xf32>
        %swap3A_1062 = vector.shape_cast %div3A_1058 : vector<16xf32> to vector<16xf32>
        tpu.vector_store %arg16[%swap3A_1059], %swap3A_1062 {strides = array<i32>} : memref<1280xf32, #tpu.memory_space<vmem>>, vector<16xf32>,
        %get3A_1063 = arith.constant 1088 : index
        %get3A_1064 = tpu.vector_load %arg17[%get3A_1063] {strides = array<i32>} : memref<1280xf32, #tpu.memory_space<vmem>>, vector<16xf32>,
        %get3A_1065 = vector.shape_cast %get3A_1064 : vector<16xf32> to vector<16xf32>
        %max3A_1066 = arith.constant 1.000000e+00 : f32
        %max3A_1067 = vector.broadcast %max3A_1066 : f32 to vector<16xf32>
        %max3A_1068 = arith.maximumf %get3A_1065, %max3A_1067 : vector<16xf32>
        %div3A_1069 = arith.constant 1.000000e+00 : f32
        %div3A_1070 = vector.broadcast %div3A_1069 : f32 to vector<16xf32>
        %div3A_1071 = arith.divf %div3A_1070, %max3A_1068 : vector<16xf32>
        %swap3A_1072 = arith.constant 1088 : index
        %swap3A_1073 = tpu.vector_load %arg16[%swap3A_1072] {strides = array<i32>} : memref<1280xf32, #tpu.memory_space<vmem>>, vector<16xf32>,
        %swap3A_1074 = vector.shape_cast %swap3A_1073 : vector<16xf32> to vector<16xf32>
        %swap3A_1075 = vector.shape_cast %div3A_1071 : vector<16xf32> to vector<16xf32>
        tpu.vector_store %arg16[%swap3A_1072], %swap3A_1075 {strides = array<i32>} : memref<1280xf32, #tpu.memory_space<vmem>>, vector<16xf32>,
        %get3A_1076 = arith.constant 1104 : index
        %get3A_1077 = tpu.vector_load %arg17[%get3A_1076] {strides = array<i32>} : memref<1280xf32, #tpu.memory_space<vmem>>, vector<16xf32>,
        %get3A_1078 = vector.shape_cast %get3A_1077 : vector<16xf32> to vector<16xf32>
        %max3A_1079 = arith.constant 1.000000e+00 : f32
        %max3A_1080 = vector.broadcast %max3A_1079 : f32 to vector<16xf32>
        %max3A_1081 = arith.maximumf %get3A_1078, %max3A_1080 : vector<16xf32>
        %div3A_1082 = arith.constant 1.000000e+00 : f32
        %div3A_1083 = vector.broadcast %div3A_1082 : f32 to vector<16xf32>
        %div3A_1084 = arith.divf %div3A_1083, %max3A_1081 : vector<16xf32>
        %swap3A_1085 = arith.constant 1104 : index
        %swap3A_1086 = tpu.vector_load %arg16[%swap3A_1085] {strides = array<i32>} : memref<1280xf32, #tpu.memory_space<vmem>>, vector<16xf32>,
        %swap3A_1087 = vector.shape_cast %swap3A_1086 : vector<16xf32> to vector<16xf32>
        %swap3A_1088 = vector.shape_cast %div3A_1084 : vector<16xf32> to vector<16xf32>
        tpu.vector_store %arg16[%swap3A_1085], %swap3A_1088 {strides = array<i32>} : memref<1280xf32, #tpu.memory_space<vmem>>, vector<16xf32>,
        %get3A_1089 = arith.constant 1120 : index
        %get3A_1090 = tpu.vector_load %arg17[%get3A_1089] {strides = array<i32>} : memref<1280xf32, #tpu.memory_space<vmem>>, vector<16xf32>,
        %get3A_1091 = vector.shape_cast %get3A_1090 : vector<16xf32> to vector<16xf32>
        %max3A_1092 = arith.constant 1.000000e+00 : f32
        %max3A_1093 = vector.broadcast %max3A_1092 : f32 to vector<16xf32>
        %max3A_1094 = arith.maximumf %get3A_1091, %max3A_1093 : vector<16xf32>
        %div3A_1095 = arith.constant 1.000000e+00 : f32
        %div3A_1096 = vector.broadcast %div3A_1095 : f32 to vector<16xf32>
        %div3A_1097 = arith.divf %div3A_1096, %max3A_1094 : vector<16xf32>
        %swap3A_1098 = arith.constant 1120 : index
        %swap3A_1099 = tpu.vector_load %arg16[%swap3A_1098] {strides = array<i32>} : memref<1280xf32, #tpu.memory_space<vmem>>, vector<16xf32>,
        %swap3A_1100 = vector.shape_cast %swap3A_1099 : vector<16xf32> to vector<16xf32>
        %swap3A_1101 = vector.shape_cast %div3A_1097 : vector<16xf32> to vector<16xf32>
        tpu.vector_store %arg16[%swap3A_1098], %swap3A_1101 {strides = array<i32>} : memref<1280xf32, #tpu.memory_space<vmem>>, vector<16xf32>,
        %get3A_1102 = arith.constant 1136 : index
        %get3A_1103 = tpu.vector_load %arg17[%get3A_1102] {strides = array<i32>} : memref<1280xf32, #tpu.memory_space<vmem>>, vector<16xf32>,
        %get3A_1104 = vector.shape_cast %get3A_1103 : vector<16xf32> to vector<16xf32>
        %max3A_1105 = arith.constant 1.000000e+00 : f32
        %max3A_1106 = vector.broadcast %max3A_1105 : f32 to vector<16xf32>
        %max3A_1107 = arith.maximumf %get3A_1104, %max3A_1106 : vector<16xf32>
        %div3A_1108 = arith.constant 1.000000e+00 : f32
        %div3A_1109 = vector.broadcast %div3A_1108 : f32 to vector<16xf32>
        %div3A_1110 = arith.divf %div3A_1109, %max3A_1107 : vector<16xf32>
        %swap3A_1111 = arith.constant 1136 : index
        %swap3A_1112 = tpu.vector_load %arg16[%swap3A_1111] {strides = array<i32>} : memref<1280xf32, #tpu.memory_space<vmem>>, vector<16xf32>,
        %swap3A_1113 = vector.shape_cast %swap3A_1112 : vector<16xf32> to vector<16xf32>
        %swap3A_1114 = vector.shape_cast %div3A_1110 : vector<16xf32> to vector<16xf32>
        tpu.vector_store %arg16[%swap3A_1111], %swap3A_1114 {strides = array<i32>} : memref<1280xf32, #tpu.memory_space<vmem>>, vector<16xf32>,
        %get3A_1115 = arith.constant 1152 : index
        %get3A_1116 = tpu.vector_load %arg17[%get3A_1115] {strides = array<i32>} : memref<1280xf32, #tpu.memory_space<vmem>>, vector<16xf32>,
        %get3A_1117 = vector.shape_cast %get3A_1116 : vector<16xf32> to vector<16xf32>
        %max3A_1118 = arith.constant 1.000000e+00 : f32
        %max3A_1119 = vector.broadcast %max3A_1118 : f32 to vector<16xf32>
        %max3A_1120 = arith.maximumf %get3A_1117, %max3A_1119 : vector<16xf32>
        %div3A_1121 = arith.constant 1.000000e+00 : f32
        %div3A_1122 = vector.broadcast %div3A_1121 : f32 to vector<16xf32>
        %div3A_1123 = arith.divf %div3A_1122, %max3A_1120 : vector<16xf32>
        %swap3A_1124 = arith.constant 1152 : index
        %swap3A_1125 = tpu.vector_load %arg16[%swap3A_1124] {strides = array<i32>} : memref<1280xf32, #tpu.memory_space<vmem>>, vector<16xf32>,
        %swap3A_1126 = vector.shape_cast %swap3A_1125 : vector<16xf32> to vector<16xf32>
        %swap3A_1127 = vector.shape_cast %div3A_1123 : vector<16xf32> to vector<16xf32>
        tpu.vector_store %arg16[%swap3A_1124], %swap3A_1127 {strides = array<i32>} : memref<1280xf32, #tpu.memory_space<vmem>>, vector<16xf32>,
        %get3A_1128 = arith.constant 1168 : index
        %get3A_1129 = tpu.vector_load %arg17[%get3A_1128] {strides = array<i32>} : memref<1280xf32, #tpu.memory_space<vmem>>, vector<16xf32>,
        %get3A_1130 = vector.shape_cast %get3A_1129 : vector<16xf32> to vector<16xf32>
        %max3A_1131 = arith.constant 1.000000e+00 : f32
        %max3A_1132 = vector.broadcast %max3A_1131 : f32 to vector<16xf32>
        %max3A_1133 = arith.maximumf %get3A_1130, %max3A_1132 : vector<16xf32>
        %div3A_1134 = arith.constant 1.000000e+00 : f32
        %div3A_1135 = vector.broadcast %div3A_1134 : f32 to vector<16xf32>
        %div3A_1136 = arith.divf %div3A_1135, %max3A_1133 : vector<16xf32>
        %swap3A_1137 = arith.constant 1168 : index
        %swap3A_1138 = tpu.vector_load %arg16[%swap3A_1137] {strides = array<i32>} : memref<1280xf32, #tpu.memory_space<vmem>>, vector<16xf32>,
        %swap3A_1139 = vector.shape_cast %swap3A_1138 : vector<16xf32> to vector<16xf32>
        %swap3A_1140 = vector.shape_cast %div3A_1136 : vector<16xf32> to vector<16xf32>
        tpu.vector_store %arg16[%swap3A_1137], %swap3A_1140 {strides = array<i32>} : memref<1280xf32, #tpu.memory_space<vmem>>, vector<16xf32>,
        %get3A_1141 = arith.constant 1184 : index
        %get3A_1142 = tpu.vector_load %arg17[%get3A_1141] {strides = array<i32>} : memref<1280xf32, #tpu.memory_space<vmem>>, vector<16xf32>,
        %get3A_1143 = vector.shape_cast %get3A_1142 : vector<16xf32> to vector<16xf32>
        %max3A_1144 = arith.constant 1.000000e+00 : f32
        %max3A_1145 = vector.broadcast %max3A_1144 : f32 to vector<16xf32>
        %max3A_1146 = arith.maximumf %get3A_1143, %max3A_1145 : vector<16xf32>
        %div3A_1147 = arith.constant 1.000000e+00 : f32
        %div3A_1148 = vector.broadcast %div3A_1147 : f32 to vector<16xf32>
        %div3A_1149 = arith.divf %div3A_1148, %max3A_1146 : vector<16xf32>
        %swap3A_1150 = arith.constant 1184 : index
        %swap3A_1151 = tpu.vector_load %arg16[%swap3A_1150] {strides = array<i32>} : memref<1280xf32, #tpu.memory_space<vmem>>, vector<16xf32>,
        %swap3A_1152 = vector.shape_cast %swap3A_1151 : vector<16xf32> to vector<16xf32>
        %swap3A_1153 = vector.shape_cast %div3A_1149 : vector<16xf32> to vector<16xf32>
        tpu.vector_store %arg16[%swap3A_1150], %swap3A_1153 {strides = array<i32>} : memref<1280xf32, #tpu.memory_space<vmem>>, vector<16xf32>,
        %get3A_1154 = arith.constant 1200 : index
        %get3A_1155 = tpu.vector_load %arg17[%get3A_1154] {strides = array<i32>} : memref<1280xf32, #tpu.memory_space<vmem>>, vector<16xf32>,
        %get3A_1156 = vector.shape_cast %get3A_1155 : vector<16xf32> to vector<16xf32>
        %max3A_1157 = arith.constant 1.000000e+00 : f32
        %max3A_1158 = vector.broadcast %max3A_1157 : f32 to vector<16xf32>
        %max3A_1159 = arith.maximumf %get3A_1156, %max3A_1158 : vector<16xf32>
        %div3A_1160 = arith.constant 1.000000e+00 : f32
        %div3A_1161 = vector.broadcast %div3A_1160 : f32 to vector<16xf32>
        %div3A_1162 = arith.divf %div3A_1161, %max3A_1159 : vector<16xf32>
        %swap3A_1163 = arith.constant 1200 : index
        %swap3A_1164 = tpu.vector_load %arg16[%swap3A_1163] {strides = array<i32>} : memref<1280xf32, #tpu.memory_space<vmem>>, vector<16xf32>,
        %swap3A_1165 = vector.shape_cast %swap3A_1164 : vector<16xf32> to vector<16xf32>
        %swap3A_1166 = vector.shape_cast %div3A_1162 : vector<16xf32> to vector<16xf32>
        tpu.vector_store %arg16[%swap3A_1163], %swap3A_1166 {strides = array<i32>} : memref<1280xf32, #tpu.memory_space<vmem>>, vector<16xf32>,
        %get3A_1167 = arith.constant 1216 : index
        %get3A_1168 = tpu.vector_load %arg17[%get3A_1167] {strides = array<i32>} : memref<1280xf32, #tpu.memory_space<vmem>>, vector<16xf32>,
        %get3A_1169 = vector.shape_cast %get3A_1168 : vector<16xf32> to vector<16xf32>
        %max3A_1170 = arith.constant 1.000000e+00 : f32
        %max3A_1171 = vector.broadcast %max3A_1170 : f32 to vector<16xf32>
        %max3A_1172 = arith.maximumf %get3A_1169, %max3A_1171 : vector<16xf32>
        %div3A_1173 = arith.constant 1.000000e+00 : f32
        %div3A_1174 = vector.broadcast %div3A_1173 : f32 to vector<16xf32>
        %div3A_1175 = arith.divf %div3A_1174, %max3A_1172 : vector<16xf32>
        %swap3A_1176 = arith.constant 1216 : index
        %swap3A_1177 = tpu.vector_load %arg16[%swap3A_1176] {strides = array<i32>} : memref<1280xf32, #tpu.memory_space<vmem>>, vector<16xf32>,
        %swap3A_1178 = vector.shape_cast %swap3A_1177 : vector<16xf32> to vector<16xf32>
        %swap3A_1179 = vector.shape_cast %div3A_1175 : vector<16xf32> to vector<16xf32>
        tpu.vector_store %arg16[%swap3A_1176], %swap3A_1179 {strides = array<i32>} : memref<1280xf32, #tpu.memory_space<vmem>>, vector<16xf32>,
        %get3A_1180 = arith.constant 1232 : index
        %get3A_1181 = tpu.vector_load %arg17[%get3A_1180] {strides = array<i32>} : memref<1280xf32, #tpu.memory_space<vmem>>, vector<16xf32>,
        %get3A_1182 = vector.shape_cast %get3A_1181 : vector<16xf32> to vector<16xf32>
        %max3A_1183 = arith.constant 1.000000e+00 : f32
        %max3A_1184 = vector.broadcast %max3A_1183 : f32 to vector<16xf32>
        %max3A_1185 = arith.maximumf %get3A_1182, %max3A_1184 : vector<16xf32>
        %div3A_1186 = arith.constant 1.000000e+00 : f32
        %div3A_1187 = vector.broadcast %div3A_1186 : f32 to vector<16xf32>
        %div3A_1188 = arith.divf %div3A_1187, %max3A_1185 : vector<16xf32>
        %swap3A_1189 = arith.constant 1232 : index
        %swap3A_1190 = tpu.vector_load %arg16[%swap3A_1189] {strides = array<i32>} : memref<1280xf32, #tpu.memory_space<vmem>>, vector<16xf32>,
        %swap3A_1191 = vector.shape_cast %swap3A_1190 : vector<16xf32> to vector<16xf32>
        %swap3A_1192 = vector.shape_cast %div3A_1188 : vector<16xf32> to vector<16xf32>
        tpu.vector_store %arg16[%swap3A_1189], %swap3A_1192 {strides = array<i32>} : memref<1280xf32, #tpu.memory_space<vmem>>, vector<16xf32>,
        %get3A_1193 = arith.constant 1248 : index
        %get3A_1194 = tpu.vector_load %arg17[%get3A_1193] {strides = array<i32>} : memref<1280xf32, #tpu.memory_space<vmem>>, vector<16xf32>,
        %get3A_1195 = vector.shape_cast %get3A_1194 : vector<16xf32> to vector<16xf32>
        %max3A_1196 = arith.constant 1.000000e+00 : f32
        %max3A_1197 = vector.broadcast %max3A_1196 : f32 to vector<16xf32>
        %max3A_1198 = arith.maximumf %get3A_1195, %max3A_1197 : vector<16xf32>
        %div3A_1199 = arith.constant 1.000000e+00 : f32
        %div3A_1200 = vector.broadcast %div3A_1199 : f32 to vector<16xf32>
        %div3A_1201 = arith.divf %div3A_1200, %max3A_1198 : vector<16xf32>
        %swap3A_1202 = arith.constant 1248 : index
        %swap3A_1203 = tpu.vector_load %arg16[%swap3A_1202] {strides = array<i32>} : memref<1280xf32, #tpu.memory_space<vmem>>, vector<16xf32>,
        %swap3A_1204 = vector.shape_cast %swap3A_1203 : vector<16xf32> to vector<16xf32>
        %swap3A_1205 = vector.shape_cast %div3A_1201 : vector<16xf32> to vector<16xf32>
        tpu.vector_store %arg16[%swap3A_1202], %swap3A_1205 {strides = array<i32>} : memref<1280xf32, #tpu.memory_space<vmem>>, vector<16xf32>,
        %get3A_1206 = arith.constant 1264 : index
        %get3A_1207 = tpu.vector_load %arg17[%get3A_1206] {strides = array<i32>} : memref<1280xf32, #tpu.memory_space<vmem>>, vector<16xf32>,
        %get3A_1208 = vector.shape_cast %get3A_1207 : vector<16xf32> to vector<16xf32>
        %max3A_1209 = arith.constant 1.000000e+00 : f32
        %max3A_1210 = vector.broadcast %max3A_1209 : f32 to vector<16xf32>
        %max3A_1211 = arith.maximumf %get3A_1208, %max3A_1210 : vector<16xf32>
        %div3A_1212 = arith.constant 1.000000e+00 : f32
        %div3A_1213 = vector.broadcast %div3A_1212 : f32 to vector<16xf32>
        %div3A_1214 = arith.divf %div3A_1213, %max3A_1211 : vector<16xf32>
        %swap3A_1215 = arith.constant 1264 : index
        %swap3A_1216 = tpu.vector_load %arg16[%swap3A_1215] {strides = array<i32>} : memref<1280xf32, #tpu.memory_space<vmem>>, vector<16xf32>,
        %swap3A_1217 = vector.shape_cast %swap3A_1216 : vector<16xf32> to vector<16xf32>
        %swap3A_1218 = vector.shape_cast %div3A_1214 : vector<16xf32> to vector<16xf32>
        tpu.vector_store %arg16[%swap3A_1215], %swap3A_1218 {strides = array<i32>} : memref<1280xf32, #tpu.memory_space<vmem>>, vector<16xf32>,
        "tpu.region"() ({
          %run_scoped3A_1219 = tpu.sem_alloc : memref<!tpu.dma_semaphore, #tpu.memory_space<semaphore_mem>>
          %dma_start3A_1220 = tpu.memref_slice %arg10[%add3A_178] : memref<327680xf32, #tpu.memory_space<hbm>> -> memref<1280xf32, #tpu.memory_space<hbm>>
          %dma_start3A_1221 = tpu.memref_slice %arg10[%add3A_178] : memref<327680xf32, #tpu.memory_space<hbm>> -> memref<1280xf32, #tpu.memory_space<hbm>>
          tpu.enqueue_dma source(%arg16 : memref<1280xf32, #tpu.memory_space<vmem>>) target(%dma_start3A_1221 : memref<1280xf32, #tpu.memory_space<hbm>>) target_semaphore(%run_scoped3A_1219 : memref<!tpu.dma_semaphore, #tpu.memory_space<semaphore_mem>>)
          %dma_wait3A_1222 = tpu.memref_slice %arg10[%add3A_178] : memref<327680xf32, #tpu.memory_space<hbm>> -> memref<1280xf32, #tpu.memory_space<hbm>>
          %dma_wait3A_1223 = tpu.memref_slice %arg10[%add3A_178] : memref<327680xf32, #tpu.memory_space<hbm>> -> memref<1280xf32, #tpu.memory_space<hbm>>
          tpu.wait_dma2 semaphore(%run_scoped3A_1219 : memref<!tpu.dma_semaphore, #tpu.memory_space<semaphore_mem>>) src(%arg16 : memref<1280xf32, #tpu.memory_space<vmem>>) dst(%dma_wait3A_1223 : memref<1280xf32, #tpu.memory_space<hbm>>)
          tpu.yield
        }) : () -> ()
      }
      %scan3A_146 = arith.constant 16 : i32
      %dma_wait3A_147 = arith.constant 0 : i32
      %dma_wait3A_148 = arith.constant 0 : i32
      %dma_wait3A_149 = arith.constant 0 : i32
      %dma_wait3A_150 = tpu.memref_slice %arg14[%dma_wait3A_147, %dma_wait3A_148, %dma_wait3A_149] : memref<2x160x128xf32, #tpu.memory_space<vmem>> -> memref<1x160x128xf32, #tpu.memory_space<vmem>>
      %dma_wait3A_151 = tpu.memref_squeeze %dma_wait3A_150 : memref<1x160x128xf32, #tpu.memory_space<vmem>> -> memref<160x128xf32, #tpu.memory_space<vmem>>
      %dma_wait3A_152 = arith.constant 0 : i32
      %dma_wait3A_153 = tpu.memref_slice %arg8[%add3A_96, %dma_wait3A_152] : memref<10240x128xf32, #tpu.memory_space<hbm>> -> memref<160x128xf32, #tpu.memory_space<hbm>>
      %dma_wait3A_154 = arith.constant 0 : i32
      %dma_wait3A_155 = tpu.memref_slice %arg8[%add3A_96, %dma_wait3A_154] : memref<10240x128xf32, #tpu.memory_space<hbm>> -> memref<160x128xf32, #tpu.memory_space<hbm>>
      %dma_wait3A_156 = arith.constant 0 : i32
      %dma_wait3A_157 = arith.constant 0 : i32
      %dma_wait3A_158 = tpu.memref_slice %arg14[%dma_wait3A_147, %dma_wait3A_156, %dma_wait3A_157] : memref<2x160x128xf32, #tpu.memory_space<vmem>> -> memref<1x160x128xf32, #tpu.memory_space<vmem>>
      %dma_wait3A_159 = tpu.memref_squeeze %dma_wait3A_158 : memref<1x160x128xf32, #tpu.memory_space<vmem>> -> memref<160x128xf32, #tpu.memory_space<vmem>>
      tpu.wait_dma2 semaphore(%arg24 : memref<!tpu.dma_semaphore, #tpu.memory_space<semaphore_mem>>) src(%dma_wait3A_159 : memref<160x128xf32, #tpu.memory_space<vmem>>) dst(%dma_wait3A_155 : memref<160x128xf32, #tpu.memory_space<hbm>>)
      %dma_wait3A_160 = arith.constant 1 : i32
      %dma_wait3A_161 = arith.constant 0 : i32
      %dma_wait3A_162 = arith.constant 0 : i32
      %dma_wait3A_163 = tpu.memref_slice %arg14[%dma_wait3A_160, %dma_wait3A_161, %dma_wait3A_162] : memref<2x160x128xf32, #tpu.memory_space<vmem>> -> memref<1x160x128xf32, #tpu.memory_space<vmem>>
      %dma_wait3A_164 = tpu.memref_squeeze %dma_wait3A_163 : memref<1x160x128xf32, #tpu.memory_space<vmem>> -> memref<160x128xf32, #tpu.memory_space<vmem>>
      %dma_wait3A_165 = arith.constant 0 : i32
      %dma_wait3A_166 = tpu.memref_slice %arg8[%add3A_127, %dma_wait3A_165] : memref<10240x128xf32, #tpu.memory_space<hbm>> -> memref<160x128xf32, #tpu.memory_space<hbm>>
      %dma_wait3A_167 = arith.constant 0 : i32
      %dma_wait3A_168 = tpu.memref_slice %arg8[%add3A_127, %dma_wait3A_167] : memref<10240x128xf32, #tpu.memory_space<hbm>> -> memref<160x128xf32, #tpu.memory_space<hbm>>
      %dma_wait3A_169 = arith.constant 0 : i32
      %dma_wait3A_170 = arith.constant 0 : i32
      %dma_wait3A_171 = tpu.memref_slice %arg14[%dma_wait3A_160, %dma_wait3A_169, %dma_wait3A_170] : memref<2x160x128xf32, #tpu.memory_space<vmem>> -> memref<1x160x128xf32, #tpu.memory_space<vmem>>
      %dma_wait3A_172 = tpu.memref_squeeze %dma_wait3A_171 : memref<1x160x128xf32, #tpu.memory_space<vmem>> -> memref<160x128xf32, #tpu.memory_space<vmem>>
      tpu.wait_dma2 semaphore(%arg24 : memref<!tpu.dma_semaphore, #tpu.memory_space<semaphore_mem>>) src(%dma_wait3A_172 : memref<160x128xf32, #tpu.memory_space<vmem>>) dst(%dma_wait3A_168 : memref<160x128xf32, #tpu.memory_space<hbm>>)
    } else {
    }
    %eq3A_2 = arith.constant 1 : i32
    %eq3A_3 = arith.cmpi eq, %arg0, %eq3A_2 : i32
    %convert_element_type3A_4 = arith.extui %eq3A_3 : i1 to i32
    %cond3A_5 = arith.constant 0 : i32
    %cond3A_6 = arith.cmpi ne, %convert_element_type3A_4, %cond3A_5 : i32
    scf.if %cond3A_6 {
      %scan3A = arith.constant 0 : i32
      %scan3A_7 = arith.constant 0 : i32
      %scan3A_8 = arith.constant 40 : i32
      %scan3A_9 = arith.addi %scan3A_7, %scan3A_8 : i32
      %scan3A_10 = arith.constant 1 : i32
      scf.for %scan3A_173 = %scan3A_7 to %scan3A_9 step %scan3A_10  : i32 {
        %broadcast_in_dim3A = arith.constant 0.000000e+00 : f32
        %broadcast_in_dim3A_174 = vector.broadcast %broadcast_in_dim3A : f32 to vector<16xf32>
        %mul3A_175 = arith.constant 16 : i32
        %mul3A_176 = arith.muli %scan3A_173, %mul3A_175 : i32
        %swap3A = arith.index_cast %mul3A_176 : i32 to index
        %swap3A_177 = tpu.vector_load %arg18[%swap3A] {strides = array<i32>} : memref<640xf32, #tpu.memory_space<vmem>>, vector<16xf32>,
        %swap3A_178 = vector.shape_cast %swap3A_177 : vector<16xf32> to vector<16xf32>
        %swap3A_179 = vector.shape_cast %broadcast_in_dim3A_174 : vector<16xf32> to vector<16xf32>
        tpu.vector_store %arg18[%swap3A], %swap3A_179 {strides = array<i32>} : memref<640xf32, #tpu.memory_space<vmem>>, vector<16xf32>,
      }
      %scan3A_11 = arith.constant 40 : i32
      %scan3A_12 = arith.constant 0 : i32
      %scan3A_13 = arith.constant 0 : i32
      %scan3A_14 = arith.constant 0 : i32
      %scan3A_15 = arith.constant 1280 : i32
      %scan3A_16 = arith.addi %scan3A_14, %scan3A_15 : i32
      %scan3A_17 = arith.constant 1 : i32
      scf.for %scan3A_173 = %scan3A_14 to %scan3A_16 step %scan3A_17  : i32 {
        %jit3A = arith.constant 8 : i32
        %div3A = arith.divsi %scan3A_173, %jit3A : i32
        %sign3A = arith.constant 0 : i32
        %sign3A_174 = arith.cmpi sgt, %scan3A_173, %sign3A : i32
        %sign3A_175 = arith.extui %sign3A_174 : i1 to i32
        %sign3A_176 = arith.constant 0 : i32
        %sign3A_177 = arith.cmpi slt, %scan3A_173, %sign3A_176 : i32
        %sign3A_178 = arith.extui %sign3A_177 : i1 to i32
        %sign3A_179 = arith.subi %sign3A_175, %sign3A_178 : i32
        %sign3A_180 = arith.constant 0 : i32
        %sign3A_181 = arith.cmpi sgt, %jit3A, %sign3A_180 : i32
        %sign3A_182 = arith.extui %sign3A_181 : i1 to i32
        %sign3A_183 = arith.constant 0 : i32
        %sign3A_184 = arith.cmpi slt, %jit3A, %sign3A_183 : i32
        %sign3A_185 = arith.extui %sign3A_184 : i1 to i32
        %sign3A_186 = arith.subi %sign3A_182, %sign3A_185 : i32
        %ne3A = arith.cmpi ne, %sign3A_179, %sign3A_186 : i32
        %rem3A = arith.remsi %scan3A_173, %jit3A : i32
        %ne3A_187 = arith.constant 0 : i32
        %ne3A_188 = arith.cmpi ne, %rem3A, %ne3A_187 : i32
        %and3A = arith.andi %ne3A, %ne3A_188 : i1
        %sub3A = arith.constant 1 : i32
        %sub3A_189 = arith.subi %div3A, %sub3A : i32
        %select_n3A = arith.select %and3A, %sub3A_189, %div3A : i32
        %jit3A_190 = arith.constant 8 : i32
        %eq3A_191 = arith.constant 0 : i32
        %eq3A_192 = arith.cmpi eq, %jit3A_190, %eq3A_191 : i32
        %jit3A_193 = arith.constant 1 : i32
        %select_n3A_194 = arith.select %eq3A_192, %jit3A_193, %jit3A_190 : i32
        %rem3A_195 = arith.remsi %scan3A_173, %select_n3A_194 : i32
        %ne3A_196 = arith.constant 0 : i32
        %ne3A_197 = arith.cmpi ne, %rem3A_195, %ne3A_196 : i32
        %lt3A = arith.constant 0 : i32
        %lt3A_198 = arith.cmpi slt, %rem3A_195, %lt3A : i32
        %lt3A_199 = arith.constant 0 : i32
        %lt3A_200 = arith.cmpi slt, %select_n3A_194, %lt3A_199 : i32
        %ne3A_201 = arith.xori %lt3A_198, %lt3A_200 : i1
        %and3A_202 = arith.andi %ne3A_201, %ne3A_197 : i1
        %add3A_203 = arith.addi %rem3A_195, %select_n3A_194 : i32
        %select_n3A_204 = arith.select %and3A_202, %add3A_203, %rem3A_195 : i32
        %broadcast_in_dim3A = arith.constant 0.000000e+00 : f32
        %broadcast_in_dim3A_205 = vector.broadcast %broadcast_in_dim3A : f32 to vector<16xf32>
        %mul3A_206 = arith.constant 16 : i32
        %mul3A_207 = arith.muli %select_n3A_204, %mul3A_206 : i32
        %swap3A = arith.constant 0 : i32
        %swap3A_208 = arith.constant 0 : i32
        %swap3A_209 = tpu.memref_slice %arg14[%scan3A_13, %swap3A, %swap3A_208] : memref<2x160x128xf32, #tpu.memory_space<vmem>> -> memref<1x160x128xf32, #tpu.memory_space<vmem>>
        %swap3A_210 = tpu.memref_squeeze %swap3A_209 : memref<1x160x128xf32, #tpu.memory_space<vmem>> -> memref<160x128xf32, #tpu.memory_space<vmem>>
        %swap3A_211 = arith.index_cast %select_n3A : i32 to index
        %swap3A_212 = arith.index_cast %mul3A_207 : i32 to index
        %swap3A_213 = tpu.vector_load %swap3A_210[%swap3A_211, %swap3A_212] {strides = array<i32>} : memref<160x128xf32, #tpu.memory_space<vmem>>, vector<1x16xf32>,
        %swap3A_214 = vector.shape_cast %swap3A_213 : vector<1x16xf32> to vector<16xf32>
        %swap3A_215 = vector.shape_cast %broadcast_in_dim3A_205 : vector<16xf32> to vector<1x16xf32>
        tpu.vector_store %swap3A_210[%swap3A_211, %swap3A_212], %swap3A_215 {strides = array<i32>} : memref<160x128xf32, #tpu.memory_space<vmem>>, vector<1x16xf32>,
      }
      %scan3A_18 = arith.constant 1280 : i32
      %scan3A_19 = arith.constant 0 : i32
      %scan3A_20 = arith.constant 0 : i32
      %scan3A_21 = arith.constant 80 : i32
      %scan3A_22 = arith.addi %scan3A_20, %scan3A_21 : i32
      %scan3A_23 = arith.constant 1 : i32
      scf.for %scan3A_173 = %scan3A_20 to %scan3A_22 step %scan3A_23  : i32 {
        %broadcast_in_dim3A = arith.constant 1.000000e+00 : f32
        %broadcast_in_dim3A_174 = vector.broadcast %broadcast_in_dim3A : f32 to vector<16xf32>
        %mul3A_175 = arith.constant 16 : i32
        %mul3A_176 = arith.muli %scan3A_173, %mul3A_175 : i32
        %swap3A = arith.index_cast %mul3A_176 : i32 to index
        %swap3A_177 = tpu.vector_load %arg15[%swap3A] {strides = array<i32>} : memref<1280xf32, #tpu.memory_space<vmem>>, vector<16xf32>,
        %swap3A_178 = vector.shape_cast %swap3A_177 : vector<16xf32> to vector<16xf32>
        %swap3A_179 = vector.shape_cast %broadcast_in_dim3A_174 : vector<16xf32> to vector<16xf32>
        tpu.vector_store %arg15[%swap3A], %swap3A_179 {strides = array<i32>} : memref<1280xf32, #tpu.memory_space<vmem>>, vector<16xf32>,
      }
      %scan3A_24 = arith.constant 80 : i32
      %mul3A = arith.constant 640 : i32
      %mul3A_25 = arith.muli %arg1, %mul3A : i32
      %add3A = arith.constant 0 : i32
      %add3A_26 = arith.addi %mul3A_25, %add3A : i32
      %run_scoped3A = arith.constant 0 : i32
      "tpu.region"() ({
        %run_scoped3A_173 = tpu.sem_alloc : memref<!tpu.dma_semaphore, #tpu.memory_space<semaphore_mem>>
        %dma_start3A_174 = arith.constant 0 : i32
        %dma_start3A_175 = arith.constant 0 : i32
        %dma_start3A_176 = tpu.memref_slice %arg14[%run_scoped3A, %dma_start3A_174, %dma_start3A_175] : memref<2x160x128xf32, #tpu.memory_space<vmem>> -> memref<1x160x128xf32, #tpu.memory_space<vmem>>
        %dma_start3A_177 = tpu.memref_squeeze %dma_start3A_176 : memref<1x160x128xf32, #tpu.memory_space<vmem>> -> memref<160x128xf32, #tpu.memory_space<vmem>>
        %dma_start3A_178 = arith.constant 0 : i32
        %dma_start3A_179 = tpu.memref_slice %arg19[%add3A_26, %dma_start3A_178] : memref<10240x128xf32, #tpu.memory_space<vmem_shared>> -> memref<160x128xf32, #tpu.memory_space<vmem_shared>>
        %dma_start3A_180 = arith.constant 0 : i32
        %dma_start3A_181 = tpu.memref_slice %arg19[%add3A_26, %dma_start3A_180] : memref<10240x128xf32, #tpu.memory_space<vmem_shared>> -> memref<160x128xf32, #tpu.memory_space<vmem_shared>>
        %dma_start3A_182 = arith.constant 0 : i32
        %dma_start3A_183 = arith.constant 0 : i32
        %dma_start3A_184 = tpu.memref_slice %arg14[%run_scoped3A, %dma_start3A_182, %dma_start3A_183] : memref<2x160x128xf32, #tpu.memory_space<vmem>> -> memref<1x160x128xf32, #tpu.memory_space<vmem>>
        %dma_start3A_185 = tpu.memref_squeeze %dma_start3A_184 : memref<1x160x128xf32, #tpu.memory_space<vmem>> -> memref<160x128xf32, #tpu.memory_space<vmem>>
        tpu.enqueue_dma source(%dma_start3A_185 : memref<160x128xf32, #tpu.memory_space<vmem>>) target(%dma_start3A_181 : memref<160x128xf32, #tpu.memory_space<vmem_shared>>) target_semaphore(%run_scoped3A_173 : memref<!tpu.dma_semaphore, #tpu.memory_space<semaphore_mem>>)
        %dma_wait3A_186 = arith.constant 0 : i32
        %dma_wait3A_187 = arith.constant 0 : i32
        %dma_wait3A_188 = tpu.memref_slice %arg14[%run_scoped3A, %dma_wait3A_186, %dma_wait3A_187] : memref<2x160x128xf32, #tpu.memory_space<vmem>> -> memref<1x160x128xf32, #tpu.memory_space<vmem>>
        %dma_wait3A_189 = tpu.memref_squeeze %dma_wait3A_188 : memref<1x160x128xf32, #tpu.memory_space<vmem>> -> memref<160x128xf32, #tpu.memory_space<vmem>>
        %dma_wait3A_190 = arith.constant 0 : i32
        %dma_wait3A_191 = tpu.memref_slice %arg19[%add3A_26, %dma_wait3A_190] : memref<10240x128xf32, #tpu.memory_space<vmem_shared>> -> memref<160x128xf32, #tpu.memory_space<vmem_shared>>
        %dma_wait3A_192 = arith.constant 0 : i32
        %dma_wait3A_193 = tpu.memref_slice %arg19[%add3A_26, %dma_wait3A_192] : memref<10240x128xf32, #tpu.memory_space<vmem_shared>> -> memref<160x128xf32, #tpu.memory_space<vmem_shared>>
        %dma_wait3A_194 = arith.constant 0 : i32
        %dma_wait3A_195 = arith.constant 0 : i32
        %dma_wait3A_196 = tpu.memref_slice %arg14[%run_scoped3A, %dma_wait3A_194, %dma_wait3A_195] : memref<2x160x128xf32, #tpu.memory_space<vmem>> -> memref<1x160x128xf32, #tpu.memory_space<vmem>>
        %dma_wait3A_197 = tpu.memref_squeeze %dma_wait3A_196 : memref<1x160x128xf32, #tpu.memory_space<vmem>> -> memref<160x128xf32, #tpu.memory_space<vmem>>
        tpu.wait_dma2 semaphore(%run_scoped3A_173 : memref<!tpu.dma_semaphore, #tpu.memory_space<semaphore_mem>>) src(%dma_wait3A_197 : memref<160x128xf32, #tpu.memory_space<vmem>>) dst(%dma_wait3A_193 : memref<160x128xf32, #tpu.memory_space<vmem_shared>>)
        tpu.yield
      }) : () -> ()
      %add3A_27 = arith.constant 160 : i32
      %add3A_28 = arith.addi %mul3A_25, %add3A_27 : i32
      %run_scoped3A_29 = arith.constant 0 : i32
      "tpu.region"() ({
        %run_scoped3A_173 = tpu.sem_alloc : memref<!tpu.dma_semaphore, #tpu.memory_space<semaphore_mem>>
        %dma_start3A_174 = arith.constant 0 : i32
        %dma_start3A_175 = arith.constant 0 : i32
        %dma_start3A_176 = tpu.memref_slice %arg14[%run_scoped3A_29, %dma_start3A_174, %dma_start3A_175] : memref<2x160x128xf32, #tpu.memory_space<vmem>> -> memref<1x160x128xf32, #tpu.memory_space<vmem>>
        %dma_start3A_177 = tpu.memref_squeeze %dma_start3A_176 : memref<1x160x128xf32, #tpu.memory_space<vmem>> -> memref<160x128xf32, #tpu.memory_space<vmem>>
        %dma_start3A_178 = arith.constant 0 : i32
        %dma_start3A_179 = tpu.memref_slice %arg19[%add3A_28, %dma_start3A_178] : memref<10240x128xf32, #tpu.memory_space<vmem_shared>> -> memref<160x128xf32, #tpu.memory_space<vmem_shared>>
        %dma_start3A_180 = arith.constant 0 : i32
        %dma_start3A_181 = tpu.memref_slice %arg19[%add3A_28, %dma_start3A_180] : memref<10240x128xf32, #tpu.memory_space<vmem_shared>> -> memref<160x128xf32, #tpu.memory_space<vmem_shared>>
        %dma_start3A_182 = arith.constant 0 : i32
        %dma_start3A_183 = arith.constant 0 : i32
        %dma_start3A_184 = tpu.memref_slice %arg14[%run_scoped3A_29, %dma_start3A_182, %dma_start3A_183] : memref<2x160x128xf32, #tpu.memory_space<vmem>> -> memref<1x160x128xf32, #tpu.memory_space<vmem>>
        %dma_start3A_185 = tpu.memref_squeeze %dma_start3A_184 : memref<1x160x128xf32, #tpu.memory_space<vmem>> -> memref<160x128xf32, #tpu.memory_space<vmem>>
        tpu.enqueue_dma source(%dma_start3A_185 : memref<160x128xf32, #tpu.memory_space<vmem>>) target(%dma_start3A_181 : memref<160x128xf32, #tpu.memory_space<vmem_shared>>) target_semaphore(%run_scoped3A_173 : memref<!tpu.dma_semaphore, #tpu.memory_space<semaphore_mem>>)
        %dma_wait3A_186 = arith.constant 0 : i32
        %dma_wait3A_187 = arith.constant 0 : i32
        %dma_wait3A_188 = tpu.memref_slice %arg14[%run_scoped3A_29, %dma_wait3A_186, %dma_wait3A_187] : memref<2x160x128xf32, #tpu.memory_space<vmem>> -> memref<1x160x128xf32, #tpu.memory_space<vmem>>
        %dma_wait3A_189 = tpu.memref_squeeze %dma_wait3A_188 : memref<1x160x128xf32, #tpu.memory_space<vmem>> -> memref<160x128xf32, #tpu.memory_space<vmem>>
        %dma_wait3A_190 = arith.constant 0 : i32
        %dma_wait3A_191 = tpu.memref_slice %arg19[%add3A_28, %dma_wait3A_190] : memref<10240x128xf32, #tpu.memory_space<vmem_shared>> -> memref<160x128xf32, #tpu.memory_space<vmem_shared>>
        %dma_wait3A_192 = arith.constant 0 : i32
        %dma_wait3A_193 = tpu.memref_slice %arg19[%add3A_28, %dma_wait3A_192] : memref<10240x128xf32, #tpu.memory_space<vmem_shared>> -> memref<160x128xf32, #tpu.memory_space<vmem_shared>>
        %dma_wait3A_194 = arith.constant 0 : i32
        %dma_wait3A_195 = arith.constant 0 : i32
        %dma_wait3A_196 = tpu.memref_slice %arg14[%run_scoped3A_29, %dma_wait3A_194, %dma_wait3A_195] : memref<2x160x128xf32, #tpu.memory_space<vmem>> -> memref<1x160x128xf32, #tpu.memory_space<vmem>>
        %dma_wait3A_197 = tpu.memref_squeeze %dma_wait3A_196 : memref<1x160x128xf32, #tpu.memory_space<vmem>> -> memref<160x128xf32, #tpu.memory_space<vmem>>
        tpu.wait_dma2 semaphore(%run_scoped3A_173 : memref<!tpu.dma_semaphore, #tpu.memory_space<semaphore_mem>>) src(%dma_wait3A_197 : memref<160x128xf32, #tpu.memory_space<vmem>>) dst(%dma_wait3A_193 : memref<160x128xf32, #tpu.memory_space<vmem_shared>>)
        tpu.yield
      }) : () -> ()
      %add3A_30 = arith.constant 320 : i32
      %add3A_31 = arith.addi %mul3A_25, %add3A_30 : i32
      %run_scoped3A_32 = arith.constant 0 : i32
      "tpu.region"() ({
        %run_scoped3A_173 = tpu.sem_alloc : memref<!tpu.dma_semaphore, #tpu.memory_space<semaphore_mem>>
        %dma_start3A_174 = arith.constant 0 : i32
        %dma_start3A_175 = arith.constant 0 : i32
        %dma_start3A_176 = tpu.memref_slice %arg14[%run_scoped3A_32, %dma_start3A_174, %dma_start3A_175] : memref<2x160x128xf32, #tpu.memory_space<vmem>> -> memref<1x160x128xf32, #tpu.memory_space<vmem>>
        %dma_start3A_177 = tpu.memref_squeeze %dma_start3A_176 : memref<1x160x128xf32, #tpu.memory_space<vmem>> -> memref<160x128xf32, #tpu.memory_space<vmem>>
        %dma_start3A_178 = arith.constant 0 : i32
        %dma_start3A_179 = tpu.memref_slice %arg19[%add3A_31, %dma_start3A_178] : memref<10240x128xf32, #tpu.memory_space<vmem_shared>> -> memref<160x128xf32, #tpu.memory_space<vmem_shared>>
        %dma_start3A_180 = arith.constant 0 : i32
        %dma_start3A_181 = tpu.memref_slice %arg19[%add3A_31, %dma_start3A_180] : memref<10240x128xf32, #tpu.memory_space<vmem_shared>> -> memref<160x128xf32, #tpu.memory_space<vmem_shared>>
        %dma_start3A_182 = arith.constant 0 : i32
        %dma_start3A_183 = arith.constant 0 : i32
        %dma_start3A_184 = tpu.memref_slice %arg14[%run_scoped3A_32, %dma_start3A_182, %dma_start3A_183] : memref<2x160x128xf32, #tpu.memory_space<vmem>> -> memref<1x160x128xf32, #tpu.memory_space<vmem>>
        %dma_start3A_185 = tpu.memref_squeeze %dma_start3A_184 : memref<1x160x128xf32, #tpu.memory_space<vmem>> -> memref<160x128xf32, #tpu.memory_space<vmem>>
        tpu.enqueue_dma source(%dma_start3A_185 : memref<160x128xf32, #tpu.memory_space<vmem>>) target(%dma_start3A_181 : memref<160x128xf32, #tpu.memory_space<vmem_shared>>) target_semaphore(%run_scoped3A_173 : memref<!tpu.dma_semaphore, #tpu.memory_space<semaphore_mem>>)
        %dma_wait3A_186 = arith.constant 0 : i32
        %dma_wait3A_187 = arith.constant 0 : i32
        %dma_wait3A_188 = tpu.memref_slice %arg14[%run_scoped3A_32, %dma_wait3A_186, %dma_wait3A_187] : memref<2x160x128xf32, #tpu.memory_space<vmem>> -> memref<1x160x128xf32, #tpu.memory_space<vmem>>
        %dma_wait3A_189 = tpu.memref_squeeze %dma_wait3A_188 : memref<1x160x128xf32, #tpu.memory_space<vmem>> -> memref<160x128xf32, #tpu.memory_space<vmem>>
        %dma_wait3A_190 = arith.constant 0 : i32
        %dma_wait3A_191 = tpu.memref_slice %arg19[%add3A_31, %dma_wait3A_190] : memref<10240x128xf32, #tpu.memory_space<vmem_shared>> -> memref<160x128xf32, #tpu.memory_space<vmem_shared>>
        %dma_wait3A_192 = arith.constant 0 : i32
        %dma_wait3A_193 = tpu.memref_slice %arg19[%add3A_31, %dma_wait3A_192] : memref<10240x128xf32, #tpu.memory_space<vmem_shared>> -> memref<160x128xf32, #tpu.memory_space<vmem_shared>>
        %dma_wait3A_194 = arith.constant 0 : i32
        %dma_wait3A_195 = arith.constant 0 : i32
        %dma_wait3A_196 = tpu.memref_slice %arg14[%run_scoped3A_32, %dma_wait3A_194, %dma_wait3A_195] : memref<2x160x128xf32, #tpu.memory_space<vmem>> -> memref<1x160x128xf32, #tpu.memory_space<vmem>>
        %dma_wait3A_197 = tpu.memref_squeeze %dma_wait3A_196 : memref<1x160x128xf32, #tpu.memory_space<vmem>> -> memref<160x128xf32, #tpu.memory_space<vmem>>
        tpu.wait_dma2 semaphore(%run_scoped3A_173 : memref<!tpu.dma_semaphore, #tpu.memory_space<semaphore_mem>>) src(%dma_wait3A_197 : memref<160x128xf32, #tpu.memory_space<vmem>>) dst(%dma_wait3A_193 : memref<160x128xf32, #tpu.memory_space<vmem_shared>>)
        tpu.yield
      }) : () -> ()
      %add3A_33 = arith.constant 480 : i32
      %add3A_34 = arith.addi %mul3A_25, %add3A_33 : i32
      %run_scoped3A_35 = arith.constant 0 : i32
      "tpu.region"() ({
        %run_scoped3A_173 = tpu.sem_alloc : memref<!tpu.dma_semaphore, #tpu.memory_space<semaphore_mem>>
        %dma_start3A_174 = arith.constant 0 : i32
        %dma_start3A_175 = arith.constant 0 : i32
        %dma_start3A_176 = tpu.memref_slice %arg14[%run_scoped3A_35, %dma_start3A_174, %dma_start3A_175] : memref<2x160x128xf32, #tpu.memory_space<vmem>> -> memref<1x160x128xf32, #tpu.memory_space<vmem>>
        %dma_start3A_177 = tpu.memref_squeeze %dma_start3A_176 : memref<1x160x128xf32, #tpu.memory_space<vmem>> -> memref<160x128xf32, #tpu.memory_space<vmem>>
        %dma_start3A_178 = arith.constant 0 : i32
        %dma_start3A_179 = tpu.memref_slice %arg19[%add3A_34, %dma_start3A_178] : memref<10240x128xf32, #tpu.memory_space<vmem_shared>> -> memref<160x128xf32, #tpu.memory_space<vmem_shared>>
        %dma_start3A_180 = arith.constant 0 : i32
        %dma_start3A_181 = tpu.memref_slice %arg19[%add3A_34, %dma_start3A_180] : memref<10240x128xf32, #tpu.memory_space<vmem_shared>> -> memref<160x128xf32, #tpu.memory_space<vmem_shared>>
        %dma_start3A_182 = arith.constant 0 : i32
        %dma_start3A_183 = arith.constant 0 : i32
        %dma_start3A_184 = tpu.memref_slice %arg14[%run_scoped3A_35, %dma_start3A_182, %dma_start3A_183] : memref<2x160x128xf32, #tpu.memory_space<vmem>> -> memref<1x160x128xf32, #tpu.memory_space<vmem>>
        %dma_start3A_185 = tpu.memref_squeeze %dma_start3A_184 : memref<1x160x128xf32, #tpu.memory_space<vmem>> -> memref<160x128xf32, #tpu.memory_space<vmem>>
        tpu.enqueue_dma source(%dma_start3A_185 : memref<160x128xf32, #tpu.memory_space<vmem>>) target(%dma_start3A_181 : memref<160x128xf32, #tpu.memory_space<vmem_shared>>) target_semaphore(%run_scoped3A_173 : memref<!tpu.dma_semaphore, #tpu.memory_space<semaphore_mem>>)
        %dma_wait3A_186 = arith.constant 0 : i32
        %dma_wait3A_187 = arith.constant 0 : i32
        %dma_wait3A_188 = tpu.memref_slice %arg14[%run_scoped3A_35, %dma_wait3A_186, %dma_wait3A_187] : memref<2x160x128xf32, #tpu.memory_space<vmem>> -> memref<1x160x128xf32, #tpu.memory_space<vmem>>
        %dma_wait3A_189 = tpu.memref_squeeze %dma_wait3A_188 : memref<1x160x128xf32, #tpu.memory_space<vmem>> -> memref<160x128xf32, #tpu.memory_space<vmem>>
        %dma_wait3A_190 = arith.constant 0 : i32
        %dma_wait3A_191 = tpu.memref_slice %arg19[%add3A_34, %dma_wait3A_190] : memref<10240x128xf32, #tpu.memory_space<vmem_shared>> -> memref<160x128xf32, #tpu.memory_space<vmem_shared>>
        %dma_wait3A_192 = arith.constant 0 : i32
        %dma_wait3A_193 = tpu.memref_slice %arg19[%add3A_34, %dma_wait3A_192] : memref<10240x128xf32, #tpu.memory_space<vmem_shared>> -> memref<160x128xf32, #tpu.memory_space<vmem_shared>>
        %dma_wait3A_194 = arith.constant 0 : i32
        %dma_wait3A_195 = arith.constant 0 : i32
        %dma_wait3A_196 = tpu.memref_slice %arg14[%run_scoped3A_35, %dma_wait3A_194, %dma_wait3A_195] : memref<2x160x128xf32, #tpu.memory_space<vmem>> -> memref<1x160x128xf32, #tpu.memory_space<vmem>>
        %dma_wait3A_197 = tpu.memref_squeeze %dma_wait3A_196 : memref<1x160x128xf32, #tpu.memory_space<vmem>> -> memref<160x128xf32, #tpu.memory_space<vmem>>
        tpu.wait_dma2 semaphore(%run_scoped3A_173 : memref<!tpu.dma_semaphore, #tpu.memory_space<semaphore_mem>>) src(%dma_wait3A_197 : memref<160x128xf32, #tpu.memory_space<vmem>>) dst(%dma_wait3A_193 : memref<160x128xf32, #tpu.memory_space<vmem_shared>>)
        tpu.yield
      }) : () -> ()
      "tpu.region"() ({
        %run_scoped3A_173 = tpu.sem_alloc : memref<!tpu.dma_semaphore, #tpu.memory_space<semaphore_mem>>
        %dma_start3A_174 = tpu.memref_slice %arg20[%mul3A_25] : memref<10240xf32, #tpu.memory_space<vmem_shared>> -> memref<640xf32, #tpu.memory_space<vmem_shared>>
        %dma_start3A_175 = tpu.memref_slice %arg20[%mul3A_25] : memref<10240xf32, #tpu.memory_space<vmem_shared>> -> memref<640xf32, #tpu.memory_space<vmem_shared>>
        tpu.enqueue_dma source(%arg18 : memref<640xf32, #tpu.memory_space<vmem>>) target(%dma_start3A_175 : memref<640xf32, #tpu.memory_space<vmem_shared>>) target_semaphore(%run_scoped3A_173 : memref<!tpu.dma_semaphore, #tpu.memory_space<semaphore_mem>>)
        %dma_wait3A_176 = tpu.memref_slice %arg20[%mul3A_25] : memref<10240xf32, #tpu.memory_space<vmem_shared>> -> memref<640xf32, #tpu.memory_space<vmem_shared>>
        %dma_wait3A_177 = tpu.memref_slice %arg20[%mul3A_25] : memref<10240xf32, #tpu.memory_space<vmem_shared>> -> memref<640xf32, #tpu.memory_space<vmem_shared>>
        tpu.wait_dma2 semaphore(%run_scoped3A_173 : memref<!tpu.dma_semaphore, #tpu.memory_space<semaphore_mem>>) src(%arg18 : memref<640xf32, #tpu.memory_space<vmem>>) dst(%dma_wait3A_177 : memref<640xf32, #tpu.memory_space<vmem_shared>>)
        tpu.yield
      }) : () -> ()
      %barrier3A = arith.constant 0 : index
      tpu.barrier barrier_id(%barrier3A)
      %mul3A_36 = arith.constant 20480 : i32
      %mul3A_37 = arith.muli %arg1, %mul3A_36 : i32
      %scan3A_38 = arith.constant 0 : i32
      %scan3A_39 = arith.constant 0 : i32
      %scan3A_40 = arith.constant 16 : i32
      %scan3A_41 = arith.addi %scan3A_39, %scan3A_40 : i32
      %scan3A_42 = arith.constant 1 : i32
      scf.for %scan3A_173 = %scan3A_39 to %scan3A_41 step %scan3A_42  : i32 {
        %mul3A_174 = arith.constant 8 : i32
        %mul3A_175 = arith.muli %scan3A_173, %mul3A_174 : i32
        %mul3A_176 = arith.constant 160 : i32
        %mul3A_177 = arith.muli %mul3A_175, %mul3A_176 : i32
        %add3A_178 = arith.addi %mul3A_37, %mul3A_177 : i32
        "tpu.region"() ({
          %run_scoped3A_503 = tpu.sem_alloc : memref<!tpu.dma_semaphore, #tpu.memory_space<semaphore_mem>>
          %dma_start3A_504 = tpu.memref_slice %arg6[%add3A_178] : memref<327680xi32, #tpu.memory_space<hbm>> -> memref<1280xi32, #tpu.memory_space<hbm>>
          %dma_start3A_505 = tpu.memref_slice %arg6[%add3A_178] : memref<327680xi32, #tpu.memory_space<hbm>> -> memref<1280xi32, #tpu.memory_space<hbm>>
          tpu.enqueue_dma source(%dma_start3A_505 : memref<1280xi32, #tpu.memory_space<hbm>>) target(%arg12 : memref<1280xi32, #tpu.memory_space<vmem>>) target_semaphore(%run_scoped3A_503 : memref<!tpu.dma_semaphore, #tpu.memory_space<semaphore_mem>>)
          %dma_wait3A_506 = tpu.memref_slice %arg6[%add3A_178] : memref<327680xi32, #tpu.memory_space<hbm>> -> memref<1280xi32, #tpu.memory_space<hbm>>
          %dma_wait3A_507 = tpu.memref_slice %arg6[%add3A_178] : memref<327680xi32, #tpu.memory_space<hbm>> -> memref<1280xi32, #tpu.memory_space<hbm>>
          tpu.wait_dma2 semaphore(%run_scoped3A_503 : memref<!tpu.dma_semaphore, #tpu.memory_space<semaphore_mem>>) src(%dma_wait3A_507 : memref<1280xi32, #tpu.memory_space<hbm>>) dst(%arg12 : memref<1280xi32, #tpu.memory_space<vmem>>)
          tpu.yield
        }) : () -> ()
        "tpu.region"() ({
          %run_scoped3A_503 = tpu.sem_alloc : memref<!tpu.dma_semaphore, #tpu.memory_space<semaphore_mem>>
          %dma_start3A_504 = tpu.memref_slice %arg7[%add3A_178] : memref<327680xi32, #tpu.memory_space<hbm>> -> memref<1280xi32, #tpu.memory_space<hbm>>
          %dma_start3A_505 = tpu.memref_slice %arg7[%add3A_178] : memref<327680xi32, #tpu.memory_space<hbm>> -> memref<1280xi32, #tpu.memory_space<hbm>>
          tpu.enqueue_dma source(%dma_start3A_505 : memref<1280xi32, #tpu.memory_space<hbm>>) target(%arg13 : memref<1280xi32, #tpu.memory_space<vmem>>) target_semaphore(%run_scoped3A_503 : memref<!tpu.dma_semaphore, #tpu.memory_space<semaphore_mem>>)
          %dma_wait3A_506 = tpu.memref_slice %arg7[%add3A_178] : memref<327680xi32, #tpu.memory_space<hbm>> -> memref<1280xi32, #tpu.memory_space<hbm>>
          %dma_wait3A_507 = tpu.memref_slice %arg7[%add3A_178] : memref<327680xi32, #tpu.memory_space<hbm>> -> memref<1280xi32, #tpu.memory_space<hbm>>
          tpu.wait_dma2 semaphore(%run_scoped3A_503 : memref<!tpu.dma_semaphore, #tpu.memory_space<semaphore_mem>>) src(%dma_wait3A_507 : memref<1280xi32, #tpu.memory_space<hbm>>) dst(%arg13 : memref<1280xi32, #tpu.memory_space<vmem>>)
          tpu.yield
        }) : () -> ()
        %dma_start3A_179 = arith.constant 0 : i32
        %dma_start3A_180 = arith.constant 0 : i32
        %dma_start3A_181 = arith.constant 0 : i32
        %dma_start3A_182 = tpu.memref_slice %arg14[%dma_start3A_179, %dma_start3A_180, %dma_start3A_181] : memref<2x160x128xf32, #tpu.memory_space<vmem>> -> memref<1x160x128xf32, #tpu.memory_space<vmem>>
        %dma_start3A_183 = tpu.memref_squeeze %dma_start3A_182 : memref<1x160x128xf32, #tpu.memory_space<vmem>> -> memref<160x128xf32, #tpu.memory_space<vmem>>
        %dma_start3A_184 = arith.constant 0 : i32
        %dma_start3A_185 = tpu.memref_slice %arg12[%dma_start3A_184] : memref<1280xi32, #tpu.memory_space<vmem>> -> memref<160xi32, #tpu.memory_space<vmem>>
        %dma_start3A_186 = arith.constant 0 : i32
        %dma_start3A_187 = arith.constant 0 : i32
        %dma_start3A_188 = tpu.memref_slice %arg3[%dma_start3A_186, %dma_start3A_187] : memref<10000x128xf32, #tpu.memory_space<hbm>> -> memref<10000x128xf32, #tpu.memory_space<hbm>>
        tpu.enqueue_indirect_dma source(%dma_start3A_188 : memref<10000x128xf32, #tpu.memory_space<hbm>>) target(%dma_start3A_183 : memref<160x128xf32, #tpu.memory_space<vmem>>) offsets(%dma_start3A_185 : memref<160xi32, #tpu.memory_space<vmem>>) semaphore(%arg21 : memref<!tpu.dma_semaphore, #tpu.memory_space<semaphore_mem>>)
        %dma_start3A_189 = arith.constant 1 : i32
        %dma_start3A_190 = arith.constant 0 : i32
        %dma_start3A_191 = arith.constant 0 : i32
        %dma_start3A_192 = tpu.memref_slice %arg14[%dma_start3A_189, %dma_start3A_190, %dma_start3A_191] : memref<2x160x128xf32, #tpu.memory_space<vmem>> -> memref<1x160x128xf32, #tpu.memory_space<vmem>>
        %dma_start3A_193 = tpu.memref_squeeze %dma_start3A_192 : memref<1x160x128xf32, #tpu.memory_space<vmem>> -> memref<160x128xf32, #tpu.memory_space<vmem>>
        %dma_start3A_194 = arith.constant 160 : i32
        %dma_start3A_195 = tpu.memref_slice %arg12[%dma_start3A_194] : memref<1280xi32, #tpu.memory_space<vmem>> -> memref<160xi32, #tpu.memory_space<vmem>>
        %dma_start3A_196 = arith.constant 0 : i32
        %dma_start3A_197 = arith.constant 0 : i32
        %dma_start3A_198 = tpu.memref_slice %arg3[%dma_start3A_196, %dma_start3A_197] : memref<10000x128xf32, #tpu.memory_space<hbm>> -> memref<10000x128xf32, #tpu.memory_space<hbm>>
        tpu.enqueue_indirect_dma source(%dma_start3A_198 : memref<10000x128xf32, #tpu.memory_space<hbm>>) target(%dma_start3A_193 : memref<160x128xf32, #tpu.memory_space<vmem>>) offsets(%dma_start3A_195 : memref<160xi32, #tpu.memory_space<vmem>>) semaphore(%arg21 : memref<!tpu.dma_semaphore, #tpu.memory_space<semaphore_mem>>)
        %dma_start3A_199 = arith.constant 0 : i32
        %dma_start3A_200 = tpu.memref_slice %arg20[%dma_start3A_199] : memref<10240xf32, #tpu.memory_space<vmem_shared>> -> memref<10240xf32, #tpu.memory_space<vmem_shared>>
        tpu.enqueue_indirect_dma source(%arg15 : memref<1280xf32, #tpu.memory_space<vmem>>) target(%dma_start3A_200 : memref<10240xf32, #tpu.memory_space<vmem_shared>>) offsets(%arg13 : memref<1280xi32, #tpu.memory_space<vmem>>) semaphore(%arg23 : memref<!tpu.dma_semaphore, #tpu.memory_space<semaphore_mem>>) {add = true}
        %dma_wait3A_201 = arith.constant 0 : i32
        %dma_wait3A_202 = arith.constant 0 : i32
        %dma_wait3A_203 = arith.constant 0 : i32
        %dma_wait3A_204 = tpu.memref_slice %arg14[%dma_wait3A_201, %dma_wait3A_202, %dma_wait3A_203] : memref<2x160x128xf32, #tpu.memory_space<vmem>> -> memref<1x160x128xf32, #tpu.memory_space<vmem>>
        %dma_wait3A_205 = tpu.memref_squeeze %dma_wait3A_204 : memref<1x160x128xf32, #tpu.memory_space<vmem>> -> memref<160x128xf32, #tpu.memory_space<vmem>>
        %dma_wait3A_206 = arith.constant 0 : i32
        %dma_wait3A_207 = tpu.memref_slice %arg12[%dma_wait3A_206] : memref<1280xi32, #tpu.memory_space<vmem>> -> memref<160xi32, #tpu.memory_space<vmem>>
        %dma_wait3A_208 = arith.constant 0 : i32
        %dma_wait3A_209 = arith.constant 0 : i32
        %dma_wait3A_210 = tpu.memref_slice %arg3[%dma_wait3A_208, %dma_wait3A_209] : memref<10000x128xf32, #tpu.memory_space<hbm>> -> memref<10000x128xf32, #tpu.memory_space<hbm>>
        tpu.wait_indirect_dma semaphore(%arg21 : memref<!tpu.dma_semaphore, #tpu.memory_space<semaphore_mem>>) src(%dma_wait3A_210 : memref<10000x128xf32, #tpu.memory_space<hbm>>) dst(%dma_wait3A_205 : memref<160x128xf32, #tpu.memory_space<vmem>>)
        %dma_start3A_211 = arith.constant 0 : i32
        %dma_start3A_212 = arith.constant 0 : i32
        %dma_start3A_213 = arith.constant 0 : i32
        %dma_start3A_214 = tpu.memref_slice %arg14[%dma_start3A_211, %dma_start3A_212, %dma_start3A_213] : memref<2x160x128xf32, #tpu.memory_space<vmem>> -> memref<1x160x128xf32, #tpu.memory_space<vmem>>
        %dma_start3A_215 = tpu.memref_squeeze %dma_start3A_214 : memref<1x160x128xf32, #tpu.memory_space<vmem>> -> memref<160x128xf32, #tpu.memory_space<vmem>>
        %dma_start3A_216 = arith.constant 0 : i32
        %dma_start3A_217 = tpu.memref_slice %arg13[%dma_start3A_216] : memref<1280xi32, #tpu.memory_space<vmem>> -> memref<160xi32, #tpu.memory_space<vmem>>
        %dma_start3A_218 = arith.constant 0 : i32
        %dma_start3A_219 = arith.constant 0 : i32
        %dma_start3A_220 = tpu.memref_slice %arg19[%dma_start3A_218, %dma_start3A_219] : memref<10240x128xf32, #tpu.memory_space<vmem_shared>> -> memref<10240x128xf32, #tpu.memory_space<vmem_shared>>
        tpu.enqueue_indirect_dma source(%dma_start3A_215 : memref<160x128xf32, #tpu.memory_space<vmem>>) target(%dma_start3A_220 : memref<10240x128xf32, #tpu.memory_space<vmem_shared>>) offsets(%dma_start3A_217 : memref<160xi32, #tpu.memory_space<vmem>>) semaphore(%arg22 : memref<!tpu.dma_semaphore, #tpu.memory_space<semaphore_mem>>) {add = true}
        %dma_wait3A_221 = arith.constant 0 : i32
        %dma_wait3A_222 = arith.constant 0 : i32
        %dma_wait3A_223 = arith.constant 0 : i32
        %dma_wait3A_224 = tpu.memref_slice %arg14[%dma_wait3A_221, %dma_wait3A_222, %dma_wait3A_223] : memref<2x160x128xf32, #tpu.memory_space<vmem>> -> memref<1x160x128xf32, #tpu.memory_space<vmem>>
        %dma_wait3A_225 = tpu.memref_squeeze %dma_wait3A_224 : memref<1x160x128xf32, #tpu.memory_space<vmem>> -> memref<160x128xf32, #tpu.memory_space<vmem>>
        %dma_wait3A_226 = arith.constant 0 : i32
        %dma_wait3A_227 = tpu.memref_slice %arg13[%dma_wait3A_226] : memref<1280xi32, #tpu.memory_space<vmem>> -> memref<160xi32, #tpu.memory_space<vmem>>
        %dma_wait3A_228 = arith.constant 0 : i32
        %dma_wait3A_229 = arith.constant 0 : i32
        %dma_wait3A_230 = tpu.memref_slice %arg19[%dma_wait3A_228, %dma_wait3A_229] : memref<10240x128xf32, #tpu.memory_space<vmem_shared>> -> memref<10240x128xf32, #tpu.memory_space<vmem_shared>>
        tpu.wait_indirect_dma semaphore(%arg22 : memref<!tpu.dma_semaphore, #tpu.memory_space<semaphore_mem>>) src(%dma_wait3A_225 : memref<160x128xf32, #tpu.memory_space<vmem>>) dst(%dma_wait3A_230 : memref<10240x128xf32, #tpu.memory_space<vmem_shared>>)
        %dma_start3A_231 = arith.constant 0 : i32
        %dma_start3A_232 = arith.constant 0 : i32
        %dma_start3A_233 = arith.constant 0 : i32
        %dma_start3A_234 = tpu.memref_slice %arg14[%dma_start3A_231, %dma_start3A_232, %dma_start3A_233] : memref<2x160x128xf32, #tpu.memory_space<vmem>> -> memref<1x160x128xf32, #tpu.memory_space<vmem>>
        %dma_start3A_235 = tpu.memref_squeeze %dma_start3A_234 : memref<1x160x128xf32, #tpu.memory_space<vmem>> -> memref<160x128xf32, #tpu.memory_space<vmem>>
        %dma_start3A_236 = arith.constant 320 : i32
        %dma_start3A_237 = tpu.memref_slice %arg12[%dma_start3A_236] : memref<1280xi32, #tpu.memory_space<vmem>> -> memref<160xi32, #tpu.memory_space<vmem>>
        %dma_start3A_238 = arith.constant 0 : i32
        %dma_start3A_239 = arith.constant 0 : i32
        %dma_start3A_240 = tpu.memref_slice %arg3[%dma_start3A_238, %dma_start3A_239] : memref<10000x128xf32, #tpu.memory_space<hbm>> -> memref<10000x128xf32, #tpu.memory_space<hbm>>
        tpu.enqueue_indirect_dma source(%dma_start3A_240 : memref<10000x128xf32, #tpu.memory_space<hbm>>) target(%dma_start3A_235 : memref<160x128xf32, #tpu.memory_space<vmem>>) offsets(%dma_start3A_237 : memref<160xi32, #tpu.memory_space<vmem>>) semaphore(%arg21 : memref<!tpu.dma_semaphore, #tpu.memory_space<semaphore_mem>>)
        %dma_wait3A_241 = arith.constant 1 : i32
        %dma_wait3A_242 = arith.constant 0 : i32
        %dma_wait3A_243 = arith.constant 0 : i32
        %dma_wait3A_244 = tpu.memref_slice %arg14[%dma_wait3A_241, %dma_wait3A_242, %dma_wait3A_243] : memref<2x160x128xf32, #tpu.memory_space<vmem>> -> memref<1x160x128xf32, #tpu.memory_space<vmem>>
        %dma_wait3A_245 = tpu.memref_squeeze %dma_wait3A_244 : memref<1x160x128xf32, #tpu.memory_space<vmem>> -> memref<160x128xf32, #tpu.memory_space<vmem>>
        %dma_wait3A_246 = arith.constant 160 : i32
        %dma_wait3A_247 = tpu.memref_slice %arg12[%dma_wait3A_246] : memref<1280xi32, #tpu.memory_space<vmem>> -> memref<160xi32, #tpu.memory_space<vmem>>
        %dma_wait3A_248 = arith.constant 0 : i32
        %dma_wait3A_249 = arith.constant 0 : i32
        %dma_wait3A_250 = tpu.memref_slice %arg3[%dma_wait3A_248, %dma_wait3A_249] : memref<10000x128xf32, #tpu.memory_space<hbm>> -> memref<10000x128xf32, #tpu.memory_space<hbm>>
        tpu.wait_indirect_dma semaphore(%arg21 : memref<!tpu.dma_semaphore, #tpu.memory_space<semaphore_mem>>) src(%dma_wait3A_250 : memref<10000x128xf32, #tpu.memory_space<hbm>>) dst(%dma_wait3A_245 : memref<160x128xf32, #tpu.memory_space<vmem>>)
        %dma_start3A_251 = arith.constant 1 : i32
        %dma_start3A_252 = arith.constant 0 : i32
        %dma_start3A_253 = arith.constant 0 : i32
        %dma_start3A_254 = tpu.memref_slice %arg14[%dma_start3A_251, %dma_start3A_252, %dma_start3A_253] : memref<2x160x128xf32, #tpu.memory_space<vmem>> -> memref<1x160x128xf32, #tpu.memory_space<vmem>>
        %dma_start3A_255 = tpu.memref_squeeze %dma_start3A_254 : memref<1x160x128xf32, #tpu.memory_space<vmem>> -> memref<160x128xf32, #tpu.memory_space<vmem>>
        %dma_start3A_256 = arith.constant 160 : i32
        %dma_start3A_257 = tpu.memref_slice %arg13[%dma_start3A_256] : memref<1280xi32, #tpu.memory_space<vmem>> -> memref<160xi32, #tpu.memory_space<vmem>>
        %dma_start3A_258 = arith.constant 0 : i32
        %dma_start3A_259 = arith.constant 0 : i32
        %dma_start3A_260 = tpu.memref_slice %arg19[%dma_start3A_258, %dma_start3A_259] : memref<10240x128xf32, #tpu.memory_space<vmem_shared>> -> memref<10240x128xf32, #tpu.memory_space<vmem_shared>>
        tpu.enqueue_indirect_dma source(%dma_start3A_255 : memref<160x128xf32, #tpu.memory_space<vmem>>) target(%dma_start3A_260 : memref<10240x128xf32, #tpu.memory_space<vmem_shared>>) offsets(%dma_start3A_257 : memref<160xi32, #tpu.memory_space<vmem>>) semaphore(%arg22 : memref<!tpu.dma_semaphore, #tpu.memory_space<semaphore_mem>>) {add = true}
        %dma_wait3A_261 = arith.constant 1 : i32
        %dma_wait3A_262 = arith.constant 0 : i32
        %dma_wait3A_263 = arith.constant 0 : i32
        %dma_wait3A_264 = tpu.memref_slice %arg14[%dma_wait3A_261, %dma_wait3A_262, %dma_wait3A_263] : memref<2x160x128xf32, #tpu.memory_space<vmem>> -> memref<1x160x128xf32, #tpu.memory_space<vmem>>
        %dma_wait3A_265 = tpu.memref_squeeze %dma_wait3A_264 : memref<1x160x128xf32, #tpu.memory_space<vmem>> -> memref<160x128xf32, #tpu.memory_space<vmem>>
        %dma_wait3A_266 = arith.constant 160 : i32
        %dma_wait3A_267 = tpu.memref_slice %arg13[%dma_wait3A_266] : memref<1280xi32, #tpu.memory_space<vmem>> -> memref<160xi32, #tpu.memory_space<vmem>>
        %dma_wait3A_268 = arith.constant 0 : i32
        %dma_wait3A_269 = arith.constant 0 : i32
        %dma_wait3A_270 = tpu.memref_slice %arg19[%dma_wait3A_268, %dma_wait3A_269] : memref<10240x128xf32, #tpu.memory_space<vmem_shared>> -> memref<10240x128xf32, #tpu.memory_space<vmem_shared>>
        tpu.wait_indirect_dma semaphore(%arg22 : memref<!tpu.dma_semaphore, #tpu.memory_space<semaphore_mem>>) src(%dma_wait3A_265 : memref<160x128xf32, #tpu.memory_space<vmem>>) dst(%dma_wait3A_270 : memref<10240x128xf32, #tpu.memory_space<vmem_shared>>)
        %dma_start3A_271 = arith.constant 1 : i32
        %dma_start3A_272 = arith.constant 0 : i32
        %dma_start3A_273 = arith.constant 0 : i32
        %dma_start3A_274 = tpu.memref_slice %arg14[%dma_start3A_271, %dma_start3A_272, %dma_start3A_273] : memref<2x160x128xf32, #tpu.memory_space<vmem>> -> memref<1x160x128xf32, #tpu.memory_space<vmem>>
        %dma_start3A_275 = tpu.memref_squeeze %dma_start3A_274 : memref<1x160x128xf32, #tpu.memory_space<vmem>> -> memref<160x128xf32, #tpu.memory_space<vmem>>
        %dma_start3A_276 = arith.constant 480 : i32
        %dma_start3A_277 = tpu.memref_slice %arg12[%dma_start3A_276] : memref<1280xi32, #tpu.memory_space<vmem>> -> memref<160xi32, #tpu.memory_space<vmem>>
        %dma_start3A_278 = arith.constant 0 : i32
        %dma_start3A_279 = arith.constant 0 : i32
        %dma_start3A_280 = tpu.memref_slice %arg3[%dma_start3A_278, %dma_start3A_279] : memref<10000x128xf32, #tpu.memory_space<hbm>> -> memref<10000x128xf32, #tpu.memory_space<hbm>>
        tpu.enqueue_indirect_dma source(%dma_start3A_280 : memref<10000x128xf32, #tpu.memory_space<hbm>>) target(%dma_start3A_275 : memref<160x128xf32, #tpu.memory_space<vmem>>) offsets(%dma_start3A_277 : memref<160xi32, #tpu.memory_space<vmem>>) semaphore(%arg21 : memref<!tpu.dma_semaphore, #tpu.memory_space<semaphore_mem>>)
        %dma_wait3A_281 = arith.constant 0 : i32
        %dma_wait3A_282 = arith.constant 0 : i32
        %dma_wait3A_283 = arith.constant 0 : i32
        %dma_wait3A_284 = tpu.memref_slice %arg14[%dma_wait3A_281, %dma_wait3A_282, %dma_wait3A_283] : memref<2x160x128xf32, #tpu.memory_space<vmem>> -> memref<1x160x128xf32, #tpu.memory_space<vmem>>
        %dma_wait3A_285 = tpu.memref_squeeze %dma_wait3A_284 : memref<1x160x128xf32, #tpu.memory_space<vmem>> -> memref<160x128xf32, #tpu.memory_space<vmem>>
        %dma_wait3A_286 = arith.constant 320 : i32
        %dma_wait3A_287 = tpu.memref_slice %arg12[%dma_wait3A_286] : memref<1280xi32, #tpu.memory_space<vmem>> -> memref<160xi32, #tpu.memory_space<vmem>>
        %dma_wait3A_288 = arith.constant 0 : i32
        %dma_wait3A_289 = arith.constant 0 : i32
        %dma_wait3A_290 = tpu.memref_slice %arg3[%dma_wait3A_288, %dma_wait3A_289] : memref<10000x128xf32, #tpu.memory_space<hbm>> -> memref<10000x128xf32, #tpu.memory_space<hbm>>
        tpu.wait_indirect_dma semaphore(%arg21 : memref<!tpu.dma_semaphore, #tpu.memory_space<semaphore_mem>>) src(%dma_wait3A_290 : memref<10000x128xf32, #tpu.memory_space<hbm>>) dst(%dma_wait3A_285 : memref<160x128xf32, #tpu.memory_space<vmem>>)
        %dma_start3A_291 = arith.constant 0 : i32
        %dma_start3A_292 = arith.constant 0 : i32
        %dma_start3A_293 = arith.constant 0 : i32
        %dma_start3A_294 = tpu.memref_slice %arg14[%dma_start3A_291, %dma_start3A_292, %dma_start3A_293] : memref<2x160x128xf32, #tpu.memory_space<vmem>> -> memref<1x160x128xf32, #tpu.memory_space<vmem>>
        %dma_start3A_295 = tpu.memref_squeeze %dma_start3A_294 : memref<1x160x128xf32, #tpu.memory_space<vmem>> -> memref<160x128xf32, #tpu.memory_space<vmem>>
        %dma_start3A_296 = arith.constant 320 : i32
        %dma_start3A_297 = tpu.memref_slice %arg13[%dma_start3A_296] : memref<1280xi32, #tpu.memory_space<vmem>> -> memref<160xi32, #tpu.memory_space<vmem>>
        %dma_start3A_298 = arith.constant 0 : i32
        %dma_start3A_299 = arith.constant 0 : i32
        %dma_start3A_300 = tpu.memref_slice %arg19[%dma_start3A_298, %dma_start3A_299] : memref<10240x128xf32, #tpu.memory_space<vmem_shared>> -> memref<10240x128xf32, #tpu.memory_space<vmem_shared>>
        tpu.enqueue_indirect_dma source(%dma_start3A_295 : memref<160x128xf32, #tpu.memory_space<vmem>>) target(%dma_start3A_300 : memref<10240x128xf32, #tpu.memory_space<vmem_shared>>) offsets(%dma_start3A_297 : memref<160xi32, #tpu.memory_space<vmem>>) semaphore(%arg22 : memref<!tpu.dma_semaphore, #tpu.memory_space<semaphore_mem>>) {add = true}
        %dma_wait3A_301 = arith.constant 0 : i32
        %dma_wait3A_302 = arith.constant 0 : i32
        %dma_wait3A_303 = arith.constant 0 : i32
        %dma_wait3A_304 = tpu.memref_slice %arg14[%dma_wait3A_301, %dma_wait3A_302, %dma_wait3A_303] : memref<2x160x128xf32, #tpu.memory_space<vmem>> -> memref<1x160x128xf32, #tpu.memory_space<vmem>>
        %dma_wait3A_305 = tpu.memref_squeeze %dma_wait3A_304 : memref<1x160x128xf32, #tpu.memory_space<vmem>> -> memref<160x128xf32, #tpu.memory_space<vmem>>
        %dma_wait3A_306 = arith.constant 320 : i32
        %dma_wait3A_307 = tpu.memref_slice %arg13[%dma_wait3A_306] : memref<1280xi32, #tpu.memory_space<vmem>> -> memref<160xi32, #tpu.memory_space<vmem>>
        %dma_wait3A_308 = arith.constant 0 : i32
        %dma_wait3A_309 = arith.constant 0 : i32
        %dma_wait3A_310 = tpu.memref_slice %arg19[%dma_wait3A_308, %dma_wait3A_309] : memref<10240x128xf32, #tpu.memory_space<vmem_shared>> -> memref<10240x128xf32, #tpu.memory_space<vmem_shared>>
        tpu.wait_indirect_dma semaphore(%arg22 : memref<!tpu.dma_semaphore, #tpu.memory_space<semaphore_mem>>) src(%dma_wait3A_305 : memref<160x128xf32, #tpu.memory_space<vmem>>) dst(%dma_wait3A_310 : memref<10240x128xf32, #tpu.memory_space<vmem_shared>>)
        %dma_start3A_311 = arith.constant 0 : i32
        %dma_start3A_312 = arith.constant 0 : i32
        %dma_start3A_313 = arith.constant 0 : i32
        %dma_start3A_314 = tpu.memref_slice %arg14[%dma_start3A_311, %dma_start3A_312, %dma_start3A_313] : memref<2x160x128xf32, #tpu.memory_space<vmem>> -> memref<1x160x128xf32, #tpu.memory_space<vmem>>
        %dma_start3A_315 = tpu.memref_squeeze %dma_start3A_314 : memref<1x160x128xf32, #tpu.memory_space<vmem>> -> memref<160x128xf32, #tpu.memory_space<vmem>>
        %dma_start3A_316 = arith.constant 640 : i32
        %dma_start3A_317 = tpu.memref_slice %arg12[%dma_start3A_316] : memref<1280xi32, #tpu.memory_space<vmem>> -> memref<160xi32, #tpu.memory_space<vmem>>
        %dma_start3A_318 = arith.constant 0 : i32
        %dma_start3A_319 = arith.constant 0 : i32
        %dma_start3A_320 = tpu.memref_slice %arg3[%dma_start3A_318, %dma_start3A_319] : memref<10000x128xf32, #tpu.memory_space<hbm>> -> memref<10000x128xf32, #tpu.memory_space<hbm>>
        tpu.enqueue_indirect_dma source(%dma_start3A_320 : memref<10000x128xf32, #tpu.memory_space<hbm>>) target(%dma_start3A_315 : memref<160x128xf32, #tpu.memory_space<vmem>>) offsets(%dma_start3A_317 : memref<160xi32, #tpu.memory_space<vmem>>) semaphore(%arg21 : memref<!tpu.dma_semaphore, #tpu.memory_space<semaphore_mem>>)
        %dma_wait3A_321 = arith.constant 1 : i32
        %dma_wait3A_322 = arith.constant 0 : i32
        %dma_wait3A_323 = arith.constant 0 : i32
        %dma_wait3A_324 = tpu.memref_slice %arg14[%dma_wait3A_321, %dma_wait3A_322, %dma_wait3A_323] : memref<2x160x128xf32, #tpu.memory_space<vmem>> -> memref<1x160x128xf32, #tpu.memory_space<vmem>>
        %dma_wait3A_325 = tpu.memref_squeeze %dma_wait3A_324 : memref<1x160x128xf32, #tpu.memory_space<vmem>> -> memref<160x128xf32, #tpu.memory_space<vmem>>
        %dma_wait3A_326 = arith.constant 480 : i32
        %dma_wait3A_327 = tpu.memref_slice %arg12[%dma_wait3A_326] : memref<1280xi32, #tpu.memory_space<vmem>> -> memref<160xi32, #tpu.memory_space<vmem>>
        %dma_wait3A_328 = arith.constant 0 : i32
        %dma_wait3A_329 = arith.constant 0 : i32
        %dma_wait3A_330 = tpu.memref_slice %arg3[%dma_wait3A_328, %dma_wait3A_329] : memref<10000x128xf32, #tpu.memory_space<hbm>> -> memref<10000x128xf32, #tpu.memory_space<hbm>>
        tpu.wait_indirect_dma semaphore(%arg21 : memref<!tpu.dma_semaphore, #tpu.memory_space<semaphore_mem>>) src(%dma_wait3A_330 : memref<10000x128xf32, #tpu.memory_space<hbm>>) dst(%dma_wait3A_325 : memref<160x128xf32, #tpu.memory_space<vmem>>)
        %dma_start3A_331 = arith.constant 1 : i32
        %dma_start3A_332 = arith.constant 0 : i32
        %dma_start3A_333 = arith.constant 0 : i32
        %dma_start3A_334 = tpu.memref_slice %arg14[%dma_start3A_331, %dma_start3A_332, %dma_start3A_333] : memref<2x160x128xf32, #tpu.memory_space<vmem>> -> memref<1x160x128xf32, #tpu.memory_space<vmem>>
        %dma_start3A_335 = tpu.memref_squeeze %dma_start3A_334 : memref<1x160x128xf32, #tpu.memory_space<vmem>> -> memref<160x128xf32, #tpu.memory_space<vmem>>
        %dma_start3A_336 = arith.constant 480 : i32
        %dma_start3A_337 = tpu.memref_slice %arg13[%dma_start3A_336] : memref<1280xi32, #tpu.memory_space<vmem>> -> memref<160xi32, #tpu.memory_space<vmem>>
        %dma_start3A_338 = arith.constant 0 : i32
        %dma_start3A_339 = arith.constant 0 : i32
        %dma_start3A_340 = tpu.memref_slice %arg19[%dma_start3A_338, %dma_start3A_339] : memref<10240x128xf32, #tpu.memory_space<vmem_shared>> -> memref<10240x128xf32, #tpu.memory_space<vmem_shared>>
        tpu.enqueue_indirect_dma source(%dma_start3A_335 : memref<160x128xf32, #tpu.memory_space<vmem>>) target(%dma_start3A_340 : memref<10240x128xf32, #tpu.memory_space<vmem_shared>>) offsets(%dma_start3A_337 : memref<160xi32, #tpu.memory_space<vmem>>) semaphore(%arg22 : memref<!tpu.dma_semaphore, #tpu.memory_space<semaphore_mem>>) {add = true}
        %dma_wait3A_341 = arith.constant 1 : i32
        %dma_wait3A_342 = arith.constant 0 : i32
        %dma_wait3A_343 = arith.constant 0 : i32
        %dma_wait3A_344 = tpu.memref_slice %arg14[%dma_wait3A_341, %dma_wait3A_342, %dma_wait3A_343] : memref<2x160x128xf32, #tpu.memory_space<vmem>> -> memref<1x160x128xf32, #tpu.memory_space<vmem>>
        %dma_wait3A_345 = tpu.memref_squeeze %dma_wait3A_344 : memref<1x160x128xf32, #tpu.memory_space<vmem>> -> memref<160x128xf32, #tpu.memory_space<vmem>>
        %dma_wait3A_346 = arith.constant 480 : i32
        %dma_wait3A_347 = tpu.memref_slice %arg13[%dma_wait3A_346] : memref<1280xi32, #tpu.memory_space<vmem>> -> memref<160xi32, #tpu.memory_space<vmem>>
        %dma_wait3A_348 = arith.constant 0 : i32
        %dma_wait3A_349 = arith.constant 0 : i32
        %dma_wait3A_350 = tpu.memref_slice %arg19[%dma_wait3A_348, %dma_wait3A_349] : memref<10240x128xf32, #tpu.memory_space<vmem_shared>> -> memref<10240x128xf32, #tpu.memory_space<vmem_shared>>
        tpu.wait_indirect_dma semaphore(%arg22 : memref<!tpu.dma_semaphore, #tpu.memory_space<semaphore_mem>>) src(%dma_wait3A_345 : memref<160x128xf32, #tpu.memory_space<vmem>>) dst(%dma_wait3A_350 : memref<10240x128xf32, #tpu.memory_space<vmem_shared>>)
        %dma_start3A_351 = arith.constant 1 : i32
        %dma_start3A_352 = arith.constant 0 : i32
        %dma_start3A_353 = arith.constant 0 : i32
        %dma_start3A_354 = tpu.memref_slice %arg14[%dma_start3A_351, %dma_start3A_352, %dma_start3A_353] : memref<2x160x128xf32, #tpu.memory_space<vmem>> -> memref<1x160x128xf32, #tpu.memory_space<vmem>>
        %dma_start3A_355 = tpu.memref_squeeze %dma_start3A_354 : memref<1x160x128xf32, #tpu.memory_space<vmem>> -> memref<160x128xf32, #tpu.memory_space<vmem>>
        %dma_start3A_356 = arith.constant 800 : i32
        %dma_start3A_357 = tpu.memref_slice %arg12[%dma_start3A_356] : memref<1280xi32, #tpu.memory_space<vmem>> -> memref<160xi32, #tpu.memory_space<vmem>>
        %dma_start3A_358 = arith.constant 0 : i32
        %dma_start3A_359 = arith.constant 0 : i32
        %dma_start3A_360 = tpu.memref_slice %arg3[%dma_start3A_358, %dma_start3A_359] : memref<10000x128xf32, #tpu.memory_space<hbm>> -> memref<10000x128xf32, #tpu.memory_space<hbm>>
        tpu.enqueue_indirect_dma source(%dma_start3A_360 : memref<10000x128xf32, #tpu.memory_space<hbm>>) target(%dma_start3A_355 : memref<160x128xf32, #tpu.memory_space<vmem>>) offsets(%dma_start3A_357 : memref<160xi32, #tpu.memory_space<vmem>>) semaphore(%arg21 : memref<!tpu.dma_semaphore, #tpu.memory_space<semaphore_mem>>)
        %dma_wait3A_361 = arith.constant 0 : i32
        %dma_wait3A_362 = arith.constant 0 : i32
        %dma_wait3A_363 = arith.constant 0 : i32
        %dma_wait3A_364 = tpu.memref_slice %arg14[%dma_wait3A_361, %dma_wait3A_362, %dma_wait3A_363] : memref<2x160x128xf32, #tpu.memory_space<vmem>> -> memref<1x160x128xf32, #tpu.memory_space<vmem>>
        %dma_wait3A_365 = tpu.memref_squeeze %dma_wait3A_364 : memref<1x160x128xf32, #tpu.memory_space<vmem>> -> memref<160x128xf32, #tpu.memory_space<vmem>>
        %dma_wait3A_366 = arith.constant 640 : i32
        %dma_wait3A_367 = tpu.memref_slice %arg12[%dma_wait3A_366] : memref<1280xi32, #tpu.memory_space<vmem>> -> memref<160xi32, #tpu.memory_space<vmem>>
        %dma_wait3A_368 = arith.constant 0 : i32
        %dma_wait3A_369 = arith.constant 0 : i32
        %dma_wait3A_370 = tpu.memref_slice %arg3[%dma_wait3A_368, %dma_wait3A_369] : memref<10000x128xf32, #tpu.memory_space<hbm>> -> memref<10000x128xf32, #tpu.memory_space<hbm>>
        tpu.wait_indirect_dma semaphore(%arg21 : memref<!tpu.dma_semaphore, #tpu.memory_space<semaphore_mem>>) src(%dma_wait3A_370 : memref<10000x128xf32, #tpu.memory_space<hbm>>) dst(%dma_wait3A_365 : memref<160x128xf32, #tpu.memory_space<vmem>>)
        %dma_start3A_371 = arith.constant 0 : i32
        %dma_start3A_372 = arith.constant 0 : i32
        %dma_start3A_373 = arith.constant 0 : i32
        %dma_start3A_374 = tpu.memref_slice %arg14[%dma_start3A_371, %dma_start3A_372, %dma_start3A_373] : memref<2x160x128xf32, #tpu.memory_space<vmem>> -> memref<1x160x128xf32, #tpu.memory_space<vmem>>
        %dma_start3A_375 = tpu.memref_squeeze %dma_start3A_374 : memref<1x160x128xf32, #tpu.memory_space<vmem>> -> memref<160x128xf32, #tpu.memory_space<vmem>>
        %dma_start3A_376 = arith.constant 640 : i32
        %dma_start3A_377 = tpu.memref_slice %arg13[%dma_start3A_376] : memref<1280xi32, #tpu.memory_space<vmem>> -> memref<160xi32, #tpu.memory_space<vmem>>
        %dma_start3A_378 = arith.constant 0 : i32
        %dma_start3A_379 = arith.constant 0 : i32
        %dma_start3A_380 = tpu.memref_slice %arg19[%dma_start3A_378, %dma_start3A_379] : memref<10240x128xf32, #tpu.memory_space<vmem_shared>> -> memref<10240x128xf32, #tpu.memory_space<vmem_shared>>
        tpu.enqueue_indirect_dma source(%dma_start3A_375 : memref<160x128xf32, #tpu.memory_space<vmem>>) target(%dma_start3A_380 : memref<10240x128xf32, #tpu.memory_space<vmem_shared>>) offsets(%dma_start3A_377 : memref<160xi32, #tpu.memory_space<vmem>>) semaphore(%arg22 : memref<!tpu.dma_semaphore, #tpu.memory_space<semaphore_mem>>) {add = true}
        %dma_wait3A_381 = arith.constant 0 : i32
        %dma_wait3A_382 = arith.constant 0 : i32
        %dma_wait3A_383 = arith.constant 0 : i32
        %dma_wait3A_384 = tpu.memref_slice %arg14[%dma_wait3A_381, %dma_wait3A_382, %dma_wait3A_383] : memref<2x160x128xf32, #tpu.memory_space<vmem>> -> memref<1x160x128xf32, #tpu.memory_space<vmem>>
        %dma_wait3A_385 = tpu.memref_squeeze %dma_wait3A_384 : memref<1x160x128xf32, #tpu.memory_space<vmem>> -> memref<160x128xf32, #tpu.memory_space<vmem>>
        %dma_wait3A_386 = arith.constant 640 : i32
        %dma_wait3A_387 = tpu.memref_slice %arg13[%dma_wait3A_386] : memref<1280xi32, #tpu.memory_space<vmem>> -> memref<160xi32, #tpu.memory_space<vmem>>
        %dma_wait3A_388 = arith.constant 0 : i32
        %dma_wait3A_389 = arith.constant 0 : i32
        %dma_wait3A_390 = tpu.memref_slice %arg19[%dma_wait3A_388, %dma_wait3A_389] : memref<10240x128xf32, #tpu.memory_space<vmem_shared>> -> memref<10240x128xf32, #tpu.memory_space<vmem_shared>>
        tpu.wait_indirect_dma semaphore(%arg22 : memref<!tpu.dma_semaphore, #tpu.memory_space<semaphore_mem>>) src(%dma_wait3A_385 : memref<160x128xf32, #tpu.memory_space<vmem>>) dst(%dma_wait3A_390 : memref<10240x128xf32, #tpu.memory_space<vmem_shared>>)
        %dma_start3A_391 = arith.constant 0 : i32
        %dma_start3A_392 = arith.constant 0 : i32
        %dma_start3A_393 = arith.constant 0 : i32
        %dma_start3A_394 = tpu.memref_slice %arg14[%dma_start3A_391, %dma_start3A_392, %dma_start3A_393] : memref<2x160x128xf32, #tpu.memory_space<vmem>> -> memref<1x160x128xf32, #tpu.memory_space<vmem>>
        %dma_start3A_395 = tpu.memref_squeeze %dma_start3A_394 : memref<1x160x128xf32, #tpu.memory_space<vmem>> -> memref<160x128xf32, #tpu.memory_space<vmem>>
        %dma_start3A_396 = arith.constant 960 : i32
        %dma_start3A_397 = tpu.memref_slice %arg12[%dma_start3A_396] : memref<1280xi32, #tpu.memory_space<vmem>> -> memref<160xi32, #tpu.memory_space<vmem>>
        %dma_start3A_398 = arith.constant 0 : i32
        %dma_start3A_399 = arith.constant 0 : i32
        %dma_start3A_400 = tpu.memref_slice %arg3[%dma_start3A_398, %dma_start3A_399] : memref<10000x128xf32, #tpu.memory_space<hbm>> -> memref<10000x128xf32, #tpu.memory_space<hbm>>
        tpu.enqueue_indirect_dma source(%dma_start3A_400 : memref<10000x128xf32, #tpu.memory_space<hbm>>) target(%dma_start3A_395 : memref<160x128xf32, #tpu.memory_space<vmem>>) offsets(%dma_start3A_397 : memref<160xi32, #tpu.memory_space<vmem>>) semaphore(%arg21 : memref<!tpu.dma_semaphore, #tpu.memory_space<semaphore_mem>>)
        %dma_wait3A_401 = arith.constant 1 : i32
        %dma_wait3A_402 = arith.constant 0 : i32
        %dma_wait3A_403 = arith.constant 0 : i32
        %dma_wait3A_404 = tpu.memref_slice %arg14[%dma_wait3A_401, %dma_wait3A_402, %dma_wait3A_403] : memref<2x160x128xf32, #tpu.memory_space<vmem>> -> memref<1x160x128xf32, #tpu.memory_space<vmem>>
        %dma_wait3A_405 = tpu.memref_squeeze %dma_wait3A_404 : memref<1x160x128xf32, #tpu.memory_space<vmem>> -> memref<160x128xf32, #tpu.memory_space<vmem>>
        %dma_wait3A_406 = arith.constant 800 : i32
        %dma_wait3A_407 = tpu.memref_slice %arg12[%dma_wait3A_406] : memref<1280xi32, #tpu.memory_space<vmem>> -> memref<160xi32, #tpu.memory_space<vmem>>
        %dma_wait3A_408 = arith.constant 0 : i32
        %dma_wait3A_409 = arith.constant 0 : i32
        %dma_wait3A_410 = tpu.memref_slice %arg3[%dma_wait3A_408, %dma_wait3A_409] : memref<10000x128xf32, #tpu.memory_space<hbm>> -> memref<10000x128xf32, #tpu.memory_space<hbm>>
        tpu.wait_indirect_dma semaphore(%arg21 : memref<!tpu.dma_semaphore, #tpu.memory_space<semaphore_mem>>) src(%dma_wait3A_410 : memref<10000x128xf32, #tpu.memory_space<hbm>>) dst(%dma_wait3A_405 : memref<160x128xf32, #tpu.memory_space<vmem>>)
        %dma_start3A_411 = arith.constant 1 : i32
        %dma_start3A_412 = arith.constant 0 : i32
        %dma_start3A_413 = arith.constant 0 : i32
        %dma_start3A_414 = tpu.memref_slice %arg14[%dma_start3A_411, %dma_start3A_412, %dma_start3A_413] : memref<2x160x128xf32, #tpu.memory_space<vmem>> -> memref<1x160x128xf32, #tpu.memory_space<vmem>>
        %dma_start3A_415 = tpu.memref_squeeze %dma_start3A_414 : memref<1x160x128xf32, #tpu.memory_space<vmem>> -> memref<160x128xf32, #tpu.memory_space<vmem>>
        %dma_start3A_416 = arith.constant 800 : i32
        %dma_start3A_417 = tpu.memref_slice %arg13[%dma_start3A_416] : memref<1280xi32, #tpu.memory_space<vmem>> -> memref<160xi32, #tpu.memory_space<vmem>>
        %dma_start3A_418 = arith.constant 0 : i32
        %dma_start3A_419 = arith.constant 0 : i32
        %dma_start3A_420 = tpu.memref_slice %arg19[%dma_start3A_418, %dma_start3A_419] : memref<10240x128xf32, #tpu.memory_space<vmem_shared>> -> memref<10240x128xf32, #tpu.memory_space<vmem_shared>>
        tpu.enqueue_indirect_dma source(%dma_start3A_415 : memref<160x128xf32, #tpu.memory_space<vmem>>) target(%dma_start3A_420 : memref<10240x128xf32, #tpu.memory_space<vmem_shared>>) offsets(%dma_start3A_417 : memref<160xi32, #tpu.memory_space<vmem>>) semaphore(%arg22 : memref<!tpu.dma_semaphore, #tpu.memory_space<semaphore_mem>>) {add = true}
        %dma_wait3A_421 = arith.constant 1 : i32
        %dma_wait3A_422 = arith.constant 0 : i32
        %dma_wait3A_423 = arith.constant 0 : i32
        %dma_wait3A_424 = tpu.memref_slice %arg14[%dma_wait3A_421, %dma_wait3A_422, %dma_wait3A_423] : memref<2x160x128xf32, #tpu.memory_space<vmem>> -> memref<1x160x128xf32, #tpu.memory_space<vmem>>
        %dma_wait3A_425 = tpu.memref_squeeze %dma_wait3A_424 : memref<1x160x128xf32, #tpu.memory_space<vmem>> -> memref<160x128xf32, #tpu.memory_space<vmem>>
        %dma_wait3A_426 = arith.constant 800 : i32
        %dma_wait3A_427 = tpu.memref_slice %arg13[%dma_wait3A_426] : memref<1280xi32, #tpu.memory_space<vmem>> -> memref<160xi32, #tpu.memory_space<vmem>>
        %dma_wait3A_428 = arith.constant 0 : i32
        %dma_wait3A_429 = arith.constant 0 : i32
        %dma_wait3A_430 = tpu.memref_slice %arg19[%dma_wait3A_428, %dma_wait3A_429] : memref<10240x128xf32, #tpu.memory_space<vmem_shared>> -> memref<10240x128xf32, #tpu.memory_space<vmem_shared>>
        tpu.wait_indirect_dma semaphore(%arg22 : memref<!tpu.dma_semaphore, #tpu.memory_space<semaphore_mem>>) src(%dma_wait3A_425 : memref<160x128xf32, #tpu.memory_space<vmem>>) dst(%dma_wait3A_430 : memref<10240x128xf32, #tpu.memory_space<vmem_shared>>)
        %dma_start3A_431 = arith.constant 1 : i32
        %dma_start3A_432 = arith.constant 0 : i32
        %dma_start3A_433 = arith.constant 0 : i32
        %dma_start3A_434 = tpu.memref_slice %arg14[%dma_start3A_431, %dma_start3A_432, %dma_start3A_433] : memref<2x160x128xf32, #tpu.memory_space<vmem>> -> memref<1x160x128xf32, #tpu.memory_space<vmem>>
        %dma_start3A_435 = tpu.memref_squeeze %dma_start3A_434 : memref<1x160x128xf32, #tpu.memory_space<vmem>> -> memref<160x128xf32, #tpu.memory_space<vmem>>
        %dma_start3A_436 = arith.constant 1120 : i32
        %dma_start3A_437 = tpu.memref_slice %arg12[%dma_start3A_436] : memref<1280xi32, #tpu.memory_space<vmem>> -> memref<160xi32, #tpu.memory_space<vmem>>
        %dma_start3A_438 = arith.constant 0 : i32
        %dma_start3A_439 = arith.constant 0 : i32
        %dma_start3A_440 = tpu.memref_slice %arg3[%dma_start3A_438, %dma_start3A_439] : memref<10000x128xf32, #tpu.memory_space<hbm>> -> memref<10000x128xf32, #tpu.memory_space<hbm>>
        tpu.enqueue_indirect_dma source(%dma_start3A_440 : memref<10000x128xf32, #tpu.memory_space<hbm>>) target(%dma_start3A_435 : memref<160x128xf32, #tpu.memory_space<vmem>>) offsets(%dma_start3A_437 : memref<160xi32, #tpu.memory_space<vmem>>) semaphore(%arg21 : memref<!tpu.dma_semaphore, #tpu.memory_space<semaphore_mem>>)
        %dma_wait3A_441 = arith.constant 0 : i32
        %dma_wait3A_442 = arith.constant 0 : i32
        %dma_wait3A_443 = arith.constant 0 : i32
        %dma_wait3A_444 = tpu.memref_slice %arg14[%dma_wait3A_441, %dma_wait3A_442, %dma_wait3A_443] : memref<2x160x128xf32, #tpu.memory_space<vmem>> -> memref<1x160x128xf32, #tpu.memory_space<vmem>>
        %dma_wait3A_445 = tpu.memref_squeeze %dma_wait3A_444 : memref<1x160x128xf32, #tpu.memory_space<vmem>> -> memref<160x128xf32, #tpu.memory_space<vmem>>
        %dma_wait3A_446 = arith.constant 960 : i32
        %dma_wait3A_447 = tpu.memref_slice %arg12[%dma_wait3A_446] : memref<1280xi32, #tpu.memory_space<vmem>> -> memref<160xi32, #tpu.memory_space<vmem>>
        %dma_wait3A_448 = arith.constant 0 : i32
        %dma_wait3A_449 = arith.constant 0 : i32
        %dma_wait3A_450 = tpu.memref_slice %arg3[%dma_wait3A_448, %dma_wait3A_449] : memref<10000x128xf32, #tpu.memory_space<hbm>> -> memref<10000x128xf32, #tpu.memory_space<hbm>>
        tpu.wait_indirect_dma semaphore(%arg21 : memref<!tpu.dma_semaphore, #tpu.memory_space<semaphore_mem>>) src(%dma_wait3A_450 : memref<10000x128xf32, #tpu.memory_space<hbm>>) dst(%dma_wait3A_445 : memref<160x128xf32, #tpu.memory_space<vmem>>)
        %dma_start3A_451 = arith.constant 0 : i32
        %dma_start3A_452 = arith.constant 0 : i32
        %dma_start3A_453 = arith.constant 0 : i32
        %dma_start3A_454 = tpu.memref_slice %arg14[%dma_start3A_451, %dma_start3A_452, %dma_start3A_453] : memref<2x160x128xf32, #tpu.memory_space<vmem>> -> memref<1x160x128xf32, #tpu.memory_space<vmem>>
        %dma_start3A_455 = tpu.memref_squeeze %dma_start3A_454 : memref<1x160x128xf32, #tpu.memory_space<vmem>> -> memref<160x128xf32, #tpu.memory_space<vmem>>
        %dma_start3A_456 = arith.constant 960 : i32
        %dma_start3A_457 = tpu.memref_slice %arg13[%dma_start3A_456] : memref<1280xi32, #tpu.memory_space<vmem>> -> memref<160xi32, #tpu.memory_space<vmem>>
        %dma_start3A_458 = arith.constant 0 : i32
        %dma_start3A_459 = arith.constant 0 : i32
        %dma_start3A_460 = tpu.memref_slice %arg19[%dma_start3A_458, %dma_start3A_459] : memref<10240x128xf32, #tpu.memory_space<vmem_shared>> -> memref<10240x128xf32, #tpu.memory_space<vmem_shared>>
        tpu.enqueue_indirect_dma source(%dma_start3A_455 : memref<160x128xf32, #tpu.memory_space<vmem>>) target(%dma_start3A_460 : memref<10240x128xf32, #tpu.memory_space<vmem_shared>>) offsets(%dma_start3A_457 : memref<160xi32, #tpu.memory_space<vmem>>) semaphore(%arg22 : memref<!tpu.dma_semaphore, #tpu.memory_space<semaphore_mem>>) {add = true}
        %dma_wait3A_461 = arith.constant 1 : i32
        %dma_wait3A_462 = arith.constant 0 : i32
        %dma_wait3A_463 = arith.constant 0 : i32
        %dma_wait3A_464 = tpu.memref_slice %arg14[%dma_wait3A_461, %dma_wait3A_462, %dma_wait3A_463] : memref<2x160x128xf32, #tpu.memory_space<vmem>> -> memref<1x160x128xf32, #tpu.memory_space<vmem>>
        %dma_wait3A_465 = tpu.memref_squeeze %dma_wait3A_464 : memref<1x160x128xf32, #tpu.memory_space<vmem>> -> memref<160x128xf32, #tpu.memory_space<vmem>>
        %dma_wait3A_466 = arith.constant 1120 : i32
        %dma_wait3A_467 = tpu.memref_slice %arg12[%dma_wait3A_466] : memref<1280xi32, #tpu.memory_space<vmem>> -> memref<160xi32, #tpu.memory_space<vmem>>
        %dma_wait3A_468 = arith.constant 0 : i32
        %dma_wait3A_469 = arith.constant 0 : i32
        %dma_wait3A_470 = tpu.memref_slice %arg3[%dma_wait3A_468, %dma_wait3A_469] : memref<10000x128xf32, #tpu.memory_space<hbm>> -> memref<10000x128xf32, #tpu.memory_space<hbm>>
        tpu.wait_indirect_dma semaphore(%arg21 : memref<!tpu.dma_semaphore, #tpu.memory_space<semaphore_mem>>) src(%dma_wait3A_470 : memref<10000x128xf32, #tpu.memory_space<hbm>>) dst(%dma_wait3A_465 : memref<160x128xf32, #tpu.memory_space<vmem>>)
        %dma_start3A_471 = arith.constant 1 : i32
        %dma_start3A_472 = arith.constant 0 : i32
        %dma_start3A_473 = arith.constant 0 : i32
        %dma_start3A_474 = tpu.memref_slice %arg14[%dma_start3A_471, %dma_start3A_472, %dma_start3A_473] : memref<2x160x128xf32, #tpu.memory_space<vmem>> -> memref<1x160x128xf32, #tpu.memory_space<vmem>>
        %dma_start3A_475 = tpu.memref_squeeze %dma_start3A_474 : memref<1x160x128xf32, #tpu.memory_space<vmem>> -> memref<160x128xf32, #tpu.memory_space<vmem>>
        %dma_start3A_476 = arith.constant 1120 : i32
        %dma_start3A_477 = tpu.memref_slice %arg13[%dma_start3A_476] : memref<1280xi32, #tpu.memory_space<vmem>> -> memref<160xi32, #tpu.memory_space<vmem>>
        %dma_start3A_478 = arith.constant 0 : i32
        %dma_start3A_479 = arith.constant 0 : i32
        %dma_start3A_480 = tpu.memref_slice %arg19[%dma_start3A_478, %dma_start3A_479] : memref<10240x128xf32, #tpu.memory_space<vmem_shared>> -> memref<10240x128xf32, #tpu.memory_space<vmem_shared>>
        tpu.enqueue_indirect_dma source(%dma_start3A_475 : memref<160x128xf32, #tpu.memory_space<vmem>>) target(%dma_start3A_480 : memref<10240x128xf32, #tpu.memory_space<vmem_shared>>) offsets(%dma_start3A_477 : memref<160xi32, #tpu.memory_space<vmem>>) semaphore(%arg22 : memref<!tpu.dma_semaphore, #tpu.memory_space<semaphore_mem>>) {add = true}
        %dma_wait3A_481 = arith.constant 0 : i32
        %dma_wait3A_482 = arith.constant 0 : i32
        %dma_wait3A_483 = arith.constant 0 : i32
        %dma_wait3A_484 = tpu.memref_slice %arg14[%dma_wait3A_481, %dma_wait3A_482, %dma_wait3A_483] : memref<2x160x128xf32, #tpu.memory_space<vmem>> -> memref<1x160x128xf32, #tpu.memory_space<vmem>>
        %dma_wait3A_485 = tpu.memref_squeeze %dma_wait3A_484 : memref<1x160x128xf32, #tpu.memory_space<vmem>> -> memref<160x128xf32, #tpu.memory_space<vmem>>
        %dma_wait3A_486 = arith.constant 960 : i32
        %dma_wait3A_487 = tpu.memref_slice %arg13[%dma_wait3A_486] : memref<1280xi32, #tpu.memory_space<vmem>> -> memref<160xi32, #tpu.memory_space<vmem>>
        %dma_wait3A_488 = arith.constant 0 : i32
        %dma_wait3A_489 = arith.constant 0 : i32
        %dma_wait3A_490 = tpu.memref_slice %arg19[%dma_wait3A_488, %dma_wait3A_489] : memref<10240x128xf32, #tpu.memory_space<vmem_shared>> -> memref<10240x128xf32, #tpu.memory_space<vmem_shared>>
        tpu.wait_indirect_dma semaphore(%arg22 : memref<!tpu.dma_semaphore, #tpu.memory_space<semaphore_mem>>) src(%dma_wait3A_485 : memref<160x128xf32, #tpu.memory_space<vmem>>) dst(%dma_wait3A_490 : memref<10240x128xf32, #tpu.memory_space<vmem_shared>>)
        %dma_wait3A_491 = arith.constant 1 : i32
        %dma_wait3A_492 = arith.constant 0 : i32
        %dma_wait3A_493 = arith.constant 0 : i32
        %dma_wait3A_494 = tpu.memref_slice %arg14[%dma_wait3A_491, %dma_wait3A_492, %dma_wait3A_493] : memref<2x160x128xf32, #tpu.memory_space<vmem>> -> memref<1x160x128xf32, #tpu.memory_space<vmem>>
        %dma_wait3A_495 = tpu.memref_squeeze %dma_wait3A_494 : memref<1x160x128xf32, #tpu.memory_space<vmem>> -> memref<160x128xf32, #tpu.memory_space<vmem>>
        %dma_wait3A_496 = arith.constant 1120 : i32
        %dma_wait3A_497 = tpu.memref_slice %arg13[%dma_wait3A_496] : memref<1280xi32, #tpu.memory_space<vmem>> -> memref<160xi32, #tpu.memory_space<vmem>>
        %dma_wait3A_498 = arith.constant 0 : i32
        %dma_wait3A_499 = arith.constant 0 : i32
        %dma_wait3A_500 = tpu.memref_slice %arg19[%dma_wait3A_498, %dma_wait3A_499] : memref<10240x128xf32, #tpu.memory_space<vmem_shared>> -> memref<10240x128xf32, #tpu.memory_space<vmem_shared>>
        tpu.wait_indirect_dma semaphore(%arg22 : memref<!tpu.dma_semaphore, #tpu.memory_space<semaphore_mem>>) src(%dma_wait3A_495 : memref<160x128xf32, #tpu.memory_space<vmem>>) dst(%dma_wait3A_500 : memref<10240x128xf32, #tpu.memory_space<vmem_shared>>)
        %dma_wait3A_501 = arith.constant 0 : i32
        %dma_wait3A_502 = tpu.memref_slice %arg20[%dma_wait3A_501] : memref<10240xf32, #tpu.memory_space<vmem_shared>> -> memref<10240xf32, #tpu.memory_space<vmem_shared>>
        tpu.wait_indirect_dma semaphore(%arg23 : memref<!tpu.dma_semaphore, #tpu.memory_space<semaphore_mem>>) src(%arg15 : memref<1280xf32, #tpu.memory_space<vmem>>) dst(%dma_wait3A_502 : memref<10240xf32, #tpu.memory_space<vmem_shared>>)
      }
      %scan3A_43 = arith.constant 16 : i32
      %barrier3A_44 = arith.constant 0 : index
      tpu.barrier barrier_id(%barrier3A_44)
      %add3A_45 = arith.constant 0 : i32
      %add3A_46 = arith.addi %mul3A_25, %add3A_45 : i32
      %run_scoped3A_47 = arith.constant 0 : i32
      "tpu.region"() ({
        %run_scoped3A_173 = tpu.sem_alloc : memref<!tpu.dma_semaphore, #tpu.memory_space<semaphore_mem>>
        %dma_start3A_174 = arith.constant 0 : i32
        %dma_start3A_175 = arith.constant 0 : i32
        %dma_start3A_176 = tpu.memref_slice %arg14[%run_scoped3A_47, %dma_start3A_174, %dma_start3A_175] : memref<2x160x128xf32, #tpu.memory_space<vmem>> -> memref<1x160x128xf32, #tpu.memory_space<vmem>>
        %dma_start3A_177 = tpu.memref_squeeze %dma_start3A_176 : memref<1x160x128xf32, #tpu.memory_space<vmem>> -> memref<160x128xf32, #tpu.memory_space<vmem>>
        %dma_start3A_178 = arith.constant 0 : i32
        %dma_start3A_179 = tpu.memref_slice %arg19[%add3A_46, %dma_start3A_178] : memref<10240x128xf32, #tpu.memory_space<vmem_shared>> -> memref<160x128xf32, #tpu.memory_space<vmem_shared>>
        %dma_start3A_180 = arith.constant 0 : i32
        %dma_start3A_181 = arith.constant 0 : i32
        %dma_start3A_182 = tpu.memref_slice %arg14[%run_scoped3A_47, %dma_start3A_180, %dma_start3A_181] : memref<2x160x128xf32, #tpu.memory_space<vmem>> -> memref<1x160x128xf32, #tpu.memory_space<vmem>>
        %dma_start3A_183 = tpu.memref_squeeze %dma_start3A_182 : memref<1x160x128xf32, #tpu.memory_space<vmem>> -> memref<160x128xf32, #tpu.memory_space<vmem>>
        %dma_start3A_184 = arith.constant 0 : i32
        %dma_start3A_185 = tpu.memref_slice %arg19[%add3A_46, %dma_start3A_184] : memref<10240x128xf32, #tpu.memory_space<vmem_shared>> -> memref<160x128xf32, #tpu.memory_space<vmem_shared>>
        tpu.enqueue_dma source(%dma_start3A_185 : memref<160x128xf32, #tpu.memory_space<vmem_shared>>) target(%dma_start3A_183 : memref<160x128xf32, #tpu.memory_space<vmem>>) target_semaphore(%run_scoped3A_173 : memref<!tpu.dma_semaphore, #tpu.memory_space<semaphore_mem>>)
        %dma_wait3A_186 = arith.constant 0 : i32
        %dma_wait3A_187 = arith.constant 0 : i32
        %dma_wait3A_188 = tpu.memref_slice %arg14[%run_scoped3A_47, %dma_wait3A_186, %dma_wait3A_187] : memref<2x160x128xf32, #tpu.memory_space<vmem>> -> memref<1x160x128xf32, #tpu.memory_space<vmem>>
        %dma_wait3A_189 = tpu.memref_squeeze %dma_wait3A_188 : memref<1x160x128xf32, #tpu.memory_space<vmem>> -> memref<160x128xf32, #tpu.memory_space<vmem>>
        %dma_wait3A_190 = arith.constant 0 : i32
        %dma_wait3A_191 = tpu.memref_slice %arg19[%add3A_46, %dma_wait3A_190] : memref<10240x128xf32, #tpu.memory_space<vmem_shared>> -> memref<160x128xf32, #tpu.memory_space<vmem_shared>>
        %dma_wait3A_192 = arith.constant 0 : i32
        %dma_wait3A_193 = arith.constant 0 : i32
        %dma_wait3A_194 = tpu.memref_slice %arg14[%run_scoped3A_47, %dma_wait3A_192, %dma_wait3A_193] : memref<2x160x128xf32, #tpu.memory_space<vmem>> -> memref<1x160x128xf32, #tpu.memory_space<vmem>>
        %dma_wait3A_195 = tpu.memref_squeeze %dma_wait3A_194 : memref<1x160x128xf32, #tpu.memory_space<vmem>> -> memref<160x128xf32, #tpu.memory_space<vmem>>
        %dma_wait3A_196 = arith.constant 0 : i32
        %dma_wait3A_197 = tpu.memref_slice %arg19[%add3A_46, %dma_wait3A_196] : memref<10240x128xf32, #tpu.memory_space<vmem_shared>> -> memref<160x128xf32, #tpu.memory_space<vmem_shared>>
        tpu.wait_dma2 semaphore(%run_scoped3A_173 : memref<!tpu.dma_semaphore, #tpu.memory_space<semaphore_mem>>) src(%dma_wait3A_197 : memref<160x128xf32, #tpu.memory_space<vmem_shared>>) dst(%dma_wait3A_195 : memref<160x128xf32, #tpu.memory_space<vmem>>)
        tpu.yield
      }) : () -> ()
      %add3A_48 = arith.constant 0 : i32
      %add3A_49 = arith.addi %mul3A_25, %add3A_48 : i32
      %dma_start3A = arith.constant 0 : i32
      %dma_start3A_50 = arith.constant 0 : i32
      %dma_start3A_51 = arith.constant 0 : i32
      %dma_start3A_52 = tpu.memref_slice %arg14[%dma_start3A, %dma_start3A_50, %dma_start3A_51] : memref<2x160x128xf32, #tpu.memory_space<vmem>> -> memref<1x160x128xf32, #tpu.memory_space<vmem>>
      %dma_start3A_53 = tpu.memref_squeeze %dma_start3A_52 : memref<1x160x128xf32, #tpu.memory_space<vmem>> -> memref<160x128xf32, #tpu.memory_space<vmem>>
      %dma_start3A_54 = arith.constant 0 : i32
      %dma_start3A_55 = tpu.memref_slice %arg9[%add3A_49, %dma_start3A_54] : memref<10240x128xf32, #tpu.memory_space<hbm>> -> memref<160x128xf32, #tpu.memory_space<hbm>>
      %dma_start3A_56 = arith.constant 0 : i32
      %dma_start3A_57 = tpu.memref_slice %arg9[%add3A_49, %dma_start3A_56] : memref<10240x128xf32, #tpu.memory_space<hbm>> -> memref<160x128xf32, #tpu.memory_space<hbm>>
      %dma_start3A_58 = arith.constant 0 : i32
      %dma_start3A_59 = arith.constant 0 : i32
      %dma_start3A_60 = tpu.memref_slice %arg14[%dma_start3A, %dma_start3A_58, %dma_start3A_59] : memref<2x160x128xf32, #tpu.memory_space<vmem>> -> memref<1x160x128xf32, #tpu.memory_space<vmem>>
      %dma_start3A_61 = tpu.memref_squeeze %dma_start3A_60 : memref<1x160x128xf32, #tpu.memory_space<vmem>> -> memref<160x128xf32, #tpu.memory_space<vmem>>
      tpu.enqueue_dma source(%dma_start3A_61 : memref<160x128xf32, #tpu.memory_space<vmem>>) target(%dma_start3A_57 : memref<160x128xf32, #tpu.memory_space<hbm>>) target_semaphore(%arg24 : memref<!tpu.dma_semaphore, #tpu.memory_space<semaphore_mem>>)
      %add3A_62 = arith.constant 160 : i32
      %add3A_63 = arith.addi %mul3A_25, %add3A_62 : i32
      %run_scoped3A_64 = arith.constant 1 : i32
      "tpu.region"() ({
        %run_scoped3A_173 = tpu.sem_alloc : memref<!tpu.dma_semaphore, #tpu.memory_space<semaphore_mem>>
        %dma_start3A_174 = arith.constant 0 : i32
        %dma_start3A_175 = arith.constant 0 : i32
        %dma_start3A_176 = tpu.memref_slice %arg14[%run_scoped3A_64, %dma_start3A_174, %dma_start3A_175] : memref<2x160x128xf32, #tpu.memory_space<vmem>> -> memref<1x160x128xf32, #tpu.memory_space<vmem>>
        %dma_start3A_177 = tpu.memref_squeeze %dma_start3A_176 : memref<1x160x128xf32, #tpu.memory_space<vmem>> -> memref<160x128xf32, #tpu.memory_space<vmem>>
        %dma_start3A_178 = arith.constant 0 : i32
        %dma_start3A_179 = tpu.memref_slice %arg19[%add3A_63, %dma_start3A_178] : memref<10240x128xf32, #tpu.memory_space<vmem_shared>> -> memref<160x128xf32, #tpu.memory_space<vmem_shared>>
        %dma_start3A_180 = arith.constant 0 : i32
        %dma_start3A_181 = arith.constant 0 : i32
        %dma_start3A_182 = tpu.memref_slice %arg14[%run_scoped3A_64, %dma_start3A_180, %dma_start3A_181] : memref<2x160x128xf32, #tpu.memory_space<vmem>> -> memref<1x160x128xf32, #tpu.memory_space<vmem>>
        %dma_start3A_183 = tpu.memref_squeeze %dma_start3A_182 : memref<1x160x128xf32, #tpu.memory_space<vmem>> -> memref<160x128xf32, #tpu.memory_space<vmem>>
        %dma_start3A_184 = arith.constant 0 : i32
        %dma_start3A_185 = tpu.memref_slice %arg19[%add3A_63, %dma_start3A_184] : memref<10240x128xf32, #tpu.memory_space<vmem_shared>> -> memref<160x128xf32, #tpu.memory_space<vmem_shared>>
        tpu.enqueue_dma source(%dma_start3A_185 : memref<160x128xf32, #tpu.memory_space<vmem_shared>>) target(%dma_start3A_183 : memref<160x128xf32, #tpu.memory_space<vmem>>) target_semaphore(%run_scoped3A_173 : memref<!tpu.dma_semaphore, #tpu.memory_space<semaphore_mem>>)
        %dma_wait3A_186 = arith.constant 0 : i32
        %dma_wait3A_187 = arith.constant 0 : i32
        %dma_wait3A_188 = tpu.memref_slice %arg14[%run_scoped3A_64, %dma_wait3A_186, %dma_wait3A_187] : memref<2x160x128xf32, #tpu.memory_space<vmem>> -> memref<1x160x128xf32, #tpu.memory_space<vmem>>
        %dma_wait3A_189 = tpu.memref_squeeze %dma_wait3A_188 : memref<1x160x128xf32, #tpu.memory_space<vmem>> -> memref<160x128xf32, #tpu.memory_space<vmem>>
        %dma_wait3A_190 = arith.constant 0 : i32
        %dma_wait3A_191 = tpu.memref_slice %arg19[%add3A_63, %dma_wait3A_190] : memref<10240x128xf32, #tpu.memory_space<vmem_shared>> -> memref<160x128xf32, #tpu.memory_space<vmem_shared>>
        %dma_wait3A_192 = arith.constant 0 : i32
        %dma_wait3A_193 = arith.constant 0 : i32
        %dma_wait3A_194 = tpu.memref_slice %arg14[%run_scoped3A_64, %dma_wait3A_192, %dma_wait3A_193] : memref<2x160x128xf32, #tpu.memory_space<vmem>> -> memref<1x160x128xf32, #tpu.memory_space<vmem>>
        %dma_wait3A_195 = tpu.memref_squeeze %dma_wait3A_194 : memref<1x160x128xf32, #tpu.memory_space<vmem>> -> memref<160x128xf32, #tpu.memory_space<vmem>>
        %dma_wait3A_196 = arith.constant 0 : i32
        %dma_wait3A_197 = tpu.memref_slice %arg19[%add3A_63, %dma_wait3A_196] : memref<10240x128xf32, #tpu.memory_space<vmem_shared>> -> memref<160x128xf32, #tpu.memory_space<vmem_shared>>
        tpu.wait_dma2 semaphore(%run_scoped3A_173 : memref<!tpu.dma_semaphore, #tpu.memory_space<semaphore_mem>>) src(%dma_wait3A_197 : memref<160x128xf32, #tpu.memory_space<vmem_shared>>) dst(%dma_wait3A_195 : memref<160x128xf32, #tpu.memory_space<vmem>>)
        tpu.yield
      }) : () -> ()
      %add3A_65 = arith.constant 160 : i32
      %add3A_66 = arith.addi %mul3A_25, %add3A_65 : i32
      %dma_start3A_67 = arith.constant 1 : i32
      %dma_start3A_68 = arith.constant 0 : i32
      %dma_start3A_69 = arith.constant 0 : i32
      %dma_start3A_70 = tpu.memref_slice %arg14[%dma_start3A_67, %dma_start3A_68, %dma_start3A_69] : memref<2x160x128xf32, #tpu.memory_space<vmem>> -> memref<1x160x128xf32, #tpu.memory_space<vmem>>
      %dma_start3A_71 = tpu.memref_squeeze %dma_start3A_70 : memref<1x160x128xf32, #tpu.memory_space<vmem>> -> memref<160x128xf32, #tpu.memory_space<vmem>>
      %dma_start3A_72 = arith.constant 0 : i32
      %dma_start3A_73 = tpu.memref_slice %arg9[%add3A_66, %dma_start3A_72] : memref<10240x128xf32, #tpu.memory_space<hbm>> -> memref<160x128xf32, #tpu.memory_space<hbm>>
      %dma_start3A_74 = arith.constant 0 : i32
      %dma_start3A_75 = tpu.memref_slice %arg9[%add3A_66, %dma_start3A_74] : memref<10240x128xf32, #tpu.memory_space<hbm>> -> memref<160x128xf32, #tpu.memory_space<hbm>>
      %dma_start3A_76 = arith.constant 0 : i32
      %dma_start3A_77 = arith.constant 0 : i32
      %dma_start3A_78 = tpu.memref_slice %arg14[%dma_start3A_67, %dma_start3A_76, %dma_start3A_77] : memref<2x160x128xf32, #tpu.memory_space<vmem>> -> memref<1x160x128xf32, #tpu.memory_space<vmem>>
      %dma_start3A_79 = tpu.memref_squeeze %dma_start3A_78 : memref<1x160x128xf32, #tpu.memory_space<vmem>> -> memref<160x128xf32, #tpu.memory_space<vmem>>
      tpu.enqueue_dma source(%dma_start3A_79 : memref<160x128xf32, #tpu.memory_space<vmem>>) target(%dma_start3A_75 : memref<160x128xf32, #tpu.memory_space<hbm>>) target_semaphore(%arg24 : memref<!tpu.dma_semaphore, #tpu.memory_space<semaphore_mem>>)
      %dma_wait3A = arith.constant 0 : i32
      %dma_wait3A_80 = arith.constant 0 : i32
      %dma_wait3A_81 = arith.constant 0 : i32
      %dma_wait3A_82 = tpu.memref_slice %arg14[%dma_wait3A, %dma_wait3A_80, %dma_wait3A_81] : memref<2x160x128xf32, #tpu.memory_space<vmem>> -> memref<1x160x128xf32, #tpu.memory_space<vmem>>
      %dma_wait3A_83 = tpu.memref_squeeze %dma_wait3A_82 : memref<1x160x128xf32, #tpu.memory_space<vmem>> -> memref<160x128xf32, #tpu.memory_space<vmem>>
      %dma_wait3A_84 = arith.constant 0 : i32
      %dma_wait3A_85 = tpu.memref_slice %arg9[%add3A_49, %dma_wait3A_84] : memref<10240x128xf32, #tpu.memory_space<hbm>> -> memref<160x128xf32, #tpu.memory_space<hbm>>
      %dma_wait3A_86 = arith.constant 0 : i32
      %dma_wait3A_87 = tpu.memref_slice %arg9[%add3A_49, %dma_wait3A_86] : memref<10240x128xf32, #tpu.memory_space<hbm>> -> memref<160x128xf32, #tpu.memory_space<hbm>>
      %dma_wait3A_88 = arith.constant 0 : i32
      %dma_wait3A_89 = arith.constant 0 : i32
      %dma_wait3A_90 = tpu.memref_slice %arg14[%dma_wait3A, %dma_wait3A_88, %dma_wait3A_89] : memref<2x160x128xf32, #tpu.memory_space<vmem>> -> memref<1x160x128xf32, #tpu.memory_space<vmem>>
      %dma_wait3A_91 = tpu.memref_squeeze %dma_wait3A_90 : memref<1x160x128xf32, #tpu.memory_space<vmem>> -> memref<160x128xf32, #tpu.memory_space<vmem>>
      tpu.wait_dma2 semaphore(%arg24 : memref<!tpu.dma_semaphore, #tpu.memory_space<semaphore_mem>>) src(%dma_wait3A_91 : memref<160x128xf32, #tpu.memory_space<vmem>>) dst(%dma_wait3A_87 : memref<160x128xf32, #tpu.memory_space<hbm>>)
      %add3A_92 = arith.constant 320 : i32
      %add3A_93 = arith.addi %mul3A_25, %add3A_92 : i32
      %run_scoped3A_94 = arith.constant 0 : i32
      "tpu.region"() ({
        %run_scoped3A_173 = tpu.sem_alloc : memref<!tpu.dma_semaphore, #tpu.memory_space<semaphore_mem>>
        %dma_start3A_174 = arith.constant 0 : i32
        %dma_start3A_175 = arith.constant 0 : i32
        %dma_start3A_176 = tpu.memref_slice %arg14[%run_scoped3A_94, %dma_start3A_174, %dma_start3A_175] : memref<2x160x128xf32, #tpu.memory_space<vmem>> -> memref<1x160x128xf32, #tpu.memory_space<vmem>>
        %dma_start3A_177 = tpu.memref_squeeze %dma_start3A_176 : memref<1x160x128xf32, #tpu.memory_space<vmem>> -> memref<160x128xf32, #tpu.memory_space<vmem>>
        %dma_start3A_178 = arith.constant 0 : i32
        %dma_start3A_179 = tpu.memref_slice %arg19[%add3A_93, %dma_start3A_178] : memref<10240x128xf32, #tpu.memory_space<vmem_shared>> -> memref<160x128xf32, #tpu.memory_space<vmem_shared>>
        %dma_start3A_180 = arith.constant 0 : i32
        %dma_start3A_181 = arith.constant 0 : i32
        %dma_start3A_182 = tpu.memref_slice %arg14[%run_scoped3A_94, %dma_start3A_180, %dma_start3A_181] : memref<2x160x128xf32, #tpu.memory_space<vmem>> -> memref<1x160x128xf32, #tpu.memory_space<vmem>>
        %dma_start3A_183 = tpu.memref_squeeze %dma_start3A_182 : memref<1x160x128xf32, #tpu.memory_space<vmem>> -> memref<160x128xf32, #tpu.memory_space<vmem>>
        %dma_start3A_184 = arith.constant 0 : i32
        %dma_start3A_185 = tpu.memref_slice %arg19[%add3A_93, %dma_start3A_184] : memref<10240x128xf32, #tpu.memory_space<vmem_shared>> -> memref<160x128xf32, #tpu.memory_space<vmem_shared>>
        tpu.enqueue_dma source(%dma_start3A_185 : memref<160x128xf32, #tpu.memory_space<vmem_shared>>) target(%dma_start3A_183 : memref<160x128xf32, #tpu.memory_space<vmem>>) target_semaphore(%run_scoped3A_173 : memref<!tpu.dma_semaphore, #tpu.memory_space<semaphore_mem>>)
        %dma_wait3A_186 = arith.constant 0 : i32
        %dma_wait3A_187 = arith.constant 0 : i32
        %dma_wait3A_188 = tpu.memref_slice %arg14[%run_scoped3A_94, %dma_wait3A_186, %dma_wait3A_187] : memref<2x160x128xf32, #tpu.memory_space<vmem>> -> memref<1x160x128xf32, #tpu.memory_space<vmem>>
        %dma_wait3A_189 = tpu.memref_squeeze %dma_wait3A_188 : memref<1x160x128xf32, #tpu.memory_space<vmem>> -> memref<160x128xf32, #tpu.memory_space<vmem>>
        %dma_wait3A_190 = arith.constant 0 : i32
        %dma_wait3A_191 = tpu.memref_slice %arg19[%add3A_93, %dma_wait3A_190] : memref<10240x128xf32, #tpu.memory_space<vmem_shared>> -> memref<160x128xf32, #tpu.memory_space<vmem_shared>>
        %dma_wait3A_192 = arith.constant 0 : i32
        %dma_wait3A_193 = arith.constant 0 : i32
        %dma_wait3A_194 = tpu.memref_slice %arg14[%run_scoped3A_94, %dma_wait3A_192, %dma_wait3A_193] : memref<2x160x128xf32, #tpu.memory_space<vmem>> -> memref<1x160x128xf32, #tpu.memory_space<vmem>>
        %dma_wait3A_195 = tpu.memref_squeeze %dma_wait3A_194 : memref<1x160x128xf32, #tpu.memory_space<vmem>> -> memref<160x128xf32, #tpu.memory_space<vmem>>
        %dma_wait3A_196 = arith.constant 0 : i32
        %dma_wait3A_197 = tpu.memref_slice %arg19[%add3A_93, %dma_wait3A_196] : memref<10240x128xf32, #tpu.memory_space<vmem_shared>> -> memref<160x128xf32, #tpu.memory_space<vmem_shared>>
        tpu.wait_dma2 semaphore(%run_scoped3A_173 : memref<!tpu.dma_semaphore, #tpu.memory_space<semaphore_mem>>) src(%dma_wait3A_197 : memref<160x128xf32, #tpu.memory_space<vmem_shared>>) dst(%dma_wait3A_195 : memref<160x128xf32, #tpu.memory_space<vmem>>)
        tpu.yield
      }) : () -> ()
      %add3A_95 = arith.constant 320 : i32
      %add3A_96 = arith.addi %mul3A_25, %add3A_95 : i32
      %dma_start3A_97 = arith.constant 0 : i32
      %dma_start3A_98 = arith.constant 0 : i32
      %dma_start3A_99 = arith.constant 0 : i32
      %dma_start3A_100 = tpu.memref_slice %arg14[%dma_start3A_97, %dma_start3A_98, %dma_start3A_99] : memref<2x160x128xf32, #tpu.memory_space<vmem>> -> memref<1x160x128xf32, #tpu.memory_space<vmem>>
      %dma_start3A_101 = tpu.memref_squeeze %dma_start3A_100 : memref<1x160x128xf32, #tpu.memory_space<vmem>> -> memref<160x128xf32, #tpu.memory_space<vmem>>
      %dma_start3A_102 = arith.constant 0 : i32
      %dma_start3A_103 = tpu.memref_slice %arg9[%add3A_96, %dma_start3A_102] : memref<10240x128xf32, #tpu.memory_space<hbm>> -> memref<160x128xf32, #tpu.memory_space<hbm>>
      %dma_start3A_104 = arith.constant 0 : i32
      %dma_start3A_105 = tpu.memref_slice %arg9[%add3A_96, %dma_start3A_104] : memref<10240x128xf32, #tpu.memory_space<hbm>> -> memref<160x128xf32, #tpu.memory_space<hbm>>
      %dma_start3A_106 = arith.constant 0 : i32
      %dma_start3A_107 = arith.constant 0 : i32
      %dma_start3A_108 = tpu.memref_slice %arg14[%dma_start3A_97, %dma_start3A_106, %dma_start3A_107] : memref<2x160x128xf32, #tpu.memory_space<vmem>> -> memref<1x160x128xf32, #tpu.memory_space<vmem>>
      %dma_start3A_109 = tpu.memref_squeeze %dma_start3A_108 : memref<1x160x128xf32, #tpu.memory_space<vmem>> -> memref<160x128xf32, #tpu.memory_space<vmem>>
      tpu.enqueue_dma source(%dma_start3A_109 : memref<160x128xf32, #tpu.memory_space<vmem>>) target(%dma_start3A_105 : memref<160x128xf32, #tpu.memory_space<hbm>>) target_semaphore(%arg24 : memref<!tpu.dma_semaphore, #tpu.memory_space<semaphore_mem>>)
      %dma_wait3A_110 = arith.constant 1 : i32
      %dma_wait3A_111 = arith.constant 0 : i32
      %dma_wait3A_112 = arith.constant 0 : i32
      %dma_wait3A_113 = tpu.memref_slice %arg14[%dma_wait3A_110, %dma_wait3A_111, %dma_wait3A_112] : memref<2x160x128xf32, #tpu.memory_space<vmem>> -> memref<1x160x128xf32, #tpu.memory_space<vmem>>
      %dma_wait3A_114 = tpu.memref_squeeze %dma_wait3A_113 : memref<1x160x128xf32, #tpu.memory_space<vmem>> -> memref<160x128xf32, #tpu.memory_space<vmem>>
      %dma_wait3A_115 = arith.constant 0 : i32
      %dma_wait3A_116 = tpu.memref_slice %arg9[%add3A_66, %dma_wait3A_115] : memref<10240x128xf32, #tpu.memory_space<hbm>> -> memref<160x128xf32, #tpu.memory_space<hbm>>
      %dma_wait3A_117 = arith.constant 0 : i32
      %dma_wait3A_118 = tpu.memref_slice %arg9[%add3A_66, %dma_wait3A_117] : memref<10240x128xf32, #tpu.memory_space<hbm>> -> memref<160x128xf32, #tpu.memory_space<hbm>>
      %dma_wait3A_119 = arith.constant 0 : i32
      %dma_wait3A_120 = arith.constant 0 : i32
      %dma_wait3A_121 = tpu.memref_slice %arg14[%dma_wait3A_110, %dma_wait3A_119, %dma_wait3A_120] : memref<2x160x128xf32, #tpu.memory_space<vmem>> -> memref<1x160x128xf32, #tpu.memory_space<vmem>>
      %dma_wait3A_122 = tpu.memref_squeeze %dma_wait3A_121 : memref<1x160x128xf32, #tpu.memory_space<vmem>> -> memref<160x128xf32, #tpu.memory_space<vmem>>
      tpu.wait_dma2 semaphore(%arg24 : memref<!tpu.dma_semaphore, #tpu.memory_space<semaphore_mem>>) src(%dma_wait3A_122 : memref<160x128xf32, #tpu.memory_space<vmem>>) dst(%dma_wait3A_118 : memref<160x128xf32, #tpu.memory_space<hbm>>)
      %add3A_123 = arith.constant 480 : i32
      %add3A_124 = arith.addi %mul3A_25, %add3A_123 : i32
      %run_scoped3A_125 = arith.constant 1 : i32
      "tpu.region"() ({
        %run_scoped3A_173 = tpu.sem_alloc : memref<!tpu.dma_semaphore, #tpu.memory_space<semaphore_mem>>
        %dma_start3A_174 = arith.constant 0 : i32
        %dma_start3A_175 = arith.constant 0 : i32
        %dma_start3A_176 = tpu.memref_slice %arg14[%run_scoped3A_125, %dma_start3A_174, %dma_start3A_175] : memref<2x160x128xf32, #tpu.memory_space<vmem>> -> memref<1x160x128xf32, #tpu.memory_space<vmem>>
        %dma_start3A_177 = tpu.memref_squeeze %dma_start3A_176 : memref<1x160x128xf32, #tpu.memory_space<vmem>> -> memref<160x128xf32, #tpu.memory_space<vmem>>
        %dma_start3A_178 = arith.constant 0 : i32
        %dma_start3A_179 = tpu.memref_slice %arg19[%add3A_124, %dma_start3A_178] : memref<10240x128xf32, #tpu.memory_space<vmem_shared>> -> memref<160x128xf32, #tpu.memory_space<vmem_shared>>
        %dma_start3A_180 = arith.constant 0 : i32
        %dma_start3A_181 = arith.constant 0 : i32
        %dma_start3A_182 = tpu.memref_slice %arg14[%run_scoped3A_125, %dma_start3A_180, %dma_start3A_181] : memref<2x160x128xf32, #tpu.memory_space<vmem>> -> memref<1x160x128xf32, #tpu.memory_space<vmem>>
        %dma_start3A_183 = tpu.memref_squeeze %dma_start3A_182 : memref<1x160x128xf32, #tpu.memory_space<vmem>> -> memref<160x128xf32, #tpu.memory_space<vmem>>
        %dma_start3A_184 = arith.constant 0 : i32
        %dma_start3A_185 = tpu.memref_slice %arg19[%add3A_124, %dma_start3A_184] : memref<10240x128xf32, #tpu.memory_space<vmem_shared>> -> memref<160x128xf32, #tpu.memory_space<vmem_shared>>
        tpu.enqueue_dma source(%dma_start3A_185 : memref<160x128xf32, #tpu.memory_space<vmem_shared>>) target(%dma_start3A_183 : memref<160x128xf32, #tpu.memory_space<vmem>>) target_semaphore(%run_scoped3A_173 : memref<!tpu.dma_semaphore, #tpu.memory_space<semaphore_mem>>)
        %dma_wait3A_186 = arith.constant 0 : i32
        %dma_wait3A_187 = arith.constant 0 : i32
        %dma_wait3A_188 = tpu.memref_slice %arg14[%run_scoped3A_125, %dma_wait3A_186, %dma_wait3A_187] : memref<2x160x128xf32, #tpu.memory_space<vmem>> -> memref<1x160x128xf32, #tpu.memory_space<vmem>>
        %dma_wait3A_189 = tpu.memref_squeeze %dma_wait3A_188 : memref<1x160x128xf32, #tpu.memory_space<vmem>> -> memref<160x128xf32, #tpu.memory_space<vmem>>
        %dma_wait3A_190 = arith.constant 0 : i32
        %dma_wait3A_191 = tpu.memref_slice %arg19[%add3A_124, %dma_wait3A_190] : memref<10240x128xf32, #tpu.memory_space<vmem_shared>> -> memref<160x128xf32, #tpu.memory_space<vmem_shared>>
        %dma_wait3A_192 = arith.constant 0 : i32
        %dma_wait3A_193 = arith.constant 0 : i32
        %dma_wait3A_194 = tpu.memref_slice %arg14[%run_scoped3A_125, %dma_wait3A_192, %dma_wait3A_193] : memref<2x160x128xf32, #tpu.memory_space<vmem>> -> memref<1x160x128xf32, #tpu.memory_space<vmem>>
        %dma_wait3A_195 = tpu.memref_squeeze %dma_wait3A_194 : memref<1x160x128xf32, #tpu.memory_space<vmem>> -> memref<160x128xf32, #tpu.memory_space<vmem>>
        %dma_wait3A_196 = arith.constant 0 : i32
        %dma_wait3A_197 = tpu.memref_slice %arg19[%add3A_124, %dma_wait3A_196] : memref<10240x128xf32, #tpu.memory_space<vmem_shared>> -> memref<160x128xf32, #tpu.memory_space<vmem_shared>>
        tpu.wait_dma2 semaphore(%run_scoped3A_173 : memref<!tpu.dma_semaphore, #tpu.memory_space<semaphore_mem>>) src(%dma_wait3A_197 : memref<160x128xf32, #tpu.memory_space<vmem_shared>>) dst(%dma_wait3A_195 : memref<160x128xf32, #tpu.memory_space<vmem>>)
        tpu.yield
      }) : () -> ()
      %add3A_126 = arith.constant 480 : i32
      %add3A_127 = arith.addi %mul3A_25, %add3A_126 : i32
      %dma_start3A_128 = arith.constant 1 : i32
      %dma_start3A_129 = arith.constant 0 : i32
      %dma_start3A_130 = arith.constant 0 : i32
      %dma_start3A_131 = tpu.memref_slice %arg14[%dma_start3A_128, %dma_start3A_129, %dma_start3A_130] : memref<2x160x128xf32, #tpu.memory_space<vmem>> -> memref<1x160x128xf32, #tpu.memory_space<vmem>>
      %dma_start3A_132 = tpu.memref_squeeze %dma_start3A_131 : memref<1x160x128xf32, #tpu.memory_space<vmem>> -> memref<160x128xf32, #tpu.memory_space<vmem>>
      %dma_start3A_133 = arith.constant 0 : i32
      %dma_start3A_134 = tpu.memref_slice %arg9[%add3A_127, %dma_start3A_133] : memref<10240x128xf32, #tpu.memory_space<hbm>> -> memref<160x128xf32, #tpu.memory_space<hbm>>
      %dma_start3A_135 = arith.constant 0 : i32
      %dma_start3A_136 = tpu.memref_slice %arg9[%add3A_127, %dma_start3A_135] : memref<10240x128xf32, #tpu.memory_space<hbm>> -> memref<160x128xf32, #tpu.memory_space<hbm>>
      %dma_start3A_137 = arith.constant 0 : i32
      %dma_start3A_138 = arith.constant 0 : i32
      %dma_start3A_139 = tpu.memref_slice %arg14[%dma_start3A_128, %dma_start3A_137, %dma_start3A_138] : memref<2x160x128xf32, #tpu.memory_space<vmem>> -> memref<1x160x128xf32, #tpu.memory_space<vmem>>
      %dma_start3A_140 = tpu.memref_squeeze %dma_start3A_139 : memref<1x160x128xf32, #tpu.memory_space<vmem>> -> memref<160x128xf32, #tpu.memory_space<vmem>>
      tpu.enqueue_dma source(%dma_start3A_140 : memref<160x128xf32, #tpu.memory_space<vmem>>) target(%dma_start3A_136 : memref<160x128xf32, #tpu.memory_space<hbm>>) target_semaphore(%arg24 : memref<!tpu.dma_semaphore, #tpu.memory_space<semaphore_mem>>)
      %scan3A_141 = arith.constant 0 : i32
      %scan3A_142 = arith.constant 0 : i32
      %scan3A_143 = arith.constant 16 : i32
      %scan3A_144 = arith.addi %scan3A_142, %scan3A_143 : i32
      %scan3A_145 = arith.constant 1 : i32
      scf.for %scan3A_173 = %scan3A_142 to %scan3A_144 step %scan3A_145  : i32 {
        %mul3A_174 = arith.constant 8 : i32
        %mul3A_175 = arith.muli %scan3A_173, %mul3A_174 : i32
        %mul3A_176 = arith.constant 160 : i32
        %mul3A_177 = arith.muli %mul3A_175, %mul3A_176 : i32
        %add3A_178 = arith.addi %mul3A_37, %mul3A_177 : i32
        "tpu.region"() ({
          %run_scoped3A_1219 = tpu.sem_alloc : memref<!tpu.dma_semaphore, #tpu.memory_space<semaphore_mem>>
          %dma_start3A_1220 = tpu.memref_slice %arg7[%add3A_178] : memref<327680xi32, #tpu.memory_space<hbm>> -> memref<1280xi32, #tpu.memory_space<hbm>>
          %dma_start3A_1221 = tpu.memref_slice %arg7[%add3A_178] : memref<327680xi32, #tpu.memory_space<hbm>> -> memref<1280xi32, #tpu.memory_space<hbm>>
          tpu.enqueue_dma source(%dma_start3A_1221 : memref<1280xi32, #tpu.memory_space<hbm>>) target(%arg13 : memref<1280xi32, #tpu.memory_space<vmem>>) target_semaphore(%run_scoped3A_1219 : memref<!tpu.dma_semaphore, #tpu.memory_space<semaphore_mem>>)
          %dma_wait3A_1222 = tpu.memref_slice %arg7[%add3A_178] : memref<327680xi32, #tpu.memory_space<hbm>> -> memref<1280xi32, #tpu.memory_space<hbm>>
          %dma_wait3A_1223 = tpu.memref_slice %arg7[%add3A_178] : memref<327680xi32, #tpu.memory_space<hbm>> -> memref<1280xi32, #tpu.memory_space<hbm>>
          tpu.wait_dma2 semaphore(%run_scoped3A_1219 : memref<!tpu.dma_semaphore, #tpu.memory_space<semaphore_mem>>) src(%dma_wait3A_1223 : memref<1280xi32, #tpu.memory_space<hbm>>) dst(%arg13 : memref<1280xi32, #tpu.memory_space<vmem>>)
          tpu.yield
        }) : () -> ()
        %dma_start3A_179 = arith.constant 0 : i32
        %dma_start3A_180 = tpu.memref_slice %arg20[%dma_start3A_179] : memref<10240xf32, #tpu.memory_space<vmem_shared>> -> memref<10240xf32, #tpu.memory_space<vmem_shared>>
        tpu.enqueue_indirect_dma source(%dma_start3A_180 : memref<10240xf32, #tpu.memory_space<vmem_shared>>) target(%arg17 : memref<1280xf32, #tpu.memory_space<vmem>>) offsets(%arg13 : memref<1280xi32, #tpu.memory_space<vmem>>) semaphore(%arg21 : memref<!tpu.dma_semaphore, #tpu.memory_space<semaphore_mem>>)
        %dma_wait3A_181 = arith.constant 0 : i32
        %dma_wait3A_182 = tpu.memref_slice %arg20[%dma_wait3A_181] : memref<10240xf32, #tpu.memory_space<vmem_shared>> -> memref<10240xf32, #tpu.memory_space<vmem_shared>>
        tpu.wait_indirect_dma semaphore(%arg21 : memref<!tpu.dma_semaphore, #tpu.memory_space<semaphore_mem>>) src(%dma_wait3A_182 : memref<10240xf32, #tpu.memory_space<vmem_shared>>) dst(%arg17 : memref<1280xf32, #tpu.memory_space<vmem>>)
        %get3A = arith.constant 0 : index
        %get3A_183 = tpu.vector_load %arg17[%get3A] {strides = array<i32>} : memref<1280xf32, #tpu.memory_space<vmem>>, vector<16xf32>,
        %get3A_184 = vector.shape_cast %get3A_183 : vector<16xf32> to vector<16xf32>
        %max3A = arith.constant 1.000000e+00 : f32
        %max3A_185 = vector.broadcast %max3A : f32 to vector<16xf32>
        %max3A_186 = arith.maximumf %get3A_184, %max3A_185 : vector<16xf32>
        %div3A = arith.constant 1.000000e+00 : f32
        %div3A_187 = vector.broadcast %div3A : f32 to vector<16xf32>
        %div3A_188 = arith.divf %div3A_187, %max3A_186 : vector<16xf32>
        %swap3A = arith.constant 0 : index
        %swap3A_189 = tpu.vector_load %arg16[%swap3A] {strides = array<i32>} : memref<1280xf32, #tpu.memory_space<vmem>>, vector<16xf32>,
        %swap3A_190 = vector.shape_cast %swap3A_189 : vector<16xf32> to vector<16xf32>
        %swap3A_191 = vector.shape_cast %div3A_188 : vector<16xf32> to vector<16xf32>
        tpu.vector_store %arg16[%swap3A], %swap3A_191 {strides = array<i32>} : memref<1280xf32, #tpu.memory_space<vmem>>, vector<16xf32>,
        %get3A_192 = arith.constant 16 : index
        %get3A_193 = tpu.vector_load %arg17[%get3A_192] {strides = array<i32>} : memref<1280xf32, #tpu.memory_space<vmem>>, vector<16xf32>,
        %get3A_194 = vector.shape_cast %get3A_193 : vector<16xf32> to vector<16xf32>
        %max3A_195 = arith.constant 1.000000e+00 : f32
        %max3A_196 = vector.broadcast %max3A_195 : f32 to vector<16xf32>
        %max3A_197 = arith.maximumf %get3A_194, %max3A_196 : vector<16xf32>
        %div3A_198 = arith.constant 1.000000e+00 : f32
        %div3A_199 = vector.broadcast %div3A_198 : f32 to vector<16xf32>
        %div3A_200 = arith.divf %div3A_199, %max3A_197 : vector<16xf32>
        %swap3A_201 = arith.constant 16 : index
        %swap3A_202 = tpu.vector_load %arg16[%swap3A_201] {strides = array<i32>} : memref<1280xf32, #tpu.memory_space<vmem>>, vector<16xf32>,
        %swap3A_203 = vector.shape_cast %swap3A_202 : vector<16xf32> to vector<16xf32>
        %swap3A_204 = vector.shape_cast %div3A_200 : vector<16xf32> to vector<16xf32>
        tpu.vector_store %arg16[%swap3A_201], %swap3A_204 {strides = array<i32>} : memref<1280xf32, #tpu.memory_space<vmem>>, vector<16xf32>,
        %get3A_205 = arith.constant 32 : index
        %get3A_206 = tpu.vector_load %arg17[%get3A_205] {strides = array<i32>} : memref<1280xf32, #tpu.memory_space<vmem>>, vector<16xf32>,
        %get3A_207 = vector.shape_cast %get3A_206 : vector<16xf32> to vector<16xf32>
        %max3A_208 = arith.constant 1.000000e+00 : f32
        %max3A_209 = vector.broadcast %max3A_208 : f32 to vector<16xf32>
        %max3A_210 = arith.maximumf %get3A_207, %max3A_209 : vector<16xf32>
        %div3A_211 = arith.constant 1.000000e+00 : f32
        %div3A_212 = vector.broadcast %div3A_211 : f32 to vector<16xf32>
        %div3A_213 = arith.divf %div3A_212, %max3A_210 : vector<16xf32>
        %swap3A_214 = arith.constant 32 : index
        %swap3A_215 = tpu.vector_load %arg16[%swap3A_214] {strides = array<i32>} : memref<1280xf32, #tpu.memory_space<vmem>>, vector<16xf32>,
        %swap3A_216 = vector.shape_cast %swap3A_215 : vector<16xf32> to vector<16xf32>
        %swap3A_217 = vector.shape_cast %div3A_213 : vector<16xf32> to vector<16xf32>
        tpu.vector_store %arg16[%swap3A_214], %swap3A_217 {strides = array<i32>} : memref<1280xf32, #tpu.memory_space<vmem>>, vector<16xf32>,
        %get3A_218 = arith.constant 48 : index
        %get3A_219 = tpu.vector_load %arg17[%get3A_218] {strides = array<i32>} : memref<1280xf32, #tpu.memory_space<vmem>>, vector<16xf32>,
        %get3A_220 = vector.shape_cast %get3A_219 : vector<16xf32> to vector<16xf32>
        %max3A_221 = arith.constant 1.000000e+00 : f32
        %max3A_222 = vector.broadcast %max3A_221 : f32 to vector<16xf32>
        %max3A_223 = arith.maximumf %get3A_220, %max3A_222 : vector<16xf32>
        %div3A_224 = arith.constant 1.000000e+00 : f32
        %div3A_225 = vector.broadcast %div3A_224 : f32 to vector<16xf32>
        %div3A_226 = arith.divf %div3A_225, %max3A_223 : vector<16xf32>
        %swap3A_227 = arith.constant 48 : index
        %swap3A_228 = tpu.vector_load %arg16[%swap3A_227] {strides = array<i32>} : memref<1280xf32, #tpu.memory_space<vmem>>, vector<16xf32>,
        %swap3A_229 = vector.shape_cast %swap3A_228 : vector<16xf32> to vector<16xf32>
        %swap3A_230 = vector.shape_cast %div3A_226 : vector<16xf32> to vector<16xf32>
        tpu.vector_store %arg16[%swap3A_227], %swap3A_230 {strides = array<i32>} : memref<1280xf32, #tpu.memory_space<vmem>>, vector<16xf32>,
        %get3A_231 = arith.constant 64 : index
        %get3A_232 = tpu.vector_load %arg17[%get3A_231] {strides = array<i32>} : memref<1280xf32, #tpu.memory_space<vmem>>, vector<16xf32>,
        %get3A_233 = vector.shape_cast %get3A_232 : vector<16xf32> to vector<16xf32>
        %max3A_234 = arith.constant 1.000000e+00 : f32
        %max3A_235 = vector.broadcast %max3A_234 : f32 to vector<16xf32>
        %max3A_236 = arith.maximumf %get3A_233, %max3A_235 : vector<16xf32>
        %div3A_237 = arith.constant 1.000000e+00 : f32
        %div3A_238 = vector.broadcast %div3A_237 : f32 to vector<16xf32>
        %div3A_239 = arith.divf %div3A_238, %max3A_236 : vector<16xf32>
        %swap3A_240 = arith.constant 64 : index
        %swap3A_241 = tpu.vector_load %arg16[%swap3A_240] {strides = array<i32>} : memref<1280xf32, #tpu.memory_space<vmem>>, vector<16xf32>,
        %swap3A_242 = vector.shape_cast %swap3A_241 : vector<16xf32> to vector<16xf32>
        %swap3A_243 = vector.shape_cast %div3A_239 : vector<16xf32> to vector<16xf32>
        tpu.vector_store %arg16[%swap3A_240], %swap3A_243 {strides = array<i32>} : memref<1280xf32, #tpu.memory_space<vmem>>, vector<16xf32>,
        %get3A_244 = arith.constant 80 : index
        %get3A_245 = tpu.vector_load %arg17[%get3A_244] {strides = array<i32>} : memref<1280xf32, #tpu.memory_space<vmem>>, vector<16xf32>,
        %get3A_246 = vector.shape_cast %get3A_245 : vector<16xf32> to vector<16xf32>
        %max3A_247 = arith.constant 1.000000e+00 : f32
        %max3A_248 = vector.broadcast %max3A_247 : f32 to vector<16xf32>
        %max3A_249 = arith.maximumf %get3A_246, %max3A_248 : vector<16xf32>
        %div3A_250 = arith.constant 1.000000e+00 : f32
        %div3A_251 = vector.broadcast %div3A_250 : f32 to vector<16xf32>
        %div3A_252 = arith.divf %div3A_251, %max3A_249 : vector<16xf32>
        %swap3A_253 = arith.constant 80 : index
        %swap3A_254 = tpu.vector_load %arg16[%swap3A_253] {strides = array<i32>} : memref<1280xf32, #tpu.memory_space<vmem>>, vector<16xf32>,
        %swap3A_255 = vector.shape_cast %swap3A_254 : vector<16xf32> to vector<16xf32>
        %swap3A_256 = vector.shape_cast %div3A_252 : vector<16xf32> to vector<16xf32>
        tpu.vector_store %arg16[%swap3A_253], %swap3A_256 {strides = array<i32>} : memref<1280xf32, #tpu.memory_space<vmem>>, vector<16xf32>,
        %get3A_257 = arith.constant 96 : index
        %get3A_258 = tpu.vector_load %arg17[%get3A_257] {strides = array<i32>} : memref<1280xf32, #tpu.memory_space<vmem>>, vector<16xf32>,
        %get3A_259 = vector.shape_cast %get3A_258 : vector<16xf32> to vector<16xf32>
        %max3A_260 = arith.constant 1.000000e+00 : f32
        %max3A_261 = vector.broadcast %max3A_260 : f32 to vector<16xf32>
        %max3A_262 = arith.maximumf %get3A_259, %max3A_261 : vector<16xf32>
        %div3A_263 = arith.constant 1.000000e+00 : f32
        %div3A_264 = vector.broadcast %div3A_263 : f32 to vector<16xf32>
        %div3A_265 = arith.divf %div3A_264, %max3A_262 : vector<16xf32>
        %swap3A_266 = arith.constant 96 : index
        %swap3A_267 = tpu.vector_load %arg16[%swap3A_266] {strides = array<i32>} : memref<1280xf32, #tpu.memory_space<vmem>>, vector<16xf32>,
        %swap3A_268 = vector.shape_cast %swap3A_267 : vector<16xf32> to vector<16xf32>
        %swap3A_269 = vector.shape_cast %div3A_265 : vector<16xf32> to vector<16xf32>
        tpu.vector_store %arg16[%swap3A_266], %swap3A_269 {strides = array<i32>} : memref<1280xf32, #tpu.memory_space<vmem>>, vector<16xf32>,
        %get3A_270 = arith.constant 112 : index
        %get3A_271 = tpu.vector_load %arg17[%get3A_270] {strides = array<i32>} : memref<1280xf32, #tpu.memory_space<vmem>>, vector<16xf32>,
        %get3A_272 = vector.shape_cast %get3A_271 : vector<16xf32> to vector<16xf32>
        %max3A_273 = arith.constant 1.000000e+00 : f32
        %max3A_274 = vector.broadcast %max3A_273 : f32 to vector<16xf32>
        %max3A_275 = arith.maximumf %get3A_272, %max3A_274 : vector<16xf32>
        %div3A_276 = arith.constant 1.000000e+00 : f32
        %div3A_277 = vector.broadcast %div3A_276 : f32 to vector<16xf32>
        %div3A_278 = arith.divf %div3A_277, %max3A_275 : vector<16xf32>
        %swap3A_279 = arith.constant 112 : index
        %swap3A_280 = tpu.vector_load %arg16[%swap3A_279] {strides = array<i32>} : memref<1280xf32, #tpu.memory_space<vmem>>, vector<16xf32>,
        %swap3A_281 = vector.shape_cast %swap3A_280 : vector<16xf32> to vector<16xf32>
        %swap3A_282 = vector.shape_cast %div3A_278 : vector<16xf32> to vector<16xf32>
        tpu.vector_store %arg16[%swap3A_279], %swap3A_282 {strides = array<i32>} : memref<1280xf32, #tpu.memory_space<vmem>>, vector<16xf32>,
        %get3A_283 = arith.constant 128 : index
        %get3A_284 = tpu.vector_load %arg17[%get3A_283] {strides = array<i32>} : memref<1280xf32, #tpu.memory_space<vmem>>, vector<16xf32>,
        %get3A_285 = vector.shape_cast %get3A_284 : vector<16xf32> to vector<16xf32>
        %max3A_286 = arith.constant 1.000000e+00 : f32
        %max3A_287 = vector.broadcast %max3A_286 : f32 to vector<16xf32>
        %max3A_288 = arith.maximumf %get3A_285, %max3A_287 : vector<16xf32>
        %div3A_289 = arith.constant 1.000000e+00 : f32
        %div3A_290 = vector.broadcast %div3A_289 : f32 to vector<16xf32>
        %div3A_291 = arith.divf %div3A_290, %max3A_288 : vector<16xf32>
        %swap3A_292 = arith.constant 128 : index
        %swap3A_293 = tpu.vector_load %arg16[%swap3A_292] {strides = array<i32>} : memref<1280xf32, #tpu.memory_space<vmem>>, vector<16xf32>,
        %swap3A_294 = vector.shape_cast %swap3A_293 : vector<16xf32> to vector<16xf32>
        %swap3A_295 = vector.shape_cast %div3A_291 : vector<16xf32> to vector<16xf32>
        tpu.vector_store %arg16[%swap3A_292], %swap3A_295 {strides = array<i32>} : memref<1280xf32, #tpu.memory_space<vmem>>, vector<16xf32>,
        %get3A_296 = arith.constant 144 : index
        %get3A_297 = tpu.vector_load %arg17[%get3A_296] {strides = array<i32>} : memref<1280xf32, #tpu.memory_space<vmem>>, vector<16xf32>,
        %get3A_298 = vector.shape_cast %get3A_297 : vector<16xf32> to vector<16xf32>
        %max3A_299 = arith.constant 1.000000e+00 : f32
        %max3A_300 = vector.broadcast %max3A_299 : f32 to vector<16xf32>
        %max3A_301 = arith.maximumf %get3A_298, %max3A_300 : vector<16xf32>
        %div3A_302 = arith.constant 1.000000e+00 : f32
        %div3A_303 = vector.broadcast %div3A_302 : f32 to vector<16xf32>
        %div3A_304 = arith.divf %div3A_303, %max3A_301 : vector<16xf32>
        %swap3A_305 = arith.constant 144 : index
        %swap3A_306 = tpu.vector_load %arg16[%swap3A_305] {strides = array<i32>} : memref<1280xf32, #tpu.memory_space<vmem>>, vector<16xf32>,
        %swap3A_307 = vector.shape_cast %swap3A_306 : vector<16xf32> to vector<16xf32>
        %swap3A_308 = vector.shape_cast %div3A_304 : vector<16xf32> to vector<16xf32>
        tpu.vector_store %arg16[%swap3A_305], %swap3A_308 {strides = array<i32>} : memref<1280xf32, #tpu.memory_space<vmem>>, vector<16xf32>,
        %get3A_309 = arith.constant 160 : index
        %get3A_310 = tpu.vector_load %arg17[%get3A_309] {strides = array<i32>} : memref<1280xf32, #tpu.memory_space<vmem>>, vector<16xf32>,
        %get3A_311 = vector.shape_cast %get3A_310 : vector<16xf32> to vector<16xf32>
        %max3A_312 = arith.constant 1.000000e+00 : f32
        %max3A_313 = vector.broadcast %max3A_312 : f32 to vector<16xf32>
        %max3A_314 = arith.maximumf %get3A_311, %max3A_313 : vector<16xf32>
        %div3A_315 = arith.constant 1.000000e+00 : f32
        %div3A_316 = vector.broadcast %div3A_315 : f32 to vector<16xf32>
        %div3A_317 = arith.divf %div3A_316, %max3A_314 : vector<16xf32>
        %swap3A_318 = arith.constant 160 : index
        %swap3A_319 = tpu.vector_load %arg16[%swap3A_318] {strides = array<i32>} : memref<1280xf32, #tpu.memory_space<vmem>>, vector<16xf32>,
        %swap3A_320 = vector.shape_cast %swap3A_319 : vector<16xf32> to vector<16xf32>
        %swap3A_321 = vector.shape_cast %div3A_317 : vector<16xf32> to vector<16xf32>
        tpu.vector_store %arg16[%swap3A_318], %swap3A_321 {strides = array<i32>} : memref<1280xf32, #tpu.memory_space<vmem>>, vector<16xf32>,
        %get3A_322 = arith.constant 176 : index
        %get3A_323 = tpu.vector_load %arg17[%get3A_322] {strides = array<i32>} : memref<1280xf32, #tpu.memory_space<vmem>>, vector<16xf32>,
        %get3A_324 = vector.shape_cast %get3A_323 : vector<16xf32> to vector<16xf32>
        %max3A_325 = arith.constant 1.000000e+00 : f32
        %max3A_326 = vector.broadcast %max3A_325 : f32 to vector<16xf32>
        %max3A_327 = arith.maximumf %get3A_324, %max3A_326 : vector<16xf32>
        %div3A_328 = arith.constant 1.000000e+00 : f32
        %div3A_329 = vector.broadcast %div3A_328 : f32 to vector<16xf32>
        %div3A_330 = arith.divf %div3A_329, %max3A_327 : vector<16xf32>
        %swap3A_331 = arith.constant 176 : index
        %swap3A_332 = tpu.vector_load %arg16[%swap3A_331] {strides = array<i32>} : memref<1280xf32, #tpu.memory_space<vmem>>, vector<16xf32>,
        %swap3A_333 = vector.shape_cast %swap3A_332 : vector<16xf32> to vector<16xf32>
        %swap3A_334 = vector.shape_cast %div3A_330 : vector<16xf32> to vector<16xf32>
        tpu.vector_store %arg16[%swap3A_331], %swap3A_334 {strides = array<i32>} : memref<1280xf32, #tpu.memory_space<vmem>>, vector<16xf32>,
        %get3A_335 = arith.constant 192 : index
        %get3A_336 = tpu.vector_load %arg17[%get3A_335] {strides = array<i32>} : memref<1280xf32, #tpu.memory_space<vmem>>, vector<16xf32>,
        %get3A_337 = vector.shape_cast %get3A_336 : vector<16xf32> to vector<16xf32>
        %max3A_338 = arith.constant 1.000000e+00 : f32
        %max3A_339 = vector.broadcast %max3A_338 : f32 to vector<16xf32>
        %max3A_340 = arith.maximumf %get3A_337, %max3A_339 : vector<16xf32>
        %div3A_341 = arith.constant 1.000000e+00 : f32
        %div3A_342 = vector.broadcast %div3A_341 : f32 to vector<16xf32>
        %div3A_343 = arith.divf %div3A_342, %max3A_340 : vector<16xf32>
        %swap3A_344 = arith.constant 192 : index
        %swap3A_345 = tpu.vector_load %arg16[%swap3A_344] {strides = array<i32>} : memref<1280xf32, #tpu.memory_space<vmem>>, vector<16xf32>,
        %swap3A_346 = vector.shape_cast %swap3A_345 : vector<16xf32> to vector<16xf32>
        %swap3A_347 = vector.shape_cast %div3A_343 : vector<16xf32> to vector<16xf32>
        tpu.vector_store %arg16[%swap3A_344], %swap3A_347 {strides = array<i32>} : memref<1280xf32, #tpu.memory_space<vmem>>, vector<16xf32>,
        %get3A_348 = arith.constant 208 : index
        %get3A_349 = tpu.vector_load %arg17[%get3A_348] {strides = array<i32>} : memref<1280xf32, #tpu.memory_space<vmem>>, vector<16xf32>,
        %get3A_350 = vector.shape_cast %get3A_349 : vector<16xf32> to vector<16xf32>
        %max3A_351 = arith.constant 1.000000e+00 : f32
        %max3A_352 = vector.broadcast %max3A_351 : f32 to vector<16xf32>
        %max3A_353 = arith.maximumf %get3A_350, %max3A_352 : vector<16xf32>
        %div3A_354 = arith.constant 1.000000e+00 : f32
        %div3A_355 = vector.broadcast %div3A_354 : f32 to vector<16xf32>
        %div3A_356 = arith.divf %div3A_355, %max3A_353 : vector<16xf32>
        %swap3A_357 = arith.constant 208 : index
        %swap3A_358 = tpu.vector_load %arg16[%swap3A_357] {strides = array<i32>} : memref<1280xf32, #tpu.memory_space<vmem>>, vector<16xf32>,
        %swap3A_359 = vector.shape_cast %swap3A_358 : vector<16xf32> to vector<16xf32>
        %swap3A_360 = vector.shape_cast %div3A_356 : vector<16xf32> to vector<16xf32>
        tpu.vector_store %arg16[%swap3A_357], %swap3A_360 {strides = array<i32>} : memref<1280xf32, #tpu.memory_space<vmem>>, vector<16xf32>,
        %get3A_361 = arith.constant 224 : index
        %get3A_362 = tpu.vector_load %arg17[%get3A_361] {strides = array<i32>} : memref<1280xf32, #tpu.memory_space<vmem>>, vector<16xf32>,
        %get3A_363 = vector.shape_cast %get3A_362 : vector<16xf32> to vector<16xf32>
        %max3A_364 = arith.constant 1.000000e+00 : f32
        %max3A_365 = vector.broadcast %max3A_364 : f32 to vector<16xf32>
        %max3A_366 = arith.maximumf %get3A_363, %max3A_365 : vector<16xf32>
        %div3A_367 = arith.constant 1.000000e+00 : f32
        %div3A_368 = vector.broadcast %div3A_367 : f32 to vector<16xf32>
        %div3A_369 = arith.divf %div3A_368, %max3A_366 : vector<16xf32>
        %swap3A_370 = arith.constant 224 : index
        %swap3A_371 = tpu.vector_load %arg16[%swap3A_370] {strides = array<i32>} : memref<1280xf32, #tpu.memory_space<vmem>>, vector<16xf32>,
        %swap3A_372 = vector.shape_cast %swap3A_371 : vector<16xf32> to vector<16xf32>
        %swap3A_373 = vector.shape_cast %div3A_369 : vector<16xf32> to vector<16xf32>
        tpu.vector_store %arg16[%swap3A_370], %swap3A_373 {strides = array<i32>} : memref<1280xf32, #tpu.memory_space<vmem>>, vector<16xf32>,
        %get3A_374 = arith.constant 240 : index
        %get3A_375 = tpu.vector_load %arg17[%get3A_374] {strides = array<i32>} : memref<1280xf32, #tpu.memory_space<vmem>>, vector<16xf32>,
        %get3A_376 = vector.shape_cast %get3A_375 : vector<16xf32> to vector<16xf32>
        %max3A_377 = arith.constant 1.000000e+00 : f32
        %max3A_378 = vector.broadcast %max3A_377 : f32 to vector<16xf32>
        %max3A_379 = arith.maximumf %get3A_376, %max3A_378 : vector<16xf32>
        %div3A_380 = arith.constant 1.000000e+00 : f32
        %div3A_381 = vector.broadcast %div3A_380 : f32 to vector<16xf32>
        %div3A_382 = arith.divf %div3A_381, %max3A_379 : vector<16xf32>
        %swap3A_383 = arith.constant 240 : index
        %swap3A_384 = tpu.vector_load %arg16[%swap3A_383] {strides = array<i32>} : memref<1280xf32, #tpu.memory_space<vmem>>, vector<16xf32>,
        %swap3A_385 = vector.shape_cast %swap3A_384 : vector<16xf32> to vector<16xf32>
        %swap3A_386 = vector.shape_cast %div3A_382 : vector<16xf32> to vector<16xf32>
        tpu.vector_store %arg16[%swap3A_383], %swap3A_386 {strides = array<i32>} : memref<1280xf32, #tpu.memory_space<vmem>>, vector<16xf32>,
        %get3A_387 = arith.constant 256 : index
        %get3A_388 = tpu.vector_load %arg17[%get3A_387] {strides = array<i32>} : memref<1280xf32, #tpu.memory_space<vmem>>, vector<16xf32>,
        %get3A_389 = vector.shape_cast %get3A_388 : vector<16xf32> to vector<16xf32>
        %max3A_390 = arith.constant 1.000000e+00 : f32
        %max3A_391 = vector.broadcast %max3A_390 : f32 to vector<16xf32>
        %max3A_392 = arith.maximumf %get3A_389, %max3A_391 : vector<16xf32>
        %div3A_393 = arith.constant 1.000000e+00 : f32
        %div3A_394 = vector.broadcast %div3A_393 : f32 to vector<16xf32>
        %div3A_395 = arith.divf %div3A_394, %max3A_392 : vector<16xf32>
        %swap3A_396 = arith.constant 256 : index
        %swap3A_397 = tpu.vector_load %arg16[%swap3A_396] {strides = array<i32>} : memref<1280xf32, #tpu.memory_space<vmem>>, vector<16xf32>,
        %swap3A_398 = vector.shape_cast %swap3A_397 : vector<16xf32> to vector<16xf32>
        %swap3A_399 = vector.shape_cast %div3A_395 : vector<16xf32> to vector<16xf32>
        tpu.vector_store %arg16[%swap3A_396], %swap3A_399 {strides = array<i32>} : memref<1280xf32, #tpu.memory_space<vmem>>, vector<16xf32>,
        %get3A_400 = arith.constant 272 : index
        %get3A_401 = tpu.vector_load %arg17[%get3A_400] {strides = array<i32>} : memref<1280xf32, #tpu.memory_space<vmem>>, vector<16xf32>,
        %get3A_402 = vector.shape_cast %get3A_401 : vector<16xf32> to vector<16xf32>
        %max3A_403 = arith.constant 1.000000e+00 : f32
        %max3A_404 = vector.broadcast %max3A_403 : f32 to vector<16xf32>
        %max3A_405 = arith.maximumf %get3A_402, %max3A_404 : vector<16xf32>
        %div3A_406 = arith.constant 1.000000e+00 : f32
        %div3A_407 = vector.broadcast %div3A_406 : f32 to vector<16xf32>
        %div3A_408 = arith.divf %div3A_407, %max3A_405 : vector<16xf32>
        %swap3A_409 = arith.constant 272 : index
        %swap3A_410 = tpu.vector_load %arg16[%swap3A_409] {strides = array<i32>} : memref<1280xf32, #tpu.memory_space<vmem>>, vector<16xf32>,
        %swap3A_411 = vector.shape_cast %swap3A_410 : vector<16xf32> to vector<16xf32>
        %swap3A_412 = vector.shape_cast %div3A_408 : vector<16xf32> to vector<16xf32>
        tpu.vector_store %arg16[%swap3A_409], %swap3A_412 {strides = array<i32>} : memref<1280xf32, #tpu.memory_space<vmem>>, vector<16xf32>,
        %get3A_413 = arith.constant 288 : index
        %get3A_414 = tpu.vector_load %arg17[%get3A_413] {strides = array<i32>} : memref<1280xf32, #tpu.memory_space<vmem>>, vector<16xf32>,
        %get3A_415 = vector.shape_cast %get3A_414 : vector<16xf32> to vector<16xf32>
        %max3A_416 = arith.constant 1.000000e+00 : f32
        %max3A_417 = vector.broadcast %max3A_416 : f32 to vector<16xf32>
        %max3A_418 = arith.maximumf %get3A_415, %max3A_417 : vector<16xf32>
        %div3A_419 = arith.constant 1.000000e+00 : f32
        %div3A_420 = vector.broadcast %div3A_419 : f32 to vector<16xf32>
        %div3A_421 = arith.divf %div3A_420, %max3A_418 : vector<16xf32>
        %swap3A_422 = arith.constant 288 : index
        %swap3A_423 = tpu.vector_load %arg16[%swap3A_422] {strides = array<i32>} : memref<1280xf32, #tpu.memory_space<vmem>>, vector<16xf32>,
        %swap3A_424 = vector.shape_cast %swap3A_423 : vector<16xf32> to vector<16xf32>
        %swap3A_425 = vector.shape_cast %div3A_421 : vector<16xf32> to vector<16xf32>
        tpu.vector_store %arg16[%swap3A_422], %swap3A_425 {strides = array<i32>} : memref<1280xf32, #tpu.memory_space<vmem>>, vector<16xf32>,
        %get3A_426 = arith.constant 304 : index
        %get3A_427 = tpu.vector_load %arg17[%get3A_426] {strides = array<i32>} : memref<1280xf32, #tpu.memory_space<vmem>>, vector<16xf32>,
        %get3A_428 = vector.shape_cast %get3A_427 : vector<16xf32> to vector<16xf32>
        %max3A_429 = arith.constant 1.000000e+00 : f32
        %max3A_430 = vector.broadcast %max3A_429 : f32 to vector<16xf32>
        %max3A_431 = arith.maximumf %get3A_428, %max3A_430 : vector<16xf32>
        %div3A_432 = arith.constant 1.000000e+00 : f32
        %div3A_433 = vector.broadcast %div3A_432 : f32 to vector<16xf32>
        %div3A_434 = arith.divf %div3A_433, %max3A_431 : vector<16xf32>
        %swap3A_435 = arith.constant 304 : index
        %swap3A_436 = tpu.vector_load %arg16[%swap3A_435] {strides = array<i32>} : memref<1280xf32, #tpu.memory_space<vmem>>, vector<16xf32>,
        %swap3A_437 = vector.shape_cast %swap3A_436 : vector<16xf32> to vector<16xf32>
        %swap3A_438 = vector.shape_cast %div3A_434 : vector<16xf32> to vector<16xf32>
        tpu.vector_store %arg16[%swap3A_435], %swap3A_438 {strides = array<i32>} : memref<1280xf32, #tpu.memory_space<vmem>>, vector<16xf32>,
        %get3A_439 = arith.constant 320 : index
        %get3A_440 = tpu.vector_load %arg17[%get3A_439] {strides = array<i32>} : memref<1280xf32, #tpu.memory_space<vmem>>, vector<16xf32>,
        %get3A_441 = vector.shape_cast %get3A_440 : vector<16xf32> to vector<16xf32>
        %max3A_442 = arith.constant 1.000000e+00 : f32
        %max3A_443 = vector.broadcast %max3A_442 : f32 to vector<16xf32>
        %max3A_444 = arith.maximumf %get3A_441, %max3A_443 : vector<16xf32>
        %div3A_445 = arith.constant 1.000000e+00 : f32
        %div3A_446 = vector.broadcast %div3A_445 : f32 to vector<16xf32>
        %div3A_447 = arith.divf %div3A_446, %max3A_444 : vector<16xf32>
        %swap3A_448 = arith.constant 320 : index
        %swap3A_449 = tpu.vector_load %arg16[%swap3A_448] {strides = array<i32>} : memref<1280xf32, #tpu.memory_space<vmem>>, vector<16xf32>,
        %swap3A_450 = vector.shape_cast %swap3A_449 : vector<16xf32> to vector<16xf32>
        %swap3A_451 = vector.shape_cast %div3A_447 : vector<16xf32> to vector<16xf32>
        tpu.vector_store %arg16[%swap3A_448], %swap3A_451 {strides = array<i32>} : memref<1280xf32, #tpu.memory_space<vmem>>, vector<16xf32>,
        %get3A_452 = arith.constant 336 : index
        %get3A_453 = tpu.vector_load %arg17[%get3A_452] {strides = array<i32>} : memref<1280xf32, #tpu.memory_space<vmem>>, vector<16xf32>,
        %get3A_454 = vector.shape_cast %get3A_453 : vector<16xf32> to vector<16xf32>
        %max3A_455 = arith.constant 1.000000e+00 : f32
        %max3A_456 = vector.broadcast %max3A_455 : f32 to vector<16xf32>
        %max3A_457 = arith.maximumf %get3A_454, %max3A_456 : vector<16xf32>
        %div3A_458 = arith.constant 1.000000e+00 : f32
        %div3A_459 = vector.broadcast %div3A_458 : f32 to vector<16xf32>
        %div3A_460 = arith.divf %div3A_459, %max3A_457 : vector<16xf32>
        %swap3A_461 = arith.constant 336 : index
        %swap3A_462 = tpu.vector_load %arg16[%swap3A_461] {strides = array<i32>} : memref<1280xf32, #tpu.memory_space<vmem>>, vector<16xf32>,
        %swap3A_463 = vector.shape_cast %swap3A_462 : vector<16xf32> to vector<16xf32>
        %swap3A_464 = vector.shape_cast %div3A_460 : vector<16xf32> to vector<16xf32>
        tpu.vector_store %arg16[%swap3A_461], %swap3A_464 {strides = array<i32>} : memref<1280xf32, #tpu.memory_space<vmem>>, vector<16xf32>,
        %get3A_465 = arith.constant 352 : index
        %get3A_466 = tpu.vector_load %arg17[%get3A_465] {strides = array<i32>} : memref<1280xf32, #tpu.memory_space<vmem>>, vector<16xf32>,
        %get3A_467 = vector.shape_cast %get3A_466 : vector<16xf32> to vector<16xf32>
        %max3A_468 = arith.constant 1.000000e+00 : f32
        %max3A_469 = vector.broadcast %max3A_468 : f32 to vector<16xf32>
        %max3A_470 = arith.maximumf %get3A_467, %max3A_469 : vector<16xf32>
        %div3A_471 = arith.constant 1.000000e+00 : f32
        %div3A_472 = vector.broadcast %div3A_471 : f32 to vector<16xf32>
        %div3A_473 = arith.divf %div3A_472, %max3A_470 : vector<16xf32>
        %swap3A_474 = arith.constant 352 : index
        %swap3A_475 = tpu.vector_load %arg16[%swap3A_474] {strides = array<i32>} : memref<1280xf32, #tpu.memory_space<vmem>>, vector<16xf32>,
        %swap3A_476 = vector.shape_cast %swap3A_475 : vector<16xf32> to vector<16xf32>
        %swap3A_477 = vector.shape_cast %div3A_473 : vector<16xf32> to vector<16xf32>
        tpu.vector_store %arg16[%swap3A_474], %swap3A_477 {strides = array<i32>} : memref<1280xf32, #tpu.memory_space<vmem>>, vector<16xf32>,
        %get3A_478 = arith.constant 368 : index
        %get3A_479 = tpu.vector_load %arg17[%get3A_478] {strides = array<i32>} : memref<1280xf32, #tpu.memory_space<vmem>>, vector<16xf32>,
        %get3A_480 = vector.shape_cast %get3A_479 : vector<16xf32> to vector<16xf32>
        %max3A_481 = arith.constant 1.000000e+00 : f32
        %max3A_482 = vector.broadcast %max3A_481 : f32 to vector<16xf32>
        %max3A_483 = arith.maximumf %get3A_480, %max3A_482 : vector<16xf32>
        %div3A_484 = arith.constant 1.000000e+00 : f32
        %div3A_485 = vector.broadcast %div3A_484 : f32 to vector<16xf32>
        %div3A_486 = arith.divf %div3A_485, %max3A_483 : vector<16xf32>
        %swap3A_487 = arith.constant 368 : index
        %swap3A_488 = tpu.vector_load %arg16[%swap3A_487] {strides = array<i32>} : memref<1280xf32, #tpu.memory_space<vmem>>, vector<16xf32>,
        %swap3A_489 = vector.shape_cast %swap3A_488 : vector<16xf32> to vector<16xf32>
        %swap3A_490 = vector.shape_cast %div3A_486 : vector<16xf32> to vector<16xf32>
        tpu.vector_store %arg16[%swap3A_487], %swap3A_490 {strides = array<i32>} : memref<1280xf32, #tpu.memory_space<vmem>>, vector<16xf32>,
        %get3A_491 = arith.constant 384 : index
        %get3A_492 = tpu.vector_load %arg17[%get3A_491] {strides = array<i32>} : memref<1280xf32, #tpu.memory_space<vmem>>, vector<16xf32>,
        %get3A_493 = vector.shape_cast %get3A_492 : vector<16xf32> to vector<16xf32>
        %max3A_494 = arith.constant 1.000000e+00 : f32
        %max3A_495 = vector.broadcast %max3A_494 : f32 to vector<16xf32>
        %max3A_496 = arith.maximumf %get3A_493, %max3A_495 : vector<16xf32>
        %div3A_497 = arith.constant 1.000000e+00 : f32
        %div3A_498 = vector.broadcast %div3A_497 : f32 to vector<16xf32>
        %div3A_499 = arith.divf %div3A_498, %max3A_496 : vector<16xf32>
        %swap3A_500 = arith.constant 384 : index
        %swap3A_501 = tpu.vector_load %arg16[%swap3A_500] {strides = array<i32>} : memref<1280xf32, #tpu.memory_space<vmem>>, vector<16xf32>,
        %swap3A_502 = vector.shape_cast %swap3A_501 : vector<16xf32> to vector<16xf32>
        %swap3A_503 = vector.shape_cast %div3A_499 : vector<16xf32> to vector<16xf32>
        tpu.vector_store %arg16[%swap3A_500], %swap3A_503 {strides = array<i32>} : memref<1280xf32, #tpu.memory_space<vmem>>, vector<16xf32>,
        %get3A_504 = arith.constant 400 : index
        %get3A_505 = tpu.vector_load %arg17[%get3A_504] {strides = array<i32>} : memref<1280xf32, #tpu.memory_space<vmem>>, vector<16xf32>,
        %get3A_506 = vector.shape_cast %get3A_505 : vector<16xf32> to vector<16xf32>
        %max3A_507 = arith.constant 1.000000e+00 : f32
        %max3A_508 = vector.broadcast %max3A_507 : f32 to vector<16xf32>
        %max3A_509 = arith.maximumf %get3A_506, %max3A_508 : vector<16xf32>
        %div3A_510 = arith.constant 1.000000e+00 : f32
        %div3A_511 = vector.broadcast %div3A_510 : f32 to vector<16xf32>
        %div3A_512 = arith.divf %div3A_511, %max3A_509 : vector<16xf32>
        %swap3A_513 = arith.constant 400 : index
        %swap3A_514 = tpu.vector_load %arg16[%swap3A_513] {strides = array<i32>} : memref<1280xf32, #tpu.memory_space<vmem>>, vector<16xf32>,
        %swap3A_515 = vector.shape_cast %swap3A_514 : vector<16xf32> to vector<16xf32>
        %swap3A_516 = vector.shape_cast %div3A_512 : vector<16xf32> to vector<16xf32>
        tpu.vector_store %arg16[%swap3A_513], %swap3A_516 {strides = array<i32>} : memref<1280xf32, #tpu.memory_space<vmem>>, vector<16xf32>,
        %get3A_517 = arith.constant 416 : index
        %get3A_518 = tpu.vector_load %arg17[%get3A_517] {strides = array<i32>} : memref<1280xf32, #tpu.memory_space<vmem>>, vector<16xf32>,
        %get3A_519 = vector.shape_cast %get3A_518 : vector<16xf32> to vector<16xf32>
        %max3A_520 = arith.constant 1.000000e+00 : f32
        %max3A_521 = vector.broadcast %max3A_520 : f32 to vector<16xf32>
        %max3A_522 = arith.maximumf %get3A_519, %max3A_521 : vector<16xf32>
        %div3A_523 = arith.constant 1.000000e+00 : f32
        %div3A_524 = vector.broadcast %div3A_523 : f32 to vector<16xf32>
        %div3A_525 = arith.divf %div3A_524, %max3A_522 : vector<16xf32>
        %swap3A_526 = arith.constant 416 : index
        %swap3A_527 = tpu.vector_load %arg16[%swap3A_526] {strides = array<i32>} : memref<1280xf32, #tpu.memory_space<vmem>>, vector<16xf32>,
        %swap3A_528 = vector.shape_cast %swap3A_527 : vector<16xf32> to vector<16xf32>
        %swap3A_529 = vector.shape_cast %div3A_525 : vector<16xf32> to vector<16xf32>
        tpu.vector_store %arg16[%swap3A_526], %swap3A_529 {strides = array<i32>} : memref<1280xf32, #tpu.memory_space<vmem>>, vector<16xf32>,
        %get3A_530 = arith.constant 432 : index
        %get3A_531 = tpu.vector_load %arg17[%get3A_530] {strides = array<i32>} : memref<1280xf32, #tpu.memory_space<vmem>>, vector<16xf32>,
        %get3A_532 = vector.shape_cast %get3A_531 : vector<16xf32> to vector<16xf32>
        %max3A_533 = arith.constant 1.000000e+00 : f32
        %max3A_534 = vector.broadcast %max3A_533 : f32 to vector<16xf32>
        %max3A_535 = arith.maximumf %get3A_532, %max3A_534 : vector<16xf32>
        %div3A_536 = arith.constant 1.000000e+00 : f32
        %div3A_537 = vector.broadcast %div3A_536 : f32 to vector<16xf32>
        %div3A_538 = arith.divf %div3A_537, %max3A_535 : vector<16xf32>
        %swap3A_539 = arith.constant 432 : index
        %swap3A_540 = tpu.vector_load %arg16[%swap3A_539] {strides = array<i32>} : memref<1280xf32, #tpu.memory_space<vmem>>, vector<16xf32>,
        %swap3A_541 = vector.shape_cast %swap3A_540 : vector<16xf32> to vector<16xf32>
        %swap3A_542 = vector.shape_cast %div3A_538 : vector<16xf32> to vector<16xf32>
        tpu.vector_store %arg16[%swap3A_539], %swap3A_542 {strides = array<i32>} : memref<1280xf32, #tpu.memory_space<vmem>>, vector<16xf32>,
        %get3A_543 = arith.constant 448 : index
        %get3A_544 = tpu.vector_load %arg17[%get3A_543] {strides = array<i32>} : memref<1280xf32, #tpu.memory_space<vmem>>, vector<16xf32>,
        %get3A_545 = vector.shape_cast %get3A_544 : vector<16xf32> to vector<16xf32>
        %max3A_546 = arith.constant 1.000000e+00 : f32
        %max3A_547 = vector.broadcast %max3A_546 : f32 to vector<16xf32>
        %max3A_548 = arith.maximumf %get3A_545, %max3A_547 : vector<16xf32>
        %div3A_549 = arith.constant 1.000000e+00 : f32
        %div3A_550 = vector.broadcast %div3A_549 : f32 to vector<16xf32>
        %div3A_551 = arith.divf %div3A_550, %max3A_548 : vector<16xf32>
        %swap3A_552 = arith.constant 448 : index
        %swap3A_553 = tpu.vector_load %arg16[%swap3A_552] {strides = array<i32>} : memref<1280xf32, #tpu.memory_space<vmem>>, vector<16xf32>,
        %swap3A_554 = vector.shape_cast %swap3A_553 : vector<16xf32> to vector<16xf32>
        %swap3A_555 = vector.shape_cast %div3A_551 : vector<16xf32> to vector<16xf32>
        tpu.vector_store %arg16[%swap3A_552], %swap3A_555 {strides = array<i32>} : memref<1280xf32, #tpu.memory_space<vmem>>, vector<16xf32>,
        %get3A_556 = arith.constant 464 : index
        %get3A_557 = tpu.vector_load %arg17[%get3A_556] {strides = array<i32>} : memref<1280xf32, #tpu.memory_space<vmem>>, vector<16xf32>,
        %get3A_558 = vector.shape_cast %get3A_557 : vector<16xf32> to vector<16xf32>
        %max3A_559 = arith.constant 1.000000e+00 : f32
        %max3A_560 = vector.broadcast %max3A_559 : f32 to vector<16xf32>
        %max3A_561 = arith.maximumf %get3A_558, %max3A_560 : vector<16xf32>
        %div3A_562 = arith.constant 1.000000e+00 : f32
        %div3A_563 = vector.broadcast %div3A_562 : f32 to vector<16xf32>
        %div3A_564 = arith.divf %div3A_563, %max3A_561 : vector<16xf32>
        %swap3A_565 = arith.constant 464 : index
        %swap3A_566 = tpu.vector_load %arg16[%swap3A_565] {strides = array<i32>} : memref<1280xf32, #tpu.memory_space<vmem>>, vector<16xf32>,
        %swap3A_567 = vector.shape_cast %swap3A_566 : vector<16xf32> to vector<16xf32>
        %swap3A_568 = vector.shape_cast %div3A_564 : vector<16xf32> to vector<16xf32>
        tpu.vector_store %arg16[%swap3A_565], %swap3A_568 {strides = array<i32>} : memref<1280xf32, #tpu.memory_space<vmem>>, vector<16xf32>,
        %get3A_569 = arith.constant 480 : index
        %get3A_570 = tpu.vector_load %arg17[%get3A_569] {strides = array<i32>} : memref<1280xf32, #tpu.memory_space<vmem>>, vector<16xf32>,
        %get3A_571 = vector.shape_cast %get3A_570 : vector<16xf32> to vector<16xf32>
        %max3A_572 = arith.constant 1.000000e+00 : f32
        %max3A_573 = vector.broadcast %max3A_572 : f32 to vector<16xf32>
        %max3A_574 = arith.maximumf %get3A_571, %max3A_573 : vector<16xf32>
        %div3A_575 = arith.constant 1.000000e+00 : f32
        %div3A_576 = vector.broadcast %div3A_575 : f32 to vector<16xf32>
        %div3A_577 = arith.divf %div3A_576, %max3A_574 : vector<16xf32>
        %swap3A_578 = arith.constant 480 : index
        %swap3A_579 = tpu.vector_load %arg16[%swap3A_578] {strides = array<i32>} : memref<1280xf32, #tpu.memory_space<vmem>>, vector<16xf32>,
        %swap3A_580 = vector.shape_cast %swap3A_579 : vector<16xf32> to vector<16xf32>
        %swap3A_581 = vector.shape_cast %div3A_577 : vector<16xf32> to vector<16xf32>
        tpu.vector_store %arg16[%swap3A_578], %swap3A_581 {strides = array<i32>} : memref<1280xf32, #tpu.memory_space<vmem>>, vector<16xf32>,
        %get3A_582 = arith.constant 496 : index
        %get3A_583 = tpu.vector_load %arg17[%get3A_582] {strides = array<i32>} : memref<1280xf32, #tpu.memory_space<vmem>>, vector<16xf32>,
        %get3A_584 = vector.shape_cast %get3A_583 : vector<16xf32> to vector<16xf32>
        %max3A_585 = arith.constant 1.000000e+00 : f32
        %max3A_586 = vector.broadcast %max3A_585 : f32 to vector<16xf32>
        %max3A_587 = arith.maximumf %get3A_584, %max3A_586 : vector<16xf32>
        %div3A_588 = arith.constant 1.000000e+00 : f32
        %div3A_589 = vector.broadcast %div3A_588 : f32 to vector<16xf32>
        %div3A_590 = arith.divf %div3A_589, %max3A_587 : vector<16xf32>
        %swap3A_591 = arith.constant 496 : index
        %swap3A_592 = tpu.vector_load %arg16[%swap3A_591] {strides = array<i32>} : memref<1280xf32, #tpu.memory_space<vmem>>, vector<16xf32>,
        %swap3A_593 = vector.shape_cast %swap3A_592 : vector<16xf32> to vector<16xf32>
        %swap3A_594 = vector.shape_cast %div3A_590 : vector<16xf32> to vector<16xf32>
        tpu.vector_store %arg16[%swap3A_591], %swap3A_594 {strides = array<i32>} : memref<1280xf32, #tpu.memory_space<vmem>>, vector<16xf32>,
        %get3A_595 = arith.constant 512 : index
        %get3A_596 = tpu.vector_load %arg17[%get3A_595] {strides = array<i32>} : memref<1280xf32, #tpu.memory_space<vmem>>, vector<16xf32>,
        %get3A_597 = vector.shape_cast %get3A_596 : vector<16xf32> to vector<16xf32>
        %max3A_598 = arith.constant 1.000000e+00 : f32
        %max3A_599 = vector.broadcast %max3A_598 : f32 to vector<16xf32>
        %max3A_600 = arith.maximumf %get3A_597, %max3A_599 : vector<16xf32>
        %div3A_601 = arith.constant 1.000000e+00 : f32
        %div3A_602 = vector.broadcast %div3A_601 : f32 to vector<16xf32>
        %div3A_603 = arith.divf %div3A_602, %max3A_600 : vector<16xf32>
        %swap3A_604 = arith.constant 512 : index
        %swap3A_605 = tpu.vector_load %arg16[%swap3A_604] {strides = array<i32>} : memref<1280xf32, #tpu.memory_space<vmem>>, vector<16xf32>,
        %swap3A_606 = vector.shape_cast %swap3A_605 : vector<16xf32> to vector<16xf32>
        %swap3A_607 = vector.shape_cast %div3A_603 : vector<16xf32> to vector<16xf32>
        tpu.vector_store %arg16[%swap3A_604], %swap3A_607 {strides = array<i32>} : memref<1280xf32, #tpu.memory_space<vmem>>, vector<16xf32>,
        %get3A_608 = arith.constant 528 : index
        %get3A_609 = tpu.vector_load %arg17[%get3A_608] {strides = array<i32>} : memref<1280xf32, #tpu.memory_space<vmem>>, vector<16xf32>,
        %get3A_610 = vector.shape_cast %get3A_609 : vector<16xf32> to vector<16xf32>
        %max3A_611 = arith.constant 1.000000e+00 : f32
        %max3A_612 = vector.broadcast %max3A_611 : f32 to vector<16xf32>
        %max3A_613 = arith.maximumf %get3A_610, %max3A_612 : vector<16xf32>
        %div3A_614 = arith.constant 1.000000e+00 : f32
        %div3A_615 = vector.broadcast %div3A_614 : f32 to vector<16xf32>
        %div3A_616 = arith.divf %div3A_615, %max3A_613 : vector<16xf32>
        %swap3A_617 = arith.constant 528 : index
        %swap3A_618 = tpu.vector_load %arg16[%swap3A_617] {strides = array<i32>} : memref<1280xf32, #tpu.memory_space<vmem>>, vector<16xf32>,
        %swap3A_619 = vector.shape_cast %swap3A_618 : vector<16xf32> to vector<16xf32>
        %swap3A_620 = vector.shape_cast %div3A_616 : vector<16xf32> to vector<16xf32>
        tpu.vector_store %arg16[%swap3A_617], %swap3A_620 {strides = array<i32>} : memref<1280xf32, #tpu.memory_space<vmem>>, vector<16xf32>,
        %get3A_621 = arith.constant 544 : index
        %get3A_622 = tpu.vector_load %arg17[%get3A_621] {strides = array<i32>} : memref<1280xf32, #tpu.memory_space<vmem>>, vector<16xf32>,
        %get3A_623 = vector.shape_cast %get3A_622 : vector<16xf32> to vector<16xf32>
        %max3A_624 = arith.constant 1.000000e+00 : f32
        %max3A_625 = vector.broadcast %max3A_624 : f32 to vector<16xf32>
        %max3A_626 = arith.maximumf %get3A_623, %max3A_625 : vector<16xf32>
        %div3A_627 = arith.constant 1.000000e+00 : f32
        %div3A_628 = vector.broadcast %div3A_627 : f32 to vector<16xf32>
        %div3A_629 = arith.divf %div3A_628, %max3A_626 : vector<16xf32>
        %swap3A_630 = arith.constant 544 : index
        %swap3A_631 = tpu.vector_load %arg16[%swap3A_630] {strides = array<i32>} : memref<1280xf32, #tpu.memory_space<vmem>>, vector<16xf32>,
        %swap3A_632 = vector.shape_cast %swap3A_631 : vector<16xf32> to vector<16xf32>
        %swap3A_633 = vector.shape_cast %div3A_629 : vector<16xf32> to vector<16xf32>
        tpu.vector_store %arg16[%swap3A_630], %swap3A_633 {strides = array<i32>} : memref<1280xf32, #tpu.memory_space<vmem>>, vector<16xf32>,
        %get3A_634 = arith.constant 560 : index
        %get3A_635 = tpu.vector_load %arg17[%get3A_634] {strides = array<i32>} : memref<1280xf32, #tpu.memory_space<vmem>>, vector<16xf32>,
        %get3A_636 = vector.shape_cast %get3A_635 : vector<16xf32> to vector<16xf32>
        %max3A_637 = arith.constant 1.000000e+00 : f32
        %max3A_638 = vector.broadcast %max3A_637 : f32 to vector<16xf32>
        %max3A_639 = arith.maximumf %get3A_636, %max3A_638 : vector<16xf32>
        %div3A_640 = arith.constant 1.000000e+00 : f32
        %div3A_641 = vector.broadcast %div3A_640 : f32 to vector<16xf32>
        %div3A_642 = arith.divf %div3A_641, %max3A_639 : vector<16xf32>
        %swap3A_643 = arith.constant 560 : index
        %swap3A_644 = tpu.vector_load %arg16[%swap3A_643] {strides = array<i32>} : memref<1280xf32, #tpu.memory_space<vmem>>, vector<16xf32>,
        %swap3A_645 = vector.shape_cast %swap3A_644 : vector<16xf32> to vector<16xf32>
        %swap3A_646 = vector.shape_cast %div3A_642 : vector<16xf32> to vector<16xf32>
        tpu.vector_store %arg16[%swap3A_643], %swap3A_646 {strides = array<i32>} : memref<1280xf32, #tpu.memory_space<vmem>>, vector<16xf32>,
        %get3A_647 = arith.constant 576 : index
        %get3A_648 = tpu.vector_load %arg17[%get3A_647] {strides = array<i32>} : memref<1280xf32, #tpu.memory_space<vmem>>, vector<16xf32>,
        %get3A_649 = vector.shape_cast %get3A_648 : vector<16xf32> to vector<16xf32>
        %max3A_650 = arith.constant 1.000000e+00 : f32
        %max3A_651 = vector.broadcast %max3A_650 : f32 to vector<16xf32>
        %max3A_652 = arith.maximumf %get3A_649, %max3A_651 : vector<16xf32>
        %div3A_653 = arith.constant 1.000000e+00 : f32
        %div3A_654 = vector.broadcast %div3A_653 : f32 to vector<16xf32>
        %div3A_655 = arith.divf %div3A_654, %max3A_652 : vector<16xf32>
        %swap3A_656 = arith.constant 576 : index
        %swap3A_657 = tpu.vector_load %arg16[%swap3A_656] {strides = array<i32>} : memref<1280xf32, #tpu.memory_space<vmem>>, vector<16xf32>,
        %swap3A_658 = vector.shape_cast %swap3A_657 : vector<16xf32> to vector<16xf32>
        %swap3A_659 = vector.shape_cast %div3A_655 : vector<16xf32> to vector<16xf32>
        tpu.vector_store %arg16[%swap3A_656], %swap3A_659 {strides = array<i32>} : memref<1280xf32, #tpu.memory_space<vmem>>, vector<16xf32>,
        %get3A_660 = arith.constant 592 : index
        %get3A_661 = tpu.vector_load %arg17[%get3A_660] {strides = array<i32>} : memref<1280xf32, #tpu.memory_space<vmem>>, vector<16xf32>,
        %get3A_662 = vector.shape_cast %get3A_661 : vector<16xf32> to vector<16xf32>
        %max3A_663 = arith.constant 1.000000e+00 : f32
        %max3A_664 = vector.broadcast %max3A_663 : f32 to vector<16xf32>
        %max3A_665 = arith.maximumf %get3A_662, %max3A_664 : vector<16xf32>
        %div3A_666 = arith.constant 1.000000e+00 : f32
        %div3A_667 = vector.broadcast %div3A_666 : f32 to vector<16xf32>
        %div3A_668 = arith.divf %div3A_667, %max3A_665 : vector<16xf32>
        %swap3A_669 = arith.constant 592 : index
        %swap3A_670 = tpu.vector_load %arg16[%swap3A_669] {strides = array<i32>} : memref<1280xf32, #tpu.memory_space<vmem>>, vector<16xf32>,
        %swap3A_671 = vector.shape_cast %swap3A_670 : vector<16xf32> to vector<16xf32>
        %swap3A_672 = vector.shape_cast %div3A_668 : vector<16xf32> to vector<16xf32>
        tpu.vector_store %arg16[%swap3A_669], %swap3A_672 {strides = array<i32>} : memref<1280xf32, #tpu.memory_space<vmem>>, vector<16xf32>,
        %get3A_673 = arith.constant 608 : index
        %get3A_674 = tpu.vector_load %arg17[%get3A_673] {strides = array<i32>} : memref<1280xf32, #tpu.memory_space<vmem>>, vector<16xf32>,
        %get3A_675 = vector.shape_cast %get3A_674 : vector<16xf32> to vector<16xf32>
        %max3A_676 = arith.constant 1.000000e+00 : f32
        %max3A_677 = vector.broadcast %max3A_676 : f32 to vector<16xf32>
        %max3A_678 = arith.maximumf %get3A_675, %max3A_677 : vector<16xf32>
        %div3A_679 = arith.constant 1.000000e+00 : f32
        %div3A_680 = vector.broadcast %div3A_679 : f32 to vector<16xf32>
        %div3A_681 = arith.divf %div3A_680, %max3A_678 : vector<16xf32>
        %swap3A_682 = arith.constant 608 : index
        %swap3A_683 = tpu.vector_load %arg16[%swap3A_682] {strides = array<i32>} : memref<1280xf32, #tpu.memory_space<vmem>>, vector<16xf32>,
        %swap3A_684 = vector.shape_cast %swap3A_683 : vector<16xf32> to vector<16xf32>
        %swap3A_685 = vector.shape_cast %div3A_681 : vector<16xf32> to vector<16xf32>
        tpu.vector_store %arg16[%swap3A_682], %swap3A_685 {strides = array<i32>} : memref<1280xf32, #tpu.memory_space<vmem>>, vector<16xf32>,
        %get3A_686 = arith.constant 624 : index
        %get3A_687 = tpu.vector_load %arg17[%get3A_686] {strides = array<i32>} : memref<1280xf32, #tpu.memory_space<vmem>>, vector<16xf32>,
        %get3A_688 = vector.shape_cast %get3A_687 : vector<16xf32> to vector<16xf32>
        %max3A_689 = arith.constant 1.000000e+00 : f32
        %max3A_690 = vector.broadcast %max3A_689 : f32 to vector<16xf32>
        %max3A_691 = arith.maximumf %get3A_688, %max3A_690 : vector<16xf32>
        %div3A_692 = arith.constant 1.000000e+00 : f32
        %div3A_693 = vector.broadcast %div3A_692 : f32 to vector<16xf32>
        %div3A_694 = arith.divf %div3A_693, %max3A_691 : vector<16xf32>
        %swap3A_695 = arith.constant 624 : index
        %swap3A_696 = tpu.vector_load %arg16[%swap3A_695] {strides = array<i32>} : memref<1280xf32, #tpu.memory_space<vmem>>, vector<16xf32>,
        %swap3A_697 = vector.shape_cast %swap3A_696 : vector<16xf32> to vector<16xf32>
        %swap3A_698 = vector.shape_cast %div3A_694 : vector<16xf32> to vector<16xf32>
        tpu.vector_store %arg16[%swap3A_695], %swap3A_698 {strides = array<i32>} : memref<1280xf32, #tpu.memory_space<vmem>>, vector<16xf32>,
        %get3A_699 = arith.constant 640 : index
        %get3A_700 = tpu.vector_load %arg17[%get3A_699] {strides = array<i32>} : memref<1280xf32, #tpu.memory_space<vmem>>, vector<16xf32>,
        %get3A_701 = vector.shape_cast %get3A_700 : vector<16xf32> to vector<16xf32>
        %max3A_702 = arith.constant 1.000000e+00 : f32
        %max3A_703 = vector.broadcast %max3A_702 : f32 to vector<16xf32>
        %max3A_704 = arith.maximumf %get3A_701, %max3A_703 : vector<16xf32>
        %div3A_705 = arith.constant 1.000000e+00 : f32
        %div3A_706 = vector.broadcast %div3A_705 : f32 to vector<16xf32>
        %div3A_707 = arith.divf %div3A_706, %max3A_704 : vector<16xf32>
        %swap3A_708 = arith.constant 640 : index
        %swap3A_709 = tpu.vector_load %arg16[%swap3A_708] {strides = array<i32>} : memref<1280xf32, #tpu.memory_space<vmem>>, vector<16xf32>,
        %swap3A_710 = vector.shape_cast %swap3A_709 : vector<16xf32> to vector<16xf32>
        %swap3A_711 = vector.shape_cast %div3A_707 : vector<16xf32> to vector<16xf32>
        tpu.vector_store %arg16[%swap3A_708], %swap3A_711 {strides = array<i32>} : memref<1280xf32, #tpu.memory_space<vmem>>, vector<16xf32>,
        %get3A_712 = arith.constant 656 : index
        %get3A_713 = tpu.vector_load %arg17[%get3A_712] {strides = array<i32>} : memref<1280xf32, #tpu.memory_space<vmem>>, vector<16xf32>,
        %get3A_714 = vector.shape_cast %get3A_713 : vector<16xf32> to vector<16xf32>
        %max3A_715 = arith.constant 1.000000e+00 : f32
        %max3A_716 = vector.broadcast %max3A_715 : f32 to vector<16xf32>
        %max3A_717 = arith.maximumf %get3A_714, %max3A_716 : vector<16xf32>
        %div3A_718 = arith.constant 1.000000e+00 : f32
        %div3A_719 = vector.broadcast %div3A_718 : f32 to vector<16xf32>
        %div3A_720 = arith.divf %div3A_719, %max3A_717 : vector<16xf32>
        %swap3A_721 = arith.constant 656 : index
        %swap3A_722 = tpu.vector_load %arg16[%swap3A_721] {strides = array<i32>} : memref<1280xf32, #tpu.memory_space<vmem>>, vector<16xf32>,
        %swap3A_723 = vector.shape_cast %swap3A_722 : vector<16xf32> to vector<16xf32>
        %swap3A_724 = vector.shape_cast %div3A_720 : vector<16xf32> to vector<16xf32>
        tpu.vector_store %arg16[%swap3A_721], %swap3A_724 {strides = array<i32>} : memref<1280xf32, #tpu.memory_space<vmem>>, vector<16xf32>,
        %get3A_725 = arith.constant 672 : index
        %get3A_726 = tpu.vector_load %arg17[%get3A_725] {strides = array<i32>} : memref<1280xf32, #tpu.memory_space<vmem>>, vector<16xf32>,
        %get3A_727 = vector.shape_cast %get3A_726 : vector<16xf32> to vector<16xf32>
        %max3A_728 = arith.constant 1.000000e+00 : f32
        %max3A_729 = vector.broadcast %max3A_728 : f32 to vector<16xf32>
        %max3A_730 = arith.maximumf %get3A_727, %max3A_729 : vector<16xf32>
        %div3A_731 = arith.constant 1.000000e+00 : f32
        %div3A_732 = vector.broadcast %div3A_731 : f32 to vector<16xf32>
        %div3A_733 = arith.divf %div3A_732, %max3A_730 : vector<16xf32>
        %swap3A_734 = arith.constant 672 : index
        %swap3A_735 = tpu.vector_load %arg16[%swap3A_734] {strides = array<i32>} : memref<1280xf32, #tpu.memory_space<vmem>>, vector<16xf32>,
        %swap3A_736 = vector.shape_cast %swap3A_735 : vector<16xf32> to vector<16xf32>
        %swap3A_737 = vector.shape_cast %div3A_733 : vector<16xf32> to vector<16xf32>
        tpu.vector_store %arg16[%swap3A_734], %swap3A_737 {strides = array<i32>} : memref<1280xf32, #tpu.memory_space<vmem>>, vector<16xf32>,
        %get3A_738 = arith.constant 688 : index
        %get3A_739 = tpu.vector_load %arg17[%get3A_738] {strides = array<i32>} : memref<1280xf32, #tpu.memory_space<vmem>>, vector<16xf32>,
        %get3A_740 = vector.shape_cast %get3A_739 : vector<16xf32> to vector<16xf32>
        %max3A_741 = arith.constant 1.000000e+00 : f32
        %max3A_742 = vector.broadcast %max3A_741 : f32 to vector<16xf32>
        %max3A_743 = arith.maximumf %get3A_740, %max3A_742 : vector<16xf32>
        %div3A_744 = arith.constant 1.000000e+00 : f32
        %div3A_745 = vector.broadcast %div3A_744 : f32 to vector<16xf32>
        %div3A_746 = arith.divf %div3A_745, %max3A_743 : vector<16xf32>
        %swap3A_747 = arith.constant 688 : index
        %swap3A_748 = tpu.vector_load %arg16[%swap3A_747] {strides = array<i32>} : memref<1280xf32, #tpu.memory_space<vmem>>, vector<16xf32>,
        %swap3A_749 = vector.shape_cast %swap3A_748 : vector<16xf32> to vector<16xf32>
        %swap3A_750 = vector.shape_cast %div3A_746 : vector<16xf32> to vector<16xf32>
        tpu.vector_store %arg16[%swap3A_747], %swap3A_750 {strides = array<i32>} : memref<1280xf32, #tpu.memory_space<vmem>>, vector<16xf32>,
        %get3A_751 = arith.constant 704 : index
        %get3A_752 = tpu.vector_load %arg17[%get3A_751] {strides = array<i32>} : memref<1280xf32, #tpu.memory_space<vmem>>, vector<16xf32>,
        %get3A_753 = vector.shape_cast %get3A_752 : vector<16xf32> to vector<16xf32>
        %max3A_754 = arith.constant 1.000000e+00 : f32
        %max3A_755 = vector.broadcast %max3A_754 : f32 to vector<16xf32>
        %max3A_756 = arith.maximumf %get3A_753, %max3A_755 : vector<16xf32>
        %div3A_757 = arith.constant 1.000000e+00 : f32
        %div3A_758 = vector.broadcast %div3A_757 : f32 to vector<16xf32>
        %div3A_759 = arith.divf %div3A_758, %max3A_756 : vector<16xf32>
        %swap3A_760 = arith.constant 704 : index
        %swap3A_761 = tpu.vector_load %arg16[%swap3A_760] {strides = array<i32>} : memref<1280xf32, #tpu.memory_space<vmem>>, vector<16xf32>,
        %swap3A_762 = vector.shape_cast %swap3A_761 : vector<16xf32> to vector<16xf32>
        %swap3A_763 = vector.shape_cast %div3A_759 : vector<16xf32> to vector<16xf32>
        tpu.vector_store %arg16[%swap3A_760], %swap3A_763 {strides = array<i32>} : memref<1280xf32, #tpu.memory_space<vmem>>, vector<16xf32>,
        %get3A_764 = arith.constant 720 : index
        %get3A_765 = tpu.vector_load %arg17[%get3A_764] {strides = array<i32>} : memref<1280xf32, #tpu.memory_space<vmem>>, vector<16xf32>,
        %get3A_766 = vector.shape_cast %get3A_765 : vector<16xf32> to vector<16xf32>
        %max3A_767 = arith.constant 1.000000e+00 : f32
        %max3A_768 = vector.broadcast %max3A_767 : f32 to vector<16xf32>
        %max3A_769 = arith.maximumf %get3A_766, %max3A_768 : vector<16xf32>
        %div3A_770 = arith.constant 1.000000e+00 : f32
        %div3A_771 = vector.broadcast %div3A_770 : f32 to vector<16xf32>
        %div3A_772 = arith.divf %div3A_771, %max3A_769 : vector<16xf32>
        %swap3A_773 = arith.constant 720 : index
        %swap3A_774 = tpu.vector_load %arg16[%swap3A_773] {strides = array<i32>} : memref<1280xf32, #tpu.memory_space<vmem>>, vector<16xf32>,
        %swap3A_775 = vector.shape_cast %swap3A_774 : vector<16xf32> to vector<16xf32>
        %swap3A_776 = vector.shape_cast %div3A_772 : vector<16xf32> to vector<16xf32>
        tpu.vector_store %arg16[%swap3A_773], %swap3A_776 {strides = array<i32>} : memref<1280xf32, #tpu.memory_space<vmem>>, vector<16xf32>,
        %get3A_777 = arith.constant 736 : index
        %get3A_778 = tpu.vector_load %arg17[%get3A_777] {strides = array<i32>} : memref<1280xf32, #tpu.memory_space<vmem>>, vector<16xf32>,
        %get3A_779 = vector.shape_cast %get3A_778 : vector<16xf32> to vector<16xf32>
        %max3A_780 = arith.constant 1.000000e+00 : f32
        %max3A_781 = vector.broadcast %max3A_780 : f32 to vector<16xf32>
        %max3A_782 = arith.maximumf %get3A_779, %max3A_781 : vector<16xf32>
        %div3A_783 = arith.constant 1.000000e+00 : f32
        %div3A_784 = vector.broadcast %div3A_783 : f32 to vector<16xf32>
        %div3A_785 = arith.divf %div3A_784, %max3A_782 : vector<16xf32>
        %swap3A_786 = arith.constant 736 : index
        %swap3A_787 = tpu.vector_load %arg16[%swap3A_786] {strides = array<i32>} : memref<1280xf32, #tpu.memory_space<vmem>>, vector<16xf32>,
        %swap3A_788 = vector.shape_cast %swap3A_787 : vector<16xf32> to vector<16xf32>
        %swap3A_789 = vector.shape_cast %div3A_785 : vector<16xf32> to vector<16xf32>
        tpu.vector_store %arg16[%swap3A_786], %swap3A_789 {strides = array<i32>} : memref<1280xf32, #tpu.memory_space<vmem>>, vector<16xf32>,
        %get3A_790 = arith.constant 752 : index
        %get3A_791 = tpu.vector_load %arg17[%get3A_790] {strides = array<i32>} : memref<1280xf32, #tpu.memory_space<vmem>>, vector<16xf32>,
        %get3A_792 = vector.shape_cast %get3A_791 : vector<16xf32> to vector<16xf32>
        %max3A_793 = arith.constant 1.000000e+00 : f32
        %max3A_794 = vector.broadcast %max3A_793 : f32 to vector<16xf32>
        %max3A_795 = arith.maximumf %get3A_792, %max3A_794 : vector<16xf32>
        %div3A_796 = arith.constant 1.000000e+00 : f32
        %div3A_797 = vector.broadcast %div3A_796 : f32 to vector<16xf32>
        %div3A_798 = arith.divf %div3A_797, %max3A_795 : vector<16xf32>
        %swap3A_799 = arith.constant 752 : index
        %swap3A_800 = tpu.vector_load %arg16[%swap3A_799] {strides = array<i32>} : memref<1280xf32, #tpu.memory_space<vmem>>, vector<16xf32>,
        %swap3A_801 = vector.shape_cast %swap3A_800 : vector<16xf32> to vector<16xf32>
        %swap3A_802 = vector.shape_cast %div3A_798 : vector<16xf32> to vector<16xf32>
        tpu.vector_store %arg16[%swap3A_799], %swap3A_802 {strides = array<i32>} : memref<1280xf32, #tpu.memory_space<vmem>>, vector<16xf32>,
        %get3A_803 = arith.constant 768 : index
        %get3A_804 = tpu.vector_load %arg17[%get3A_803] {strides = array<i32>} : memref<1280xf32, #tpu.memory_space<vmem>>, vector<16xf32>,
        %get3A_805 = vector.shape_cast %get3A_804 : vector<16xf32> to vector<16xf32>
        %max3A_806 = arith.constant 1.000000e+00 : f32
        %max3A_807 = vector.broadcast %max3A_806 : f32 to vector<16xf32>
        %max3A_808 = arith.maximumf %get3A_805, %max3A_807 : vector<16xf32>
        %div3A_809 = arith.constant 1.000000e+00 : f32
        %div3A_810 = vector.broadcast %div3A_809 : f32 to vector<16xf32>
        %div3A_811 = arith.divf %div3A_810, %max3A_808 : vector<16xf32>
        %swap3A_812 = arith.constant 768 : index
        %swap3A_813 = tpu.vector_load %arg16[%swap3A_812] {strides = array<i32>} : memref<1280xf32, #tpu.memory_space<vmem>>, vector<16xf32>,
        %swap3A_814 = vector.shape_cast %swap3A_813 : vector<16xf32> to vector<16xf32>
        %swap3A_815 = vector.shape_cast %div3A_811 : vector<16xf32> to vector<16xf32>
        tpu.vector_store %arg16[%swap3A_812], %swap3A_815 {strides = array<i32>} : memref<1280xf32, #tpu.memory_space<vmem>>, vector<16xf32>,
        %get3A_816 = arith.constant 784 : index
        %get3A_817 = tpu.vector_load %arg17[%get3A_816] {strides = array<i32>} : memref<1280xf32, #tpu.memory_space<vmem>>, vector<16xf32>,
        %get3A_818 = vector.shape_cast %get3A_817 : vector<16xf32> to vector<16xf32>
        %max3A_819 = arith.constant 1.000000e+00 : f32
        %max3A_820 = vector.broadcast %max3A_819 : f32 to vector<16xf32>
        %max3A_821 = arith.maximumf %get3A_818, %max3A_820 : vector<16xf32>
        %div3A_822 = arith.constant 1.000000e+00 : f32
        %div3A_823 = vector.broadcast %div3A_822 : f32 to vector<16xf32>
        %div3A_824 = arith.divf %div3A_823, %max3A_821 : vector<16xf32>
        %swap3A_825 = arith.constant 784 : index
        %swap3A_826 = tpu.vector_load %arg16[%swap3A_825] {strides = array<i32>} : memref<1280xf32, #tpu.memory_space<vmem>>, vector<16xf32>,
        %swap3A_827 = vector.shape_cast %swap3A_826 : vector<16xf32> to vector<16xf32>
        %swap3A_828 = vector.shape_cast %div3A_824 : vector<16xf32> to vector<16xf32>
        tpu.vector_store %arg16[%swap3A_825], %swap3A_828 {strides = array<i32>} : memref<1280xf32, #tpu.memory_space<vmem>>, vector<16xf32>,
        %get3A_829 = arith.constant 800 : index
        %get3A_830 = tpu.vector_load %arg17[%get3A_829] {strides = array<i32>} : memref<1280xf32, #tpu.memory_space<vmem>>, vector<16xf32>,
        %get3A_831 = vector.shape_cast %get3A_830 : vector<16xf32> to vector<16xf32>
        %max3A_832 = arith.constant 1.000000e+00 : f32
        %max3A_833 = vector.broadcast %max3A_832 : f32 to vector<16xf32>
        %max3A_834 = arith.maximumf %get3A_831, %max3A_833 : vector<16xf32>
        %div3A_835 = arith.constant 1.000000e+00 : f32
        %div3A_836 = vector.broadcast %div3A_835 : f32 to vector<16xf32>
        %div3A_837 = arith.divf %div3A_836, %max3A_834 : vector<16xf32>
        %swap3A_838 = arith.constant 800 : index
        %swap3A_839 = tpu.vector_load %arg16[%swap3A_838] {strides = array<i32>} : memref<1280xf32, #tpu.memory_space<vmem>>, vector<16xf32>,
        %swap3A_840 = vector.shape_cast %swap3A_839 : vector<16xf32> to vector<16xf32>
        %swap3A_841 = vector.shape_cast %div3A_837 : vector<16xf32> to vector<16xf32>
        tpu.vector_store %arg16[%swap3A_838], %swap3A_841 {strides = array<i32>} : memref<1280xf32, #tpu.memory_space<vmem>>, vector<16xf32>,
        %get3A_842 = arith.constant 816 : index
        %get3A_843 = tpu.vector_load %arg17[%get3A_842] {strides = array<i32>} : memref<1280xf32, #tpu.memory_space<vmem>>, vector<16xf32>,
        %get3A_844 = vector.shape_cast %get3A_843 : vector<16xf32> to vector<16xf32>
        %max3A_845 = arith.constant 1.000000e+00 : f32
        %max3A_846 = vector.broadcast %max3A_845 : f32 to vector<16xf32>
        %max3A_847 = arith.maximumf %get3A_844, %max3A_846 : vector<16xf32>
        %div3A_848 = arith.constant 1.000000e+00 : f32
        %div3A_849 = vector.broadcast %div3A_848 : f32 to vector<16xf32>
        %div3A_850 = arith.divf %div3A_849, %max3A_847 : vector<16xf32>
        %swap3A_851 = arith.constant 816 : index
        %swap3A_852 = tpu.vector_load %arg16[%swap3A_851] {strides = array<i32>} : memref<1280xf32, #tpu.memory_space<vmem>>, vector<16xf32>,
        %swap3A_853 = vector.shape_cast %swap3A_852 : vector<16xf32> to vector<16xf32>
        %swap3A_854 = vector.shape_cast %div3A_850 : vector<16xf32> to vector<16xf32>
        tpu.vector_store %arg16[%swap3A_851], %swap3A_854 {strides = array<i32>} : memref<1280xf32, #tpu.memory_space<vmem>>, vector<16xf32>,
        %get3A_855 = arith.constant 832 : index
        %get3A_856 = tpu.vector_load %arg17[%get3A_855] {strides = array<i32>} : memref<1280xf32, #tpu.memory_space<vmem>>, vector<16xf32>,
        %get3A_857 = vector.shape_cast %get3A_856 : vector<16xf32> to vector<16xf32>
        %max3A_858 = arith.constant 1.000000e+00 : f32
        %max3A_859 = vector.broadcast %max3A_858 : f32 to vector<16xf32>
        %max3A_860 = arith.maximumf %get3A_857, %max3A_859 : vector<16xf32>
        %div3A_861 = arith.constant 1.000000e+00 : f32
        %div3A_862 = vector.broadcast %div3A_861 : f32 to vector<16xf32>
        %div3A_863 = arith.divf %div3A_862, %max3A_860 : vector<16xf32>
        %swap3A_864 = arith.constant 832 : index
        %swap3A_865 = tpu.vector_load %arg16[%swap3A_864] {strides = array<i32>} : memref<1280xf32, #tpu.memory_space<vmem>>, vector<16xf32>,
        %swap3A_866 = vector.shape_cast %swap3A_865 : vector<16xf32> to vector<16xf32>
        %swap3A_867 = vector.shape_cast %div3A_863 : vector<16xf32> to vector<16xf32>
        tpu.vector_store %arg16[%swap3A_864], %swap3A_867 {strides = array<i32>} : memref<1280xf32, #tpu.memory_space<vmem>>, vector<16xf32>,
        %get3A_868 = arith.constant 848 : index
        %get3A_869 = tpu.vector_load %arg17[%get3A_868] {strides = array<i32>} : memref<1280xf32, #tpu.memory_space<vmem>>, vector<16xf32>,
        %get3A_870 = vector.shape_cast %get3A_869 : vector<16xf32> to vector<16xf32>
        %max3A_871 = arith.constant 1.000000e+00 : f32
        %max3A_872 = vector.broadcast %max3A_871 : f32 to vector<16xf32>
        %max3A_873 = arith.maximumf %get3A_870, %max3A_872 : vector<16xf32>
        %div3A_874 = arith.constant 1.000000e+00 : f32
        %div3A_875 = vector.broadcast %div3A_874 : f32 to vector<16xf32>
        %div3A_876 = arith.divf %div3A_875, %max3A_873 : vector<16xf32>
        %swap3A_877 = arith.constant 848 : index
        %swap3A_878 = tpu.vector_load %arg16[%swap3A_877] {strides = array<i32>} : memref<1280xf32, #tpu.memory_space<vmem>>, vector<16xf32>,
        %swap3A_879 = vector.shape_cast %swap3A_878 : vector<16xf32> to vector<16xf32>
        %swap3A_880 = vector.shape_cast %div3A_876 : vector<16xf32> to vector<16xf32>
        tpu.vector_store %arg16[%swap3A_877], %swap3A_880 {strides = array<i32>} : memref<1280xf32, #tpu.memory_space<vmem>>, vector<16xf32>,
        %get3A_881 = arith.constant 864 : index
        %get3A_882 = tpu.vector_load %arg17[%get3A_881] {strides = array<i32>} : memref<1280xf32, #tpu.memory_space<vmem>>, vector<16xf32>,
        %get3A_883 = vector.shape_cast %get3A_882 : vector<16xf32> to vector<16xf32>
        %max3A_884 = arith.constant 1.000000e+00 : f32
        %max3A_885 = vector.broadcast %max3A_884 : f32 to vector<16xf32>
        %max3A_886 = arith.maximumf %get3A_883, %max3A_885 : vector<16xf32>
        %div3A_887 = arith.constant 1.000000e+00 : f32
        %div3A_888 = vector.broadcast %div3A_887 : f32 to vector<16xf32>
        %div3A_889 = arith.divf %div3A_888, %max3A_886 : vector<16xf32>
        %swap3A_890 = arith.constant 864 : index
        %swap3A_891 = tpu.vector_load %arg16[%swap3A_890] {strides = array<i32>} : memref<1280xf32, #tpu.memory_space<vmem>>, vector<16xf32>,
        %swap3A_892 = vector.shape_cast %swap3A_891 : vector<16xf32> to vector<16xf32>
        %swap3A_893 = vector.shape_cast %div3A_889 : vector<16xf32> to vector<16xf32>
        tpu.vector_store %arg16[%swap3A_890], %swap3A_893 {strides = array<i32>} : memref<1280xf32, #tpu.memory_space<vmem>>, vector<16xf32>,
        %get3A_894 = arith.constant 880 : index
        %get3A_895 = tpu.vector_load %arg17[%get3A_894] {strides = array<i32>} : memref<1280xf32, #tpu.memory_space<vmem>>, vector<16xf32>,
        %get3A_896 = vector.shape_cast %get3A_895 : vector<16xf32> to vector<16xf32>
        %max3A_897 = arith.constant 1.000000e+00 : f32
        %max3A_898 = vector.broadcast %max3A_897 : f32 to vector<16xf32>
        %max3A_899 = arith.maximumf %get3A_896, %max3A_898 : vector<16xf32>
        %div3A_900 = arith.constant 1.000000e+00 : f32
        %div3A_901 = vector.broadcast %div3A_900 : f32 to vector<16xf32>
        %div3A_902 = arith.divf %div3A_901, %max3A_899 : vector<16xf32>
        %swap3A_903 = arith.constant 880 : index
        %swap3A_904 = tpu.vector_load %arg16[%swap3A_903] {strides = array<i32>} : memref<1280xf32, #tpu.memory_space<vmem>>, vector<16xf32>,
        %swap3A_905 = vector.shape_cast %swap3A_904 : vector<16xf32> to vector<16xf32>
        %swap3A_906 = vector.shape_cast %div3A_902 : vector<16xf32> to vector<16xf32>
        tpu.vector_store %arg16[%swap3A_903], %swap3A_906 {strides = array<i32>} : memref<1280xf32, #tpu.memory_space<vmem>>, vector<16xf32>,
        %get3A_907 = arith.constant 896 : index
        %get3A_908 = tpu.vector_load %arg17[%get3A_907] {strides = array<i32>} : memref<1280xf32, #tpu.memory_space<vmem>>, vector<16xf32>,
        %get3A_909 = vector.shape_cast %get3A_908 : vector<16xf32> to vector<16xf32>
        %max3A_910 = arith.constant 1.000000e+00 : f32
        %max3A_911 = vector.broadcast %max3A_910 : f32 to vector<16xf32>
        %max3A_912 = arith.maximumf %get3A_909, %max3A_911 : vector<16xf32>
        %div3A_913 = arith.constant 1.000000e+00 : f32
        %div3A_914 = vector.broadcast %div3A_913 : f32 to vector<16xf32>
        %div3A_915 = arith.divf %div3A_914, %max3A_912 : vector<16xf32>
        %swap3A_916 = arith.constant 896 : index
        %swap3A_917 = tpu.vector_load %arg16[%swap3A_916] {strides = array<i32>} : memref<1280xf32, #tpu.memory_space<vmem>>, vector<16xf32>,
        %swap3A_918 = vector.shape_cast %swap3A_917 : vector<16xf32> to vector<16xf32>
        %swap3A_919 = vector.shape_cast %div3A_915 : vector<16xf32> to vector<16xf32>
        tpu.vector_store %arg16[%swap3A_916], %swap3A_919 {strides = array<i32>} : memref<1280xf32, #tpu.memory_space<vmem>>, vector<16xf32>,
        %get3A_920 = arith.constant 912 : index
        %get3A_921 = tpu.vector_load %arg17[%get3A_920] {strides = array<i32>} : memref<1280xf32, #tpu.memory_space<vmem>>, vector<16xf32>,
        %get3A_922 = vector.shape_cast %get3A_921 : vector<16xf32> to vector<16xf32>
        %max3A_923 = arith.constant 1.000000e+00 : f32
        %max3A_924 = vector.broadcast %max3A_923 : f32 to vector<16xf32>
        %max3A_925 = arith.maximumf %get3A_922, %max3A_924 : vector<16xf32>
        %div3A_926 = arith.constant 1.000000e+00 : f32
        %div3A_927 = vector.broadcast %div3A_926 : f32 to vector<16xf32>
        %div3A_928 = arith.divf %div3A_927, %max3A_925 : vector<16xf32>
        %swap3A_929 = arith.constant 912 : index
        %swap3A_930 = tpu.vector_load %arg16[%swap3A_929] {strides = array<i32>} : memref<1280xf32, #tpu.memory_space<vmem>>, vector<16xf32>,
        %swap3A_931 = vector.shape_cast %swap3A_930 : vector<16xf32> to vector<16xf32>
        %swap3A_932 = vector.shape_cast %div3A_928 : vector<16xf32> to vector<16xf32>
        tpu.vector_store %arg16[%swap3A_929], %swap3A_932 {strides = array<i32>} : memref<1280xf32, #tpu.memory_space<vmem>>, vector<16xf32>,
        %get3A_933 = arith.constant 928 : index
        %get3A_934 = tpu.vector_load %arg17[%get3A_933] {strides = array<i32>} : memref<1280xf32, #tpu.memory_space<vmem>>, vector<16xf32>,
        %get3A_935 = vector.shape_cast %get3A_934 : vector<16xf32> to vector<16xf32>
        %max3A_936 = arith.constant 1.000000e+00 : f32
        %max3A_937 = vector.broadcast %max3A_936 : f32 to vector<16xf32>
        %max3A_938 = arith.maximumf %get3A_935, %max3A_937 : vector<16xf32>
        %div3A_939 = arith.constant 1.000000e+00 : f32
        %div3A_940 = vector.broadcast %div3A_939 : f32 to vector<16xf32>
        %div3A_941 = arith.divf %div3A_940, %max3A_938 : vector<16xf32>
        %swap3A_942 = arith.constant 928 : index
        %swap3A_943 = tpu.vector_load %arg16[%swap3A_942] {strides = array<i32>} : memref<1280xf32, #tpu.memory_space<vmem>>, vector<16xf32>,
        %swap3A_944 = vector.shape_cast %swap3A_943 : vector<16xf32> to vector<16xf32>
        %swap3A_945 = vector.shape_cast %div3A_941 : vector<16xf32> to vector<16xf32>
        tpu.vector_store %arg16[%swap3A_942], %swap3A_945 {strides = array<i32>} : memref<1280xf32, #tpu.memory_space<vmem>>, vector<16xf32>,
        %get3A_946 = arith.constant 944 : index
        %get3A_947 = tpu.vector_load %arg17[%get3A_946] {strides = array<i32>} : memref<1280xf32, #tpu.memory_space<vmem>>, vector<16xf32>,
        %get3A_948 = vector.shape_cast %get3A_947 : vector<16xf32> to vector<16xf32>
        %max3A_949 = arith.constant 1.000000e+00 : f32
        %max3A_950 = vector.broadcast %max3A_949 : f32 to vector<16xf32>
        %max3A_951 = arith.maximumf %get3A_948, %max3A_950 : vector<16xf32>
        %div3A_952 = arith.constant 1.000000e+00 : f32
        %div3A_953 = vector.broadcast %div3A_952 : f32 to vector<16xf32>
        %div3A_954 = arith.divf %div3A_953, %max3A_951 : vector<16xf32>
        %swap3A_955 = arith.constant 944 : index
        %swap3A_956 = tpu.vector_load %arg16[%swap3A_955] {strides = array<i32>} : memref<1280xf32, #tpu.memory_space<vmem>>, vector<16xf32>,
        %swap3A_957 = vector.shape_cast %swap3A_956 : vector<16xf32> to vector<16xf32>
        %swap3A_958 = vector.shape_cast %div3A_954 : vector<16xf32> to vector<16xf32>
        tpu.vector_store %arg16[%swap3A_955], %swap3A_958 {strides = array<i32>} : memref<1280xf32, #tpu.memory_space<vmem>>, vector<16xf32>,
        %get3A_959 = arith.constant 960 : index
        %get3A_960 = tpu.vector_load %arg17[%get3A_959] {strides = array<i32>} : memref<1280xf32, #tpu.memory_space<vmem>>, vector<16xf32>,
        %get3A_961 = vector.shape_cast %get3A_960 : vector<16xf32> to vector<16xf32>
        %max3A_962 = arith.constant 1.000000e+00 : f32
        %max3A_963 = vector.broadcast %max3A_962 : f32 to vector<16xf32>
        %max3A_964 = arith.maximumf %get3A_961, %max3A_963 : vector<16xf32>
        %div3A_965 = arith.constant 1.000000e+00 : f32
        %div3A_966 = vector.broadcast %div3A_965 : f32 to vector<16xf32>
        %div3A_967 = arith.divf %div3A_966, %max3A_964 : vector<16xf32>
        %swap3A_968 = arith.constant 960 : index
        %swap3A_969 = tpu.vector_load %arg16[%swap3A_968] {strides = array<i32>} : memref<1280xf32, #tpu.memory_space<vmem>>, vector<16xf32>,
        %swap3A_970 = vector.shape_cast %swap3A_969 : vector<16xf32> to vector<16xf32>
        %swap3A_971 = vector.shape_cast %div3A_967 : vector<16xf32> to vector<16xf32>
        tpu.vector_store %arg16[%swap3A_968], %swap3A_971 {strides = array<i32>} : memref<1280xf32, #tpu.memory_space<vmem>>, vector<16xf32>,
        %get3A_972 = arith.constant 976 : index
        %get3A_973 = tpu.vector_load %arg17[%get3A_972] {strides = array<i32>} : memref<1280xf32, #tpu.memory_space<vmem>>, vector<16xf32>,
        %get3A_974 = vector.shape_cast %get3A_973 : vector<16xf32> to vector<16xf32>
        %max3A_975 = arith.constant 1.000000e+00 : f32
        %max3A_976 = vector.broadcast %max3A_975 : f32 to vector<16xf32>
        %max3A_977 = arith.maximumf %get3A_974, %max3A_976 : vector<16xf32>
        %div3A_978 = arith.constant 1.000000e+00 : f32
        %div3A_979 = vector.broadcast %div3A_978 : f32 to vector<16xf32>
        %div3A_980 = arith.divf %div3A_979, %max3A_977 : vector<16xf32>
        %swap3A_981 = arith.constant 976 : index
        %swap3A_982 = tpu.vector_load %arg16[%swap3A_981] {strides = array<i32>} : memref<1280xf32, #tpu.memory_space<vmem>>, vector<16xf32>,
        %swap3A_983 = vector.shape_cast %swap3A_982 : vector<16xf32> to vector<16xf32>
        %swap3A_984 = vector.shape_cast %div3A_980 : vector<16xf32> to vector<16xf32>
        tpu.vector_store %arg16[%swap3A_981], %swap3A_984 {strides = array<i32>} : memref<1280xf32, #tpu.memory_space<vmem>>, vector<16xf32>,
        %get3A_985 = arith.constant 992 : index
        %get3A_986 = tpu.vector_load %arg17[%get3A_985] {strides = array<i32>} : memref<1280xf32, #tpu.memory_space<vmem>>, vector<16xf32>,
        %get3A_987 = vector.shape_cast %get3A_986 : vector<16xf32> to vector<16xf32>
        %max3A_988 = arith.constant 1.000000e+00 : f32
        %max3A_989 = vector.broadcast %max3A_988 : f32 to vector<16xf32>
        %max3A_990 = arith.maximumf %get3A_987, %max3A_989 : vector<16xf32>
        %div3A_991 = arith.constant 1.000000e+00 : f32
        %div3A_992 = vector.broadcast %div3A_991 : f32 to vector<16xf32>
        %div3A_993 = arith.divf %div3A_992, %max3A_990 : vector<16xf32>
        %swap3A_994 = arith.constant 992 : index
        %swap3A_995 = tpu.vector_load %arg16[%swap3A_994] {strides = array<i32>} : memref<1280xf32, #tpu.memory_space<vmem>>, vector<16xf32>,
        %swap3A_996 = vector.shape_cast %swap3A_995 : vector<16xf32> to vector<16xf32>
        %swap3A_997 = vector.shape_cast %div3A_993 : vector<16xf32> to vector<16xf32>
        tpu.vector_store %arg16[%swap3A_994], %swap3A_997 {strides = array<i32>} : memref<1280xf32, #tpu.memory_space<vmem>>, vector<16xf32>,
        %get3A_998 = arith.constant 1008 : index
        %get3A_999 = tpu.vector_load %arg17[%get3A_998] {strides = array<i32>} : memref<1280xf32, #tpu.memory_space<vmem>>, vector<16xf32>,
        %get3A_1000 = vector.shape_cast %get3A_999 : vector<16xf32> to vector<16xf32>
        %max3A_1001 = arith.constant 1.000000e+00 : f32
        %max3A_1002 = vector.broadcast %max3A_1001 : f32 to vector<16xf32>
        %max3A_1003 = arith.maximumf %get3A_1000, %max3A_1002 : vector<16xf32>
        %div3A_1004 = arith.constant 1.000000e+00 : f32
        %div3A_1005 = vector.broadcast %div3A_1004 : f32 to vector<16xf32>
        %div3A_1006 = arith.divf %div3A_1005, %max3A_1003 : vector<16xf32>
        %swap3A_1007 = arith.constant 1008 : index
        %swap3A_1008 = tpu.vector_load %arg16[%swap3A_1007] {strides = array<i32>} : memref<1280xf32, #tpu.memory_space<vmem>>, vector<16xf32>,
        %swap3A_1009 = vector.shape_cast %swap3A_1008 : vector<16xf32> to vector<16xf32>
        %swap3A_1010 = vector.shape_cast %div3A_1006 : vector<16xf32> to vector<16xf32>
        tpu.vector_store %arg16[%swap3A_1007], %swap3A_1010 {strides = array<i32>} : memref<1280xf32, #tpu.memory_space<vmem>>, vector<16xf32>,
        %get3A_1011 = arith.constant 1024 : index
        %get3A_1012 = tpu.vector_load %arg17[%get3A_1011] {strides = array<i32>} : memref<1280xf32, #tpu.memory_space<vmem>>, vector<16xf32>,
        %get3A_1013 = vector.shape_cast %get3A_1012 : vector<16xf32> to vector<16xf32>
        %max3A_1014 = arith.constant 1.000000e+00 : f32
        %max3A_1015 = vector.broadcast %max3A_1014 : f32 to vector<16xf32>
        %max3A_1016 = arith.maximumf %get3A_1013, %max3A_1015 : vector<16xf32>
        %div3A_1017 = arith.constant 1.000000e+00 : f32
        %div3A_1018 = vector.broadcast %div3A_1017 : f32 to vector<16xf32>
        %div3A_1019 = arith.divf %div3A_1018, %max3A_1016 : vector<16xf32>
        %swap3A_1020 = arith.constant 1024 : index
        %swap3A_1021 = tpu.vector_load %arg16[%swap3A_1020] {strides = array<i32>} : memref<1280xf32, #tpu.memory_space<vmem>>, vector<16xf32>,
        %swap3A_1022 = vector.shape_cast %swap3A_1021 : vector<16xf32> to vector<16xf32>
        %swap3A_1023 = vector.shape_cast %div3A_1019 : vector<16xf32> to vector<16xf32>
        tpu.vector_store %arg16[%swap3A_1020], %swap3A_1023 {strides = array<i32>} : memref<1280xf32, #tpu.memory_space<vmem>>, vector<16xf32>,
        %get3A_1024 = arith.constant 1040 : index
        %get3A_1025 = tpu.vector_load %arg17[%get3A_1024] {strides = array<i32>} : memref<1280xf32, #tpu.memory_space<vmem>>, vector<16xf32>,
        %get3A_1026 = vector.shape_cast %get3A_1025 : vector<16xf32> to vector<16xf32>
        %max3A_1027 = arith.constant 1.000000e+00 : f32
        %max3A_1028 = vector.broadcast %max3A_1027 : f32 to vector<16xf32>
        %max3A_1029 = arith.maximumf %get3A_1026, %max3A_1028 : vector<16xf32>
        %div3A_1030 = arith.constant 1.000000e+00 : f32
        %div3A_1031 = vector.broadcast %div3A_1030 : f32 to vector<16xf32>
        %div3A_1032 = arith.divf %div3A_1031, %max3A_1029 : vector<16xf32>
        %swap3A_1033 = arith.constant 1040 : index
        %swap3A_1034 = tpu.vector_load %arg16[%swap3A_1033] {strides = array<i32>} : memref<1280xf32, #tpu.memory_space<vmem>>, vector<16xf32>,
        %swap3A_1035 = vector.shape_cast %swap3A_1034 : vector<16xf32> to vector<16xf32>
        %swap3A_1036 = vector.shape_cast %div3A_1032 : vector<16xf32> to vector<16xf32>
        tpu.vector_store %arg16[%swap3A_1033], %swap3A_1036 {strides = array<i32>} : memref<1280xf32, #tpu.memory_space<vmem>>, vector<16xf32>,
        %get3A_1037 = arith.constant 1056 : index
        %get3A_1038 = tpu.vector_load %arg17[%get3A_1037] {strides = array<i32>} : memref<1280xf32, #tpu.memory_space<vmem>>, vector<16xf32>,
        %get3A_1039 = vector.shape_cast %get3A_1038 : vector<16xf32> to vector<16xf32>
        %max3A_1040 = arith.constant 1.000000e+00 : f32
        %max3A_1041 = vector.broadcast %max3A_1040 : f32 to vector<16xf32>
        %max3A_1042 = arith.maximumf %get3A_1039, %max3A_1041 : vector<16xf32>
        %div3A_1043 = arith.constant 1.000000e+00 : f32
        %div3A_1044 = vector.broadcast %div3A_1043 : f32 to vector<16xf32>
        %div3A_1045 = arith.divf %div3A_1044, %max3A_1042 : vector<16xf32>
        %swap3A_1046 = arith.constant 1056 : index
        %swap3A_1047 = tpu.vector_load %arg16[%swap3A_1046] {strides = array<i32>} : memref<1280xf32, #tpu.memory_space<vmem>>, vector<16xf32>,
        %swap3A_1048 = vector.shape_cast %swap3A_1047 : vector<16xf32> to vector<16xf32>
        %swap3A_1049 = vector.shape_cast %div3A_1045 : vector<16xf32> to vector<16xf32>
        tpu.vector_store %arg16[%swap3A_1046], %swap3A_1049 {strides = array<i32>} : memref<1280xf32, #tpu.memory_space<vmem>>, vector<16xf32>,
        %get3A_1050 = arith.constant 1072 : index
        %get3A_1051 = tpu.vector_load %arg17[%get3A_1050] {strides = array<i32>} : memref<1280xf32, #tpu.memory_space<vmem>>, vector<16xf32>,
        %get3A_1052 = vector.shape_cast %get3A_1051 : vector<16xf32> to vector<16xf32>
        %max3A_1053 = arith.constant 1.000000e+00 : f32
        %max3A_1054 = vector.broadcast %max3A_1053 : f32 to vector<16xf32>
        %max3A_1055 = arith.maximumf %get3A_1052, %max3A_1054 : vector<16xf32>
        %div3A_1056 = arith.constant 1.000000e+00 : f32
        %div3A_1057 = vector.broadcast %div3A_1056 : f32 to vector<16xf32>
        %div3A_1058 = arith.divf %div3A_1057, %max3A_1055 : vector<16xf32>
        %swap3A_1059 = arith.constant 1072 : index
        %swap3A_1060 = tpu.vector_load %arg16[%swap3A_1059] {strides = array<i32>} : memref<1280xf32, #tpu.memory_space<vmem>>, vector<16xf32>,
        %swap3A_1061 = vector.shape_cast %swap3A_1060 : vector<16xf32> to vector<16xf32>
        %swap3A_1062 = vector.shape_cast %div3A_1058 : vector<16xf32> to vector<16xf32>
        tpu.vector_store %arg16[%swap3A_1059], %swap3A_1062 {strides = array<i32>} : memref<1280xf32, #tpu.memory_space<vmem>>, vector<16xf32>,
        %get3A_1063 = arith.constant 1088 : index
        %get3A_1064 = tpu.vector_load %arg17[%get3A_1063] {strides = array<i32>} : memref<1280xf32, #tpu.memory_space<vmem>>, vector<16xf32>,
        %get3A_1065 = vector.shape_cast %get3A_1064 : vector<16xf32> to vector<16xf32>
        %max3A_1066 = arith.constant 1.000000e+00 : f32
        %max3A_1067 = vector.broadcast %max3A_1066 : f32 to vector<16xf32>
        %max3A_1068 = arith.maximumf %get3A_1065, %max3A_1067 : vector<16xf32>
        %div3A_1069 = arith.constant 1.000000e+00 : f32
        %div3A_1070 = vector.broadcast %div3A_1069 : f32 to vector<16xf32>
        %div3A_1071 = arith.divf %div3A_1070, %max3A_1068 : vector<16xf32>
        %swap3A_1072 = arith.constant 1088 : index
        %swap3A_1073 = tpu.vector_load %arg16[%swap3A_1072] {strides = array<i32>} : memref<1280xf32, #tpu.memory_space<vmem>>, vector<16xf32>,
        %swap3A_1074 = vector.shape_cast %swap3A_1073 : vector<16xf32> to vector<16xf32>
        %swap3A_1075 = vector.shape_cast %div3A_1071 : vector<16xf32> to vector<16xf32>
        tpu.vector_store %arg16[%swap3A_1072], %swap3A_1075 {strides = array<i32>} : memref<1280xf32, #tpu.memory_space<vmem>>, vector<16xf32>,
        %get3A_1076 = arith.constant 1104 : index
        %get3A_1077 = tpu.vector_load %arg17[%get3A_1076] {strides = array<i32>} : memref<1280xf32, #tpu.memory_space<vmem>>, vector<16xf32>,
        %get3A_1078 = vector.shape_cast %get3A_1077 : vector<16xf32> to vector<16xf32>
        %max3A_1079 = arith.constant 1.000000e+00 : f32
        %max3A_1080 = vector.broadcast %max3A_1079 : f32 to vector<16xf32>
        %max3A_1081 = arith.maximumf %get3A_1078, %max3A_1080 : vector<16xf32>
        %div3A_1082 = arith.constant 1.000000e+00 : f32
        %div3A_1083 = vector.broadcast %div3A_1082 : f32 to vector<16xf32>
        %div3A_1084 = arith.divf %div3A_1083, %max3A_1081 : vector<16xf32>
        %swap3A_1085 = arith.constant 1104 : index
        %swap3A_1086 = tpu.vector_load %arg16[%swap3A_1085] {strides = array<i32>} : memref<1280xf32, #tpu.memory_space<vmem>>, vector<16xf32>,
        %swap3A_1087 = vector.shape_cast %swap3A_1086 : vector<16xf32> to vector<16xf32>
        %swap3A_1088 = vector.shape_cast %div3A_1084 : vector<16xf32> to vector<16xf32>
        tpu.vector_store %arg16[%swap3A_1085], %swap3A_1088 {strides = array<i32>} : memref<1280xf32, #tpu.memory_space<vmem>>, vector<16xf32>,
        %get3A_1089 = arith.constant 1120 : index
        %get3A_1090 = tpu.vector_load %arg17[%get3A_1089] {strides = array<i32>} : memref<1280xf32, #tpu.memory_space<vmem>>, vector<16xf32>,
        %get3A_1091 = vector.shape_cast %get3A_1090 : vector<16xf32> to vector<16xf32>
        %max3A_1092 = arith.constant 1.000000e+00 : f32
        %max3A_1093 = vector.broadcast %max3A_1092 : f32 to vector<16xf32>
        %max3A_1094 = arith.maximumf %get3A_1091, %max3A_1093 : vector<16xf32>
        %div3A_1095 = arith.constant 1.000000e+00 : f32
        %div3A_1096 = vector.broadcast %div3A_1095 : f32 to vector<16xf32>
        %div3A_1097 = arith.divf %div3A_1096, %max3A_1094 : vector<16xf32>
        %swap3A_1098 = arith.constant 1120 : index
        %swap3A_1099 = tpu.vector_load %arg16[%swap3A_1098] {strides = array<i32>} : memref<1280xf32, #tpu.memory_space<vmem>>, vector<16xf32>,
        %swap3A_1100 = vector.shape_cast %swap3A_1099 : vector<16xf32> to vector<16xf32>
        %swap3A_1101 = vector.shape_cast %div3A_1097 : vector<16xf32> to vector<16xf32>
        tpu.vector_store %arg16[%swap3A_1098], %swap3A_1101 {strides = array<i32>} : memref<1280xf32, #tpu.memory_space<vmem>>, vector<16xf32>,
        %get3A_1102 = arith.constant 1136 : index
        %get3A_1103 = tpu.vector_load %arg17[%get3A_1102] {strides = array<i32>} : memref<1280xf32, #tpu.memory_space<vmem>>, vector<16xf32>,
        %get3A_1104 = vector.shape_cast %get3A_1103 : vector<16xf32> to vector<16xf32>
        %max3A_1105 = arith.constant 1.000000e+00 : f32
        %max3A_1106 = vector.broadcast %max3A_1105 : f32 to vector<16xf32>
        %max3A_1107 = arith.maximumf %get3A_1104, %max3A_1106 : vector<16xf32>
        %div3A_1108 = arith.constant 1.000000e+00 : f32
        %div3A_1109 = vector.broadcast %div3A_1108 : f32 to vector<16xf32>
        %div3A_1110 = arith.divf %div3A_1109, %max3A_1107 : vector<16xf32>
        %swap3A_1111 = arith.constant 1136 : index
        %swap3A_1112 = tpu.vector_load %arg16[%swap3A_1111] {strides = array<i32>} : memref<1280xf32, #tpu.memory_space<vmem>>, vector<16xf32>,
        %swap3A_1113 = vector.shape_cast %swap3A_1112 : vector<16xf32> to vector<16xf32>
        %swap3A_1114 = vector.shape_cast %div3A_1110 : vector<16xf32> to vector<16xf32>
        tpu.vector_store %arg16[%swap3A_1111], %swap3A_1114 {strides = array<i32>} : memref<1280xf32, #tpu.memory_space<vmem>>, vector<16xf32>,
        %get3A_1115 = arith.constant 1152 : index
        %get3A_1116 = tpu.vector_load %arg17[%get3A_1115] {strides = array<i32>} : memref<1280xf32, #tpu.memory_space<vmem>>, vector<16xf32>,
        %get3A_1117 = vector.shape_cast %get3A_1116 : vector<16xf32> to vector<16xf32>
        %max3A_1118 = arith.constant 1.000000e+00 : f32
        %max3A_1119 = vector.broadcast %max3A_1118 : f32 to vector<16xf32>
        %max3A_1120 = arith.maximumf %get3A_1117, %max3A_1119 : vector<16xf32>
        %div3A_1121 = arith.constant 1.000000e+00 : f32
        %div3A_1122 = vector.broadcast %div3A_1121 : f32 to vector<16xf32>
        %div3A_1123 = arith.divf %div3A_1122, %max3A_1120 : vector<16xf32>
        %swap3A_1124 = arith.constant 1152 : index
        %swap3A_1125 = tpu.vector_load %arg16[%swap3A_1124] {strides = array<i32>} : memref<1280xf32, #tpu.memory_space<vmem>>, vector<16xf32>,
        %swap3A_1126 = vector.shape_cast %swap3A_1125 : vector<16xf32> to vector<16xf32>
        %swap3A_1127 = vector.shape_cast %div3A_1123 : vector<16xf32> to vector<16xf32>
        tpu.vector_store %arg16[%swap3A_1124], %swap3A_1127 {strides = array<i32>} : memref<1280xf32, #tpu.memory_space<vmem>>, vector<16xf32>,
        %get3A_1128 = arith.constant 1168 : index
        %get3A_1129 = tpu.vector_load %arg17[%get3A_1128] {strides = array<i32>} : memref<1280xf32, #tpu.memory_space<vmem>>, vector<16xf32>,
        %get3A_1130 = vector.shape_cast %get3A_1129 : vector<16xf32> to vector<16xf32>
        %max3A_1131 = arith.constant 1.000000e+00 : f32
        %max3A_1132 = vector.broadcast %max3A_1131 : f32 to vector<16xf32>
        %max3A_1133 = arith.maximumf %get3A_1130, %max3A_1132 : vector<16xf32>
        %div3A_1134 = arith.constant 1.000000e+00 : f32
        %div3A_1135 = vector.broadcast %div3A_1134 : f32 to vector<16xf32>
        %div3A_1136 = arith.divf %div3A_1135, %max3A_1133 : vector<16xf32>
        %swap3A_1137 = arith.constant 1168 : index
        %swap3A_1138 = tpu.vector_load %arg16[%swap3A_1137] {strides = array<i32>} : memref<1280xf32, #tpu.memory_space<vmem>>, vector<16xf32>,
        %swap3A_1139 = vector.shape_cast %swap3A_1138 : vector<16xf32> to vector<16xf32>
        %swap3A_1140 = vector.shape_cast %div3A_1136 : vector<16xf32> to vector<16xf32>
        tpu.vector_store %arg16[%swap3A_1137], %swap3A_1140 {strides = array<i32>} : memref<1280xf32, #tpu.memory_space<vmem>>, vector<16xf32>,
        %get3A_1141 = arith.constant 1184 : index
        %get3A_1142 = tpu.vector_load %arg17[%get3A_1141] {strides = array<i32>} : memref<1280xf32, #tpu.memory_space<vmem>>, vector<16xf32>,
        %get3A_1143 = vector.shape_cast %get3A_1142 : vector<16xf32> to vector<16xf32>
        %max3A_1144 = arith.constant 1.000000e+00 : f32
        %max3A_1145 = vector.broadcast %max3A_1144 : f32 to vector<16xf32>
        %max3A_1146 = arith.maximumf %get3A_1143, %max3A_1145 : vector<16xf32>
        %div3A_1147 = arith.constant 1.000000e+00 : f32
        %div3A_1148 = vector.broadcast %div3A_1147 : f32 to vector<16xf32>
        %div3A_1149 = arith.divf %div3A_1148, %max3A_1146 : vector<16xf32>
        %swap3A_1150 = arith.constant 1184 : index
        %swap3A_1151 = tpu.vector_load %arg16[%swap3A_1150] {strides = array<i32>} : memref<1280xf32, #tpu.memory_space<vmem>>, vector<16xf32>,
        %swap3A_1152 = vector.shape_cast %swap3A_1151 : vector<16xf32> to vector<16xf32>
        %swap3A_1153 = vector.shape_cast %div3A_1149 : vector<16xf32> to vector<16xf32>
        tpu.vector_store %arg16[%swap3A_1150], %swap3A_1153 {strides = array<i32>} : memref<1280xf32, #tpu.memory_space<vmem>>, vector<16xf32>,
        %get3A_1154 = arith.constant 1200 : index
        %get3A_1155 = tpu.vector_load %arg17[%get3A_1154] {strides = array<i32>} : memref<1280xf32, #tpu.memory_space<vmem>>, vector<16xf32>,
        %get3A_1156 = vector.shape_cast %get3A_1155 : vector<16xf32> to vector<16xf32>
        %max3A_1157 = arith.constant 1.000000e+00 : f32
        %max3A_1158 = vector.broadcast %max3A_1157 : f32 to vector<16xf32>
        %max3A_1159 = arith.maximumf %get3A_1156, %max3A_1158 : vector<16xf32>
        %div3A_1160 = arith.constant 1.000000e+00 : f32
        %div3A_1161 = vector.broadcast %div3A_1160 : f32 to vector<16xf32>
        %div3A_1162 = arith.divf %div3A_1161, %max3A_1159 : vector<16xf32>
        %swap3A_1163 = arith.constant 1200 : index
        %swap3A_1164 = tpu.vector_load %arg16[%swap3A_1163] {strides = array<i32>} : memref<1280xf32, #tpu.memory_space<vmem>>, vector<16xf32>,
        %swap3A_1165 = vector.shape_cast %swap3A_1164 : vector<16xf32> to vector<16xf32>
        %swap3A_1166 = vector.shape_cast %div3A_1162 : vector<16xf32> to vector<16xf32>
        tpu.vector_store %arg16[%swap3A_1163], %swap3A_1166 {strides = array<i32>} : memref<1280xf32, #tpu.memory_space<vmem>>, vector<16xf32>,
        %get3A_1167 = arith.constant 1216 : index
        %get3A_1168 = tpu.vector_load %arg17[%get3A_1167] {strides = array<i32>} : memref<1280xf32, #tpu.memory_space<vmem>>, vector<16xf32>,
        %get3A_1169 = vector.shape_cast %get3A_1168 : vector<16xf32> to vector<16xf32>
        %max3A_1170 = arith.constant 1.000000e+00 : f32
        %max3A_1171 = vector.broadcast %max3A_1170 : f32 to vector<16xf32>
        %max3A_1172 = arith.maximumf %get3A_1169, %max3A_1171 : vector<16xf32>
        %div3A_1173 = arith.constant 1.000000e+00 : f32
        %div3A_1174 = vector.broadcast %div3A_1173 : f32 to vector<16xf32>
        %div3A_1175 = arith.divf %div3A_1174, %max3A_1172 : vector<16xf32>
        %swap3A_1176 = arith.constant 1216 : index
        %swap3A_1177 = tpu.vector_load %arg16[%swap3A_1176] {strides = array<i32>} : memref<1280xf32, #tpu.memory_space<vmem>>, vector<16xf32>,
        %swap3A_1178 = vector.shape_cast %swap3A_1177 : vector<16xf32> to vector<16xf32>
        %swap3A_1179 = vector.shape_cast %div3A_1175 : vector<16xf32> to vector<16xf32>
        tpu.vector_store %arg16[%swap3A_1176], %swap3A_1179 {strides = array<i32>} : memref<1280xf32, #tpu.memory_space<vmem>>, vector<16xf32>,
        %get3A_1180 = arith.constant 1232 : index
        %get3A_1181 = tpu.vector_load %arg17[%get3A_1180] {strides = array<i32>} : memref<1280xf32, #tpu.memory_space<vmem>>, vector<16xf32>,
        %get3A_1182 = vector.shape_cast %get3A_1181 : vector<16xf32> to vector<16xf32>
        %max3A_1183 = arith.constant 1.000000e+00 : f32
        %max3A_1184 = vector.broadcast %max3A_1183 : f32 to vector<16xf32>
        %max3A_1185 = arith.maximumf %get3A_1182, %max3A_1184 : vector<16xf32>
        %div3A_1186 = arith.constant 1.000000e+00 : f32
        %div3A_1187 = vector.broadcast %div3A_1186 : f32 to vector<16xf32>
        %div3A_1188 = arith.divf %div3A_1187, %max3A_1185 : vector<16xf32>
        %swap3A_1189 = arith.constant 1232 : index
        %swap3A_1190 = tpu.vector_load %arg16[%swap3A_1189] {strides = array<i32>} : memref<1280xf32, #tpu.memory_space<vmem>>, vector<16xf32>,
        %swap3A_1191 = vector.shape_cast %swap3A_1190 : vector<16xf32> to vector<16xf32>
        %swap3A_1192 = vector.shape_cast %div3A_1188 : vector<16xf32> to vector<16xf32>
        tpu.vector_store %arg16[%swap3A_1189], %swap3A_1192 {strides = array<i32>} : memref<1280xf32, #tpu.memory_space<vmem>>, vector<16xf32>,
        %get3A_1193 = arith.constant 1248 : index
        %get3A_1194 = tpu.vector_load %arg17[%get3A_1193] {strides = array<i32>} : memref<1280xf32, #tpu.memory_space<vmem>>, vector<16xf32>,
        %get3A_1195 = vector.shape_cast %get3A_1194 : vector<16xf32> to vector<16xf32>
        %max3A_1196 = arith.constant 1.000000e+00 : f32
        %max3A_1197 = vector.broadcast %max3A_1196 : f32 to vector<16xf32>
        %max3A_1198 = arith.maximumf %get3A_1195, %max3A_1197 : vector<16xf32>
        %div3A_1199 = arith.constant 1.000000e+00 : f32
        %div3A_1200 = vector.broadcast %div3A_1199 : f32 to vector<16xf32>
        %div3A_1201 = arith.divf %div3A_1200, %max3A_1198 : vector<16xf32>
        %swap3A_1202 = arith.constant 1248 : index
        %swap3A_1203 = tpu.vector_load %arg16[%swap3A_1202] {strides = array<i32>} : memref<1280xf32, #tpu.memory_space<vmem>>, vector<16xf32>,
        %swap3A_1204 = vector.shape_cast %swap3A_1203 : vector<16xf32> to vector<16xf32>
        %swap3A_1205 = vector.shape_cast %div3A_1201 : vector<16xf32> to vector<16xf32>
        tpu.vector_store %arg16[%swap3A_1202], %swap3A_1205 {strides = array<i32>} : memref<1280xf32, #tpu.memory_space<vmem>>, vector<16xf32>,
        %get3A_1206 = arith.constant 1264 : index
        %get3A_1207 = tpu.vector_load %arg17[%get3A_1206] {strides = array<i32>} : memref<1280xf32, #tpu.memory_space<vmem>>, vector<16xf32>,
        %get3A_1208 = vector.shape_cast %get3A_1207 : vector<16xf32> to vector<16xf32>
        %max3A_1209 = arith.constant 1.000000e+00 : f32
        %max3A_1210 = vector.broadcast %max3A_1209 : f32 to vector<16xf32>
        %max3A_1211 = arith.maximumf %get3A_1208, %max3A_1210 : vector<16xf32>
        %div3A_1212 = arith.constant 1.000000e+00 : f32
        %div3A_1213 = vector.broadcast %div3A_1212 : f32 to vector<16xf32>
        %div3A_1214 = arith.divf %div3A_1213, %max3A_1211 : vector<16xf32>
        %swap3A_1215 = arith.constant 1264 : index
        %swap3A_1216 = tpu.vector_load %arg16[%swap3A_1215] {strides = array<i32>} : memref<1280xf32, #tpu.memory_space<vmem>>, vector<16xf32>,
        %swap3A_1217 = vector.shape_cast %swap3A_1216 : vector<16xf32> to vector<16xf32>
        %swap3A_1218 = vector.shape_cast %div3A_1214 : vector<16xf32> to vector<16xf32>
        tpu.vector_store %arg16[%swap3A_1215], %swap3A_1218 {strides = array<i32>} : memref<1280xf32, #tpu.memory_space<vmem>>, vector<16xf32>,
        "tpu.region"() ({
          %run_scoped3A_1219 = tpu.sem_alloc : memref<!tpu.dma_semaphore, #tpu.memory_space<semaphore_mem>>
          %dma_start3A_1220 = tpu.memref_slice %arg11[%add3A_178] : memref<327680xf32, #tpu.memory_space<hbm>> -> memref<1280xf32, #tpu.memory_space<hbm>>
          %dma_start3A_1221 = tpu.memref_slice %arg11[%add3A_178] : memref<327680xf32, #tpu.memory_space<hbm>> -> memref<1280xf32, #tpu.memory_space<hbm>>
          tpu.enqueue_dma source(%arg16 : memref<1280xf32, #tpu.memory_space<vmem>>) target(%dma_start3A_1221 : memref<1280xf32, #tpu.memory_space<hbm>>) target_semaphore(%run_scoped3A_1219 : memref<!tpu.dma_semaphore, #tpu.memory_space<semaphore_mem>>)
          %dma_wait3A_1222 = tpu.memref_slice %arg11[%add3A_178] : memref<327680xf32, #tpu.memory_space<hbm>> -> memref<1280xf32, #tpu.memory_space<hbm>>
          %dma_wait3A_1223 = tpu.memref_slice %arg11[%add3A_178] : memref<327680xf32, #tpu.memory_space<hbm>> -> memref<1280xf32, #tpu.memory_space<hbm>>
          tpu.wait_dma2 semaphore(%run_scoped3A_1219 : memref<!tpu.dma_semaphore, #tpu.memory_space<semaphore_mem>>) src(%arg16 : memref<1280xf32, #tpu.memory_space<vmem>>) dst(%dma_wait3A_1223 : memref<1280xf32, #tpu.memory_space<hbm>>)
          tpu.yield
        }) : () -> ()
      }
      %scan3A_146 = arith.constant 16 : i32
      %dma_wait3A_147 = arith.constant 0 : i32
      %dma_wait3A_148 = arith.constant 0 : i32
      %dma_wait3A_149 = arith.constant 0 : i32
      %dma_wait3A_150 = tpu.memref_slice %arg14[%dma_wait3A_147, %dma_wait3A_148, %dma_wait3A_149] : memref<2x160x128xf32, #tpu.memory_space<vmem>> -> memref<1x160x128xf32, #tpu.memory_space<vmem>>
      %dma_wait3A_151 = tpu.memref_squeeze %dma_wait3A_150 : memref<1x160x128xf32, #tpu.memory_space<vmem>> -> memref<160x128xf32, #tpu.memory_space<vmem>>
      %dma_wait3A_152 = arith.constant 0 : i32
      %dma_wait3A_153 = tpu.memref_slice %arg9[%add3A_96, %dma_wait3A_152] : memref<10240x128xf32, #tpu.memory_space<hbm>> -> memref<160x128xf32, #tpu.memory_space<hbm>>
      %dma_wait3A_154 = arith.constant 0 : i32
      %dma_wait3A_155 = tpu.memref_slice %arg9[%add3A_96, %dma_wait3A_154] : memref<10240x128xf32, #tpu.memory_space<hbm>> -> memref<160x128xf32, #tpu.memory_space<hbm>>
      %dma_wait3A_156 = arith.constant 0 : i32
      %dma_wait3A_157 = arith.constant 0 : i32
      %dma_wait3A_158 = tpu.memref_slice %arg14[%dma_wait3A_147, %dma_wait3A_156, %dma_wait3A_157] : memref<2x160x128xf32, #tpu.memory_space<vmem>> -> memref<1x160x128xf32, #tpu.memory_space<vmem>>
      %dma_wait3A_159 = tpu.memref_squeeze %dma_wait3A_158 : memref<1x160x128xf32, #tpu.memory_space<vmem>> -> memref<160x128xf32, #tpu.memory_space<vmem>>
      tpu.wait_dma2 semaphore(%arg24 : memref<!tpu.dma_semaphore, #tpu.memory_space<semaphore_mem>>) src(%dma_wait3A_159 : memref<160x128xf32, #tpu.memory_space<vmem>>) dst(%dma_wait3A_155 : memref<160x128xf32, #tpu.memory_space<hbm>>)
      %dma_wait3A_160 = arith.constant 1 : i32
      %dma_wait3A_161 = arith.constant 0 : i32
      %dma_wait3A_162 = arith.constant 0 : i32
      %dma_wait3A_163 = tpu.memref_slice %arg14[%dma_wait3A_160, %dma_wait3A_161, %dma_wait3A_162] : memref<2x160x128xf32, #tpu.memory_space<vmem>> -> memref<1x160x128xf32, #tpu.memory_space<vmem>>
      %dma_wait3A_164 = tpu.memref_squeeze %dma_wait3A_163 : memref<1x160x128xf32, #tpu.memory_space<vmem>> -> memref<160x128xf32, #tpu.memory_space<vmem>>
      %dma_wait3A_165 = arith.constant 0 : i32
      %dma_wait3A_166 = tpu.memref_slice %arg9[%add3A_127, %dma_wait3A_165] : memref<10240x128xf32, #tpu.memory_space<hbm>> -> memref<160x128xf32, #tpu.memory_space<hbm>>
      %dma_wait3A_167 = arith.constant 0 : i32
      %dma_wait3A_168 = tpu.memref_slice %arg9[%add3A_127, %dma_wait3A_167] : memref<10240x128xf32, #tpu.memory_space<hbm>> -> memref<160x128xf32, #tpu.memory_space<hbm>>
      %dma_wait3A_169 = arith.constant 0 : i32
      %dma_wait3A_170 = arith.constant 0 : i32
      %dma_wait3A_171 = tpu.memref_slice %arg14[%dma_wait3A_160, %dma_wait3A_169, %dma_wait3A_170] : memref<2x160x128xf32, #tpu.memory_space<vmem>> -> memref<1x160x128xf32, #tpu.memory_space<vmem>>
      %dma_wait3A_172 = tpu.memref_squeeze %dma_wait3A_171 : memref<1x160x128xf32, #tpu.memory_space<vmem>> -> memref<160x128xf32, #tpu.memory_space<vmem>>
      tpu.wait_dma2 semaphore(%arg24 : memref<!tpu.dma_semaphore, #tpu.memory_space<semaphore_mem>>) src(%dma_wait3A_172 : memref<160x128xf32, #tpu.memory_space<vmem>>) dst(%dma_wait3A_168 : memref<160x128xf32, #tpu.memory_space<hbm>>)
    } else {
    }
    return
  }
}

module attributes {stable_mosaic.version = 14 : i64} {
  func.func @hetero_graph_conv_tc(%arg0: i32, %arg1: memref<1000x128xf32, #tpu.memory_space<vmem>>, %arg2: memref<1000x128xf32, #tpu.memory_space<vmem>>, %arg3: memref<128x128xf32, #tpu.memory_space<vmem>>, %arg4: memref<128x128xf32, #tpu.memory_space<vmem>>, %arg5: memref<1x128xf32, #tpu.memory_space<vmem>>, %arg6: memref<1000x128xf32, #tpu.memory_space<vmem>>, %arg7: memref<1000x128xf32, #tpu.memory_space<vmem>>, %arg8: memref<128x128xf32, #tpu.memory_space<vmem>>, %arg9: memref<128x128xf32, #tpu.memory_space<vmem>>, %arg10: memref<1x128xf32, #tpu.memory_space<vmem>>, %arg11: memref<1000x128xf32, #tpu.memory_space<vmem>>, %arg12: memref<1000x128xf32, #tpu.memory_space<vmem>>) attributes {dimension_semantics = [#tpu.dimension_semantics<arbitrary>], iteration_bounds = array<i64: 10>, scalar_prefetch = 0 : i64, scratch_operands = 0 : i64, tpu.core_type = #tpu.core_type<tc>, window_params = [{transform_indices = @transform_0, window_bounds = array<i64: 1000, 128>}, {transform_indices = @transform_1, window_bounds = array<i64: 1000, 128>}, {pipeline_mode = #tpu.pipeline_mode<synchronous>, transform_indices = @transform_2, window_bounds = array<i64: 128, 128>}, {pipeline_mode = #tpu.pipeline_mode<synchronous>, transform_indices = @transform_3, window_bounds = array<i64: 128, 128>}, {pipeline_mode = #tpu.pipeline_mode<synchronous>, transform_indices = @transform_4, window_bounds = array<i64: 1, 128>}, {transform_indices = @transform_5, window_bounds = array<i64: 1000, 128>}, {transform_indices = @transform_6, window_bounds = array<i64: 1000, 128>}, {pipeline_mode = #tpu.pipeline_mode<synchronous>, transform_indices = @transform_7, window_bounds = array<i64: 128, 128>}, {pipeline_mode = #tpu.pipeline_mode<synchronous>, transform_indices = @transform_8, window_bounds = array<i64: 128, 128>}, {pipeline_mode = #tpu.pipeline_mode<synchronous>, transform_indices = @transform_9, window_bounds = array<i64: 1, 128>}, {transform_indices = @transform_10, window_bounds = array<i64: 1000, 128>}, {transform_indices = @transform_11, window_bounds = array<i64: 1000, 128>}]} {
    %get3A = arith.constant 0 : index
    %get3A_0 = arith.constant 0 : index
    %get3A_1 = vector.load %arg1[%get3A, %get3A_0] : memref<1000x128xf32, #tpu.memory_space<vmem>>, vector<1000x128xf32>
    %get3A_2 = arith.constant 0 : index
    %get3A_3 = arith.constant 0 : index
    %get3A_4 = vector.load %arg3[%get3A_2, %get3A_3] : memref<128x128xf32, #tpu.memory_space<vmem>>, vector<128x128xf32>
    %dot_general3A = arith.constant dense<0.000000e+00> : vector<1000x128xf32>
    %dot_general3A_5 = tpu.matmul %get3A_1, %get3A_4, %dot_general3A {dimension_numbers = #tpu.dot_dimension_numbers<[1], [0], [0], [1], [0, 0, 1, 1], [], []>, transpose_lhs_hint = false} : vector<1000x128xf32>, vector<128x128xf32>, vector<1000x128xf32> -> vector<1000x128xf32>
    %get3A_6 = arith.constant 0 : index
    %get3A_7 = arith.constant 0 : index
    %get3A_8 = vector.load %arg2[%get3A_6, %get3A_7] : memref<1000x128xf32, #tpu.memory_space<vmem>>, vector<1000x128xf32>
    %get3A_9 = arith.constant 0 : index
    %get3A_10 = arith.constant 0 : index
    %get3A_11 = vector.load %arg4[%get3A_9, %get3A_10] : memref<128x128xf32, #tpu.memory_space<vmem>>, vector<128x128xf32>
    %dot_general3A_12 = arith.constant dense<0.000000e+00> : vector<1000x128xf32>
    %dot_general3A_13 = tpu.matmul %get3A_8, %get3A_11, %dot_general3A_12 {dimension_numbers = #tpu.dot_dimension_numbers<[1], [0], [0], [1], [0, 0, 1, 1], [], []>, transpose_lhs_hint = false} : vector<1000x128xf32>, vector<128x128xf32>, vector<1000x128xf32> -> vector<1000x128xf32>
    %add3A = arith.addf %dot_general3A_5, %dot_general3A_13 : vector<1000x128xf32>
    %get3A_14 = arith.constant 0 : index
    %get3A_15 = arith.constant 0 : index
    %get3A_16 = vector.load %arg5[%get3A_14, %get3A_15] : memref<1x128xf32, #tpu.memory_space<vmem>>, vector<1x128xf32>
    %add3A_17 = vector.broadcast %get3A_16 : vector<1x128xf32> to vector<1000x128xf32>
    %add3A_18 = arith.addf %add3A, %add3A_17 : vector<1000x128xf32>
    %swap3A = arith.constant 0 : index
    %swap3A_19 = arith.constant 0 : index
    %swap3A_20 = vector.load %arg11[%swap3A, %swap3A_19] : memref<1000x128xf32, #tpu.memory_space<vmem>>, vector<1000x128xf32>
    tpu.vector_store %arg11[%swap3A, %swap3A_19], %add3A_18 {strides = array<i32>} : memref<1000x128xf32, #tpu.memory_space<vmem>>, vector<1000x128xf32>,
    %get3A_21 = arith.constant 0 : index
    %get3A_22 = arith.constant 0 : index
    %get3A_23 = vector.load %arg6[%get3A_21, %get3A_22] : memref<1000x128xf32, #tpu.memory_space<vmem>>, vector<1000x128xf32>
    %get3A_24 = arith.constant 0 : index
    %get3A_25 = arith.constant 0 : index
    %get3A_26 = vector.load %arg8[%get3A_24, %get3A_25] : memref<128x128xf32, #tpu.memory_space<vmem>>, vector<128x128xf32>
    %dot_general3A_27 = arith.constant dense<0.000000e+00> : vector<1000x128xf32>
    %dot_general3A_28 = tpu.matmul %get3A_23, %get3A_26, %dot_general3A_27 {dimension_numbers = #tpu.dot_dimension_numbers<[1], [0], [0], [1], [0, 0, 1, 1], [], []>, transpose_lhs_hint = false} : vector<1000x128xf32>, vector<128x128xf32>, vector<1000x128xf32> -> vector<1000x128xf32>
    %get3A_29 = arith.constant 0 : index
    %get3A_30 = arith.constant 0 : index
    %get3A_31 = vector.load %arg7[%get3A_29, %get3A_30] : memref<1000x128xf32, #tpu.memory_space<vmem>>, vector<1000x128xf32>
    %get3A_32 = arith.constant 0 : index
    %get3A_33 = arith.constant 0 : index
    %get3A_34 = vector.load %arg9[%get3A_32, %get3A_33] : memref<128x128xf32, #tpu.memory_space<vmem>>, vector<128x128xf32>
    %dot_general3A_35 = arith.constant dense<0.000000e+00> : vector<1000x128xf32>
    %dot_general3A_36 = tpu.matmul %get3A_31, %get3A_34, %dot_general3A_35 {dimension_numbers = #tpu.dot_dimension_numbers<[1], [0], [0], [1], [0, 0, 1, 1], [], []>, transpose_lhs_hint = false} : vector<1000x128xf32>, vector<128x128xf32>, vector<1000x128xf32> -> vector<1000x128xf32>
    %add3A_37 = arith.addf %dot_general3A_28, %dot_general3A_36 : vector<1000x128xf32>
    %get3A_38 = arith.constant 0 : index
    %get3A_39 = arith.constant 0 : index
    %get3A_40 = vector.load %arg10[%get3A_38, %get3A_39] : memref<1x128xf32, #tpu.memory_space<vmem>>, vector<1x128xf32>
    %add3A_41 = vector.broadcast %get3A_40 : vector<1x128xf32> to vector<1000x128xf32>
    %add3A_42 = arith.addf %add3A_37, %add3A_41 : vector<1000x128xf32>
    %swap3A_43 = arith.constant 0 : index
    %swap3A_44 = arith.constant 0 : index
    %swap3A_45 = vector.load %arg12[%swap3A_43, %swap3A_44] : memref<1000x128xf32, #tpu.memory_space<vmem>>, vector<1000x128xf32>
    tpu.vector_store %arg12[%swap3A_43, %swap3A_44], %add3A_42 {strides = array<i32>} : memref<1000x128xf32, #tpu.memory_space<vmem>>, vector<1000x128xf32>,
    return
  }
  func.func @transform_0(%arg0: i32) -> (i32, i32) {
    %c0_i32 = arith.constant 0 : i32
    %c0_i32_0 = arith.constant 0 : i32
    return %arg0, %c0_i32 : i32, i32
  }
  func.func @transform_1(%arg0: i32) -> (i32, i32) {
    %c0_i32 = arith.constant 0 : i32
    %c0_i32_0 = arith.constant 0 : i32
    return %arg0, %c0_i32 : i32, i32
  }
  func.func @transform_2(%arg0: i32) -> (i32, i32) {
    %c0_i32 = arith.constant 0 : i32
    %c0_i32_0 = arith.constant 0 : i32
    %c0_i32_1 = arith.constant 0 : i32
    return %c0_i32, %c0_i32_0 : i32, i32
  }
  func.func @transform_3(%arg0: i32) -> (i32, i32) {
    %c0_i32 = arith.constant 0 : i32
    %c0_i32_0 = arith.constant 0 : i32
    %c0_i32_1 = arith.constant 0 : i32
    return %c0_i32, %c0_i32_0 : i32, i32
  }
  func.func @transform_4(%arg0: i32) -> (i32, i32) {
    %c0_i32 = arith.constant 0 : i32
    %c0_i32_0 = arith.constant 0 : i32
    %c0_i32_1 = arith.constant 0 : i32
    return %c0_i32, %c0_i32_0 : i32, i32
  }
  func.func @transform_5(%arg0: i32) -> (i32, i32) {
    %c0_i32 = arith.constant 0 : i32
    %c0_i32_0 = arith.constant 0 : i32
    return %arg0, %c0_i32 : i32, i32
  }
  func.func @transform_6(%arg0: i32) -> (i32, i32) {
    %c0_i32 = arith.constant 0 : i32
    %c0_i32_0 = arith.constant 0 : i32
    return %arg0, %c0_i32 : i32, i32
  }
  func.func @transform_7(%arg0: i32) -> (i32, i32) {
    %c0_i32 = arith.constant 0 : i32
    %c0_i32_0 = arith.constant 0 : i32
    %c0_i32_1 = arith.constant 0 : i32
    return %c0_i32, %c0_i32_0 : i32, i32
  }
  func.func @transform_8(%arg0: i32) -> (i32, i32) {
    %c0_i32 = arith.constant 0 : i32
    %c0_i32_0 = arith.constant 0 : i32
    %c0_i32_1 = arith.constant 0 : i32
    return %c0_i32, %c0_i32_0 : i32, i32
  }
  func.func @transform_9(%arg0: i32) -> (i32, i32) {
    %c0_i32 = arith.constant 0 : i32
    %c0_i32_0 = arith.constant 0 : i32
    %c0_i32_1 = arith.constant 0 : i32
    return %c0_i32, %c0_i32_0 : i32, i32
  }
  func.func @transform_10(%arg0: i32) -> (i32, i32) {
    %c0_i32 = arith.constant 0 : i32
    %c0_i32_0 = arith.constant 0 : i32
    return %arg0, %c0_i32 : i32, i32
  }
  func.func @transform_11(%arg0: i32) -> (i32, i32) {
    %c0_i32 = arith.constant 0 : i32
    %c0_i32_0 = arith.constant 0 : i32
    return %arg0, %c0_i32 : i32, i32
  }
}

</mosaic_0001>

<sc_bundles>
// kernel: hetero_graph_conv_sc.3.cloned.1.call-start
scs
__scs_entry_jumppad:
0x0: {  	(pc) =	sbr.rel $0x88, $3  }
0x1: {  	(tag) =	ssettag $0x0;
	lr =	simm.s32 $0x1  }
0x2: {  	[smem:$0x3F97] =	sst lr;
	_ =	strace $0xD0000000  }
0x3: {  	_ = 	snop  }
0x4: {  	_ = 	snop  }
0x5: {  	_ = 	snop  }
0x6: {  	_ = 	snop  }
0x7: {  	_ = 	snop  }
__scs_overlays_trampoline_lowered:
0x8: {  	[smem:$0x3FA6] =	sst s0  }
0x9: {  	[smem:$0x3FA7] =	sst s1  }
0xa: {  	[smem:$0x3FA8] =	sst s2  }
0xb: {  	[smem:$0x3FA9] =	sst s3  }
0xc: {  	[smem:$0x3FAA] =	sst s4  }
0xd: {  	[smem:$0x3FAB] =	sst s5  }
0xe: {  	[smem:$0x3FAC] =	sst s6  }
0xf: {  	[smem:$0x3FAD] =	sst s7  }
0x10: {  	[smem:$0x3FAE] =	sst s8  }
0x11: {  	[smem:$0x3FAF] =	sst s9;
	s0 =	simm.s32 @!p0 $0x0  }
0x12: {  	s1 =	sld [smem:$0x3F95];
	s0 =	simm.s32 @p0 $0x1  }
0x13: {  	[smem:$0x3FB0] =	sst s0;
	s0 =	simm.s32 @!p1 $0x0  }
0x14: {  	s2 =	sld [smem:$0x3F94];
	s0 =	simm.s32 @p1 $0x1  }
0x15: {  	[smem:$0x3FB1] =	sst s0;
	s0 =	simm.s32 @!p2 $0x0  }
0x16: {  	s3 =	sld [smem:$0x3FDB];
	s0 =	simm.s32 @p2 $0x1  }
0x17: {  	s4 =	simm.s32 $0x1BF5;
	[smem:$0x3FB3] =	sst s0  }
0x18: {  	s0 =	sld [smem:$0x3F96];
	_ =	swait.ge [sflag:s4], $0x0  }
0x19: {  	s7 =	sld [smem:$0x3F97]  }
0x1a: {  	s8 =	sadd.s32 $0xFFFFE003, lr  }
0x1b: {  	s9 =	sadd.s32 $0xFFFFFEF7, lr;
	s5 =	simm.s32 $0xFFFFFFFF;
	p2 =	slt.u32 s8, $0xFFFFF086  }
0x1c: {  	p1 =	slt.u32 s9, $0xF7A;
	s5 =	simm.s32 @!p2 $0x0  }
0x1d: {  	s5 =	simm.s32 @p1 $0x1;
	p0 =	seq.s32 s7, s2  }
0x1e: {  	s7 =	smul.u32 @!p0 $0xF7A, s2;
	p2 =	seq.s32 @!p0 s5, $0x0  }
0x1f: {  	s9 =	smul.u32 $0xF7A, s1;
	s8 =	simm.s32 @!p0 $0x1BF5;
	p2 =	por !p2, p0  }
0x20: {  	[sflag:s8] =	ssyncset.s32 @!p0 $0xFFFFF086;
	s6 =	sadd.s32 @!p0 s3, s7;
	s7 =	simm.s32 @!p0 $0x108  }
0x21: {  	s3 =	sadd.s32 s3, s9;
	s6 =	sadd.s32 @!p0 $0x88, s6;
	s7 =	simm.s32 @p2 $0x1082  }
0x22: {  	[simem:s7], [sflag:s8] =	dma.local @!p0 [hbm:s6], $0xF7A  }
0x23: {  	s9 =	sor.u32 $0xD0000000, s2;
	s6 =	simm.s32 $0x108;
	_ =	swait.ge @!p0 [sflag:s8], $0x0  }
0x24: {  	s3 =	sadd.s32 $0x88, s3;
	s6 =	simm.s32 @!p1 $0x1082;
	[sflag:s4] =	ssyncset.s32 $0xFFFFF086  }
0x25: {  	[simem:s6], [sflag:s4] =	dma.local [hbm:s3], $0xF7A  }
0x26: {  	[smem:$0x3F97] =	sst s1;
	(tag) =	ssettag s2;
	_ =	strace s9  }
0x27: {  	s1 =	sld [smem:$0x3FA7]  }
0x28: {  	s2 =	sld [smem:$0x3FA8]  }
0x29: {  	s4 =	sld [smem:$0x3FAA]  }
0x2a: {  	p0 =	seq.s32 s5, $0x0;
	s5 =	sld [smem:$0x3FAB]  }
0x2b: {  	s6 =	sld [smem:$0x3FAC]  }
0x2c: {  	s7 =	sld [smem:$0x3FAD]  }
0x2d: {  	s3 =	simm.s32 $0x108;
	s8 =	sld [smem:$0x3FAE]  }
0x2e: {  	s3 =	simm.s32 @!p0 $0x1082;
	s9 =	sld [smem:$0x3FAF]  }
0x2f: {  	lr =	sadd.s32 s0, s3;
	s0 =	sld [smem:$0x3FA6]  }
0x30: {  	s3 =	sld [smem:$0x3FA9]  }
0x31: {  	[smem:$0x3FB2] =	sst s10  }
0x32: {  	s10 =	sld [smem:$0x3FB0];
	_ =	sdelay $0x3  }
0x33: {  	p0 =	seq.s32 s10, $0x1;
	s10 =	sld [smem:$0x3FB2];
	_ =	sdelay $0x3  }
0x34: {  	[smem:$0x3FB2] =	sst s10  }
0x35: {  	s10 =	sld [smem:$0x3FB1];
	_ =	sdelay $0x3  }
0x36: {  	p1 =	seq.s32 s10, $0x1;
	s10 =	sld [smem:$0x3FB2];
	_ =	sdelay $0x3  }
0x37: {  	[smem:$0x3FB2] =	sst s10  }
0x38: {  	s10 =	sld [smem:$0x3FB3]  }
0x39: {  	_ = 	snop;
	(pc) =	sbr.ind lr, $3  }
0x3a: {  	_ = 	snop  }
0x3b: {  	_ = 	snop  }
0x3c: {  	p2 =	seq.s32 s10, $0x1;
	s10 =	sld [smem:$0x3FB2]  }
0x3d: {  	_ =	shalt  }
0x3e: {  	_ =	shalt  }
0x3f: {  	_ =	shalt  }
0x40: {  	_ =	shalt  }
0x41: {  	_ =	shalt  }
0x42: {  	_ =	shalt  }
0x43: {  	_ =	shalt  }
0x44: {  	_ =	shalt  }
0x45: {  	_ =	shalt  }
0x46: {  	_ =	shalt  }
0x47: {  	_ =	shalt  }
0x48: {  	_ =	shalt  }
0x49: {  	_ =	shalt  }
0x4a: {  	_ =	shalt  }
0x4b: {  	_ =	shalt  }
0x4c: {  	_ =	shalt  }
0x4d: {  	_ =	shalt  }
0x4e: {  	_ =	shalt  }
0x4f: {  	_ =	shalt  }
0x50: {  	_ =	shalt  }
0x51: {  	_ =	shalt  }
0x52: {  	_ =	shalt  }
0x53: {  	_ =	shalt  }
0x54: {  	_ =	shalt  }
0x55: {  	_ =	shalt  }
0x56: {  	_ =	shalt  }
0x57: {  	_ =	shalt  }
0x58: {  	_ =	shalt  }
0x59: {  	_ =	shalt  }
0x5a: {  	_ =	shalt  }
0x5b: {  	_ =	shalt  }
0x5c: {  	_ =	shalt  }
0x5d: {  	_ =	shalt  }
0x5e: {  	_ =	shalt  }
0x5f: {  	_ =	shalt  }
0x60: {  	_ =	shalt  }
0x61: {  	_ =	shalt  }
0x62: {  	_ =	shalt  }
0x63: {  	_ =	shalt  }
0x64: {  	_ =	shalt  }
0x65: {  	_ =	shalt  }
0x66: {  	_ =	shalt  }
0x67: {  	_ =	shalt  }
0x68: {  	_ =	shalt  }
0x69: {  	_ =	shalt  }
0x6a: {  	_ =	shalt  }
0x6b: {  	_ =	shalt  }
0x6c: {  	_ =	shalt  }
0x6d: {  	_ =	shalt  }
0x6e: {  	_ =	shalt  }
0x6f: {  	_ =	shalt  }
0x70: {  	_ =	shalt  }
0x71: {  	_ =	shalt  }
0x72: {  	_ =	shalt  }
0x73: {  	_ =	shalt  }
0x74: {  	_ =	shalt  }
0x75: {  	_ =	shalt  }
0x76: {  	_ =	shalt  }
0x77: {  	_ =	shalt  }
0x78: {  	_ =	shalt  }
0x79: {  	_ =	shalt  }
0x7a: {  	_ =	shalt  }
0x7b: {  	_ =	shalt  }
0x7c: {  	_ =	shalt  }
0x7d: {  	_ =	shalt  }
0x7e: {  	_ =	shalt  }
0x7f: {  	_ =	shalt  }
0x80: {  	_ =	shalt  }
0x81: {  	_ =	shalt  }
0x82: {  	_ =	shalt  }
0x83: {  	_ =	shalt  }
0x84: {  	_ =	shalt  }
0x85: {  	_ =	shalt  }
0x86: {  	_ =	shalt  }
0x87: {  	_ =	shalt  }
.Lfunc_end0:
.L_simem_size_0:
called_computation_lowered:
.L_overlay_start_0:
0x88: {  	s2 =	sld [smem:$0x3FD9]  }
0x89: {  	s3 =	sld [smem:$0x3FFE];
	_ =	sdelay $0x1  }
0x8a: {  	s1 =	srdreg.scid  }
0x8b: {  	s0 =	sand.u32 $0x1, s1  }
0x8c: {  	s14 =	sshll.u32 s0, $0xA;
	s2 =	sadd.s32 s3, s2  }
0x8d: {  	s2 =	sadd.s32 s2, s14  }
0x8e: {  	[smem:$0x3FBE] =	sst s2  }
0x8f: {  	_ = 	snop  }
0x90: {  	s2 =	sld [smem:$0x3FD0];
	_ =	sdelay $0x1  }
0x91: {  	s15 =	sld [smem:$0x3FC9]  }
0x92: {  	s5 =	simm.s32 $0xA;
	s6 =	simm.s32 $0x10;
	s4 =	sld [smem:$0x3FC8]  }
0x93: {  	[smem:s6], [sflag:s5] =	dma.local [hbm:s2], $0x1  }
0x94: {  	_ =	swait.eq [sflag:s5], $0x1  }
0x95: {  	[sflag:s5] =	ssyncset.done $0x0  }
0x96: {  	s16 =	sld [smem:$0x10];
	[sflag:s5] =	ssyncadd.s32 $0xFFFFFFFF  }
0x97: {  	s17 =	sld [smem:$0x11];
	(tm) =	ssettm $0x1  }
0x98: {  	s18 =	sld [smem:$0x3FFB];
	_ =	sdelay $0x3  }
0x99: {  	_ =	strace s18  }
0x9a: {  	s6 =	sld [smem:$0x3FFC];
	_ =	sdelay $0x3  }
0x9b: {  	_ =	strace s6  }
0x9c: {  	s6 =	sld [smem:$0x3FFD];
	_ =	sdelay $0x3  }
0x9d: {  	_ =	strace s6  }
0x9e: {  	_ =	strace $0x8FFFFFFF  }
0x9f: {  	s19 =	sld [smem:$0x3FDB];
	_ =	sdelay $0x1  }
0xa0: {  	s7 =	simm.s32 $_scs_section_size  }
0xa1: {  	s8 =	simm.s32 $_size__tile_overlayer_lowered;
	s9 =	simm.s32 $_tile_overlayer_lowered  }
0xa2: {  	s22 =	simm.s32 $0x1BFF;
	s21 =	sshll.u32 s9, $0x1;
	s6 =	sadd.s32 s7, s19  }
0xa3: {  	s10 =	simm.s32 $0x0;
	s20 =	sshll.u32 s8, $0x1;
	s8 =	sadd.s32 s21, s6  }
0xa4: {  	[timem:s10], [sflag:s22] =	dma.local [hbm:s8], s20  }
0xa5: {  	_ =	swait.ge [sflag:s22], s20  }
0xa6: {  	s7 =	ssub.s32 $0x0, s20;
	[sflag:s22] =	ssyncset.done $0x0  }
0xa7: {  	[sflag:s22] =	ssyncadd.s32 s7;
	_ =	sdelay $0x1  }
0xa8: {  	s23 =	simm.s32 $0x1B8B  }
0xa9: {  	_ =	swait.ge [sflag:s23], $0x1  }
0xaa: {  	[sflag:s23] =	ssyncset.done $0x0  }
0xab: {  	s25 =	simm.s32 $0x1B8E;
	s24 =	sld [smem:$0x3FFE];
	[sflag:s23] =	ssyncadd.s32 $0xFFFFFFFF  }
0xac: {  	s26 =	simm.s32 $execute0_lowered;
	[smem:$0x3FD2] =	sst s25  }
0xad: {  	s8 =	sshll.u32 s26, $0x1;
	_ =	strace $0x80000046;
	[dreg:$0x1] =	wrdreg $0xFFFFFFFF  }
0xae: {  	s28 =	simm.s32 $_size_execute0_lowered;
	s6 =	sadd.s32 s6, s8;
	[dreg:$0x0] =	wrdreg $0x0  }
0xaf: {  	s8 =	sshll.u32 s28, $0x1;
	[dreg:$0x2] =	wrdreg s6  }
0xb0: {  	[dreg:$0x3] =	wrdreg s8  }
0xb1: {  	[dreg:$0x4] =	wrdreg $0xC0  }
0xb2: {  	_ =	task [dreg:s10], $0x5FFFF  }
0xb3: {  	[dreg:$0x1] =	wrdreg $0xFFFFFFFF  }
0xb4: {  	[dreg:$0x0] =	wrdreg $0x60  }
0xb5: {  	[dreg:$0x2] =	wrdreg s15  }
0xb6: {  	[dreg:$0x3] =	wrdreg s4  }
0xb7: {  	[dreg:$0x4] =	wrdreg s16  }
0xb8: {  	[dreg:$0x5] =	wrdreg s24  }
0xb9: {  	[dreg:$0x6] =	wrdreg s17  }
0xba: {  	[dreg:$0x7] =	wrdreg $0xBB800  }
0xbb: {  	[dreg:$0x8] =	wrdreg $0x1FB800  }
0xbc: {  	[dreg:$0x9] =	wrdreg $0x9  }
0xbd: {  	_ =	task.clear_ibuf [dreg:s10], $0xAFFFF;
	_ =	strace $0x90000046  }
0xbe: {  	s29 =	simm.s32 $0x9;
	_ =	strace $0x80000048  }
0xbf: {  	_ =	swait.ge [sflag:s29], $0x1  }
0xc0: {  	[sflag:s29] =	ssyncadd.s32 $0xFFFFFFFF  }
0xc1: {  	_ =	strace $0x90000048  }
0xc2: {  	_ =	sfence  }
0xc3: {  	s30 =	sld [smem:$0x0];
	_ =	sdelay $0x2  }
0xc4: {  	s31 =	sshll.u32 s1, $0xD;
	s1 =	sshrl.u32 s1, $0x2  }
0xc5: {  	s3 =	sand.u32 $0x4000, s31;
	s1 =	sadd.s32 s1, s30  }
0xc6: {  	s0 =	sor.u32 s3, s0;
	s1 =	sshll.u32 s1, $0x11  }
0xc7: {  	s0 =	sor.u32 s1, s0  }
0xc8: {  	s0 =	sadd.s32 $0x8F2B, s0  }
0xc9: {  	[sflag:s0] =	ssyncadd.remote.s32 $0x1  }
0xca: {  	_ =	sfence.sel $0xFFFF  }
0xcb: {  	[dreg:$0x0] =	wrdreg $0xFFFFFFFF;
	(pc) =	sbr.abs _section_cstart, $3  }
0xcc: {  	[dreg:$0x1] =	wrdreg $0xFFFFFFFF  }
0xcd: {  	_ =	task.clear_ibuf [dreg:s10], $0x2FFFF;
	_ =	strace $0x9FFFFFFF  }
0xce: {  	(tm) =	ssettm $0x7FFFFFFF  }
0xcf: {  	_ =	shalt  }
tec
execute0_lowered:
.L_overlay_start_1:
0x0: {  	(tag) =	ssettag $0x1  }
0x1: {  	s0 =	rddreg [dreg:$0x0]  }
0x2: {  	s2 =	rddreg [dreg:$0x1]  }
0x3: {  	s1 =	rddreg [dreg:$0x2]  }
0x4: {  	s4 =	rddreg [dreg:$0x3]  }
0x5: {  	s5 =	rddreg [dreg:$0x4]  }
0x6: {  	s3 =	rddreg [dreg:$0x5]  }
0x7: {  	s19 =	rddreg [dreg:$0x6];
	s6 =	simm.s32 $0x0;
	s18 =	stileid.u32  }
0x8: {  	s7 =	srdreg.scid;
	s29 =	simm.s32 $0x500;
	s8 =	smul.u32 $0xA00, s18  }
0x9: {  	[smem:$0x7FF] =	sst s6;
	s7 =	sand.u32 $0x1, s7;
	s11 =	smul.u32 $0x50000, s18  }
0xa: {  	s9 =	sadd.s32 $0x29A00, s4;
	s12 =	sadd.s32 $0x51A00, s4;
	s14 =	smul.u32 $0x280, s18  }
0xb: {  	s18 =	smul.u32 $0x2800, s18;
	_ =	strace $0x80000047;
	s10 =	ssub.s32 $0x2, s7  }
0xc: {  	p0 =	seq.s32 s7, $0x1;
	s4 =	sadd.s32 s8, s4;
	s25 =	sadd.s32 s14, s19  }
0xd: {  	s11 =	sshrl.u32 s11, $0x2;
	s26 =	sadd.s32 s9, s18;
	[dreg:$0xe] =	wrdreg s25  }
0xe: {  	s20 =	sadd.s32 $0xA0, s14;
	s1 =	sadd.s32 s8, s1;
	[dreg:$0xf] =	wrdreg s26  }
0xf: {  	s17 =	sadd.s32 s11, s3;
	s21 =	sshll.u32 s20, $0x7;
	[dreg:$0x8] =	wrdreg s1  }
0x10: {  	s7 =	sshll.u32 s20, $0x4;
	s20 =	sadd.s32 s12, s18;
	[dreg:$0xa] =	wrdreg s17  }
0x11: {  	s30 =	simm.s32 $0xA0;
	s25 =	sadd.s32 $0x15A00, s4;
	[dreg:$0x13] =	wrdreg s20  }
0x12: {  	s22 =	sadd.s32 $0x140, s14;
	s26 =	sadd.s32 $0x1FA00, s4;
	[dreg:$0x18] =	wrdreg s25  }
0x13: {  	s16 =	sshll.u32 s22, $0x7;
	s11 =	sadd.s32 s21, s3;
	[dreg:$0x19] =	wrdreg s26  }
0x14: {  	s31 =	simm.s32 $0x5A00;
	s23 =	sadd.s32 s16, s3;
	[dreg:$0xb] =	wrdreg s11  }
0x15: {  	s15 =	sadd.s32 $0x1E0, s14;
	s14 =	sadd.s32 s9, s7;
	[dreg:$0xc] =	wrdreg s23  }
0x16: {  	s17 =	sshll.u32 s15, $0x7;
	s7 =	sadd.s32 s12, s7;
	[dreg:$0x10] =	wrdreg s14  }
0x17: {  	s16 =	sshll.u32 s22, $0x4;
	s24 =	sadd.s32 s17, s3;
	[dreg:$0x14] =	wrdreg s7  }
0x18: {  	s13 =	sshrl.u32 s10, $0x1;
	s19 =	sadd.s32 s9, s16;
	[dreg:$0xd] =	wrdreg s24  }
0x19: {  	s10 =	ssub.s32 s10, s13;
	s21 =	sadd.s32 s12, s16;
	[dreg:$0x11] =	wrdreg s19  }
0x1a: {  	s28 =	simm.s32 $0x2;
	s23 =	smax.u32 s10, $0x1;
	[dreg:$0x15] =	wrdreg s21  }
0x1b: {  	s17 =	sshll.u32 s15, $0x4;
	s7 =	sadd.s32 $0xBA00, s4;
	[dreg:$0x17] =	wrdreg s23  }
.Ltmp0:
0x1c: {  	s9 =	sadd.s32 s9, s17;
	[dreg:$0x1a] =	wrdreg s7;
	(pc) =	sbr.rel .LBB2_1-.Ltmp0, $4  }
0x1d: {  	s25 =	simm.s32 $0xA00;
	s22 =	sadd.s32 s12, s17;
	[dreg:$0x12] =	wrdreg s9  }
0x1e: {  	s26 =	simm.s32 $0x5;
	s24 =	sadd.s32 $0x1A00, s4;
	[dreg:$0x16] =	wrdreg s22  }
0x1f: {  	s10 =	simm.s32 $0x3;
	s22 =	sadd.s32 s8, s5;
	[dreg:$0x9] =	wrdreg s24  }
0x20: {  	v0 =	vimm.f32 $0.0e+00;
	v1 =	vimm.f32 $1.000000000e+00;
	s4 =	simm.s32 $0x1;
	s5 =	simm.s32 $0x0;
	[dreg:$0x1b] =	wrdreg s22  }
.LBB2_18:
0x21: {  	_ =	swait.ge [sflag:s8], $0x5000  }
0x22: {  	[sflag:s8] =	ssyncset.done $0x0  }
0x23: {  	[sflag:s8] =	ssyncadd.s32 $0xFFFFB000  }
0x24: {  	_ =	swait.ge [sflag:s8], $0x5000  }
0x25: {  	s5 =	rddreg [dreg:$0x1c]  }
0x26: {  	s1 =	rddreg [dreg:$0x17];
	s5 =	sadd.s32 $0x1, s5  }
0x27: {  	p1 =	sne.s32 s5, s1  }
.Ltmp1:
0x28: {  	_ = 	snop;
	(pc) =	sbr.rel @!p1 .LBB2_19-.Ltmp1, $3  }
0x29: {  	_ =	sdelay $0x1  }
0x2a: {  	[sflag:s8] =	ssyncset.done $0x0  }
0x2b: {  	[sflag:s8] =	ssyncadd.s32 $0xFFFFB000  }
.LBB2_1:
.Ltmp2:
0x2c: {  	(pc) =	sbr.rel @!p0 .LBB2_2-.Ltmp2, $2  }
0x2d: {  	_ =	sdelay $0x2  }
0x2e: {  	[tilespmem:$0xB900] =	vst v0;
	[dreg:$0x1c] =	wrdreg s5  }
0x2f: {  	[tilespmem:$0xB910] =	vst v0  }
0x30: {  	[tilespmem:$0xB920] =	vst v0  }
0x31: {  	[tilespmem:$0xB930] =	vst v0  }
0x32: {  	[tilespmem:$0xB940] =	vst v0  }
0x33: {  	[tilespmem:$0xB950] =	vst v0  }
0x34: {  	[tilespmem:$0xB960] =	vst v0  }
0x35: {  	[tilespmem:$0xB970] =	vst v0  }
0x36: {  	[tilespmem:$0xB980] =	vst v0  }
0x37: {  	[tilespmem:$0xB990] =	vst v0  }
0x38: {  	[tilespmem:$0xB9A0] =	vst v0  }
0x39: {  	[tilespmem:$0xB9B0] =	vst v0  }
0x3a: {  	[tilespmem:$0xB9C0] =	vst v0  }
0x3b: {  	[tilespmem:$0xB9D0] =	vst v0  }
0x3c: {  	[tilespmem:$0xB9E0] =	vst v0  }
0x3d: {  	[tilespmem:$0xB9F0] =	vst v0  }
0x3e: {  	[tilespmem:$0xBA00] =	vst v0  }
0x3f: {  	[tilespmem:$0xBA10] =	vst v0  }
0x40: {  	[tilespmem:$0xBA20] =	vst v0  }
0x41: {  	[tilespmem:$0xBA30] =	vst v0  }
0x42: {  	[tilespmem:$0xBA40] =	vst v0  }
0x43: {  	[tilespmem:$0xBA50] =	vst v0  }
0x44: {  	[tilespmem:$0xBA60] =	vst v0  }
0x45: {  	[tilespmem:$0xBA70] =	vst v0  }
0x46: {  	[tilespmem:$0xBA80] =	vst v0  }
0x47: {  	[tilespmem:$0xBA90] =	vst v0  }
0x48: {  	[tilespmem:$0xBAA0] =	vst v0  }
0x49: {  	[tilespmem:$0xBAB0] =	vst v0  }
0x4a: {  	[tilespmem:$0xBAC0] =	vst v0  }
0x4b: {  	[tilespmem:$0xBAD0] =	vst v0  }
0x4c: {  	[tilespmem:$0xBAE0] =	vst v0  }
0x4d: {  	[tilespmem:$0xBAF0] =	vst v0  }
0x4e: {  	[tilespmem:$0xBB00] =	vst v0  }
0x4f: {  	[tilespmem:$0xBB10] =	vst v0  }
0x50: {  	[tilespmem:$0xBB20] =	vst v0  }
0x51: {  	[tilespmem:$0xBB30] =	vst v0  }
0x52: {  	[tilespmem:$0xBB40] =	vst v0;
	s23 =	simm.s32 $0x0  }
0x53: {  	[tilespmem:$0xBB50] =	vst v0;
	s1 =	sand.u32 $0x1FE00, s23  }
0x54: {  	[tilespmem:$0xBB60] =	vst v0;
	s5 =	sand.u32 $0x70, s23;
	s1 =	sshrl.u32 s1, $0x2  }
0x55: {  	[tilespmem:$0xBB70] =	vst v0;
	s24 =	simm.s32 $0x40;
	s5 =	sor.u32 s5, s1  }
.LBB2_11:
0x56: {  	p1 =	sne.s32 s24, $0x13FC0  }
0x57: {  	[tilespmem:s5+$0xA00] =	vst v0;
	s23 =	sadd.s32 $0x10, s23;
	s1 =	smov.u32 s24;
	s24 =	sadd.s32 $0x40, s24  }
.Ltmp3:
0x58: {  	(pc) =	sbr.rel @p1 .LBB2_11-.Ltmp3, $4  }
0x59: {  	_ = 	snop  }
0x5a: {  	s1 =	sand.u32 $0x1FE00, s1  }
0x5b: {  	s5 =	sand.u32 $0x70, s23;
	s1 =	sshrl.u32 s1, $0x2  }
0x5c: {  	s5 =	sor.u32 s5, s1  }
0x5d: {  	[tilespmem:s5+$0xA00] =	vst v0;
	s23 =	simm.s32 $0x40;
	s5 =	simm.s32 $0x0  }
.LBB2_13:
0x5e: {  	p1 =	sne.s32 s23, $0x13C0;
	[tilespmem:s5+$0xAA00] =	vst v1;
	s1 =	smov.u32 s23;
	s23 =	sadd.s32 $0x40, s23  }
.Ltmp4:
0x5f: {  	(pc) =	sbr.rel @p1 .LBB2_13-.Ltmp4, $2  }
0x60: {  	_ =	sdelay $0x2  }
0x61: {  	s5 =	sshra.s32 s1, $0x2  }
0x62: {  	[tilespmem:s5+$0xAA00] =	vst v1;
	s1 =	rddreg [dreg:$0xa]  }
0x63: {  	[spmem:s1] =	stream.linear.scatter [tilespmem:s25], [sflag:$0x5], $0x5000, $0x38;
	[tilespmem:$0x1FE00] =	vst v63  }
0x64: {  	_ =	swait.ge [sflag:s26], $0x5000  }
0x65: {  	[sflag:s26] =	ssyncset.done $0x0  }
0x66: {  	s17 =	rddreg [dreg:$0xb];
	[sflag:s26] =	ssyncadd.s32 $0xFFFFB000  }
0x67: {  	[spmem:s17] =	stream.linear.scatter [tilespmem:s25], [sflag:$0x5], $0x5000, $0x38;
	[tilespmem:$0x1FE00] =	vst v63  }
0x68: {  	_ =	swait.ge [sflag:s26], $0x5000  }
0x69: {  	[sflag:s26] =	ssyncset.done $0x0  }
0x6a: {  	s18 =	rddreg [dreg:$0xc];
	[sflag:s26] =	ssyncadd.s32 $0xFFFFB000  }
0x6b: {  	[spmem:s18] =	stream.linear.scatter [tilespmem:s25], [sflag:$0x5], $0x5000, $0x38;
	[tilespmem:$0x1FE00] =	vst v63  }
0x6c: {  	_ =	swait.ge [sflag:s26], $0x5000  }
0x6d: {  	[sflag:s26] =	ssyncset.done $0x0  }
0x6e: {  	s19 =	rddreg [dreg:$0xd];
	[sflag:s26] =	ssyncadd.s32 $0xFFFFB000  }
0x6f: {  	[spmem:s19] =	stream.linear.scatter [tilespmem:s25], [sflag:$0x5], $0x5000, $0x38;
	[tilespmem:$0x1FE00] =	vst v63  }
0x70: {  	_ =	swait.ge [sflag:s26], $0x5000  }
0x71: {  	[sflag:s26] =	ssyncset.done $0x0  }
0x72: {  	s21 =	simm.s32 $0xB900;
	s20 =	rddreg [dreg:$0xe];
	[sflag:s26] =	ssyncadd.s32 $0xFFFFB000  }
0x73: {  	[spmem:s20] =	stream.linear.scatter [tilespmem:s21], [sflag:$0x5], $0x280, $0x38;
	[tilespmem:$0x1FE00] =	vst v63  }
0x74: {  	_ =	swait.ge [sflag:s26], $0x280  }
0x75: {  	[sflag:s26] =	ssyncset.done $0x0  }
0x76: {  	[sflag:s26] =	ssyncadd.s32 $0xFFFFFD80  }
0x77: {  	[bflag:$0x0] =	sbarrier.arrive $0xFFFF  }
0x78: {  	s23 =	rddreg [dreg:$0x9]  }
0x79: {  	s1 =	sadd.s32 $0x0, s23  }
0x7a: {  	[tilespmem:s6], [sflag:$0x5] =	stream.linear.gather [hbm4b:s1+s6], $0x500, $0x38;
	[tilespmem:$0x1FE00] =	vst v63  }
0x7b: {  	_ =	swait.ge [sflag:s26], $0x500  }
0x7c: {  	[sflag:s26] =	ssyncset.done $0x0  }
0x7d: {  	s24 =	sadd.s32 $0x0, s22;
	[sflag:s26] =	ssyncadd.s32 $0xFFFFFB00  }
0x7e: {  	[tilespmem:s29], [sflag:$0x5] =	stream.linear.gather [hbm4b:s24+s6], $0x500, $0x38;
	[tilespmem:$0x1FE00] =	vst v63  }
0x7f: {  	_ =	swait.ge [sflag:s26], $0x500  }
0x80: {  	[sflag:s26] =	ssyncset.done $0x0  }
0x81: {  	[sflag:s26] =	ssyncadd.s32 $0xFFFFFB00  }
0x82: {  	[tilespmem:s25], [sflag:$0x1] =	stream.indirect.gather [hbm4b:s2+s30], $0x80, s6, s30, $0xb8;
	[tilespmem:$0x1FE00] =	vst v63  }
0x83: {  	_ = 	snop  }
0x84: {  	[tilespmem:s31], [sflag:$0x1] =	stream.indirect.gather [hbm4b:s2+s30], $0x80, s30, s30, $0xb8;
	[tilespmem:$0x1FE00] =	vst v63  }
0x85: {  	s12 =	simm.s32 $0xAA00;
	s24 =	rddreg [dreg:$0x6]  }
0x86: {  	[spmem:s24] =	stream.indirect.scatter.add.f32 [tilespmem:s12], [sflag:$0x3], $0x1, s29, s29, $0xb8;
	[tilespmem:$0x1FE00] =	vst v63  }
0x87: {  	_ =	swait.ge [sflag:s4], $0x5000  }
0x88: {  	[sflag:s4] =	ssyncset.done $0x0  }
0x89: {  	[sflag:s4] =	ssyncadd.s32 $0xFFFFB000  }
0x8a: {  	[spmem:s3] =	stream.indirect.scatter.add.f32 [tilespmem:s25], [sflag:$0x2], $0x80, s29, s30, $0xb8;
	[tilespmem:$0x1FE00] =	vst v63  }
0x8b: {  	_ =	swait.ge [sflag:s28], $0x5000  }
0x8c: {  	[sflag:s28] =	ssyncset.done $0x0  }
0x8d: {  	s13 =	simm.s32 $0x140;
	[sflag:s28] =	ssyncadd.s32 $0xFFFFB000  }
0x8e: {  	[tilespmem:s25], [sflag:$0x1] =	stream.indirect.gather [hbm4b:s2+s30], $0x80, s13, s30, $0xb8;
	[tilespmem:$0x1FE00] =	vst v63  }
0x8f: {  	_ =	swait.ge [sflag:s4], $0x5000  }
0x90: {  	[sflag:s4] =	ssyncset.done $0x0  }
0x91: {  	s14 =	simm.s32 $0x5A0;
	[sflag:s4] =	ssyncadd.s32 $0xFFFFB000  }
0x92: {  	[spmem:s3] =	stream.indirect.scatter.add.f32 [tilespmem:s31], [sflag:$0x2], $0x80, s14, s30, $0xb8;
	[tilespmem:$0x1FE00] =	vst v63  }
0x93: {  	_ =	swait.ge [sflag:s28], $0x5000  }
0x94: {  	[sflag:s28] =	ssyncset.done $0x0  }
0x95: {  	s15 =	simm.s32 $0x1E0;
	[sflag:s28] =	ssyncadd.s32 $0xFFFFB000  }
0x96: {  	[tilespmem:s31], [sflag:$0x1] =	stream.indirect.gather [hbm4b:s2+s30], $0x80, s15, s30, $0xb8;
	[tilespmem:$0x1FE00] =	vst v63  }
0x97: {  	_ =	swait.ge [sflag:s4], $0x5000  }
0x98: {  	[sflag:s4] =	ssyncset.done $0x0  }
0x99: {  	s16 =	simm.s32 $0x640;
	[sflag:s4] =	ssyncadd.s32 $0xFFFFB000  }
0x9a: {  	[spmem:s3] =	stream.indirect.scatter.add.f32 [tilespmem:s25], [sflag:$0x2], $0x80, s16, s30, $0xb8;
	[tilespmem:$0x1FE00] =	vst v63  }
0x9b: {  	_ =	swait.ge [sflag:s28], $0x5000  }
0x9c: {  	[sflag:s28] =	ssyncset.done $0x0  }
0x9d: {  	s17 =	simm.s32 $0x280;
	[sflag:s28] =	ssyncadd.s32 $0xFFFFB000  }
0x9e: {  	[tilespmem:s25], [sflag:$0x1] =	stream.indirect.gather [hbm4b:s2+s30], $0x80, s17, s30, $0xb8;
	[tilespmem:$0x1FE00] =	vst v63  }
0x9f: {  	_ =	swait.ge [sflag:s4], $0x5000  }
0xa0: {  	[sflag:s4] =	ssyncset.done $0x0  }
0xa1: {  	s18 =	simm.s32 $0x6E0;
	[sflag:s4] =	ssyncadd.s32 $0xFFFFB000  }
0xa2: {  	[spmem:s3] =	stream.indirect.scatter.add.f32 [tilespmem:s31], [sflag:$0x2], $0x80, s18, s30, $0xb8;
	[tilespmem:$0x1FE00] =	vst v63  }
0xa3: {  	_ =	swait.ge [sflag:s28], $0x5000  }
0xa4: {  	[sflag:s28] =	ssyncset.done $0x0  }
0xa5: {  	s19 =	simm.s32 $0x320;
	[sflag:s28] =	ssyncadd.s32 $0xFFFFB000  }
0xa6: {  	[tilespmem:s31], [sflag:$0x1] =	stream.indirect.gather [hbm4b:s2+s30], $0x80, s19, s30, $0xb8;
	[tilespmem:$0x1FE00] =	vst v63  }
0xa7: {  	_ =	swait.ge [sflag:s4], $0x5000  }
0xa8: {  	[sflag:s4] =	ssyncset.done $0x0  }
0xa9: {  	s11 =	simm.s32 $0x780;
	[sflag:s4] =	ssyncadd.s32 $0xFFFFB000  }
0xaa: {  	[spmem:s3] =	stream.indirect.scatter.add.f32 [tilespmem:s25], [sflag:$0x2], $0x80, s11, s30, $0xb8;
	[tilespmem:$0x1FE00] =	vst v63  }
0xab: {  	_ =	swait.ge [sflag:s28], $0x5000  }
0xac: {  	[sflag:s28] =	ssyncset.done $0x0  }
0xad: {  	s20 =	simm.s32 $0x3C0;
	[sflag:s28] =	ssyncadd.s32 $0xFFFFB000  }
0xae: {  	[tilespmem:s25], [sflag:$0x1] =	stream.indirect.gather [hbm4b:s2+s30], $0x80, s20, s30, $0xb8;
	[tilespmem:$0x1FE00] =	vst v63  }
0xaf: {  	_ =	swait.ge [sflag:s4], $0x5000  }
0xb0: {  	[sflag:s4] =	ssyncset.done $0x0  }
0xb1: {  	s7 =	simm.s32 $0x820;
	[sflag:s4] =	ssyncadd.s32 $0xFFFFB000  }
0xb2: {  	[spmem:s3] =	stream.indirect.scatter.add.f32 [tilespmem:s31], [sflag:$0x2], $0x80, s7, s30, $0xb8;
	[tilespmem:$0x1FE00] =	vst v63  }
0xb3: {  	_ =	swait.ge [sflag:s28], $0x5000  }
0xb4: {  	[sflag:s28] =	ssyncset.done $0x0  }
0xb5: {  	s8 =	simm.s32 $0x460;
	[sflag:s28] =	ssyncadd.s32 $0xFFFFB000  }
0xb6: {  	[tilespmem:s31], [sflag:$0x1] =	stream.indirect.gather [hbm4b:s2+s30], $0x80, s8, s30, $0xb8;
	[tilespmem:$0x1FE00] =	vst v63  }
0xb7: {  	_ =	swait.ge [sflag:s4], $0x5000  }
0xb8: {  	[sflag:s4] =	ssyncset.done $0x0  }
0xb9: {  	s9 =	simm.s32 $0x8C0;
	[sflag:s4] =	ssyncadd.s32 $0xFFFFB000  }
0xba: {  	[spmem:s3] =	stream.indirect.scatter.add.f32 [tilespmem:s25], [sflag:$0x2], $0x80, s9, s30, $0xb8;
	[tilespmem:$0x1FE00] =	vst v63  }
0xbb: {  	_ =	swait.ge [sflag:s4], $0x5000  }
0xbc: {  	[sflag:s4] =	ssyncset.done $0x0  }
0xbd: {  	s21 =	simm.s32 $0x960;
	[sflag:s4] =	ssyncadd.s32 $0xFFFFB000  }
0xbe: {  	[spmem:s3] =	stream.indirect.scatter.add.f32 [tilespmem:s31], [sflag:$0x2], $0x80, s21, s30, $0xb8;
	[tilespmem:$0x1FE00] =	vst v63  }
0xbf: {  	_ =	swait.ge [sflag:s28], $0x5000  }
0xc0: {  	[sflag:s28] =	ssyncset.done $0x0  }
0xc1: {  	[sflag:s28] =	ssyncadd.s32 $0xFFFFB000  }
0xc2: {  	_ =	swait.ge [sflag:s28], $0x5000  }
0xc3: {  	[sflag:s28] =	ssyncset.done $0x0  }
0xc4: {  	[sflag:s28] =	ssyncadd.s32 $0xFFFFB000  }
0xc5: {  	s23 =	simm.s32 $0xA0;
	_ =	swait.ge [sflag:s10], $0x500  }
.LBB2_15:
0xc6: {  	s1 =	rddreg [dreg:$0x9];
	s5 =	smov.u32 s23;
	[sflag:s10] =	ssyncset.done $0x0  }
0xc7: {  	s1 =	sadd.s32 s5, s1;
	[sflag:s10] =	ssyncadd.s32 $0xFFFFFB00  }
0xc8: {  	[tilespmem:s6], [sflag:$0x5] =	stream.linear.gather [hbm4b:s1+s6], $0x500, $0x38;
	[tilespmem:$0x1FE00] =	vst v63  }
0xc9: {  	_ =	swait.ge [sflag:s26], $0x500  }
0xca: {  	[sflag:s26] =	ssyncset.done $0x0  }
0xcb: {  	s5 =	sadd.s32 s5, s22;
	[sflag:s26] =	ssyncadd.s32 $0xFFFFFB00  }
0xcc: {  	[tilespmem:s29], [sflag:$0x5] =	stream.linear.gather [hbm4b:s5+s6], $0x500, $0x38;
	[tilespmem:$0x1FE00] =	vst v63  }
0xcd: {  	_ =	swait.ge [sflag:s26], $0x500  }
0xce: {  	[sflag:s26] =	ssyncset.done $0x0  }
0xcf: {  	[sflag:s26] =	ssyncadd.s32 $0xFFFFFB00  }
0xd0: {  	[tilespmem:s25], [sflag:$0x1] =	stream.indirect.gather [hbm4b:s2+s30], $0x80, s6, s30, $0xb8;
	[tilespmem:$0x1FE00] =	vst v63  }
0xd1: {  	_ = 	snop  }
0xd2: {  	[tilespmem:s31], [sflag:$0x1] =	stream.indirect.gather [hbm4b:s2+s30], $0x80, s30, s30, $0xb8;
	[tilespmem:$0x1FE00] =	vst v63  }
0xd3: {  	_ = 	snop  }
0xd4: {  	[spmem:s24] =	stream.indirect.scatter.add.f32 [tilespmem:s12], [sflag:$0x3], $0x1, s29, s29, $0xb8;
	[tilespmem:$0x1FE00] =	vst v63  }
0xd5: {  	_ =	swait.ge [sflag:s4], $0x5000  }
0xd6: {  	[sflag:s4] =	ssyncset.done $0x0  }
0xd7: {  	[sflag:s4] =	ssyncadd.s32 $0xFFFFB000  }
0xd8: {  	[spmem:s3] =	stream.indirect.scatter.add.f32 [tilespmem:s25], [sflag:$0x2], $0x80, s29, s30, $0xb8;
	[tilespmem:$0x1FE00] =	vst v63  }
0xd9: {  	_ =	swait.ge [sflag:s28], $0x5000  }
0xda: {  	[sflag:s28] =	ssyncset.done $0x0  }
0xdb: {  	[sflag:s28] =	ssyncadd.s32 $0xFFFFB000  }
0xdc: {  	[tilespmem:s25], [sflag:$0x1] =	stream.indirect.gather [hbm4b:s2+s30], $0x80, s13, s30, $0xb8;
	[tilespmem:$0x1FE00] =	vst v63  }
0xdd: {  	_ =	swait.ge [sflag:s4], $0x5000  }
0xde: {  	[sflag:s4] =	ssyncset.done $0x0  }
0xdf: {  	[sflag:s4] =	ssyncadd.s32 $0xFFFFB000  }
0xe0: {  	[spmem:s3] =	stream.indirect.scatter.add.f32 [tilespmem:s31], [sflag:$0x2], $0x80, s14, s30, $0xb8;
	[tilespmem:$0x1FE00] =	vst v63  }
0xe1: {  	_ =	swait.ge [sflag:s28], $0x5000  }
0xe2: {  	[sflag:s28] =	ssyncset.done $0x0  }
0xe3: {  	[sflag:s28] =	ssyncadd.s32 $0xFFFFB000  }
0xe4: {  	[tilespmem:s31], [sflag:$0x1] =	stream.indirect.gather [hbm4b:s2+s30], $0x80, s15, s30, $0xb8;
	[tilespmem:$0x1FE00] =	vst v63  }
0xe5: {  	_ =	swait.ge [sflag:s4], $0x5000  }
0xe6: {  	[sflag:s4] =	ssyncset.done $0x0  }
0xe7: {  	[sflag:s4] =	ssyncadd.s32 $0xFFFFB000  }
0xe8: {  	[spmem:s3] =	stream.indirect.scatter.add.f32 [tilespmem:s25], [sflag:$0x2], $0x80, s16, s30, $0xb8;
	[tilespmem:$0x1FE00] =	vst v63  }
0xe9: {  	_ =	swait.ge [sflag:s28], $0x5000  }
0xea: {  	[sflag:s28] =	ssyncset.done $0x0  }
0xeb: {  	[sflag:s28] =	ssyncadd.s32 $0xFFFFB000  }
0xec: {  	[tilespmem:s25], [sflag:$0x1] =	stream.indirect.gather [hbm4b:s2+s30], $0x80, s17, s30, $0xb8;
	[tilespmem:$0x1FE00] =	vst v63  }
0xed: {  	_ =	swait.ge [sflag:s4], $0x5000  }
0xee: {  	[sflag:s4] =	ssyncset.done $0x0  }
0xef: {  	[sflag:s4] =	ssyncadd.s32 $0xFFFFB000  }
0xf0: {  	[spmem:s3] =	stream.indirect.scatter.add.f32 [tilespmem:s31], [sflag:$0x2], $0x80, s18, s30, $0xb8;
	[tilespmem:$0x1FE00] =	vst v63  }
0xf1: {  	_ =	swait.ge [sflag:s28], $0x5000  }
0xf2: {  	[sflag:s28] =	ssyncset.done $0x0  }
0xf3: {  	[sflag:s28] =	ssyncadd.s32 $0xFFFFB000  }
0xf4: {  	[tilespmem:s31], [sflag:$0x1] =	stream.indirect.gather [hbm4b:s2+s30], $0x80, s19, s30, $0xb8;
	[tilespmem:$0x1FE00] =	vst v63  }
0xf5: {  	_ =	swait.ge [sflag:s4], $0x5000  }
0xf6: {  	[sflag:s4] =	ssyncset.done $0x0  }
0xf7: {  	[sflag:s4] =	ssyncadd.s32 $0xFFFFB000  }
0xf8: {  	[spmem:s3] =	stream.indirect.scatter.add.f32 [tilespmem:s25], [sflag:$0x2], $0x80, s11, s30, $0xb8;
	[tilespmem:$0x1FE00] =	vst v63  }
0xf9: {  	_ =	swait.ge [sflag:s28], $0x5000  }
0xfa: {  	[sflag:s28] =	ssyncset.done $0x0  }
0xfb: {  	[sflag:s28] =	ssyncadd.s32 $0xFFFFB000  }
0xfc: {  	[tilespmem:s25], [sflag:$0x1] =	stream.indirect.gather [hbm4b:s2+s30], $0x80, s20, s30, $0xb8;
	[tilespmem:$0x1FE00] =	vst v63  }
0xfd: {  	_ =	swait.ge [sflag:s4], $0x5000  }
0xfe: {  	[sflag:s4] =	ssyncset.done $0x0  }
0xff: {  	[sflag:s4] =	ssyncadd.s32 $0xFFFFB000  }
0x100: {  	[spmem:s3] =	stream.indirect.scatter.add.f32 [tilespmem:s31], [sflag:$0x2], $0x80, s7, s30, $0xb8;
	[tilespmem:$0x1FE00] =	vst v63  }
0x101: {  	_ =	swait.ge [sflag:s28], $0x5000  }
0x102: {  	[sflag:s28] =	ssyncset.done $0x0  }
0x103: {  	[sflag:s28] =	ssyncadd.s32 $0xFFFFB000  }
0x104: {  	[tilespmem:s31], [sflag:$0x1] =	stream.indirect.gather [hbm4b:s2+s30], $0x80, s8, s30, $0xb8;
	[tilespmem:$0x1FE00] =	vst v63  }
0x105: {  	_ =	swait.ge [sflag:s4], $0x5000  }
0x106: {  	[sflag:s4] =	ssyncset.done $0x0  }
0x107: {  	[sflag:s4] =	ssyncadd.s32 $0xFFFFB000  }
0x108: {  	[spmem:s3] =	stream.indirect.scatter.add.f32 [tilespmem:s25], [sflag:$0x2], $0x80, s9, s30, $0xb8;
	[tilespmem:$0x1FE00] =	vst v63  }
0x109: {  	_ =	swait.ge [sflag:s4], $0x5000  }
0x10a: {  	[sflag:s4] =	ssyncset.done $0x0  }
0x10b: {  	[sflag:s4] =	ssyncadd.s32 $0xFFFFB000  }
0x10c: {  	[spmem:s3] =	stream.indirect.scatter.add.f32 [tilespmem:s31], [sflag:$0x2], $0x80, s21, s30, $0xb8;
	[tilespmem:$0x1FE00] =	vst v63  }
0x10d: {  	_ =	swait.ge [sflag:s28], $0x5000  }
0x10e: {  	p1 =	sne.s32 s23, $0x960;
	[sflag:s28] =	ssyncset.done $0x0  }
.Ltmp5:
0x10f: {  	[sflag:s28] =	ssyncadd.s32 $0xFFFFB000;
	(pc) =	sbr.rel @p1 .LBB2_15-.Ltmp5, $4  }
0x110: {  	_ =	swait.ge [sflag:s28], $0x5000  }
0x111: {  	[sflag:s28] =	ssyncset.done $0x0  }
0x112: {  	[sflag:s28] =	ssyncadd.s32 $0xFFFFB000  }
0x113: {  	s23 =	sadd.s32 $0xA0, s23;
	_ =	swait.ge [sflag:s10], $0x500  }
0x114: {  	[sflag:s10] =	ssyncset.done $0x0  }
0x115: {  	[sflag:s10] =	ssyncadd.s32 $0xFFFFFB00  }
0x116: {  	[bflag:$0x0] =	sbarrier.arrive $0xFFFF  }
0x117: {  	s1 =	rddreg [dreg:$0xa]  }
0x118: {  	[tilespmem:s25], [sflag:$0x5] =	stream.linear.gather [spmem:s1], $0x5000, $0x38;
	[tilespmem:$0x1FE00] =	vst v63  }
0x119: {  	_ =	swait.ge [sflag:s26], $0x5000  }
0x11a: {  	[sflag:s26] =	ssyncset.done $0x0  }
0x11b: {  	s23 =	simm.s32 $0x0;
	s15 =	rddreg [dreg:$0x13];
	[sflag:s26] =	ssyncadd.s32 $0xFFFFB000  }
0x11c: {  	[hbm4b:s15+s23] =	stream.linear.scatter [tilespmem:s25], [sflag:$0x4], $0x5000, $0x38;
	[tilespmem:$0x1FE00] =	vst v63  }
0x11d: {  	s16 =	rddreg [dreg:$0xb]  }
0x11e: {  	[tilespmem:s31], [sflag:$0x5] =	stream.linear.gather [spmem:s16], $0x5000, $0x38;
	[tilespmem:$0x1FE00] =	vst v63  }
0x11f: {  	_ =	swait.ge [sflag:s26], $0x5000  }
0x120: {  	[sflag:s26] =	ssyncset.done $0x0  }
0x121: {  	s8 =	simm.s32 $0x4;
	s17 =	rddreg [dreg:$0x14];
	[sflag:s26] =	ssyncadd.s32 $0xFFFFB000  }
0x122: {  	[hbm4b:s17+s23] =	stream.linear.scatter [tilespmem:s31], [sflag:$0x4], $0x5000, $0x38;
	[tilespmem:$0x1FE00] =	vst v63  }
0x123: {  	_ =	swait.ge [sflag:s8], $0x5000  }
0x124: {  	[sflag:s8] =	ssyncset.done $0x0  }
0x125: {  	s18 =	rddreg [dreg:$0xc];
	[sflag:s8] =	ssyncadd.s32 $0xFFFFB000  }
0x126: {  	[tilespmem:s25], [sflag:$0x5] =	stream.linear.gather [spmem:s18], $0x5000, $0x38;
	[tilespmem:$0x1FE00] =	vst v63  }
0x127: {  	_ =	swait.ge [sflag:s26], $0x5000  }
0x128: {  	[sflag:s26] =	ssyncset.done $0x0  }
0x129: {  	s19 =	rddreg [dreg:$0x15];
	[sflag:s26] =	ssyncadd.s32 $0xFFFFB000  }
0x12a: {  	[hbm4b:s19+s23] =	stream.linear.scatter [tilespmem:s25], [sflag:$0x4], $0x5000, $0x38;
	[tilespmem:$0x1FE00] =	vst v63  }
0x12b: {  	_ =	swait.ge [sflag:s8], $0x5000  }
0x12c: {  	[sflag:s8] =	ssyncset.done $0x0  }
0x12d: {  	s20 =	rddreg [dreg:$0xd];
	[sflag:s8] =	ssyncadd.s32 $0xFFFFB000  }
0x12e: {  	[tilespmem:s31], [sflag:$0x5] =	stream.linear.gather [spmem:s20], $0x5000, $0x38;
	[tilespmem:$0x1FE00] =	vst v63  }
0x12f: {  	_ =	swait.ge [sflag:s26], $0x5000  }
0x130: {  	s5 =	simm.s32 $0xB400;
	[sflag:s26] =	ssyncset.done $0x0;
	s21 =	rddreg [dreg:$0x16]  }
0x131: {  	s9 =	simm.s32 $0xAF00;
	s7 =	rddreg [dreg:$0x1a];
	[sflag:s26] =	ssyncadd.s32 $0xFFFFB000  }
0x132: {  	[hbm4b:s21+s23] =	stream.linear.scatter [tilespmem:s31], [sflag:$0x4], $0x5000, $0x38;
	[tilespmem:$0x1FE00] =	vst v63  }
.LBB2_17:
0x133: {  	s1 =	sadd.s32 s23, s22  }
0x134: {  	[tilespmem:s29], [sflag:$0x5] =	stream.linear.gather [hbm4b:s1+s6], $0x500, $0x38;
	[tilespmem:$0x1FE00] =	vst v63  }
0x135: {  	_ =	swait.ge [sflag:s26], $0x500  }
0x136: {  	[sflag:s26] =	ssyncset.done $0x0  }
0x137: {  	[sflag:s26] =	ssyncadd.s32 $0xFFFFFB00  }
0x138: {  	[tilespmem:s5], [sflag:$0x1] =	stream.indirect.gather [spmem:s24], $0x1, s29, s29, $0xb8;
	[tilespmem:$0x1FE00] =	vst v63  }
0x139: {  	_ =	swait.ge [sflag:s4], $0x500  }
0x13a: {  	[sflag:s4] =	ssyncset.done $0x0  }
0x13b: {  	[sflag:s4] =	ssyncadd.s32 $0xFFFFFB00  }
0x13c: {  	v2 =	vld [tilespmem:$0xB400]  }
0x13d: {  	v3 =	vld [tilespmem:$0xB410]  }
0x13e: {  	v4 =	vld [tilespmem:$0xB420]  }
0x13f: {  	v5 =	vld [tilespmem:$0xB430]  }
0x140: {  	v6 =	vld [tilespmem:$0xB440]  }
0x141: {  	v7 =	vld [tilespmem:$0xB450];
	v2 =	vmax.f32 v2, $1.000000000e+00  }
0x142: {  	(erf) = vrcp.f32 v2;
	v2 =	vmax.f32 v3, $1.000000000e+00;
	v3 =	vld [tilespmem:$0xB460]  }
0x143: {  	v43 =	vld [tilespmem:$0xB470];
	(erf) = vrcp.f32 v2;
	v2 =	vmax.f32 v4, $1.000000000e+00  }
0x144: {  	v44 =	vld [tilespmem:$0xB480];
	(erf) = vrcp.f32 v2;
	v2 =	vmax.f32 v5, $1.000000000e+00  }
0x145: {  	v45 =	vld [tilespmem:$0xB490];
	(erf) = vrcp.f32 v2;
	v2 =	vmax.f32 v6, $1.000000000e+00  }
0x146: {  	v46 =	vld [tilespmem:$0xB4A0];
	(erf) = vrcp.f32 v2;
	v2 =	vmax.f32 v7, $1.000000000e+00  }
0x147: {  	(erf) = vrcp.f32 v2;
	v2 =	vmax.f32 v3, $1.000000000e+00;
	v3 =	vld [tilespmem:$0xB4B0]  }
0x148: {  	v47 =	vld [tilespmem:$0xB4C0];
	(erf) = vrcp.f32 v2;
	v2 =	vmax.f32 v43, $1.000000000e+00  }
0x149: {  	v48 =	vld [tilespmem:$0xB4D0];
	(erf) = vrcp.f32 v2;
	v2 =	vmax.f32 v44, $1.000000000e+00  }
0x14a: {  	v49 =	vld [tilespmem:$0xB4E0];
	(erf) = vrcp.f32 v2;
	v2 =	vmax.f32 v45, $1.000000000e+00  }
0x14b: {  	v50 =	vld [tilespmem:$0xB4F0];
	v8 =	vpop (erf);
	(erf) = vrcp.f32 v2;
	v2 =	vmax.f32 v46, $1.000000000e+00  }
0x14c: {  	v51 =	vpop (erf);
	(erf) = vrcp.f32 v2;
	v2 =	vmax.f32 v3, $1.000000000e+00;
	v3 =	vld [tilespmem:$0xB500]  }
0x14d: {  	v53 =	vld [tilespmem:$0xB510];
	[tilespmem:$0xAF00] =	vst v8;
	v52 =	vpop (erf);
	(erf) = vrcp.f32 v2;
	v2 =	vmax.f32 v47, $1.000000000e+00  }
0x14e: {  	v55 =	vld [tilespmem:$0xB520];
	[tilespmem:$0xAF10] =	vst v51;
	v54 =	vpop (erf);
	(erf) = vrcp.f32 v2;
	v2 =	vmax.f32 v48, $1.000000000e+00  }
0x14f: {  	v57 =	vld [tilespmem:$0xB530];
	[tilespmem:$0xAF20] =	vst v52;
	v56 =	vpop (erf);
	(erf) = vrcp.f32 v2;
	v2 =	vmax.f32 v49, $1.000000000e+00  }
0x150: {  	v59 =	vld [tilespmem:$0xB540];
	[tilespmem:$0xAF30] =	vst v54;
	v58 =	vpop (erf);
	(erf) = vrcp.f32 v2;
	v2 =	vmax.f32 v50, $1.000000000e+00  }
0x151: {  	[tilespmem:$0xAF40] =	vst v56;
	v60 =	vpop (erf);
	(erf) = vrcp.f32 v2;
	v2 =	vmax.f32 v3, $1.000000000e+00;
	v3 =	vld [tilespmem:$0xB550]  }
0x152: {  	v62 =	vld [tilespmem:$0xB560];
	[tilespmem:$0xAF50] =	vst v58;
	v61 =	vpop (erf);
	(erf) = vrcp.f32 v2;
	v2 =	vmax.f32 v53, $1.000000000e+00  }
0x153: {  	v12 =	vld [tilespmem:$0xB570];
	[tilespmem:$0xAF60] =	vst v60;
	v63 =	vpop (erf);
	(erf) = vrcp.f32 v2;
	v2 =	vmax.f32 v55, $1.000000000e+00  }
0x154: {  	v14 =	vld [tilespmem:$0xB580];
	[tilespmem:$0xAF70] =	vst v61;
	v13 =	vpop (erf);
	(erf) = vrcp.f32 v2;
	v2 =	vmax.f32 v57, $1.000000000e+00  }
0x155: {  	v16 =	vld [tilespmem:$0xB590];
	[tilespmem:$0xAF80] =	vst v63;
	v15 =	vpop (erf);
	(erf) = vrcp.f32 v2;
	v2 =	vmax.f32 v59, $1.000000000e+00  }
0x156: {  	[tilespmem:$0xAF90] =	vst v13;
	v17 =	vpop (erf);
	(erf) = vrcp.f32 v2;
	v2 =	vmax.f32 v3, $1.000000000e+00;
	v3 =	vld [tilespmem:$0xB5A0]  }
0x157: {  	v19 =	vld [tilespmem:$0xB5B0];
	[tilespmem:$0xAFA0] =	vst v15;
	v18 =	vpop (erf);
	(erf) = vrcp.f32 v2;
	v2 =	vmax.f32 v62, $1.000000000e+00  }
0x158: {  	v21 =	vld [tilespmem:$0xB5C0];
	[tilespmem:$0xAFB0] =	vst v17;
	v20 =	vpop (erf);
	(erf) = vrcp.f32 v2;
	v2 =	vmax.f32 v12, $1.000000000e+00  }
0x159: {  	v23 =	vld [tilespmem:$0xB5D0];
	[tilespmem:$0xAFC0] =	vst v18;
	v22 =	vpop (erf);
	(erf) = vrcp.f32 v2;
	v2 =	vmax.f32 v14, $1.000000000e+00  }
0x15a: {  	v25 =	vld [tilespmem:$0xB5E0];
	[tilespmem:$0xAFD0] =	vst v20;
	v24 =	vpop (erf);
	(erf) = vrcp.f32 v2;
	v2 =	vmax.f32 v16, $1.000000000e+00  }
0x15b: {  	[tilespmem:$0xAFE0] =	vst v22;
	v26 =	vpop (erf);
	(erf) = vrcp.f32 v2;
	v2 =	vmax.f32 v3, $1.000000000e+00;
	v3 =	vld [tilespmem:$0xB5F0]  }
0x15c: {  	v28 =	vld [tilespmem:$0xB600];
	[tilespmem:$0xAFF0] =	vst v24;
	v27 =	vpop (erf);
	(erf) = vrcp.f32 v2;
	v2 =	vmax.f32 v19, $1.000000000e+00  }
0x15d: {  	v30 =	vld [tilespmem:$0xB610];
	[tilespmem:$0xB000] =	vst v26;
	v29 =	vpop (erf);
	(erf) = vrcp.f32 v2;
	v2 =	vmax.f32 v21, $1.000000000e+00  }
0x15e: {  	v32 =	vld [tilespmem:$0xB620];
	[tilespmem:$0xB010] =	vst v27;
	v31 =	vpop (erf);
	(erf) = vrcp.f32 v2;
	v2 =	vmax.f32 v23, $1.000000000e+00  }
0x15f: {  	v34 =	vld [tilespmem:$0xB630];
	[tilespmem:$0xB020] =	vst v29;
	v33 =	vpop (erf);
	(erf) = vrcp.f32 v2;
	v2 =	vmax.f32 v25, $1.000000000e+00  }
0x160: {  	[tilespmem:$0xB030] =	vst v31;
	v35 =	vpop (erf);
	(erf) = vrcp.f32 v2;
	v2 =	vmax.f32 v3, $1.000000000e+00;
	v3 =	vld [tilespmem:$0xB640]  }
0x161: {  	v37 =	vld [tilespmem:$0xB650];
	[tilespmem:$0xB040] =	vst v33;
	v36 =	vpop (erf);
	(erf) = vrcp.f32 v2;
	v2 =	vmax.f32 v28, $1.000000000e+00  }
0x162: {  	v39 =	vld [tilespmem:$0xB660];
	[tilespmem:$0xB050] =	vst v35;
	v38 =	vpop (erf);
	(erf) = vrcp.f32 v2;
	v2 =	vmax.f32 v30, $1.000000000e+00  }
0x163: {  	v41 =	vld [tilespmem:$0xB670];
	[tilespmem:$0xB060] =	vst v36;
	v40 =	vpop (erf);
	(erf) = vrcp.f32 v2;
	v2 =	vmax.f32 v32, $1.000000000e+00  }
0x164: {  	v43 =	vld [tilespmem:$0xB680];
	[tilespmem:$0xB070] =	vst v38;
	v42 =	vpop (erf);
	(erf) = vrcp.f32 v2;
	v2 =	vmax.f32 v34, $1.000000000e+00  }
0x165: {  	[tilespmem:$0xB080] =	vst v40;
	v44 =	vpop (erf);
	(erf) = vrcp.f32 v2;
	v2 =	vmax.f32 v3, $1.000000000e+00;
	v3 =	vld [tilespmem:$0xB690]  }
0x166: {  	v46 =	vld [tilespmem:$0xB6A0];
	[tilespmem:$0xB090] =	vst v42;
	v45 =	vpop (erf);
	(erf) = vrcp.f32 v2;
	v2 =	vmax.f32 v37, $1.000000000e+00  }
0x167: {  	v48 =	vld [tilespmem:$0xB6B0];
	[tilespmem:$0xB0A0] =	vst v44;
	v47 =	vpop (erf);
	(erf) = vrcp.f32 v2;
	v2 =	vmax.f32 v39, $1.000000000e+00  }
0x168: {  	v50 =	vld [tilespmem:$0xB6C0];
	[tilespmem:$0xB0B0] =	vst v45;
	v49 =	vpop (erf);
	(erf) = vrcp.f32 v2;
	v2 =	vmax.f32 v41, $1.000000000e+00  }
0x169: {  	v52 =	vld [tilespmem:$0xB6D0];
	[tilespmem:$0xB0C0] =	vst v47;
	v51 =	vpop (erf);
	(erf) = vrcp.f32 v2;
	v2 =	vmax.f32 v43, $1.000000000e+00  }
0x16a: {  	[tilespmem:$0xB0D0] =	vst v49;
	v53 =	vpop (erf);
	(erf) = vrcp.f32 v2;
	v2 =	vmax.f32 v3, $1.000000000e+00;
	v3 =	vld [tilespmem:$0xB6E0]  }
0x16b: {  	v55 =	vld [tilespmem:$0xB6F0];
	[tilespmem:$0xB0E0] =	vst v51;
	v54 =	vpop (erf);
	(erf) = vrcp.f32 v2;
	v2 =	vmax.f32 v46, $1.000000000e+00  }
0x16c: {  	v57 =	vld [tilespmem:$0xB700];
	[tilespmem:$0xB0F0] =	vst v53;
	v56 =	vpop (erf);
	(erf) = vrcp.f32 v2;
	v2 =	vmax.f32 v48, $1.000000000e+00  }
0x16d: {  	v59 =	vld [tilespmem:$0xB710];
	[tilespmem:$0xB100] =	vst v54;
	v58 =	vpop (erf);
	(erf) = vrcp.f32 v2;
	v2 =	vmax.f32 v50, $1.000000000e+00  }
0x16e: {  	v61 =	vld [tilespmem:$0xB720];
	[tilespmem:$0xB110] =	vst v56;
	v60 =	vpop (erf);
	(erf) = vrcp.f32 v2;
	v2 =	vmax.f32 v52, $1.000000000e+00  }
0x16f: {  	[tilespmem:$0xB120] =	vst v58;
	v62 =	vpop (erf);
	(erf) = vrcp.f32 v2;
	v2 =	vmax.f32 v3, $1.000000000e+00;
	v3 =	vld [tilespmem:$0xB730]  }
0x170: {  	v12 =	vld [tilespmem:$0xB740];
	[tilespmem:$0xB130] =	vst v60;
	v63 =	vpop (erf);
	(erf) = vrcp.f32 v2;
	v2 =	vmax.f32 v55, $1.000000000e+00  }
0x171: {  	v14 =	vld [tilespmem:$0xB750];
	[tilespmem:$0xB140] =	vst v62;
	v13 =	vpop (erf);
	(erf) = vrcp.f32 v2;
	v2 =	vmax.f32 v57, $1.000000000e+00  }
0x172: {  	v16 =	vld [tilespmem:$0xB760];
	[tilespmem:$0xB150] =	vst v63;
	v15 =	vpop (erf);
	(erf) = vrcp.f32 v2;
	v2 =	vmax.f32 v59, $1.000000000e+00  }
0x173: {  	v18 =	vld [tilespmem:$0xB770];
	[tilespmem:$0xB160] =	vst v13;
	v17 =	vpop (erf);
	(erf) = vrcp.f32 v2;
	v2 =	vmax.f32 v61, $1.000000000e+00  }
0x174: {  	[tilespmem:$0xB170] =	vst v15;
	v19 =	vpop (erf);
	(erf) = vrcp.f32 v2;
	v2 =	vmax.f32 v3, $1.000000000e+00;
	v3 =	vld [tilespmem:$0xB780]  }
0x175: {  	v21 =	vld [tilespmem:$0xB790];
	[tilespmem:$0xB180] =	vst v17;
	v20 =	vpop (erf);
	(erf) = vrcp.f32 v2;
	v2 =	vmax.f32 v12, $1.000000000e+00  }
0x176: {  	v23 =	vld [tilespmem:$0xB7A0];
	[tilespmem:$0xB190] =	vst v19;
	v22 =	vpop (erf);
	(erf) = vrcp.f32 v2;
	v2 =	vmax.f32 v14, $1.000000000e+00  }
0x177: {  	v25 =	vld [tilespmem:$0xB7B0];
	[tilespmem:$0xB1A0] =	vst v20;
	v24 =	vpop (erf);
	(erf) = vrcp.f32 v2;
	v2 =	vmax.f32 v16, $1.000000000e+00  }
0x178: {  	v27 =	vld [tilespmem:$0xB7C0];
	[tilespmem:$0xB1B0] =	vst v22;
	v26 =	vpop (erf);
	(erf) = vrcp.f32 v2;
	v2 =	vmax.f32 v18, $1.000000000e+00  }
0x179: {  	[tilespmem:$0xB1C0] =	vst v24;
	v28 =	vpop (erf);
	(erf) = vrcp.f32 v2;
	v2 =	vmax.f32 v3, $1.000000000e+00;
	v3 =	vld [tilespmem:$0xB7D0]  }
0x17a: {  	v30 =	vld [tilespmem:$0xB7E0];
	[tilespmem:$0xB1D0] =	vst v26;
	v29 =	vpop (erf);
	(erf) = vrcp.f32 v2;
	v2 =	vmax.f32 v21, $1.000000000e+00  }
0x17b: {  	v32 =	vld [tilespmem:$0xB7F0];
	[tilespmem:$0xB1E0] =	vst v28;
	v31 =	vpop (erf);
	(erf) = vrcp.f32 v2;
	v2 =	vmax.f32 v23, $1.000000000e+00  }
0x17c: {  	v34 =	vld [tilespmem:$0xB800];
	[tilespmem:$0xB1F0] =	vst v29;
	v33 =	vpop (erf);
	(erf) = vrcp.f32 v2;
	v2 =	vmax.f32 v25, $1.000000000e+00  }
0x17d: {  	v36 =	vld [tilespmem:$0xB810];
	[tilespmem:$0xB200] =	vst v31;
	v35 =	vpop (erf);
	(erf) = vrcp.f32 v2;
	v2 =	vmax.f32 v27, $1.000000000e+00  }
0x17e: {  	[tilespmem:$0xB210] =	vst v33;
	v37 =	vpop (erf);
	(erf) = vrcp.f32 v2;
	v2 =	vmax.f32 v3, $1.000000000e+00;
	v3 =	vld [tilespmem:$0xB820]  }
0x17f: {  	v39 =	vld [tilespmem:$0xB830];
	[tilespmem:$0xB220] =	vst v35;
	v38 =	vpop (erf);
	(erf) = vrcp.f32 v2;
	v2 =	vmax.f32 v30, $1.000000000e+00  }
0x180: {  	v41 =	vld [tilespmem:$0xB840];
	[tilespmem:$0xB230] =	vst v37;
	v40 =	vpop (erf);
	(erf) = vrcp.f32 v2;
	v2 =	vmax.f32 v32, $1.000000000e+00  }
0x181: {  	v43 =	vld [tilespmem:$0xB850];
	[tilespmem:$0xB240] =	vst v38;
	v42 =	vpop (erf);
	(erf) = vrcp.f32 v2;
	v2 =	vmax.f32 v34, $1.000000000e+00  }
0x182: {  	v45 =	vld [tilespmem:$0xB860];
	[tilespmem:$0xB250] =	vst v40;
	v44 =	vpop (erf);
	(erf) = vrcp.f32 v2;
	v2 =	vmax.f32 v36, $1.000000000e+00  }
0x183: {  	[tilespmem:$0xB260] =	vst v42;
	v46 =	vpop (erf);
	(erf) = vrcp.f32 v2;
	v2 =	vmax.f32 v3, $1.000000000e+00;
	v3 =	vld [tilespmem:$0xB870]  }
0x184: {  	v48 =	vld [tilespmem:$0xB880];
	[tilespmem:$0xB270] =	vst v44;
	v47 =	vpop (erf);
	(erf) = vrcp.f32 v2;
	v2 =	vmax.f32 v39, $1.000000000e+00  }
0x185: {  	v50 =	vld [tilespmem:$0xB890];
	[tilespmem:$0xB280] =	vst v46;
	v49 =	vpop (erf);
	(erf) = vrcp.f32 v2;
	v2 =	vmax.f32 v41, $1.000000000e+00  }
0x186: {  	v52 =	vld [tilespmem:$0xB8A0];
	[tilespmem:$0xB290] =	vst v47;
	v51 =	vpop (erf);
	(erf) = vrcp.f32 v2;
	v2 =	vmax.f32 v43, $1.000000000e+00  }
0x187: {  	v54 =	vld [tilespmem:$0xB8B0];
	[tilespmem:$0xB2A0] =	vst v49;
	v53 =	vpop (erf);
	(erf) = vrcp.f32 v2;
	v2 =	vmax.f32 v45, $1.000000000e+00  }
0x188: {  	[tilespmem:$0xB2B0] =	vst v51;
	v55 =	vpop (erf);
	(erf) = vrcp.f32 v2;
	v2 =	vmax.f32 v3, $1.000000000e+00;
	v3 =	vld [tilespmem:$0xB8C0]  }
0x189: {  	v57 =	vld [tilespmem:$0xB8D0];
	[tilespmem:$0xB2C0] =	vst v53;
	v56 =	vpop (erf);
	(erf) = vrcp.f32 v2;
	v2 =	vmax.f32 v48, $1.000000000e+00  }
0x18a: {  	v59 =	vld [tilespmem:$0xB8E0];
	[tilespmem:$0xB2D0] =	vst v55;
	v58 =	vpop (erf);
	(erf) = vrcp.f32 v2;
	v2 =	vmax.f32 v50, $1.000000000e+00  }
0x18b: {  	v61 =	vld [tilespmem:$0xB8F0];
	[tilespmem:$0xB2E0] =	vst v56;
	v60 =	vpop (erf);
	(erf) = vrcp.f32 v2;
	v2 =	vmax.f32 v52, $1.000000000e+00  }
0x18c: {  	[tilespmem:$0xB2F0] =	vst v58;
	v62 =	vpop (erf);
	(erf) = vrcp.f32 v2;
	v2 =	vmax.f32 v54, $1.000000000e+00  }
0x18d: {  	[tilespmem:$0xB300] =	vst v60;
	v63 =	vpop (erf);
	(erf) = vrcp.f32 v2;
	v2 =	vmax.f32 v3, $1.000000000e+00  }
0x18e: {  	[tilespmem:$0xB310] =	vst v62;
	v3 =	vpop (erf);
	(erf) = vrcp.f32 v2;
	v2 =	vmax.f32 v57, $1.000000000e+00  }
0x18f: {  	[tilespmem:$0xB330] =	vst v3;
	v3 =	vpop (erf);
	(erf) = vrcp.f32 v2;
	v2 =	vmax.f32 v59, $1.000000000e+00  }
0x190: {  	[tilespmem:$0xB340] =	vst v3;
	v3 =	vpop (erf);
	(erf) = vrcp.f32 v2;
	v2 =	vmax.f32 v61, $1.000000000e+00  }
0x191: {  	[tilespmem:$0xB320] =	vst v63  }
0x192: {  	[tilespmem:$0xB350] =	vst v3;
	v3 =	vpop (erf);
	(erf) = vrcp.f32 v2  }
0x193: {  	[tilespmem:$0xB360] =	vst v3;
	v2 =	vpop (erf)  }
0x194: {  	v3 =	vpop (erf);
	[tilespmem:$0xB370] =	vst v2  }
0x195: {  	v2 =	vpop (erf);
	[tilespmem:$0xB380] =	vst v3  }
0x196: {  	v3 =	vpop (erf);
	[tilespmem:$0xB390] =	vst v2  }
0x197: {  	v2 =	vpop (erf);
	[tilespmem:$0xB3A0] =	vst v3  }
0x198: {  	v3 =	vpop (erf);
	[tilespmem:$0xB3B0] =	vst v2  }
0x199: {  	v2 =	vpop (erf);
	[tilespmem:$0xB3C0] =	vst v3  }
0x19a: {  	v3 =	vpop (erf);
	[tilespmem:$0xB3D0] =	vst v2  }
0x19b: {  	p1 =	sne.s32 s23, $0x960;
	s21 =	rddreg [dreg:$0x19];
	[tilespmem:$0xB3E0] =	vst v3;
	v2 =	vpop (erf)  }
.Ltmp6:
0x19c: {  	s1 =	sadd.s32 s23, s21;
	[tilespmem:$0xB3F0] =	vst v2;
	(pc) =	sbr.rel @p1 .LBB2_17-.Ltmp6, $4  }
0x19d: {  	[hbm4b:s1+s6] =	stream.linear.scatter [tilespmem:s9], [sflag:$0x5], $0x500, $0x38;
	[tilespmem:$0x1FE00] =	vst v63  }
0x19e: {  	_ =	swait.ge [sflag:s26], $0x500  }
0x19f: {  	[sflag:s26] =	ssyncset.done $0x0  }
0x1a0: {  	s23 =	sadd.s32 $0xA0, s23;
	[sflag:s26] =	ssyncadd.s32 $0xFFFFFB00  }
.Ltmp7:
0x1a1: {  	_ = 	snop;
	(pc) =	sbr.rel .LBB2_18-.Ltmp7, $1  }
0x1a2: {  	_ =	sdelay $0x3  }
.LBB2_2:
0x1a3: {  	[tilespmem:$0xB910] =	vst v0  }
0x1a4: {  	[tilespmem:$0xB920] =	vst v0  }
0x1a5: {  	[tilespmem:$0xB930] =	vst v0  }
0x1a6: {  	[tilespmem:$0xB940] =	vst v0  }
0x1a7: {  	[tilespmem:$0xB950] =	vst v0  }
0x1a8: {  	[tilespmem:$0xB960] =	vst v0  }
0x1a9: {  	[tilespmem:$0xB970] =	vst v0  }
0x1aa: {  	[tilespmem:$0xB980] =	vst v0  }
0x1ab: {  	[tilespmem:$0xB990] =	vst v0  }
0x1ac: {  	[tilespmem:$0xB9A0] =	vst v0  }
0x1ad: {  	[tilespmem:$0xB9B0] =	vst v0  }
0x1ae: {  	[tilespmem:$0xB9C0] =	vst v0  }
0x1af: {  	[tilespmem:$0xB9D0] =	vst v0  }
0x1b0: {  	[tilespmem:$0xB9E0] =	vst v0  }
0x1b1: {  	[tilespmem:$0xB9F0] =	vst v0  }
0x1b2: {  	[tilespmem:$0xBA00] =	vst v0  }
0x1b3: {  	[tilespmem:$0xBA10] =	vst v0  }
0x1b4: {  	[tilespmem:$0xBA20] =	vst v0  }
0x1b5: {  	[tilespmem:$0xBA30] =	vst v0  }
0x1b6: {  	[tilespmem:$0xBA40] =	vst v0  }
0x1b7: {  	[tilespmem:$0xBA50] =	vst v0  }
0x1b8: {  	[tilespmem:$0xBA60] =	vst v0  }
0x1b9: {  	[tilespmem:$0xBA70] =	vst v0  }
0x1ba: {  	[tilespmem:$0xBA80] =	vst v0  }
0x1bb: {  	[tilespmem:$0xBA90] =	vst v0  }
0x1bc: {  	[tilespmem:$0xBAA0] =	vst v0  }
0x1bd: {  	[tilespmem:$0xBAB0] =	vst v0  }
0x1be: {  	[tilespmem:$0xBAC0] =	vst v0  }
0x1bf: {  	[tilespmem:$0xBAD0] =	vst v0  }
0x1c0: {  	[tilespmem:$0xBAE0] =	vst v0  }
0x1c1: {  	[tilespmem:$0xBAF0] =	vst v0  }
0x1c2: {  	[tilespmem:$0xBB00] =	vst v0  }
0x1c3: {  	[tilespmem:$0xBB10] =	vst v0  }
0x1c4: {  	[tilespmem:$0xBB20] =	vst v0  }
0x1c5: {  	[tilespmem:$0xBB30] =	vst v0  }
0x1c6: {  	[tilespmem:$0xBB40] =	vst v0;
	s23 =	simm.s32 $0x0  }
0x1c7: {  	[tilespmem:$0xBB50] =	vst v0;
	s5 =	sand.u32 $0x1FE00, s23  }
0x1c8: {  	[tilespmem:$0xBB60] =	vst v0;
	s1 =	sand.u32 $0x70, s23;
	s5 =	sshrl.u32 s5, $0x2  }
0x1c9: {  	[tilespmem:$0xBB70] =	vst v0;
	s24 =	simm.s32 $0x40;
	s5 =	sor.u32 s1, s5  }
.LBB2_3:
0x1ca: {  	p1 =	sne.s32 s24, $0x13FC0  }
0x1cb: {  	[tilespmem:s5+$0xA00] =	vst v0;
	s23 =	sadd.s32 $0x10, s23;
	s5 =	smov.u32 s24;
	s24 =	sadd.s32 $0x40, s24  }
.Ltmp8:
0x1cc: {  	(pc) =	sbr.rel @p1 .LBB2_3-.Ltmp8, $4  }
0x1cd: {  	_ = 	snop  }
0x1ce: {  	s5 =	sand.u32 $0x1FE00, s5  }
0x1cf: {  	s1 =	sand.u32 $0x70, s23;
	s5 =	sshrl.u32 s5, $0x2  }
0x1d0: {  	s5 =	sor.u32 s1, s5  }
0x1d1: {  	[tilespmem:s5+$0xA00] =	vst v0;
	s23 =	simm.s32 $0x40;
	s5 =	simm.s32 $0x0  }
.LBB2_5:
0x1d2: {  	p1 =	sne.s32 s23, $0x13C0;
	[tilespmem:s5+$0xAA00] =	vst v1;
	s1 =	smov.u32 s23;
	s23 =	sadd.s32 $0x40, s23  }
.Ltmp9:
0x1d3: {  	(pc) =	sbr.rel @p1 .LBB2_5-.Ltmp9, $2  }
0x1d4: {  	_ =	sdelay $0x2  }
0x1d5: {  	s5 =	sshra.s32 s1, $0x2  }
0x1d6: {  	[tilespmem:s5+$0xAA00] =	vst v1;
	s1 =	rddreg [dreg:$0xa]  }
0x1d7: {  	[spmem:s1] =	stream.linear.scatter [tilespmem:s25], [sflag:$0x5], $0x5000, $0x38;
	[tilespmem:$0x1FE00] =	vst v63  }
0x1d8: {  	_ =	swait.ge [sflag:s26], $0x5000  }
0x1d9: {  	[sflag:s26] =	ssyncset.done $0x0  }
0x1da: {  	s18 =	rddreg [dreg:$0xb];
	[sflag:s26] =	ssyncadd.s32 $0xFFFFB000  }
0x1db: {  	[spmem:s18] =	stream.linear.scatter [tilespmem:s25], [sflag:$0x5], $0x5000, $0x38;
	[tilespmem:$0x1FE00] =	vst v63  }
0x1dc: {  	_ =	swait.ge [sflag:s26], $0x5000  }
0x1dd: {  	[sflag:s26] =	ssyncset.done $0x0  }
0x1de: {  	s19 =	rddreg [dreg:$0xc];
	[sflag:s26] =	ssyncadd.s32 $0xFFFFB000  }
0x1df: {  	[spmem:s19] =	stream.linear.scatter [tilespmem:s25], [sflag:$0x5], $0x5000, $0x38;
	[tilespmem:$0x1FE00] =	vst v63  }
0x1e0: {  	_ =	swait.ge [sflag:s26], $0x5000  }
0x1e1: {  	[sflag:s26] =	ssyncset.done $0x0  }
0x1e2: {  	s20 =	rddreg [dreg:$0xd];
	[sflag:s26] =	ssyncadd.s32 $0xFFFFB000  }
0x1e3: {  	[spmem:s20] =	stream.linear.scatter [tilespmem:s25], [sflag:$0x5], $0x5000, $0x38;
	[tilespmem:$0x1FE00] =	vst v63  }
0x1e4: {  	_ =	swait.ge [sflag:s26], $0x5000  }
0x1e5: {  	[sflag:s26] =	ssyncset.done $0x0  }
0x1e6: {  	s22 =	simm.s32 $0xB900;
	s21 =	rddreg [dreg:$0xe];
	[sflag:s26] =	ssyncadd.s32 $0xFFFFB000  }
0x1e7: {  	[spmem:s21] =	stream.linear.scatter [tilespmem:s22], [sflag:$0x5], $0x280, $0x38;
	[tilespmem:$0x1FE00] =	vst v63  }
0x1e8: {  	_ =	swait.ge [sflag:s26], $0x280  }
0x1e9: {  	[sflag:s26] =	ssyncset.done $0x0  }
0x1ea: {  	[sflag:s26] =	ssyncadd.s32 $0xFFFFFD80  }
0x1eb: {  	[bflag:$0x0] =	sbarrier.arrive $0xFFFF  }
0x1ec: {  	s23 =	rddreg [dreg:$0x8]  }
0x1ed: {  	s1 =	sadd.s32 $0x0, s23  }
0x1ee: {  	[tilespmem:s6], [sflag:$0x5] =	stream.linear.gather [hbm4b:s1+s6], $0x500, $0x38;
	[tilespmem:$0x1FE00] =	vst v63  }
0x1ef: {  	_ =	swait.ge [sflag:s26], $0x500  }
0x1f0: {  	[sflag:s26] =	ssyncset.done $0x0  }
0x1f1: {  	s24 =	sadd.s32 $0x0, s7;
	[sflag:s26] =	ssyncadd.s32 $0xFFFFFB00  }
0x1f2: {  	[tilespmem:s29], [sflag:$0x5] =	stream.linear.gather [hbm4b:s24+s6], $0x500, $0x38;
	[tilespmem:$0x1FE00] =	vst v63  }
0x1f3: {  	_ =	swait.ge [sflag:s26], $0x500  }
0x1f4: {  	[sflag:s26] =	ssyncset.done $0x0  }
0x1f5: {  	[sflag:s26] =	ssyncadd.s32 $0xFFFFFB00  }
0x1f6: {  	[tilespmem:s25], [sflag:$0x1] =	stream.indirect.gather [hbm4b:s0+s30], $0x80, s6, s30, $0xb8;
	[tilespmem:$0x1FE00] =	vst v63  }
0x1f7: {  	_ = 	snop  }
0x1f8: {  	[tilespmem:s31], [sflag:$0x1] =	stream.indirect.gather [hbm4b:s0+s30], $0x80, s30, s30, $0xb8;
	[tilespmem:$0x1FE00] =	vst v63  }
0x1f9: {  	s12 =	simm.s32 $0xAA00;
	s24 =	rddreg [dreg:$0x6]  }
0x1fa: {  	[spmem:s24] =	stream.indirect.scatter.add.f32 [tilespmem:s12], [sflag:$0x3], $0x1, s29, s29, $0xb8;
	[tilespmem:$0x1FE00] =	vst v63  }
0x1fb: {  	_ =	swait.ge [sflag:s4], $0x5000  }
0x1fc: {  	[sflag:s4] =	ssyncset.done $0x0  }
0x1fd: {  	[sflag:s4] =	ssyncadd.s32 $0xFFFFB000  }
0x1fe: {  	[spmem:s3] =	stream.indirect.scatter.add.f32 [tilespmem:s25], [sflag:$0x2], $0x80, s29, s30, $0xb8;
	[tilespmem:$0x1FE00] =	vst v63  }
0x1ff: {  	_ =	swait.ge [sflag:s28], $0x5000  }
0x200: {  	[sflag:s28] =	ssyncset.done $0x0  }
0x201: {  	s13 =	simm.s32 $0x140;
	[sflag:s28] =	ssyncadd.s32 $0xFFFFB000  }
0x202: {  	[tilespmem:s25], [sflag:$0x1] =	stream.indirect.gather [hbm4b:s0+s30], $0x80, s13, s30, $0xb8;
	[tilespmem:$0x1FE00] =	vst v63  }
0x203: {  	_ =	swait.ge [sflag:s4], $0x5000  }
0x204: {  	[sflag:s4] =	ssyncset.done $0x0  }
0x205: {  	s14 =	simm.s32 $0x5A0;
	[sflag:s4] =	ssyncadd.s32 $0xFFFFB000  }
0x206: {  	[spmem:s3] =	stream.indirect.scatter.add.f32 [tilespmem:s31], [sflag:$0x2], $0x80, s14, s30, $0xb8;
	[tilespmem:$0x1FE00] =	vst v63  }
0x207: {  	_ =	swait.ge [sflag:s28], $0x5000  }
0x208: {  	[sflag:s28] =	ssyncset.done $0x0  }
0x209: {  	s15 =	simm.s32 $0x1E0;
	[sflag:s28] =	ssyncadd.s32 $0xFFFFB000  }
0x20a: {  	[tilespmem:s31], [sflag:$0x1] =	stream.indirect.gather [hbm4b:s0+s30], $0x80, s15, s30, $0xb8;
	[tilespmem:$0x1FE00] =	vst v63  }
0x20b: {  	_ =	swait.ge [sflag:s4], $0x5000  }
0x20c: {  	[sflag:s4] =	ssyncset.done $0x0  }
0x20d: {  	s16 =	simm.s32 $0x640;
	[sflag:s4] =	ssyncadd.s32 $0xFFFFB000  }
0x20e: {  	[spmem:s3] =	stream.indirect.scatter.add.f32 [tilespmem:s25], [sflag:$0x2], $0x80, s16, s30, $0xb8;
	[tilespmem:$0x1FE00] =	vst v63  }
0x20f: {  	_ =	swait.ge [sflag:s28], $0x5000  }
0x210: {  	[sflag:s28] =	ssyncset.done $0x0  }
0x211: {  	s17 =	simm.s32 $0x280;
	[sflag:s28] =	ssyncadd.s32 $0xFFFFB000  }
0x212: {  	[tilespmem:s25], [sflag:$0x1] =	stream.indirect.gather [hbm4b:s0+s30], $0x80, s17, s30, $0xb8;
	[tilespmem:$0x1FE00] =	vst v63  }
0x213: {  	_ =	swait.ge [sflag:s4], $0x5000  }
0x214: {  	[sflag:s4] =	ssyncset.done $0x0  }
0x215: {  	s18 =	simm.s32 $0x6E0;
	[sflag:s4] =	ssyncadd.s32 $0xFFFFB000  }
0x216: {  	[spmem:s3] =	stream.indirect.scatter.add.f32 [tilespmem:s31], [sflag:$0x2], $0x80, s18, s30, $0xb8;
	[tilespmem:$0x1FE00] =	vst v63  }
0x217: {  	_ =	swait.ge [sflag:s28], $0x5000  }
0x218: {  	[sflag:s28] =	ssyncset.done $0x0  }
0x219: {  	s19 =	simm.s32 $0x320;
	[sflag:s28] =	ssyncadd.s32 $0xFFFFB000  }
0x21a: {  	[tilespmem:s31], [sflag:$0x1] =	stream.indirect.gather [hbm4b:s0+s30], $0x80, s19, s30, $0xb8;
	[tilespmem:$0x1FE00] =	vst v63  }
0x21b: {  	_ =	swait.ge [sflag:s4], $0x5000  }
0x21c: {  	[sflag:s4] =	ssyncset.done $0x0  }
0x21d: {  	s11 =	simm.s32 $0x780;
	[sflag:s4] =	ssyncadd.s32 $0xFFFFB000  }
0x21e: {  	[spmem:s3] =	stream.indirect.scatter.add.f32 [tilespmem:s25], [sflag:$0x2], $0x80, s11, s30, $0xb8;
	[tilespmem:$0x1FE00] =	vst v63  }
0x21f: {  	_ =	swait.ge [sflag:s28], $0x5000  }
0x220: {  	[sflag:s28] =	ssyncset.done $0x0  }
0x221: {  	s20 =	simm.s32 $0x3C0;
	[sflag:s28] =	ssyncadd.s32 $0xFFFFB000  }
0x222: {  	[tilespmem:s25], [sflag:$0x1] =	stream.indirect.gather [hbm4b:s0+s30], $0x80, s20, s30, $0xb8;
	[tilespmem:$0x1FE00] =	vst v63  }
0x223: {  	_ =	swait.ge [sflag:s4], $0x5000  }
0x224: {  	[sflag:s4] =	ssyncset.done $0x0  }
0x225: {  	s22 =	simm.s32 $0x820;
	[sflag:s4] =	ssyncadd.s32 $0xFFFFB000  }
0x226: {  	[spmem:s3] =	stream.indirect.scatter.add.f32 [tilespmem:s31], [sflag:$0x2], $0x80, s22, s30, $0xb8;
	[tilespmem:$0x1FE00] =	vst v63  }
0x227: {  	_ =	swait.ge [sflag:s28], $0x5000  }
0x228: {  	[sflag:s28] =	ssyncset.done $0x0  }
0x229: {  	s8 =	simm.s32 $0x460;
	[sflag:s28] =	ssyncadd.s32 $0xFFFFB000  }
0x22a: {  	[tilespmem:s31], [sflag:$0x1] =	stream.indirect.gather [hbm4b:s0+s30], $0x80, s8, s30, $0xb8;
	[tilespmem:$0x1FE00] =	vst v63  }
0x22b: {  	_ =	swait.ge [sflag:s4], $0x5000  }
0x22c: {  	[sflag:s4] =	ssyncset.done $0x0  }
0x22d: {  	s9 =	simm.s32 $0x8C0;
	[sflag:s4] =	ssyncadd.s32 $0xFFFFB000  }
0x22e: {  	[spmem:s3] =	stream.indirect.scatter.add.f32 [tilespmem:s25], [sflag:$0x2], $0x80, s9, s30, $0xb8;
	[tilespmem:$0x1FE00] =	vst v63  }
0x22f: {  	_ =	swait.ge [sflag:s4], $0x5000  }
0x230: {  	[sflag:s4] =	ssyncset.done $0x0  }
0x231: {  	s21 =	simm.s32 $0x960;
	[sflag:s4] =	ssyncadd.s32 $0xFFFFB000  }
0x232: {  	[spmem:s3] =	stream.indirect.scatter.add.f32 [tilespmem:s31], [sflag:$0x2], $0x80, s21, s30, $0xb8;
	[tilespmem:$0x1FE00] =	vst v63  }
0x233: {  	_ =	swait.ge [sflag:s28], $0x5000  }
0x234: {  	[sflag:s28] =	ssyncset.done $0x0  }
0x235: {  	[sflag:s28] =	ssyncadd.s32 $0xFFFFB000  }
0x236: {  	_ =	swait.ge [sflag:s28], $0x5000  }
0x237: {  	[sflag:s28] =	ssyncset.done $0x0  }
0x238: {  	[sflag:s28] =	ssyncadd.s32 $0xFFFFB000  }
0x239: {  	s23 =	simm.s32 $0xA0;
	_ =	swait.ge [sflag:s10], $0x500  }
.LBB2_7:
0x23a: {  	s1 =	rddreg [dreg:$0x8];
	s5 =	smov.u32 s23;
	[sflag:s10] =	ssyncset.done $0x0  }
0x23b: {  	s1 =	sadd.s32 s5, s1;
	[sflag:s10] =	ssyncadd.s32 $0xFFFFFB00  }
0x23c: {  	[tilespmem:s6], [sflag:$0x5] =	stream.linear.gather [hbm4b:s1+s6], $0x500, $0x38;
	[tilespmem:$0x1FE00] =	vst v63  }
0x23d: {  	_ =	swait.ge [sflag:s26], $0x500  }
0x23e: {  	[sflag:s26] =	ssyncset.done $0x0  }
0x23f: {  	s5 =	sadd.s32 s5, s7;
	[sflag:s26] =	ssyncadd.s32 $0xFFFFFB00  }
0x240: {  	[tilespmem:s29], [sflag:$0x5] =	stream.linear.gather [hbm4b:s5+s6], $0x500, $0x38;
	[tilespmem:$0x1FE00] =	vst v63  }
0x241: {  	_ =	swait.ge [sflag:s26], $0x500  }
0x242: {  	[sflag:s26] =	ssyncset.done $0x0  }
0x243: {  	[sflag:s26] =	ssyncadd.s32 $0xFFFFFB00  }
0x244: {  	[tilespmem:s25], [sflag:$0x1] =	stream.indirect.gather [hbm4b:s0+s30], $0x80, s6, s30, $0xb8;
	[tilespmem:$0x1FE00] =	vst v63  }
0x245: {  	_ = 	snop  }
0x246: {  	[tilespmem:s31], [sflag:$0x1] =	stream.indirect.gather [hbm4b:s0+s30], $0x80, s30, s30, $0xb8;
	[tilespmem:$0x1FE00] =	vst v63  }
0x247: {  	_ = 	snop  }
0x248: {  	[spmem:s24] =	stream.indirect.scatter.add.f32 [tilespmem:s12], [sflag:$0x3], $0x1, s29, s29, $0xb8;
	[tilespmem:$0x1FE00] =	vst v63  }
0x249: {  	_ =	swait.ge [sflag:s4], $0x5000  }
0x24a: {  	[sflag:s4] =	ssyncset.done $0x0  }
0x24b: {  	[sflag:s4] =	ssyncadd.s32 $0xFFFFB000  }
0x24c: {  	[spmem:s3] =	stream.indirect.scatter.add.f32 [tilespmem:s25], [sflag:$0x2], $0x80, s29, s30, $0xb8;
	[tilespmem:$0x1FE00] =	vst v63  }
0x24d: {  	_ =	swait.ge [sflag:s28], $0x5000  }
0x24e: {  	[sflag:s28] =	ssyncset.done $0x0  }
0x24f: {  	[sflag:s28] =	ssyncadd.s32 $0xFFFFB000  }
0x250: {  	[tilespmem:s25], [sflag:$0x1] =	stream.indirect.gather [hbm4b:s0+s30], $0x80, s13, s30, $0xb8;
	[tilespmem:$0x1FE00] =	vst v63  }
0x251: {  	_ =	swait.ge [sflag:s4], $0x5000  }
0x252: {  	[sflag:s4] =	ssyncset.done $0x0  }
0x253: {  	[sflag:s4] =	ssyncadd.s32 $0xFFFFB000  }
0x254: {  	[spmem:s3] =	stream.indirect.scatter.add.f32 [tilespmem:s31], [sflag:$0x2], $0x80, s14, s30, $0xb8;
	[tilespmem:$0x1FE00] =	vst v63  }
0x255: {  	_ =	swait.ge [sflag:s28], $0x5000  }
0x256: {  	[sflag:s28] =	ssyncset.done $0x0  }
0x257: {  	[sflag:s28] =	ssyncadd.s32 $0xFFFFB000  }
0x258: {  	[tilespmem:s31], [sflag:$0x1] =	stream.indirect.gather [hbm4b:s0+s30], $0x80, s15, s30, $0xb8;
	[tilespmem:$0x1FE00] =	vst v63  }
0x259: {  	_ =	swait.ge [sflag:s4], $0x5000  }
0x25a: {  	[sflag:s4] =	ssyncset.done $0x0  }
0x25b: {  	[sflag:s4] =	ssyncadd.s32 $0xFFFFB000  }
0x25c: {  	[spmem:s3] =	stream.indirect.scatter.add.f32 [tilespmem:s25], [sflag:$0x2], $0x80, s16, s30, $0xb8;
	[tilespmem:$0x1FE00] =	vst v63  }
0x25d: {  	_ =	swait.ge [sflag:s28], $0x5000  }
0x25e: {  	[sflag:s28] =	ssyncset.done $0x0  }
0x25f: {  	[sflag:s28] =	ssyncadd.s32 $0xFFFFB000  }
0x260: {  	[tilespmem:s25], [sflag:$0x1] =	stream.indirect.gather [hbm4b:s0+s30], $0x80, s17, s30, $0xb8;
	[tilespmem:$0x1FE00] =	vst v63  }
0x261: {  	_ =	swait.ge [sflag:s4], $0x5000  }
0x262: {  	[sflag:s4] =	ssyncset.done $0x0  }
0x263: {  	[sflag:s4] =	ssyncadd.s32 $0xFFFFB000  }
0x264: {  	[spmem:s3] =	stream.indirect.scatter.add.f32 [tilespmem:s31], [sflag:$0x2], $0x80, s18, s30, $0xb8;
	[tilespmem:$0x1FE00] =	vst v63  }
0x265: {  	_ =	swait.ge [sflag:s28], $0x5000  }
0x266: {  	[sflag:s28] =	ssyncset.done $0x0  }
0x267: {  	[sflag:s28] =	ssyncadd.s32 $0xFFFFB000  }
0x268: {  	[tilespmem:s31], [sflag:$0x1] =	stream.indirect.gather [hbm4b:s0+s30], $0x80, s19, s30, $0xb8;
	[tilespmem:$0x1FE00] =	vst v63  }
0x269: {  	_ =	swait.ge [sflag:s4], $0x5000  }
0x26a: {  	[sflag:s4] =	ssyncset.done $0x0  }
0x26b: {  	[sflag:s4] =	ssyncadd.s32 $0xFFFFB000  }
0x26c: {  	[spmem:s3] =	stream.indirect.scatter.add.f32 [tilespmem:s25], [sflag:$0x2], $0x80, s11, s30, $0xb8;
	[tilespmem:$0x1FE00] =	vst v63  }
0x26d: {  	_ =	swait.ge [sflag:s28], $0x5000  }
0x26e: {  	[sflag:s28] =	ssyncset.done $0x0  }
0x26f: {  	[sflag:s28] =	ssyncadd.s32 $0xFFFFB000  }
0x270: {  	[tilespmem:s25], [sflag:$0x1] =	stream.indirect.gather [hbm4b:s0+s30], $0x80, s20, s30, $0xb8;
	[tilespmem:$0x1FE00] =	vst v63  }
0x271: {  	_ =	swait.ge [sflag:s4], $0x5000  }
0x272: {  	[sflag:s4] =	ssyncset.done $0x0  }
0x273: {  	[sflag:s4] =	ssyncadd.s32 $0xFFFFB000  }
0x274: {  	[spmem:s3] =	stream.indirect.scatter.add.f32 [tilespmem:s31], [sflag:$0x2], $0x80, s22, s30, $0xb8;
	[tilespmem:$0x1FE00] =	vst v63  }
0x275: {  	_ =	swait.ge [sflag:s28], $0x5000  }
0x276: {  	[sflag:s28] =	ssyncset.done $0x0  }
0x277: {  	[sflag:s28] =	ssyncadd.s32 $0xFFFFB000  }
0x278: {  	[tilespmem:s31], [sflag:$0x1] =	stream.indirect.gather [hbm4b:s0+s30], $0x80, s8, s30, $0xb8;
	[tilespmem:$0x1FE00] =	vst v63  }
0x279: {  	_ =	swait.ge [sflag:s4], $0x5000  }
0x27a: {  	[sflag:s4] =	ssyncset.done $0x0  }
0x27b: {  	[sflag:s4] =	ssyncadd.s32 $0xFFFFB000  }
0x27c: {  	[spmem:s3] =	stream.indirect.scatter.add.f32 [tilespmem:s25], [sflag:$0x2], $0x80, s9, s30, $0xb8;
	[tilespmem:$0x1FE00] =	vst v63  }
0x27d: {  	_ =	swait.ge [sflag:s4], $0x5000  }
0x27e: {  	[sflag:s4] =	ssyncset.done $0x0  }
0x27f: {  	[sflag:s4] =	ssyncadd.s32 $0xFFFFB000  }
0x280: {  	[spmem:s3] =	stream.indirect.scatter.add.f32 [tilespmem:s31], [sflag:$0x2], $0x80, s21, s30, $0xb8;
	[tilespmem:$0x1FE00] =	vst v63  }
0x281: {  	_ =	swait.ge [sflag:s28], $0x5000  }
0x282: {  	p1 =	sne.s32 s23, $0x960;
	[sflag:s28] =	ssyncset.done $0x0  }
.Ltmp10:
0x283: {  	[sflag:s28] =	ssyncadd.s32 $0xFFFFB000;
	(pc) =	sbr.rel @p1 .LBB2_7-.Ltmp10, $4  }
0x284: {  	_ =	swait.ge [sflag:s28], $0x5000  }
0x285: {  	[sflag:s28] =	ssyncset.done $0x0  }
0x286: {  	[sflag:s28] =	ssyncadd.s32 $0xFFFFB000  }
0x287: {  	s23 =	sadd.s32 $0xA0, s23;
	_ =	swait.ge [sflag:s10], $0x500  }
0x288: {  	[sflag:s10] =	ssyncset.done $0x0  }
0x289: {  	[sflag:s10] =	ssyncadd.s32 $0xFFFFFB00  }
0x28a: {  	[bflag:$0x0] =	sbarrier.arrive $0xFFFF  }
0x28b: {  	s1 =	rddreg [dreg:$0xa]  }
0x28c: {  	[tilespmem:s25], [sflag:$0x5] =	stream.linear.gather [spmem:s1], $0x5000, $0x38;
	[tilespmem:$0x1FE00] =	vst v63  }
0x28d: {  	_ =	swait.ge [sflag:s26], $0x5000  }
0x28e: {  	[sflag:s26] =	ssyncset.done $0x0  }
0x28f: {  	s23 =	simm.s32 $0x0;
	s16 =	rddreg [dreg:$0xf];
	[sflag:s26] =	ssyncadd.s32 $0xFFFFB000  }
0x290: {  	[hbm4b:s16+s23] =	stream.linear.scatter [tilespmem:s25], [sflag:$0x4], $0x5000, $0x38;
	[tilespmem:$0x1FE00] =	vst v63  }
0x291: {  	s17 =	rddreg [dreg:$0xb]  }
0x292: {  	[tilespmem:s31], [sflag:$0x5] =	stream.linear.gather [spmem:s17], $0x5000, $0x38;
	[tilespmem:$0x1FE00] =	vst v63  }
0x293: {  	_ =	swait.ge [sflag:s26], $0x5000  }
0x294: {  	[sflag:s26] =	ssyncset.done $0x0  }
0x295: {  	s8 =	simm.s32 $0x4;
	s18 =	rddreg [dreg:$0x10];
	[sflag:s26] =	ssyncadd.s32 $0xFFFFB000  }
0x296: {  	[hbm4b:s18+s23] =	stream.linear.scatter [tilespmem:s31], [sflag:$0x4], $0x5000, $0x38;
	[tilespmem:$0x1FE00] =	vst v63  }
0x297: {  	_ =	swait.ge [sflag:s8], $0x5000  }
0x298: {  	[sflag:s8] =	ssyncset.done $0x0  }
0x299: {  	s19 =	rddreg [dreg:$0xc];
	[sflag:s8] =	ssyncadd.s32 $0xFFFFB000  }
0x29a: {  	[tilespmem:s25], [sflag:$0x5] =	stream.linear.gather [spmem:s19], $0x5000, $0x38;
	[tilespmem:$0x1FE00] =	vst v63  }
0x29b: {  	_ =	swait.ge [sflag:s26], $0x5000  }
0x29c: {  	[sflag:s26] =	ssyncset.done $0x0  }
0x29d: {  	s20 =	rddreg [dreg:$0x11];
	[sflag:s26] =	ssyncadd.s32 $0xFFFFB000  }
0x29e: {  	[hbm4b:s20+s23] =	stream.linear.scatter [tilespmem:s25], [sflag:$0x4], $0x5000, $0x38;
	[tilespmem:$0x1FE00] =	vst v63  }
0x29f: {  	_ =	swait.ge [sflag:s8], $0x5000  }
0x2a0: {  	[sflag:s8] =	ssyncset.done $0x0  }
0x2a1: {  	s21 =	rddreg [dreg:$0xd];
	[sflag:s8] =	ssyncadd.s32 $0xFFFFB000  }
0x2a2: {  	[tilespmem:s31], [sflag:$0x5] =	stream.linear.gather [spmem:s21], $0x5000, $0x38;
	[tilespmem:$0x1FE00] =	vst v63  }
0x2a3: {  	_ =	swait.ge [sflag:s26], $0x5000  }
0x2a4: {  	[sflag:s26] =	ssyncset.done $0x0;
	s22 =	rddreg [dreg:$0x12]  }
0x2a5: {  	s5 =	rddreg [dreg:$0x18];
	[sflag:s26] =	ssyncadd.s32 $0xFFFFB000  }
0x2a6: {  	[hbm4b:s22+s23] =	stream.linear.scatter [tilespmem:s31], [sflag:$0x4], $0x5000, $0x38;
	[tilespmem:$0x1FE00] =	vst v63  }
0x2a7: {  	s9 =	simm.s32 $0xB400;
	s11 =	simm.s32 $0xAF00;
	s22 =	rddreg [dreg:$0x1b]  }
.LBB2_9:
0x2a8: {  	s1 =	sadd.s32 s23, s7  }
0x2a9: {  	[tilespmem:s29], [sflag:$0x5] =	stream.linear.gather [hbm4b:s1+s6], $0x500, $0x38;
	[tilespmem:$0x1FE00] =	vst v63  }
0x2aa: {  	_ =	swait.ge [sflag:s26], $0x500  }
0x2ab: {  	[sflag:s26] =	ssyncset.done $0x0  }
0x2ac: {  	[sflag:s26] =	ssyncadd.s32 $0xFFFFFB00  }
0x2ad: {  	[tilespmem:s9], [sflag:$0x1] =	stream.indirect.gather [spmem:s24], $0x1, s29, s29, $0xb8;
	[tilespmem:$0x1FE00] =	vst v63  }
0x2ae: {  	_ =	swait.ge [sflag:s4], $0x500  }
0x2af: {  	[sflag:s4] =	ssyncset.done $0x0  }
0x2b0: {  	[sflag:s4] =	ssyncadd.s32 $0xFFFFFB00  }
0x2b1: {  	v2 =	vld [tilespmem:$0xB400]  }
0x2b2: {  	v3 =	vld [tilespmem:$0xB410]  }
0x2b3: {  	v4 =	vld [tilespmem:$0xB420]  }
0x2b4: {  	v5 =	vld [tilespmem:$0xB430]  }
0x2b5: {  	v6 =	vld [tilespmem:$0xB440]  }
0x2b6: {  	v7 =	vld [tilespmem:$0xB450];
	v2 =	vmax.f32 v2, $1.000000000e+00  }
0x2b7: {  	(erf) = vrcp.f32 v2;
	v2 =	vmax.f32 v3, $1.000000000e+00;
	v3 =	vld [tilespmem:$0xB460]  }
0x2b8: {  	v43 =	vld [tilespmem:$0xB470];
	(erf) = vrcp.f32 v2;
	v2 =	vmax.f32 v4, $1.000000000e+00  }
0x2b9: {  	v44 =	vld [tilespmem:$0xB480];
	(erf) = vrcp.f32 v2;
	v2 =	vmax.f32 v5, $1.000000000e+00  }
0x2ba: {  	v45 =	vld [tilespmem:$0xB490];
	(erf) = vrcp.f32 v2;
	v2 =	vmax.f32 v6, $1.000000000e+00  }
0x2bb: {  	v46 =	vld [tilespmem:$0xB4A0];
	(erf) = vrcp.f32 v2;
	v2 =	vmax.f32 v7, $1.000000000e+00  }
0x2bc: {  	(erf) = vrcp.f32 v2;
	v2 =	vmax.f32 v3, $1.000000000e+00;
	v3 =	vld [tilespmem:$0xB4B0]  }
0x2bd: {  	v47 =	vld [tilespmem:$0xB4C0];
	(erf) = vrcp.f32 v2;
	v2 =	vmax.f32 v43, $1.000000000e+00  }
0x2be: {  	v48 =	vld [tilespmem:$0xB4D0];
	(erf) = vrcp.f32 v2;
	v2 =	vmax.f32 v44, $1.000000000e+00  }
0x2bf: {  	v49 =	vld [tilespmem:$0xB4E0];
	(erf) = vrcp.f32 v2;
	v2 =	vmax.f32 v45, $1.000000000e+00  }
0x2c0: {  	v50 =	vld [tilespmem:$0xB4F0];
	v8 =	vpop (erf);
	(erf) = vrcp.f32 v2;
	v2 =	vmax.f32 v46, $1.000000000e+00  }
0x2c1: {  	v51 =	vpop (erf);
	(erf) = vrcp.f32 v2;
	v2 =	vmax.f32 v3, $1.000000000e+00;
	v3 =	vld [tilespmem:$0xB500]  }
0x2c2: {  	v53 =	vld [tilespmem:$0xB510];
	[tilespmem:$0xAF00] =	vst v8;
	v52 =	vpop (erf);
	(erf) = vrcp.f32 v2;
	v2 =	vmax.f32 v47, $1.000000000e+00  }
0x2c3: {  	v55 =	vld [tilespmem:$0xB520];
	[tilespmem:$0xAF10] =	vst v51;
	v54 =	vpop (erf);
	(erf) = vrcp.f32 v2;
	v2 =	vmax.f32 v48, $1.000000000e+00  }
0x2c4: {  	v57 =	vld [tilespmem:$0xB530];
	[tilespmem:$0xAF20] =	vst v52;
	v56 =	vpop (erf);
	(erf) = vrcp.f32 v2;
	v2 =	vmax.f32 v49, $1.000000000e+00  }
0x2c5: {  	v59 =	vld [tilespmem:$0xB540];
	[tilespmem:$0xAF30] =	vst v54;
	v58 =	vpop (erf);
	(erf) = vrcp.f32 v2;
	v2 =	vmax.f32 v50, $1.000000000e+00  }
0x2c6: {  	[tilespmem:$0xAF40] =	vst v56;
	v60 =	vpop (erf);
	(erf) = vrcp.f32 v2;
	v2 =	vmax.f32 v3, $1.000000000e+00;
	v3 =	vld [tilespmem:$0xB550]  }
0x2c7: {  	v62 =	vld [tilespmem:$0xB560];
	[tilespmem:$0xAF50] =	vst v58;
	v61 =	vpop (erf);
	(erf) = vrcp.f32 v2;
	v2 =	vmax.f32 v53, $1.000000000e+00  }
0x2c8: {  	v12 =	vld [tilespmem:$0xB570];
	[tilespmem:$0xAF60] =	vst v60;
	v63 =	vpop (erf);
	(erf) = vrcp.f32 v2;
	v2 =	vmax.f32 v55, $1.000000000e+00  }
0x2c9: {  	v14 =	vld [tilespmem:$0xB580];
	[tilespmem:$0xAF70] =	vst v61;
	v13 =	vpop (erf);
	(erf) = vrcp.f32 v2;
	v2 =	vmax.f32 v57, $1.000000000e+00  }
0x2ca: {  	v16 =	vld [tilespmem:$0xB590];
	[tilespmem:$0xAF80] =	vst v63;
	v15 =	vpop (erf);
	(erf) = vrcp.f32 v2;
	v2 =	vmax.f32 v59, $1.000000000e+00  }
0x2cb: {  	[tilespmem:$0xAF90] =	vst v13;
	v17 =	vpop (erf);
	(erf) = vrcp.f32 v2;
	v2 =	vmax.f32 v3, $1.000000000e+00;
	v3 =	vld [tilespmem:$0xB5A0]  }
0x2cc: {  	v19 =	vld [tilespmem:$0xB5B0];
	[tilespmem:$0xAFA0] =	vst v15;
	v18 =	vpop (erf);
	(erf) = vrcp.f32 v2;
	v2 =	vmax.f32 v62, $1.000000000e+00  }
0x2cd: {  	v21 =	vld [tilespmem:$0xB5C0];
	[tilespmem:$0xAFB0] =	vst v17;
	v20 =	vpop (erf);
	(erf) = vrcp.f32 v2;
	v2 =	vmax.f32 v12, $1.000000000e+00  }
0x2ce: {  	v23 =	vld [tilespmem:$0xB5D0];
	[tilespmem:$0xAFC0] =	vst v18;
	v22 =	vpop (erf);
	(erf) = vrcp.f32 v2;
	v2 =	vmax.f32 v14, $1.000000000e+00  }
0x2cf: {  	v25 =	vld [tilespmem:$0xB5E0];
	[tilespmem:$0xAFD0] =	vst v20;
	v24 =	vpop (erf);
	(erf) = vrcp.f32 v2;
	v2 =	vmax.f32 v16, $1.000000000e+00  }
0x2d0: {  	[tilespmem:$0xAFE0] =	vst v22;
	v26 =	vpop (erf);
	(erf) = vrcp.f32 v2;
	v2 =	vmax.f32 v3, $1.000000000e+00;
	v3 =	vld [tilespmem:$0xB5F0]  }
0x2d1: {  	v28 =	vld [tilespmem:$0xB600];
	[tilespmem:$0xAFF0] =	vst v24;
	v27 =	vpop (erf);
	(erf) = vrcp.f32 v2;
	v2 =	vmax.f32 v19, $1.000000000e+00  }
0x2d2: {  	v30 =	vld [tilespmem:$0xB610];
	[tilespmem:$0xB000] =	vst v26;
	v29 =	vpop (erf);
	(erf) = vrcp.f32 v2;
	v2 =	vmax.f32 v21, $1.000000000e+00  }
0x2d3: {  	v32 =	vld [tilespmem:$0xB620];
	[tilespmem:$0xB010] =	vst v27;
	v31 =	vpop (erf);
	(erf) = vrcp.f32 v2;
	v2 =	vmax.f32 v23, $1.000000000e+00  }
0x2d4: {  	v34 =	vld [tilespmem:$0xB630];
	[tilespmem:$0xB020] =	vst v29;
	v33 =	vpop (erf);
	(erf) = vrcp.f32 v2;
	v2 =	vmax.f32 v25, $1.000000000e+00  }
0x2d5: {  	[tilespmem:$0xB030] =	vst v31;
	v35 =	vpop (erf);
	(erf) = vrcp.f32 v2;
	v2 =	vmax.f32 v3, $1.000000000e+00;
	v3 =	vld [tilespmem:$0xB640]  }
0x2d6: {  	v37 =	vld [tilespmem:$0xB650];
	[tilespmem:$0xB040] =	vst v33;
	v36 =	vpop (erf);
	(erf) = vrcp.f32 v2;
	v2 =	vmax.f32 v28, $1.000000000e+00  }
0x2d7: {  	v39 =	vld [tilespmem:$0xB660];
	[tilespmem:$0xB050] =	vst v35;
	v38 =	vpop (erf);
	(erf) = vrcp.f32 v2;
	v2 =	vmax.f32 v30, $1.000000000e+00  }
0x2d8: {  	v41 =	vld [tilespmem:$0xB670];
	[tilespmem:$0xB060] =	vst v36;
	v40 =	vpop (erf);
	(erf) = vrcp.f32 v2;
	v2 =	vmax.f32 v32, $1.000000000e+00  }
0x2d9: {  	v43 =	vld [tilespmem:$0xB680];
	[tilespmem:$0xB070] =	vst v38;
	v42 =	vpop (erf);
	(erf) = vrcp.f32 v2;
	v2 =	vmax.f32 v34, $1.000000000e+00  }
0x2da: {  	[tilespmem:$0xB080] =	vst v40;
	v44 =	vpop (erf);
	(erf) = vrcp.f32 v2;
	v2 =	vmax.f32 v3, $1.000000000e+00;
	v3 =	vld [tilespmem:$0xB690]  }
0x2db: {  	v46 =	vld [tilespmem:$0xB6A0];
	[tilespmem:$0xB090] =	vst v42;
	v45 =	vpop (erf);
	(erf) = vrcp.f32 v2;
	v2 =	vmax.f32 v37, $1.000000000e+00  }
0x2dc: {  	v48 =	vld [tilespmem:$0xB6B0];
	[tilespmem:$0xB0A0] =	vst v44;
	v47 =	vpop (erf);
	(erf) = vrcp.f32 v2;
	v2 =	vmax.f32 v39, $1.000000000e+00  }
0x2dd: {  	v50 =	vld [tilespmem:$0xB6C0];
	[tilespmem:$0xB0B0] =	vst v45;
	v49 =	vpop (erf);
	(erf) = vrcp.f32 v2;
	v2 =	vmax.f32 v41, $1.000000000e+00  }
0x2de: {  	v52 =	vld [tilespmem:$0xB6D0];
	[tilespmem:$0xB0C0] =	vst v47;
	v51 =	vpop (erf);
	(erf) = vrcp.f32 v2;
	v2 =	vmax.f32 v43, $1.000000000e+00  }
0x2df: {  	[tilespmem:$0xB0D0] =	vst v49;
	v53 =	vpop (erf);
	(erf) = vrcp.f32 v2;
	v2 =	vmax.f32 v3, $1.000000000e+00;
	v3 =	vld [tilespmem:$0xB6E0]  }
0x2e0: {  	v55 =	vld [tilespmem:$0xB6F0];
	[tilespmem:$0xB0E0] =	vst v51;
	v54 =	vpop (erf);
	(erf) = vrcp.f32 v2;
	v2 =	vmax.f32 v46, $1.000000000e+00  }
0x2e1: {  	v57 =	vld [tilespmem:$0xB700];
	[tilespmem:$0xB0F0] =	vst v53;
	v56 =	vpop (erf);
	(erf) = vrcp.f32 v2;
	v2 =	vmax.f32 v48, $1.000000000e+00  }
0x2e2: {  	v59 =	vld [tilespmem:$0xB710];
	[tilespmem:$0xB100] =	vst v54;
	v58 =	vpop (erf);
	(erf) = vrcp.f32 v2;
	v2 =	vmax.f32 v50, $1.000000000e+00  }
0x2e3: {  	v61 =	vld [tilespmem:$0xB720];
	[tilespmem:$0xB110] =	vst v56;
	v60 =	vpop (erf);
	(erf) = vrcp.f32 v2;
	v2 =	vmax.f32 v52, $1.000000000e+00  }
0x2e4: {  	[tilespmem:$0xB120] =	vst v58;
	v62 =	vpop (erf);
	(erf) = vrcp.f32 v2;
	v2 =	vmax.f32 v3, $1.000000000e+00;
	v3 =	vld [tilespmem:$0xB730]  }
0x2e5: {  	v12 =	vld [tilespmem:$0xB740];
	[tilespmem:$0xB130] =	vst v60;
	v63 =	vpop (erf);
	(erf) = vrcp.f32 v2;
	v2 =	vmax.f32 v55, $1.000000000e+00  }
0x2e6: {  	v14 =	vld [tilespmem:$0xB750];
	[tilespmem:$0xB140] =	vst v62;
	v13 =	vpop (erf);
	(erf) = vrcp.f32 v2;
	v2 =	vmax.f32 v57, $1.000000000e+00  }
0x2e7: {  	v16 =	vld [tilespmem:$0xB760];
	[tilespmem:$0xB150] =	vst v63;
	v15 =	vpop (erf);
	(erf) = vrcp.f32 v2;
	v2 =	vmax.f32 v59, $1.000000000e+00  }
0x2e8: {  	v18 =	vld [tilespmem:$0xB770];
	[tilespmem:$0xB160] =	vst v13;
	v17 =	vpop (erf);
	(erf) = vrcp.f32 v2;
	v2 =	vmax.f32 v61, $1.000000000e+00  }
0x2e9: {  	[tilespmem:$0xB170] =	vst v15;
	v19 =	vpop (erf);
	(erf) = vrcp.f32 v2;
	v2 =	vmax.f32 v3, $1.000000000e+00;
	v3 =	vld [tilespmem:$0xB780]  }
0x2ea: {  	v21 =	vld [tilespmem:$0xB790];
	[tilespmem:$0xB180] =	vst v17;
	v20 =	vpop (erf);
	(erf) = vrcp.f32 v2;
	v2 =	vmax.f32 v12, $1.000000000e+00  }
0x2eb: {  	v23 =	vld [tilespmem:$0xB7A0];
	[tilespmem:$0xB190] =	vst v19;
	v22 =	vpop (erf);
	(erf) = vrcp.f32 v2;
	v2 =	vmax.f32 v14, $1.000000000e+00  }
0x2ec: {  	v25 =	vld [tilespmem:$0xB7B0];
	[tilespmem:$0xB1A0] =	vst v20;
	v24 =	vpop (erf);
	(erf) = vrcp.f32 v2;
	v2 =	vmax.f32 v16, $1.000000000e+00  }
0x2ed: {  	v27 =	vld [tilespmem:$0xB7C0];
	[tilespmem:$0xB1B0] =	vst v22;
	v26 =	vpop (erf);
	(erf) = vrcp.f32 v2;
	v2 =	vmax.f32 v18, $1.000000000e+00  }
0x2ee: {  	[tilespmem:$0xB1C0] =	vst v24;
	v28 =	vpop (erf);
	(erf) = vrcp.f32 v2;
	v2 =	vmax.f32 v3, $1.000000000e+00;
	v3 =	vld [tilespmem:$0xB7D0]  }
0x2ef: {  	v30 =	vld [tilespmem:$0xB7E0];
	[tilespmem:$0xB1D0] =	vst v26;
	v29 =	vpop (erf);
	(erf) = vrcp.f32 v2;
	v2 =	vmax.f32 v21, $1.000000000e+00  }
0x2f0: {  	v32 =	vld [tilespmem:$0xB7F0];
	[tilespmem:$0xB1E0] =	vst v28;
	v31 =	vpop (erf);
	(erf) = vrcp.f32 v2;
	v2 =	vmax.f32 v23, $1.000000000e+00  }
0x2f1: {  	v34 =	vld [tilespmem:$0xB800];
	[tilespmem:$0xB1F0] =	vst v29;
	v33 =	vpop (erf);
	(erf) = vrcp.f32 v2;
	v2 =	vmax.f32 v25, $1.000000000e+00  }
0x2f2: {  	v36 =	vld [tilespmem:$0xB810];
	[tilespmem:$0xB200] =	vst v31;
	v35 =	vpop (erf);
	(erf) = vrcp.f32 v2;
	v2 =	vmax.f32 v27, $1.000000000e+00  }
0x2f3: {  	[tilespmem:$0xB210] =	vst v33;
	v37 =	vpop (erf);
	(erf) = vrcp.f32 v2;
	v2 =	vmax.f32 v3, $1.000000000e+00;
	v3 =	vld [tilespmem:$0xB820]  }
0x2f4: {  	v39 =	vld [tilespmem:$0xB830];
	[tilespmem:$0xB220] =	vst v35;
	v38 =	vpop (erf);
	(erf) = vrcp.f32 v2;
	v2 =	vmax.f32 v30, $1.000000000e+00  }
0x2f5: {  	v41 =	vld [tilespmem:$0xB840];
	[tilespmem:$0xB230] =	vst v37;
	v40 =	vpop (erf);
	(erf) = vrcp.f32 v2;
	v2 =	vmax.f32 v32, $1.000000000e+00  }
0x2f6: {  	v43 =	vld [tilespmem:$0xB850];
	[tilespmem:$0xB240] =	vst v38;
	v42 =	vpop (erf);
	(erf) = vrcp.f32 v2;
	v2 =	vmax.f32 v34, $1.000000000e+00  }
0x2f7: {  	v45 =	vld [tilespmem:$0xB860];
	[tilespmem:$0xB250] =	vst v40;
	v44 =	vpop (erf);
	(erf) = vrcp.f32 v2;
	v2 =	vmax.f32 v36, $1.000000000e+00  }
0x2f8: {  	[tilespmem:$0xB260] =	vst v42;
	v46 =	vpop (erf);
	(erf) = vrcp.f32 v2;
	v2 =	vmax.f32 v3, $1.000000000e+00;
	v3 =	vld [tilespmem:$0xB870]  }
0x2f9: {  	v48 =	vld [tilespmem:$0xB880];
	[tilespmem:$0xB270] =	vst v44;
	v47 =	vpop (erf);
	(erf) = vrcp.f32 v2;
	v2 =	vmax.f32 v39, $1.000000000e+00  }
0x2fa: {  	v50 =	vld [tilespmem:$0xB890];
	[tilespmem:$0xB280] =	vst v46;
	v49 =	vpop (erf);
	(erf) = vrcp.f32 v2;
	v2 =	vmax.f32 v41, $1.000000000e+00  }
0x2fb: {  	v52 =	vld [tilespmem:$0xB8A0];
	[tilespmem:$0xB290] =	vst v47;
	v51 =	vpop (erf);
	(erf) = vrcp.f32 v2;
	v2 =	vmax.f32 v43, $1.000000000e+00  }
0x2fc: {  	v54 =	vld [tilespmem:$0xB8B0];
	[tilespmem:$0xB2A0] =	vst v49;
	v53 =	vpop (erf);
	(erf) = vrcp.f32 v2;
	v2 =	vmax.f32 v45, $1.000000000e+00  }
0x2fd: {  	[tilespmem:$0xB2B0] =	vst v51;
	v55 =	vpop (erf);
	(erf) = vrcp.f32 v2;
	v2 =	vmax.f32 v3, $1.000000000e+00;
	v3 =	vld [tilespmem:$0xB8C0]  }
0x2fe: {  	v57 =	vld [tilespmem:$0xB8D0];
	[tilespmem:$0xB2C0] =	vst v53;
	v56 =	vpop (erf);
	(erf) = vrcp.f32 v2;
	v2 =	vmax.f32 v48, $1.000000000e+00  }
0x2ff: {  	v59 =	vld [tilespmem:$0xB8E0];
	[tilespmem:$0xB2D0] =	vst v55;
	v58 =	vpop (erf);
	(erf) = vrcp.f32 v2;
	v2 =	vmax.f32 v50, $1.000000000e+00  }
0x300: {  	v61 =	vld [tilespmem:$0xB8F0];
	[tilespmem:$0xB2E0] =	vst v56;
	v60 =	vpop (erf);
	(erf) = vrcp.f32 v2;
	v2 =	vmax.f32 v52, $1.000000000e+00  }
0x301: {  	[tilespmem:$0xB2F0] =	vst v58;
	v62 =	vpop (erf);
	(erf) = vrcp.f32 v2;
	v2 =	vmax.f32 v54, $1.000000000e+00  }
0x302: {  	[tilespmem:$0xB300] =	vst v60;
	v63 =	vpop (erf);
	(erf) = vrcp.f32 v2;
	v2 =	vmax.f32 v3, $1.000000000e+00  }
0x303: {  	[tilespmem:$0xB310] =	vst v62;
	v3 =	vpop (erf);
	(erf) = vrcp.f32 v2;
	v2 =	vmax.f32 v57, $1.000000000e+00  }
0x304: {  	[tilespmem:$0xB330] =	vst v3;
	v3 =	vpop (erf);
	(erf) = vrcp.f32 v2;
	v2 =	vmax.f32 v59, $1.000000000e+00  }
0x305: {  	[tilespmem:$0xB340] =	vst v3;
	v3 =	vpop (erf);
	(erf) = vrcp.f32 v2;
	v2 =	vmax.f32 v61, $1.000000000e+00  }
0x306: {  	[tilespmem:$0xB320] =	vst v63  }
0x307: {  	[tilespmem:$0xB350] =	vst v3;
	v3 =	vpop (erf);
	(erf) = vrcp.f32 v2  }
0x308: {  	[tilespmem:$0xB360] =	vst v3;
	v2 =	vpop (erf)  }
0x309: {  	v3 =	vpop (erf);
	[tilespmem:$0xB370] =	vst v2  }
0x30a: {  	v2 =	vpop (erf);
	[tilespmem:$0xB380] =	vst v3  }
0x30b: {  	v3 =	vpop (erf);
	[tilespmem:$0xB390] =	vst v2  }
0x30c: {  	v2 =	vpop (erf);
	[tilespmem:$0xB3A0] =	vst v3  }
0x30d: {  	v3 =	vpop (erf);
	[tilespmem:$0xB3B0] =	vst v2  }
0x30e: {  	v2 =	vpop (erf);
	[tilespmem:$0xB3C0] =	vst v3  }
0x30f: {  	v3 =	vpop (erf);
	[tilespmem:$0xB3D0] =	vst v2  }
0x310: {  	p1 =	seq.s32 s23, $0x960;
	[tilespmem:$0xB3E0] =	vst v3;
	v2 =	vpop (erf)  }
.Ltmp11:
0x311: {  	s21 =	sadd.s32 s23, s5;
	[tilespmem:$0xB3F0] =	vst v2;
	(pc) =	sbr.rel @!p1 .LBB2_9-.Ltmp11, $4  }
0x312: {  	[hbm4b:s21+s6] =	stream.linear.scatter [tilespmem:s11], [sflag:$0x5], $0x500, $0x38;
	[tilespmem:$0x1FE00] =	vst v63  }
0x313: {  	_ =	swait.ge [sflag:s26], $0x500  }
0x314: {  	[sflag:s26] =	ssyncset.done $0x0  }
0x315: {  	s23 =	sadd.s32 $0xA0, s23;
	[sflag:s26] =	ssyncadd.s32 $0xFFFFFB00  }
.Ltmp12:
0x316: {  	_ = 	snop;
	(pc) =	sbr.rel .LBB2_18-.Ltmp12, $1  }
0x317: {  	_ =	sdelay $0x3  }
.LBB2_19:
0x318: {  	_ =	sfence.sel $0x180000  }
0x319: {  	[bflag:$0x0] =	sbarrier.arrive $0xFFFF  }
0x31a: {  	_ =	strace $0x90000047  }
0x31b: {  	s0 =	stileid.u32;
	[bflag:$0x2] =	sbarrier.arrive $0xFFFF  }
0x31c: {  	p0 =	sne.s32 s0, $0x0;
	s0 =	rddreg [dreg:$0x7]  }
0x31d: {  	s0 =	sadd.s32 @!p0 $0x100000, s0  }
0x31e: {  	[sflag:s0] =	ssyncadd.tile.s32 @!p0 $0x1;
	_ =	shalt  }
.Lfunc_end2:
_tile_overlayer_lowered:
.L_overlay_start_2:
0x31f: {  	(tag) =	ssettag $0x2  }
0x320: {  	s0 =	rddreg [dreg:$0x0];
	s2 =	stileid.u32  }
0x321: {  	s1 =	rddreg [dreg:$0x1];
	p0 =	sne.s32 s2, $0x0  }
0x322: {  	s3 =	rddreg [dreg:$0x2];
	[bflag:$0x3] =	sbarrier.arrive $0xFFFF;
	s2 =	simm.s32 @!p0 $0x1C05  }
0x323: {  	[timem:s3], [sflag:s2] =	dma.local @!p0 [hbm:s0], s1  }
0x324: {  	s0 =	simm.s32 @!p0 $0x5  }
0x325: {  	_ =	swait.ge @!p0 [sflag:s0], s1  }
0x326: {  	s1 =	ssub.s32 @!p0 $0x0, s1;
	[sflag:s0] =	ssyncset.done @!p0 $0x0  }
0x327: {  	[sflag:s0] =	ssyncadd.s32 @!p0 s1  }
0x328: {  	[bflag:$0x3] =	sbarrier.arrive $0xFFFF  }
0x329: {  	_ =	shalt  }

</sc_bundles>
